<compile_context>
chip_gen: v7x
topology: tpu7x:2x2x1
jax: 0.10.2.dev20260603
libtpu: 0.0.44.dev20260713+nightly
codegen_flags: <defaults>
</compile_context>

<pallas_src>
import numpy as np

import jax
import jax.numpy as jnp
from jax import lax
from jax.experimental import pallas as pl
from jax.experimental.pallas import tpu as pltpu
from jax.experimental.pallas import tpu_sc as plsc

NUM_CLASSES = 21
OVERLAP = 0.45
TOP_K = 200
CLS_THRESHOLD = 0.01
CAP = 256
NBITS = 26
BASE_BITS = int(np.float32(CLS_THRESHOLD).view(np.int32))
_NC, _NS, _L = 2, 16, 16



def _thresh_body(sc_ref, thr_ref):
    y = sc_ref[...]
    P = y.shape[0]

    def bit_body(k, off):
        nb = off | jnp.left_shift(jnp.int32(1), NBITS - 1 - k)
        midf = lax.bitcast_convert_type(BASE_BITS + nb, jnp.float32)
        cnt = jnp.sum((y > midf).astype(jnp.float32), axis=1, keepdims=True)
        return jnp.where(cnt >= float(TOP_K), nb, off)

    off = lax.fori_loop(0, NBITS, bit_body, jnp.zeros((P, 1), jnp.int32))
    teff = lax.bitcast_convert_type(BASE_BITS + off, jnp.float32)
    thr_ref[...] = jnp.broadcast_to(jnp.maximum(teff, CLS_THRESHOLD), (P, 16))


def _thresh(scores160):
    P, N = scores160.shape
    return pl.pallas_call(
        _thresh_body,
        out_shape=jax.ShapeDtypeStruct((P, 16), jnp.float32),
    )(scores160)



def _sc_select_body(scores_hbm, thr_hbm, s_hbm, e_hbm,
                    cs_out, csb_out, ceb_out,
                    rowa_v, rowb_v, s_v, e_v, thr_v,
                    cands_v, candi_v, csb_v, ceb_v,
                    sem_in, sem_out):
    cid = lax.axis_index("c")
    sid = lax.axis_index("s")
    wid = sid * _NC + cid
    batch = wid // 4
    r0 = wid * 5
    pltpu.sync_copy(s_hbm.at[batch], s_v)
    pltpu.sync_copy(e_hbm.at[batch], e_v)
    pltpu.sync_copy(thr_hbm.at[pl.ds(r0 * 16, 5 * 16)], thr_v)
    iota16 = lax.iota(jnp.int32, _L)
    neg1 = jnp.full((_L,), -1.0, jnp.float32)
    zeros_i = jnp.zeros((_L,), jnp.int32)
    rows = [rowa_v, rowb_v]
    pltpu.async_copy(scores_hbm.at[r0], rowa_v, sem_in)
    for rr in range(5):
        row_v = rows[rr % 2]
        pltpu.make_async_copy(scores_hbm.at[r0 + rr], row_v, sem_in).wait()
        if rr < 4:
            pltpu.async_copy(scores_hbm.at[r0 + rr + 1],
                             rows[(rr + 1) % 2], sem_in)

        def init_body(j, _, rr=rr):
            cands_v[pl.ds(rr * CAP + j * _L, _L)] = neg1
            candi_v[pl.ds(rr * CAP + j * _L, _L)] = zeros_i
            return 0

        lax.fori_loop(0, CAP // _L, init_body, 0)
        thr = thr_v[pl.ds(rr * 16, _L)]

        def chunk_body(i, base, row_v=row_v, thr=thr, rr=rr):
            b = base
            for u in range(4):
                off = i * (4 * _L) + u * _L
                v = row_v[pl.ds(off, _L)]
                mask = v > thr
                pos = plsc.cumsum(mask.astype(jnp.int32))
                idx = b + pos - 1
                mask2 = mask & (idx < CAP)
                plsc.store_scatter(cands_v, [idx + rr * CAP], v, mask=mask2)
                plsc.store_scatter(candi_v, [idx + rr * CAP],
                                   iota16 + off, mask=mask2)
                b = b + plsc.all_reduce_population_count(mask)
            return b

        nfull = 20000 // (4 * _L)
        base = lax.fori_loop(0, nfull, chunk_body,
                             jnp.zeros((_L,), jnp.int32))
        for u in range(2):
            off = nfull * (4 * _L) + u * _L
            v = row_v[pl.ds(off, _L)]
            mask = v > thr
            pos = plsc.cumsum(mask.astype(jnp.int32))
            idx = base + pos - 1
            mask2 = mask & (idx < CAP)
            plsc.store_scatter(cands_v, [idx + rr * CAP], v, mask=mask2)
            plsc.store_scatter(candi_v, [idx + rr * CAP],
                               iota16 + off, mask=mask2)
            base = base + plsc.all_reduce_population_count(mask)

        def gat_body(j, _, rr=rr):
            ii = candi_v[pl.ds(rr * CAP + j * _L, _L)]
            csb_v[pl.ds(rr * CAP + j * _L, _L)] = plsc.load_gather(s_v, [ii])
            ceb_v[pl.ds(rr * CAP + j * _L, _L)] = plsc.load_gather(e_v, [ii])
            return 0

        lax.fori_loop(0, CAP // _L, gat_body, 0)
        pltpu.async_copy(cands_v.at[pl.ds(rr * CAP, CAP)],
                         cs_out.at[r0 + rr], sem_out)
        pltpu.async_copy(csb_v.at[pl.ds(rr * CAP, CAP)],
                         csb_out.at[r0 + rr], sem_out)
        pltpu.async_copy(ceb_v.at[pl.ds(rr * CAP, CAP)],
                         ceb_out.at[r0 + rr], sem_out)
    for rr in range(5):
        pltpu.make_async_copy(cands_v.at[pl.ds(rr * CAP, CAP)],
                              cs_out.at[r0 + rr], sem_out).wait()
        pltpu.make_async_copy(csb_v.at[pl.ds(rr * CAP, CAP)],
                              csb_out.at[r0 + rr], sem_out).wait()
        pltpu.make_async_copy(ceb_v.at[pl.ds(rr * CAP, CAP)],
                              ceb_out.at[r0 + rr], sem_out).wait()


def _sc_select(scores160, thr160, sdec, edec):
    P = scores160.shape[0]
    mesh = plsc.VectorSubcoreMesh(core_axis_name="c", subcore_axis_name="s")
    shp = jax.ShapeDtypeStruct((P, CAP), jnp.float32)
    return pl.kernel(
        _sc_select_body,
        out_type=(shp, shp, shp),
        mesh=mesh,
        compiler_params=pltpu.CompilerParams(needs_layout_passes=False),
        scratch_types=[
            pltpu.VMEM((20000,), jnp.float32),
            pltpu.VMEM((20000,), jnp.float32),
            pltpu.VMEM((20000,), jnp.float32),
            pltpu.VMEM((20000,), jnp.float32),
            pltpu.VMEM((5 * 16,), jnp.float32),
            pltpu.VMEM((5 * CAP,), jnp.float32),
            pltpu.VMEM((5 * CAP,), jnp.int32),
            pltpu.VMEM((5 * CAP,), jnp.float32),
            pltpu.VMEM((5 * CAP,), jnp.float32),
            pltpu.SemaphoreType.DMA,
            pltpu.SemaphoreType.DMA,
        ],
    )(scores160, thr160, sdec, edec)



_RB = 8
_KOUT = 256


def _rank_body(v_ref, s_ref, e_ref, ov_ref, os_ref, oe_ref):
    v = v_ref[...]
    vi = v[:, :, None]
    rank = jnp.zeros((_RB, CAP), jnp.float32)
    for jc in range(CAP // 128):
        vj = v[:, jc * 128:(jc + 1) * 128][:, None, :]
        jidx = jc * 128 + lax.broadcasted_iota(jnp.int32, (_RB, CAP, 128), 2)
        iidx = lax.broadcasted_iota(jnp.int32, (_RB, CAP, 128), 1)
        gt = (vj > vi) | ((vj == vi) & (jidx < iidx))
        rank = rank + jnp.sum(gt.astype(jnp.float32), axis=2)
    sby = s_ref[...]
    eby = e_ref[...]
    for kc in range(_KOUT // 128):
        kk = (kc * 128
              + lax.broadcasted_iota(jnp.int32, (_RB, CAP, 128), 2)
              ).astype(jnp.float32)
        onehot = (rank[:, :, None] == kk).astype(jnp.float32)
        ov_ref[:, kc * 128:(kc + 1) * 128] = jnp.sum(
            v[:, :, None] * onehot, axis=1)
        os_ref[:, kc * 128:(kc + 1) * 128] = jnp.sum(
            sby[:, :, None] * onehot, axis=1)
        oe_ref[:, kc * 128:(kc + 1) * 128] = jnp.sum(
            eby[:, :, None] * onehot, axis=1)


def _rank_place(cs, csb, ceb):
    P = cs.shape[0]
    shp = jax.ShapeDtypeStruct((P, _KOUT), jnp.float32)
    spec_in = pl.BlockSpec((_RB, CAP), lambda i: (i, 0))
    spec_out = pl.BlockSpec((_RB, _KOUT), lambda i: (i, 0))
    return pl.pallas_call(
        _rank_body,
        grid=(P // _RB,),
        in_specs=[spec_in] * 3,
        out_specs=[spec_out] * 3,
        out_shape=[shp, shp, shp],
    )(cs, csb, ceb)



def _nms_body(s_ref, e_ref, v_ref, os_ref, oe_ref, ov_ref, keep_ref):
    K, P = s_ref.shape
    keep_ref[...] = (v_ref[...] > CLS_THRESHOLD).astype(jnp.float32)
    BS = 8
    for bi in range(K // BS):
        lo = bi * BS
        rem = K - lo
        s_sub = s_ref[lo:, :]
        e_sub = e_ref[lo:, :]
        l_sub = jnp.maximum(e_sub - s_sub, 0.0)
        row = lo + lax.broadcasted_iota(jnp.int32, (rem, P), 0)

        def body(i, _, lo=lo, s_sub=s_sub, e_sub=e_sub, l_sub=l_sub, row=row):
            ii = lo + i
            si = s_ref[pl.ds(ii, 1), :]
            ei = e_ref[pl.ds(ii, 1), :]
            li = jnp.maximum(ei - si, 0.0)
            cur = keep_ref[pl.ds(ii, 1), :]
            inter = jnp.maximum(
                jnp.minimum(e_sub, ei) - jnp.maximum(s_sub, si), 0.0)
            union = l_sub + li - inter
            iou = inter / (union + 1e-9)
            supp = ((iou > OVERLAP) & (row > ii)).astype(jnp.float32)
            keep_ref[lo:, :] = keep_ref[lo:, :] * (1.0 - cur * supp)
            return 0

        lax.fori_loop(0, BS, body, 0)
    keep = keep_ref[...]
    os_ref[...] = s_ref[...] * keep
    oe_ref[...] = e_ref[...] * keep
    ov_ref[...] = v_ref[...] * keep


def _run_nms(s, e, v):
    K, P = s.shape
    shp = jax.ShapeDtypeStruct((K, P), jnp.float32)
    return pl.pallas_call(
        _nms_body,
        out_shape=(shp, shp, shp),
        scratch_shapes=[pltpu.VMEM((K, P), jnp.float32)],
    )(s, e, v)



def kernel(localizations, classifications, localizations_default):
    B, N, C = classifications.shape
    Cm1 = C - 1
    K = TOP_K
    P = B * Cm1
    scores = jax.nn.softmax(classifications, axis=2)
    center = (localizations_default[:, 0]
              + localizations[..., 0] * 0.1 * localizations_default[:, 1])
    width = localizations_default[:, 1] * jnp.exp(localizations[..., 1] * 0.2)
    sdec2 = center - width / 2.0
    edec2 = center + width / 2.0
    scores160 = jnp.transpose(scores[:, :, 1:], (0, 2, 1)).reshape(P, N)
    thr160 = _thresh(scores160)
    cs, csb, ceb = _sc_select(scores160, thr160.reshape(-1), sdec2, edec2)
    ov, os_, oe_ = _rank_place(cs, csb, ceb)
    v2 = jnp.transpose(ov[:, :K])
    s2 = jnp.transpose(os_[:, :K])
    e2 = jnp.transpose(oe_[:, :K])
    fs, fe, fv = _run_nms(s2, e2, v2)
    out = jnp.stack([fs, fe, fv], axis=-1)
    return jnp.transpose(out, (1, 0, 2)).reshape(B, Cm1, K, 3)

# --- scband reference (transcript-rebuilt; emitter-appended) ---
"""Pipeline reference for scband-detection-1640677507723 (READ-ONLY COPY).

The authoritative reference and input builder live on the scoring server;
editing this copy changes nothing except your own understanding.
"""

import jax, jax.numpy as jnp
import numpy as np

NUM_CLASSES = 21
OVERLAP = 0.45
TOP_K = 200
CLS_THRESHOLD = 0.01


def decode(loc, priors, variances=(0.1, 0.2)):
    # SSD-style 1D interval decode: loc[..., 0] = center offset, loc[..., 1] = log-width
    # priors[:, 0] = prior center, priors[:, 1] = prior width
    center = priors[:, 0] + loc[..., 0] * variances[0] * priors[:, 1]
    width = priors[:, 1] * jnp.exp(loc[..., 1] * variances[1])
    start = center - width / 2.0
    end = center + width / 2.0
    return jnp.stack([start, end], axis=-1)


def setup_inputs(seed: int = 0) -> dict:
    key = jax.random.key(seed)
    k1, k2, k3 = jax.random.split(key, 3)
    B, N, C = 8, 20000, NUM_CLASSES
    localizations = jax.random.normal(k1, (B, N, 2), dtype=jnp.float32)
    classifications = jax.random.normal(k2, (B, N, C), dtype=jnp.float32)
    localizations_default = jax.random.uniform(k3, (N, 2), dtype=jnp.float32)
    # keep prior widths strictly positive and modest
    localizations_default = localizations_default.at[:, 1].set(
        0.01 + 0.2 * localizations_default[:, 1])
    return {
        "localizations": localizations,
        "classifications": classifications,
        "localizations_default": localizations_default,
    }


def _detect(localizations, classifications, localizations_default):
    B, N, C = classifications.shape
    Cm1 = C - 1
    K = TOP_K
    scores = jax.nn.softmax(classifications, axis=2)  # [B, N, C]
    decoded = decode(localizations, localizations_default)  # [B, N, 2]
    # per-class scores, skip background class 0
    scores_t = jnp.transpose(scores[:, :, 1:], (0, 2, 1))  # [B, Cm1, N]
    top_scores, top_idx = jax.lax.top_k(scores_t, K)  # [B, Cm1, K]
    decoded_b = jnp.broadcast_to(decoded[:, None, :, :], (B, Cm1, N, 2))
    boxes = jnp.take_along_axis(decoded_b, top_idx[..., None], axis=2)  # [B, Cm1, K, 2]
    valid = top_scores > CLS_THRESHOLD  # [B, Cm1, K]
    # pairwise 1D IoU among the K candidates (already sorted desc by score)
    s = boxes[..., 0]
    e = boxes[..., 1]
    lengths = jnp.clip(e - s, 0.0)
    inter = jnp.clip(
        jnp.minimum(e[..., :, None], e[..., None, :])
        - jnp.maximum(s[..., :, None], s[..., None, :]), 0.0)
    union = lengths[..., :, None] + lengths[..., None, :] - inter
    iou = inter / (union + 1e-9)  # [B, Cm1, K, K]
    # greedy NMS over sorted candidates (vectorized over batch and class)
    keep = valid
    idxr = jnp.arange(K)
    for i in range(K):
        cur = keep[..., i]  # [B, Cm1]
        supp = (iou[..., i, :] > OVERLAP) & (idxr > i)  # [B, Cm1, K]
        keep = keep & ~(cur[..., None] & supp)
    out = jnp.concatenate([boxes, top_scores[..., None]], axis=-1)  # [B, Cm1, K, 3]
    out = out * keep[..., None].astype(out.dtype)
    return out


def reference(localizations, classifications, localizations_default):
    # Returns padded detections [B, num_classes-1, top_k, 3] = (start, end, score),
    # rows zeroed where suppressed by threshold or NMS. This is the dense-tensor
    # equivalent of the original per-class list-of-detections output.
    return _detect(localizations, classifications, localizations_default)

if __name__ == "__main__":
    import jax
    _d = setup_inputs()
    print(jax.jit(kernel)(*tuple(_d.values())))

</pallas_src>

<mosaic_0001>
#map = affine_map<(d0, d1) -> (0, 0)>
#map1 = affine_map<(d0, d1) -> (0)>
module attributes {stable_mosaic.version = 14 : i64} {
  func.func @_sc_select_body(%arg0: i32, %arg1: i32, %arg2: memref<160x20000xf32, #tpu.memory_space<hbm>>, %arg3: memref<2560xf32, #tpu.memory_space<hbm>>, %arg4: memref<8x20000xf32, #tpu.memory_space<hbm>>, %arg5: memref<8x20000xf32, #tpu.memory_space<hbm>>, %arg6: memref<160x256xf32, #tpu.memory_space<hbm>>, %arg7: memref<160x256xf32, #tpu.memory_space<hbm>>, %arg8: memref<160x256xf32, #tpu.memory_space<hbm>>, %arg9: memref<20000xf32, #tpu.memory_space<vmem>>, %arg10: memref<20000xf32, #tpu.memory_space<vmem>>, %arg11: memref<20000xf32, #tpu.memory_space<vmem>>, %arg12: memref<20000xf32, #tpu.memory_space<vmem>>, %arg13: memref<80xf32, #tpu.memory_space<vmem>>, %arg14: memref<1280xf32, #tpu.memory_space<vmem>>, %arg15: memref<1280xi32, #tpu.memory_space<vmem>>, %arg16: memref<1280xf32, #tpu.memory_space<vmem>>, %arg17: memref<1280xf32, #tpu.memory_space<vmem>>, %arg18: memref<!tpu.dma_semaphore, #tpu.memory_space<semaphore_mem>>, %arg19: memref<!tpu.dma_semaphore, #tpu.memory_space<semaphore_mem>>) attributes {dimension_semantics = [#tpu.dimension_semantics<core_parallel>, #tpu.dimension_semantics<subcore_parallel>], iteration_bounds = array<i64: 2, 16>, scalar_prefetch = 0 : i64, scratch_operands = 11 : i64, tpu.core_type = #tpu.core_type<sc_vector_subcore>, window_params = [{transform_indices = #map}, {transform_indices = #map1}, {transform_indices = #map}, {transform_indices = #map}, {transform_indices = #map}, {transform_indices = #map}, {transform_indices = #map}]} {
    %mul3A = arith.constant 2 : i32
    %mul3A_0 = arith.muli %arg1, %mul3A : i32
    %add3A = arith.addi %mul3A_0, %arg0 : i32
    %jit3A = arith.constant 4 : i32
    %div3A = arith.divsi %add3A, %jit3A : i32
    %sign3A = arith.constant 0 : i32
    %sign3A_1 = arith.cmpi sgt, %add3A, %sign3A : i32
    %sign3A_2 = arith.extui %sign3A_1 : i1 to i32
    %sign3A_3 = arith.constant 0 : i32
    %sign3A_4 = arith.cmpi slt, %add3A, %sign3A_3 : i32
    %sign3A_5 = arith.extui %sign3A_4 : i1 to i32
    %sign3A_6 = arith.subi %sign3A_2, %sign3A_5 : i32
    %sign3A_7 = arith.constant 0 : i32
    %sign3A_8 = arith.cmpi sgt, %jit3A, %sign3A_7 : i32
    %sign3A_9 = arith.extui %sign3A_8 : i1 to i32
    %sign3A_10 = arith.constant 0 : i32
    %sign3A_11 = arith.cmpi slt, %jit3A, %sign3A_10 : i32
    %sign3A_12 = arith.extui %sign3A_11 : i1 to i32
    %sign3A_13 = arith.subi %sign3A_9, %sign3A_12 : i32
    %ne3A = arith.cmpi ne, %sign3A_6, %sign3A_13 : i32
    %rem3A = arith.remsi %add3A, %jit3A : i32
    %ne3A_14 = arith.constant 0 : i32
    %ne3A_15 = arith.cmpi ne, %rem3A, %ne3A_14 : i32
    %and3A = arith.andi %ne3A, %ne3A_15 : i1
    %sub3A = arith.constant 1 : i32
    %sub3A_16 = arith.subi %div3A, %sub3A : i32
    %select_n3A = arith.select %and3A, %sub3A_16, %div3A : i32
    %mul3A_17 = arith.constant 5 : i32
    %mul3A_18 = arith.muli %add3A, %mul3A_17 : i32
    "tpu.region"() ({
      %run_scoped3A = tpu.sem_alloc : memref<!tpu.dma_semaphore, #tpu.memory_space<semaphore_mem>>
      %dma_start3A_841 = arith.constant 0 : i32
      %dma_start3A_842 = tpu.memref_slice %arg4[%select_n3A, %dma_start3A_841] : memref<8x20000xf32, #tpu.memory_space<hbm>> -> memref<1x20000xf32, #tpu.memory_space<hbm>>
      %dma_start3A_843 = tpu.memref_squeeze %dma_start3A_842 : memref<1x20000xf32, #tpu.memory_space<hbm>> -> memref<20000xf32, #tpu.memory_space<hbm>>
      %dma_start3A_844 = arith.constant 0 : i32
      %dma_start3A_845 = tpu.memref_slice %arg4[%select_n3A, %dma_start3A_844] : memref<8x20000xf32, #tpu.memory_space<hbm>> -> memref<1x20000xf32, #tpu.memory_space<hbm>>
      %dma_start3A_846 = tpu.memref_squeeze %dma_start3A_845 : memref<1x20000xf32, #tpu.memory_space<hbm>> -> memref<20000xf32, #tpu.memory_space<hbm>>
      tpu.enqueue_dma source(%dma_start3A_846 : memref<20000xf32, #tpu.memory_space<hbm>>) target(%arg11 : memref<20000xf32, #tpu.memory_space<vmem>>) target_semaphore(%run_scoped3A : memref<!tpu.dma_semaphore, #tpu.memory_space<semaphore_mem>>)
      %dma_wait3A_847 = arith.constant 0 : i32
      %dma_wait3A_848 = tpu.memref_slice %arg4[%select_n3A, %dma_wait3A_847] : memref<8x20000xf32, #tpu.memory_space<hbm>> -> memref<1x20000xf32, #tpu.memory_space<hbm>>
      %dma_wait3A_849 = tpu.memref_squeeze %dma_wait3A_848 : memref<1x20000xf32, #tpu.memory_space<hbm>> -> memref<20000xf32, #tpu.memory_space<hbm>>
      %dma_wait3A_850 = arith.constant 0 : i32
      %dma_wait3A_851 = tpu.memref_slice %arg4[%select_n3A, %dma_wait3A_850] : memref<8x20000xf32, #tpu.memory_space<hbm>> -> memref<1x20000xf32, #tpu.memory_space<hbm>>
      %dma_wait3A_852 = tpu.memref_squeeze %dma_wait3A_851 : memref<1x20000xf32, #tpu.memory_space<hbm>> -> memref<20000xf32, #tpu.memory_space<hbm>>
      tpu.wait_dma2 semaphore(%run_scoped3A : memref<!tpu.dma_semaphore, #tpu.memory_space<semaphore_mem>>) src(%dma_wait3A_852 : memref<20000xf32, #tpu.memory_space<hbm>>) dst(%arg11 : memref<20000xf32, #tpu.memory_space<vmem>>)
      tpu.yield
    }) : () -> ()
    "tpu.region"() ({
      %run_scoped3A = tpu.sem_alloc : memref<!tpu.dma_semaphore, #tpu.memory_space<semaphore_mem>>
      %dma_start3A_841 = arith.constant 0 : i32
      %dma_start3A_842 = tpu.memref_slice %arg5[%select_n3A, %dma_start3A_841] : memref<8x20000xf32, #tpu.memory_space<hbm>> -> memref<1x20000xf32, #tpu.memory_space<hbm>>
      %dma_start3A_843 = tpu.memref_squeeze %dma_start3A_842 : memref<1x20000xf32, #tpu.memory_space<hbm>> -> memref<20000xf32, #tpu.memory_space<hbm>>
      %dma_start3A_844 = arith.constant 0 : i32
      %dma_start3A_845 = tpu.memref_slice %arg5[%select_n3A, %dma_start3A_844] : memref<8x20000xf32, #tpu.memory_space<hbm>> -> memref<1x20000xf32, #tpu.memory_space<hbm>>
      %dma_start3A_846 = tpu.memref_squeeze %dma_start3A_845 : memref<1x20000xf32, #tpu.memory_space<hbm>> -> memref<20000xf32, #tpu.memory_space<hbm>>
      tpu.enqueue_dma source(%dma_start3A_846 : memref<20000xf32, #tpu.memory_space<hbm>>) target(%arg12 : memref<20000xf32, #tpu.memory_space<vmem>>) target_semaphore(%run_scoped3A : memref<!tpu.dma_semaphore, #tpu.memory_space<semaphore_mem>>)
      %dma_wait3A_847 = arith.constant 0 : i32
      %dma_wait3A_848 = tpu.memref_slice %arg5[%select_n3A, %dma_wait3A_847] : memref<8x20000xf32, #tpu.memory_space<hbm>> -> memref<1x20000xf32, #tpu.memory_space<hbm>>
      %dma_wait3A_849 = tpu.memref_squeeze %dma_wait3A_848 : memref<1x20000xf32, #tpu.memory_space<hbm>> -> memref<20000xf32, #tpu.memory_space<hbm>>
      %dma_wait3A_850 = arith.constant 0 : i32
      %dma_wait3A_851 = tpu.memref_slice %arg5[%select_n3A, %dma_wait3A_850] : memref<8x20000xf32, #tpu.memory_space<hbm>> -> memref<1x20000xf32, #tpu.memory_space<hbm>>
      %dma_wait3A_852 = tpu.memref_squeeze %dma_wait3A_851 : memref<1x20000xf32, #tpu.memory_space<hbm>> -> memref<20000xf32, #tpu.memory_space<hbm>>
      tpu.wait_dma2 semaphore(%run_scoped3A : memref<!tpu.dma_semaphore, #tpu.memory_space<semaphore_mem>>) src(%dma_wait3A_852 : memref<20000xf32, #tpu.memory_space<hbm>>) dst(%arg12 : memref<20000xf32, #tpu.memory_space<vmem>>)
      tpu.yield
    }) : () -> ()
    %mul3A_19 = arith.constant 16 : i32
    %mul3A_20 = arith.muli %mul3A_18, %mul3A_19 : i32
    "tpu.region"() ({
      %run_scoped3A = tpu.sem_alloc : memref<!tpu.dma_semaphore, #tpu.memory_space<semaphore_mem>>
      %dma_start3A_841 = tpu.memref_slice %arg3[%mul3A_20] : memref<2560xf32, #tpu.memory_space<hbm>> -> memref<80xf32, #tpu.memory_space<hbm>>
      %dma_start3A_842 = tpu.memref_slice %arg3[%mul3A_20] : memref<2560xf32, #tpu.memory_space<hbm>> -> memref<80xf32, #tpu.memory_space<hbm>>
      tpu.enqueue_dma source(%dma_start3A_842 : memref<80xf32, #tpu.memory_space<hbm>>) target(%arg13 : memref<80xf32, #tpu.memory_space<vmem>>) target_semaphore(%run_scoped3A : memref<!tpu.dma_semaphore, #tpu.memory_space<semaphore_mem>>)
      %dma_wait3A_843 = tpu.memref_slice %arg3[%mul3A_20] : memref<2560xf32, #tpu.memory_space<hbm>> -> memref<80xf32, #tpu.memory_space<hbm>>
      %dma_wait3A_844 = tpu.memref_slice %arg3[%mul3A_20] : memref<2560xf32, #tpu.memory_space<hbm>> -> memref<80xf32, #tpu.memory_space<hbm>>
      tpu.wait_dma2 semaphore(%run_scoped3A : memref<!tpu.dma_semaphore, #tpu.memory_space<semaphore_mem>>) src(%dma_wait3A_844 : memref<80xf32, #tpu.memory_space<hbm>>) dst(%arg13 : memref<80xf32, #tpu.memory_space<vmem>>)
      tpu.yield
    }) : () -> ()
    %iota3A = tpu.iota {dimensions = array<i32: 0>} : vector<16xi32>
    %broadcast_in_dim3A = arith.constant -1.000000e+00 : f32
    %broadcast_in_dim3A_21 = vector.broadcast %broadcast_in_dim3A : f32 to vector<16xf32>
    %broadcast_in_dim3A_22 = arith.constant 0 : i32
    %broadcast_in_dim3A_23 = vector.broadcast %broadcast_in_dim3A_22 : i32 to vector<16xi32>
    %dma_start3A = arith.constant 0 : i32
    %dma_start3A_24 = tpu.memref_slice %arg2[%mul3A_18, %dma_start3A] : memref<160x20000xf32, #tpu.memory_space<hbm>> -> memref<1x20000xf32, #tpu.memory_space<hbm>>
    %dma_start3A_25 = tpu.memref_squeeze %dma_start3A_24 : memref<1x20000xf32, #tpu.memory_space<hbm>> -> memref<20000xf32, #tpu.memory_space<hbm>>
    %dma_start3A_26 = arith.constant 0 : i32
    %dma_start3A_27 = tpu.memref_slice %arg2[%mul3A_18, %dma_start3A_26] : memref<160x20000xf32, #tpu.memory_space<hbm>> -> memref<1x20000xf32, #tpu.memory_space<hbm>>
    %dma_start3A_28 = tpu.memref_squeeze %dma_start3A_27 : memref<1x20000xf32, #tpu.memory_space<hbm>> -> memref<20000xf32, #tpu.memory_space<hbm>>
    tpu.enqueue_dma source(%dma_start3A_28 : memref<20000xf32, #tpu.memory_space<hbm>>) target(%arg9 : memref<20000xf32, #tpu.memory_space<vmem>>) target_semaphore(%arg18 : memref<!tpu.dma_semaphore, #tpu.memory_space<semaphore_mem>>)
    %add3A_29 = arith.constant 0 : i32
    %add3A_30 = arith.addi %mul3A_18, %add3A_29 : i32
    %dma_wait3A = arith.constant 0 : i32
    %dma_wait3A_31 = tpu.memref_slice %arg2[%add3A_30, %dma_wait3A] : memref<160x20000xf32, #tpu.memory_space<hbm>> -> memref<1x20000xf32, #tpu.memory_space<hbm>>
    %dma_wait3A_32 = tpu.memref_squeeze %dma_wait3A_31 : memref<1x20000xf32, #tpu.memory_space<hbm>> -> memref<20000xf32, #tpu.memory_space<hbm>>
    %dma_wait3A_33 = arith.constant 0 : i32
    %dma_wait3A_34 = tpu.memref_slice %arg2[%add3A_30, %dma_wait3A_33] : memref<160x20000xf32, #tpu.memory_space<hbm>> -> memref<1x20000xf32, #tpu.memory_space<hbm>>
    %dma_wait3A_35 = tpu.memref_squeeze %dma_wait3A_34 : memref<1x20000xf32, #tpu.memory_space<hbm>> -> memref<20000xf32, #tpu.memory_space<hbm>>
    tpu.wait_dma2 semaphore(%arg18 : memref<!tpu.dma_semaphore, #tpu.memory_space<semaphore_mem>>) src(%dma_wait3A_35 : memref<20000xf32, #tpu.memory_space<hbm>>) dst(%arg9 : memref<20000xf32, #tpu.memory_space<vmem>>)
    %add3A_36 = arith.constant 0 : i32
    %add3A_37 = arith.addi %mul3A_18, %add3A_36 : i32
    %add3A_38 = arith.constant 1 : i32
    %add3A_39 = arith.addi %add3A_37, %add3A_38 : i32
    %dma_start3A_40 = arith.constant 0 : i32
    %dma_start3A_41 = tpu.memref_slice %arg2[%add3A_39, %dma_start3A_40] : memref<160x20000xf32, #tpu.memory_space<hbm>> -> memref<1x20000xf32, #tpu.memory_space<hbm>>
    %dma_start3A_42 = tpu.memref_squeeze %dma_start3A_41 : memref<1x20000xf32, #tpu.memory_space<hbm>> -> memref<20000xf32, #tpu.memory_space<hbm>>
    %dma_start3A_43 = arith.constant 0 : i32
    %dma_start3A_44 = tpu.memref_slice %arg2[%add3A_39, %dma_start3A_43] : memref<160x20000xf32, #tpu.memory_space<hbm>> -> memref<1x20000xf32, #tpu.memory_space<hbm>>
    %dma_start3A_45 = tpu.memref_squeeze %dma_start3A_44 : memref<1x20000xf32, #tpu.memory_space<hbm>> -> memref<20000xf32, #tpu.memory_space<hbm>>
    tpu.enqueue_dma source(%dma_start3A_45 : memref<20000xf32, #tpu.memory_space<hbm>>) target(%arg10 : memref<20000xf32, #tpu.memory_space<vmem>>) target_semaphore(%arg18 : memref<!tpu.dma_semaphore, #tpu.memory_space<semaphore_mem>>)
    %scan3A = arith.constant 0 : i32
    %scan3A_46 = arith.constant 0 : i32
    %scan3A_47 = arith.constant 16 : i32
    %scan3A_48 = arith.addi %scan3A_46, %scan3A_47 : i32
    %scan3A_49 = arith.constant 1 : i32
    %scan3A_50 = scf.for %scan3A_841 = %scan3A_46 to %scan3A_48 step %scan3A_49 iter_args(%scan3A_842 = %scan3A) -> (i32)  : i32 {
      %mul3A_843 = arith.constant 16 : i32
      %mul3A_844 = arith.muli %scan3A_841, %mul3A_843 : i32
      %add3A_845 = arith.constant 0 : i32
      %add3A_846 = arith.addi %add3A_845, %mul3A_844 : i32
      %swap3A = arith.index_cast %add3A_846 : i32 to index
      %swap3A_847 = tpu.vector_load %arg14[%swap3A] {strides = array<i32>} : memref<1280xf32, #tpu.memory_space<vmem>>, vector<16xf32>,
      tpu.vector_store %arg14[%swap3A], %broadcast_in_dim3A_21 {strides = array<i32>} : memref<1280xf32, #tpu.memory_space<vmem>>, vector<16xf32>,
      %mul3A_848 = arith.constant 16 : i32
      %mul3A_849 = arith.muli %scan3A_841, %mul3A_848 : i32
      %add3A_850 = arith.constant 0 : i32
      %add3A_851 = arith.addi %add3A_850, %mul3A_849 : i32
      %swap3A_852 = arith.index_cast %add3A_851 : i32 to index
      %swap3A_853 = tpu.vector_load %arg15[%swap3A_852] {strides = array<i32>} : memref<1280xi32, #tpu.memory_space<vmem>>, vector<16xi32>,
      tpu.vector_store %arg15[%swap3A_852], %broadcast_in_dim3A_23 {strides = array<i32>} : memref<1280xi32, #tpu.memory_space<vmem>>, vector<16xi32>,
      %scan3A_854 = arith.constant 0 : i32
      scf.yield %scan3A_854 : i32
    }
    %scan3A_51 = arith.constant 16 : i32
    %get3A = arith.constant 0 : index
    %get3A_52 = tpu.vector_load %arg13[%get3A] {strides = array<i32>} : memref<80xf32, #tpu.memory_space<vmem>>, vector<16xf32>,
    %broadcast_in_dim3A_53 = arith.constant 0 : i32
    %broadcast_in_dim3A_54 = vector.broadcast %broadcast_in_dim3A_53 : i32 to vector<16xi32>
    %scan3A_55 = arith.constant 0 : i32
    %scan3A_56 = arith.constant 312 : i32
    %scan3A_57 = arith.addi %scan3A_55, %scan3A_56 : i32
    %scan3A_58 = arith.constant 1 : i32
    %scan3A_59 = scf.for %scan3A_841 = %scan3A_55 to %scan3A_57 step %scan3A_58 iter_args(%scan3A_842 = %broadcast_in_dim3A_54) -> (vector<16xi32>)  : i32 {
      %mul3A_843 = arith.constant 64 : i32
      %mul3A_844 = arith.muli %scan3A_841, %mul3A_843 : i32
      %add3A_845 = arith.constant 0 : i32
      %add3A_846 = arith.addi %mul3A_844, %add3A_845 : i32
      %get3A_847 = arith.index_cast %add3A_846 : i32 to index
      %get3A_848 = tpu.vector_load %arg9[%get3A_847] {strides = array<i32>} : memref<20000xf32, #tpu.memory_space<vmem>>, vector<16xf32>,
      %gt3A_849 = arith.cmpf ogt, %get3A_848, %get3A_52 : vector<16xf32>
      %convert_element_type3A_850 = arith.extui %gt3A_849 : vector<16xi1> to vector<16xi32>
      %broadcast_in_dim3A_851 = arith.constant true
      %broadcast_in_dim3A_852 = vector.broadcast %broadcast_in_dim3A_851 : i1 to vector<16xi1>
      %masked_cumsum3A_853 = tpu.scan <sum>, %convert_element_type3A_850 masked %broadcast_in_dim3A_852 : vector<16xi32>, vector<16xi1> -> vector<16xi32>
      %add3A_854 = arith.addi %scan3A_842, %masked_cumsum3A_853 : vector<16xi32>
      %sub3A_855 = arith.constant 1 : i32
      %sub3A_856 = vector.broadcast %sub3A_855 : i32 to vector<16xi32>
      %sub3A_857 = arith.subi %add3A_854, %sub3A_856 : vector<16xi32>
      %lt3A_858 = arith.constant 256 : i32
      %lt3A_859 = vector.broadcast %lt3A_858 : i32 to vector<16xi32>
      %lt3A_860 = arith.cmpi slt, %sub3A_857, %lt3A_859 : vector<16xi32>
      %and3A_861 = arith.andi %gt3A_849, %lt3A_860 : vector<16xi1>
      %add3A_862 = arith.constant 0 : i32
      %add3A_863 = vector.broadcast %add3A_862 : i32 to vector<16xi32>
      %add3A_864 = arith.addi %sub3A_857, %add3A_863 : vector<16xi32>
      tpu.vector_store_idx %arg14[%add3A_864], %get3A_848 masked %and3A_861 : memref<1280xf32, #tpu.memory_space<vmem>>[vector<16xi32>], vector<16xf32>, vector<16xi1>
      %add3A_865 = arith.constant 0 : i32
      %add3A_866 = vector.broadcast %add3A_865 : i32 to vector<16xi32>
      %add3A_867 = arith.addi %sub3A_857, %add3A_866 : vector<16xi32>
      %add3A_868 = vector.broadcast %add3A_846 : i32 to vector<16xi32>
      %add3A_869 = arith.addi %iota3A, %add3A_868 : vector<16xi32>
      tpu.vector_store_idx %arg15[%add3A_867], %add3A_869 masked %and3A_861 : memref<1280xi32, #tpu.memory_space<vmem>>[vector<16xi32>], vector<16xi32>, vector<16xi1>
      %all_reduce_population_count3A_870 = tpu.all_reduce %gt3A_849 {dim = 0 : i64, kind = #tpu.reduction_kind<sum>} : vector<16xi1> -> vector<16xi32>
      %add3A_871 = arith.addi %scan3A_842, %all_reduce_population_count3A_870 : vector<16xi32>
      %mul3A_872 = arith.constant 64 : i32
      %mul3A_873 = arith.muli %scan3A_841, %mul3A_872 : i32
      %add3A_874 = arith.constant 16 : i32
      %add3A_875 = arith.addi %mul3A_873, %add3A_874 : i32
      %get3A_876 = arith.index_cast %add3A_875 : i32 to index
      %get3A_877 = tpu.vector_load %arg9[%get3A_876] {strides = array<i32>} : memref<20000xf32, #tpu.memory_space<vmem>>, vector<16xf32>,
      %gt3A_878 = arith.cmpf ogt, %get3A_877, %get3A_52 : vector<16xf32>
      %convert_element_type3A_879 = arith.extui %gt3A_878 : vector<16xi1> to vector<16xi32>
      %broadcast_in_dim3A_880 = arith.constant true
      %broadcast_in_dim3A_881 = vector.broadcast %broadcast_in_dim3A_880 : i1 to vector<16xi1>
      %masked_cumsum3A_882 = tpu.scan <sum>, %convert_element_type3A_879 masked %broadcast_in_dim3A_881 : vector<16xi32>, vector<16xi1> -> vector<16xi32>
      %add3A_883 = arith.addi %add3A_871, %masked_cumsum3A_882 : vector<16xi32>
      %sub3A_884 = arith.constant 1 : i32
      %sub3A_885 = vector.broadcast %sub3A_884 : i32 to vector<16xi32>
      %sub3A_886 = arith.subi %add3A_883, %sub3A_885 : vector<16xi32>
      %lt3A_887 = arith.constant 256 : i32
      %lt3A_888 = vector.broadcast %lt3A_887 : i32 to vector<16xi32>
      %lt3A_889 = arith.cmpi slt, %sub3A_886, %lt3A_888 : vector<16xi32>
      %and3A_890 = arith.andi %gt3A_878, %lt3A_889 : vector<16xi1>
      %add3A_891 = arith.constant 0 : i32
      %add3A_892 = vector.broadcast %add3A_891 : i32 to vector<16xi32>
      %add3A_893 = arith.addi %sub3A_886, %add3A_892 : vector<16xi32>
      tpu.vector_store_idx %arg14[%add3A_893], %get3A_877 masked %and3A_890 : memref<1280xf32, #tpu.memory_space<vmem>>[vector<16xi32>], vector<16xf32>, vector<16xi1>
      %add3A_894 = arith.constant 0 : i32
      %add3A_895 = vector.broadcast %add3A_894 : i32 to vector<16xi32>
      %add3A_896 = arith.addi %sub3A_886, %add3A_895 : vector<16xi32>
      %add3A_897 = vector.broadcast %add3A_875 : i32 to vector<16xi32>
      %add3A_898 = arith.addi %iota3A, %add3A_897 : vector<16xi32>
      tpu.vector_store_idx %arg15[%add3A_896], %add3A_898 masked %and3A_890 : memref<1280xi32, #tpu.memory_space<vmem>>[vector<16xi32>], vector<16xi32>, vector<16xi1>
      %all_reduce_population_count3A_899 = tpu.all_reduce %gt3A_878 {dim = 0 : i64, kind = #tpu.reduction_kind<sum>} : vector<16xi1> -> vector<16xi32>
      %add3A_900 = arith.addi %add3A_871, %all_reduce_population_count3A_899 : vector<16xi32>
      %mul3A_901 = arith.constant 64 : i32
      %mul3A_902 = arith.muli %scan3A_841, %mul3A_901 : i32
      %add3A_903 = arith.constant 32 : i32
      %add3A_904 = arith.addi %mul3A_902, %add3A_903 : i32
      %get3A_905 = arith.index_cast %add3A_904 : i32 to index
      %get3A_906 = tpu.vector_load %arg9[%get3A_905] {strides = array<i32>} : memref<20000xf32, #tpu.memory_space<vmem>>, vector<16xf32>,
      %gt3A_907 = arith.cmpf ogt, %get3A_906, %get3A_52 : vector<16xf32>
      %convert_element_type3A_908 = arith.extui %gt3A_907 : vector<16xi1> to vector<16xi32>
      %broadcast_in_dim3A_909 = arith.constant true
      %broadcast_in_dim3A_910 = vector.broadcast %broadcast_in_dim3A_909 : i1 to vector<16xi1>
      %masked_cumsum3A_911 = tpu.scan <sum>, %convert_element_type3A_908 masked %broadcast_in_dim3A_910 : vector<16xi32>, vector<16xi1> -> vector<16xi32>
      %add3A_912 = arith.addi %add3A_900, %masked_cumsum3A_911 : vector<16xi32>
      %sub3A_913 = arith.constant 1 : i32
      %sub3A_914 = vector.broadcast %sub3A_913 : i32 to vector<16xi32>
      %sub3A_915 = arith.subi %add3A_912, %sub3A_914 : vector<16xi32>
      %lt3A_916 = arith.constant 256 : i32
      %lt3A_917 = vector.broadcast %lt3A_916 : i32 to vector<16xi32>
      %lt3A_918 = arith.cmpi slt, %sub3A_915, %lt3A_917 : vector<16xi32>
      %and3A_919 = arith.andi %gt3A_907, %lt3A_918 : vector<16xi1>
      %add3A_920 = arith.constant 0 : i32
      %add3A_921 = vector.broadcast %add3A_920 : i32 to vector<16xi32>
      %add3A_922 = arith.addi %sub3A_915, %add3A_921 : vector<16xi32>
      tpu.vector_store_idx %arg14[%add3A_922], %get3A_906 masked %and3A_919 : memref<1280xf32, #tpu.memory_space<vmem>>[vector<16xi32>], vector<16xf32>, vector<16xi1>
      %add3A_923 = arith.constant 0 : i32
      %add3A_924 = vector.broadcast %add3A_923 : i32 to vector<16xi32>
      %add3A_925 = arith.addi %sub3A_915, %add3A_924 : vector<16xi32>
      %add3A_926 = vector.broadcast %add3A_904 : i32 to vector<16xi32>
      %add3A_927 = arith.addi %iota3A, %add3A_926 : vector<16xi32>
      tpu.vector_store_idx %arg15[%add3A_925], %add3A_927 masked %and3A_919 : memref<1280xi32, #tpu.memory_space<vmem>>[vector<16xi32>], vector<16xi32>, vector<16xi1>
      %all_reduce_population_count3A_928 = tpu.all_reduce %gt3A_907 {dim = 0 : i64, kind = #tpu.reduction_kind<sum>} : vector<16xi1> -> vector<16xi32>
      %add3A_929 = arith.addi %add3A_900, %all_reduce_population_count3A_928 : vector<16xi32>
      %mul3A_930 = arith.constant 64 : i32
      %mul3A_931 = arith.muli %scan3A_841, %mul3A_930 : i32
      %add3A_932 = arith.constant 48 : i32
      %add3A_933 = arith.addi %mul3A_931, %add3A_932 : i32
      %get3A_934 = arith.index_cast %add3A_933 : i32 to index
      %get3A_935 = tpu.vector_load %arg9[%get3A_934] {strides = array<i32>} : memref<20000xf32, #tpu.memory_space<vmem>>, vector<16xf32>,
      %gt3A_936 = arith.cmpf ogt, %get3A_935, %get3A_52 : vector<16xf32>
      %convert_element_type3A_937 = arith.extui %gt3A_936 : vector<16xi1> to vector<16xi32>
      %broadcast_in_dim3A_938 = arith.constant true
      %broadcast_in_dim3A_939 = vector.broadcast %broadcast_in_dim3A_938 : i1 to vector<16xi1>
      %masked_cumsum3A_940 = tpu.scan <sum>, %convert_element_type3A_937 masked %broadcast_in_dim3A_939 : vector<16xi32>, vector<16xi1> -> vector<16xi32>
      %add3A_941 = arith.addi %add3A_929, %masked_cumsum3A_940 : vector<16xi32>
      %sub3A_942 = arith.constant 1 : i32
      %sub3A_943 = vector.broadcast %sub3A_942 : i32 to vector<16xi32>
      %sub3A_944 = arith.subi %add3A_941, %sub3A_943 : vector<16xi32>
      %lt3A_945 = arith.constant 256 : i32
      %lt3A_946 = vector.broadcast %lt3A_945 : i32 to vector<16xi32>
      %lt3A_947 = arith.cmpi slt, %sub3A_944, %lt3A_946 : vector<16xi32>
      %and3A_948 = arith.andi %gt3A_936, %lt3A_947 : vector<16xi1>
      %add3A_949 = arith.constant 0 : i32
      %add3A_950 = vector.broadcast %add3A_949 : i32 to vector<16xi32>
      %add3A_951 = arith.addi %sub3A_944, %add3A_950 : vector<16xi32>
      tpu.vector_store_idx %arg14[%add3A_951], %get3A_935 masked %and3A_948 : memref<1280xf32, #tpu.memory_space<vmem>>[vector<16xi32>], vector<16xf32>, vector<16xi1>
      %add3A_952 = arith.constant 0 : i32
      %add3A_953 = vector.broadcast %add3A_952 : i32 to vector<16xi32>
      %add3A_954 = arith.addi %sub3A_944, %add3A_953 : vector<16xi32>
      %add3A_955 = vector.broadcast %add3A_933 : i32 to vector<16xi32>
      %add3A_956 = arith.addi %iota3A, %add3A_955 : vector<16xi32>
      tpu.vector_store_idx %arg15[%add3A_954], %add3A_956 masked %and3A_948 : memref<1280xi32, #tpu.memory_space<vmem>>[vector<16xi32>], vector<16xi32>, vector<16xi1>
      %all_reduce_population_count3A_957 = tpu.all_reduce %gt3A_936 {dim = 0 : i64, kind = #tpu.reduction_kind<sum>} : vector<16xi1> -> vector<16xi32>
      %add3A_958 = arith.addi %add3A_929, %all_reduce_population_count3A_957 : vector<16xi32>
      scf.yield %add3A_958 : vector<16xi32>
    }
    %scan3A_60 = arith.constant 312 : i32
    %get3A_61 = arith.constant 19968 : index
    %get3A_62 = tpu.vector_load %arg9[%get3A_61] {strides = array<i32>} : memref<20000xf32, #tpu.memory_space<vmem>>, vector<16xf32>,
    %gt3A = arith.cmpf ogt, %get3A_62, %get3A_52 : vector<16xf32>
    %convert_element_type3A = arith.extui %gt3A : vector<16xi1> to vector<16xi32>
    %broadcast_in_dim3A_63 = arith.constant true
    %broadcast_in_dim3A_64 = vector.broadcast %broadcast_in_dim3A_63 : i1 to vector<16xi1>
    %masked_cumsum3A = tpu.scan <sum>, %convert_element_type3A masked %broadcast_in_dim3A_64 : vector<16xi32>, vector<16xi1> -> vector<16xi32>
    %add3A_65 = arith.addi %scan3A_59, %masked_cumsum3A : vector<16xi32>
    %sub3A_66 = arith.constant 1 : i32
    %sub3A_67 = vector.broadcast %sub3A_66 : i32 to vector<16xi32>
    %sub3A_68 = arith.subi %add3A_65, %sub3A_67 : vector<16xi32>
    %lt3A = arith.constant 256 : i32
    %lt3A_69 = vector.broadcast %lt3A : i32 to vector<16xi32>
    %lt3A_70 = arith.cmpi slt, %sub3A_68, %lt3A_69 : vector<16xi32>
    %and3A_71 = arith.andi %gt3A, %lt3A_70 : vector<16xi1>
    %add3A_72 = arith.constant 0 : i32
    %add3A_73 = vector.broadcast %add3A_72 : i32 to vector<16xi32>
    %add3A_74 = arith.addi %sub3A_68, %add3A_73 : vector<16xi32>
    tpu.vector_store_idx %arg14[%add3A_74], %get3A_62 masked %and3A_71 : memref<1280xf32, #tpu.memory_space<vmem>>[vector<16xi32>], vector<16xf32>, vector<16xi1>
    %add3A_75 = arith.constant 0 : i32
    %add3A_76 = vector.broadcast %add3A_75 : i32 to vector<16xi32>
    %add3A_77 = arith.addi %sub3A_68, %add3A_76 : vector<16xi32>
    %add3A_78 = arith.constant 19968 : i32
    %add3A_79 = vector.broadcast %add3A_78 : i32 to vector<16xi32>
    %add3A_80 = arith.addi %iota3A, %add3A_79 : vector<16xi32>
    tpu.vector_store_idx %arg15[%add3A_77], %add3A_80 masked %and3A_71 : memref<1280xi32, #tpu.memory_space<vmem>>[vector<16xi32>], vector<16xi32>, vector<16xi1>
    %all_reduce_population_count3A = tpu.all_reduce %gt3A {dim = 0 : i64, kind = #tpu.reduction_kind<sum>} : vector<16xi1> -> vector<16xi32>
    %add3A_81 = arith.addi %scan3A_59, %all_reduce_population_count3A : vector<16xi32>
    %get3A_82 = arith.constant 19984 : index
    %get3A_83 = tpu.vector_load %arg9[%get3A_82] {strides = array<i32>} : memref<20000xf32, #tpu.memory_space<vmem>>, vector<16xf32>,
    %gt3A_84 = arith.cmpf ogt, %get3A_83, %get3A_52 : vector<16xf32>
    %convert_element_type3A_85 = arith.extui %gt3A_84 : vector<16xi1> to vector<16xi32>
    %broadcast_in_dim3A_86 = arith.constant true
    %broadcast_in_dim3A_87 = vector.broadcast %broadcast_in_dim3A_86 : i1 to vector<16xi1>
    %masked_cumsum3A_88 = tpu.scan <sum>, %convert_element_type3A_85 masked %broadcast_in_dim3A_87 : vector<16xi32>, vector<16xi1> -> vector<16xi32>
    %add3A_89 = arith.addi %add3A_81, %masked_cumsum3A_88 : vector<16xi32>
    %sub3A_90 = arith.constant 1 : i32
    %sub3A_91 = vector.broadcast %sub3A_90 : i32 to vector<16xi32>
    %sub3A_92 = arith.subi %add3A_89, %sub3A_91 : vector<16xi32>
    %lt3A_93 = arith.constant 256 : i32
    %lt3A_94 = vector.broadcast %lt3A_93 : i32 to vector<16xi32>
    %lt3A_95 = arith.cmpi slt, %sub3A_92, %lt3A_94 : vector<16xi32>
    %and3A_96 = arith.andi %gt3A_84, %lt3A_95 : vector<16xi1>
    %add3A_97 = arith.constant 0 : i32
    %add3A_98 = vector.broadcast %add3A_97 : i32 to vector<16xi32>
    %add3A_99 = arith.addi %sub3A_92, %add3A_98 : vector<16xi32>
    tpu.vector_store_idx %arg14[%add3A_99], %get3A_83 masked %and3A_96 : memref<1280xf32, #tpu.memory_space<vmem>>[vector<16xi32>], vector<16xf32>, vector<16xi1>
    %add3A_100 = arith.constant 0 : i32
    %add3A_101 = vector.broadcast %add3A_100 : i32 to vector<16xi32>
    %add3A_102 = arith.addi %sub3A_92, %add3A_101 : vector<16xi32>
    %add3A_103 = arith.constant 19984 : i32
    %add3A_104 = vector.broadcast %add3A_103 : i32 to vector<16xi32>
    %add3A_105 = arith.addi %iota3A, %add3A_104 : vector<16xi32>
    tpu.vector_store_idx %arg15[%add3A_102], %add3A_105 masked %and3A_96 : memref<1280xi32, #tpu.memory_space<vmem>>[vector<16xi32>], vector<16xi32>, vector<16xi1>
    %all_reduce_population_count3A_106 = tpu.all_reduce %gt3A_84 {dim = 0 : i64, kind = #tpu.reduction_kind<sum>} : vector<16xi1> -> vector<16xi32>
    %add3A_107 = arith.addi %add3A_81, %all_reduce_population_count3A_106 : vector<16xi32>
    %scan3A_108 = arith.constant 0 : i32
    %scan3A_109 = arith.constant 0 : i32
    %scan3A_110 = arith.constant 16 : i32
    %scan3A_111 = arith.addi %scan3A_109, %scan3A_110 : i32
    %scan3A_112 = arith.constant 1 : i32
    %scan3A_113 = scf.for %scan3A_841 = %scan3A_109 to %scan3A_111 step %scan3A_112 iter_args(%scan3A_842 = %scan3A_108) -> (i32)  : i32 {
      %mul3A_843 = arith.constant 16 : i32
      %mul3A_844 = arith.muli %scan3A_841, %mul3A_843 : i32
      %add3A_845 = arith.constant 0 : i32
      %add3A_846 = arith.addi %add3A_845, %mul3A_844 : i32
      %get3A_847 = arith.index_cast %add3A_846 : i32 to index
      %get3A_848 = tpu.vector_load %arg15[%get3A_847] {strides = array<i32>} : memref<1280xi32, #tpu.memory_space<vmem>>, vector<16xi32>,
      %gather3A = tpu.vector_load_idx %arg11[%get3A_848] : memref<20000xf32, #tpu.memory_space<vmem>>[vector<16xi32>], vector<16xf32>,
      %mul3A_849 = arith.constant 16 : i32
      %mul3A_850 = arith.muli %scan3A_841, %mul3A_849 : i32
      %add3A_851 = arith.constant 0 : i32
      %add3A_852 = arith.addi %add3A_851, %mul3A_850 : i32
      %swap3A = arith.index_cast %add3A_852 : i32 to index
      %swap3A_853 = tpu.vector_load %arg16[%swap3A] {strides = array<i32>} : memref<1280xf32, #tpu.memory_space<vmem>>, vector<16xf32>,
      tpu.vector_store %arg16[%swap3A], %gather3A {strides = array<i32>} : memref<1280xf32, #tpu.memory_space<vmem>>, vector<16xf32>,
      %gather3A_854 = tpu.vector_load_idx %arg12[%get3A_848] : memref<20000xf32, #tpu.memory_space<vmem>>[vector<16xi32>], vector<16xf32>,
      %mul3A_855 = arith.constant 16 : i32
      %mul3A_856 = arith.muli %scan3A_841, %mul3A_855 : i32
      %add3A_857 = arith.constant 0 : i32
      %add3A_858 = arith.addi %add3A_857, %mul3A_856 : i32
      %swap3A_859 = arith.index_cast %add3A_858 : i32 to index
      %swap3A_860 = tpu.vector_load %arg17[%swap3A_859] {strides = array<i32>} : memref<1280xf32, #tpu.memory_space<vmem>>, vector<16xf32>,
      tpu.vector_store %arg17[%swap3A_859], %gather3A_854 {strides = array<i32>} : memref<1280xf32, #tpu.memory_space<vmem>>, vector<16xf32>,
      %scan3A_861 = arith.constant 0 : i32
      scf.yield %scan3A_861 : i32
    }
    %scan3A_114 = arith.constant 16 : i32
    %add3A_115 = arith.constant 0 : i32
    %add3A_116 = arith.addi %mul3A_18, %add3A_115 : i32
    %dma_start3A_117 = arith.constant 0 : i32
    %dma_start3A_118 = tpu.memref_slice %arg14[%dma_start3A_117] : memref<1280xf32, #tpu.memory_space<vmem>> -> memref<256xf32, #tpu.memory_space<vmem>>
    %dma_start3A_119 = arith.constant 0 : i32
    %dma_start3A_120 = tpu.memref_slice %arg6[%add3A_116, %dma_start3A_119] : memref<160x256xf32, #tpu.memory_space<hbm>> -> memref<1x256xf32, #tpu.memory_space<hbm>>
    %dma_start3A_121 = tpu.memref_squeeze %dma_start3A_120 : memref<1x256xf32, #tpu.memory_space<hbm>> -> memref<256xf32, #tpu.memory_space<hbm>>
    %dma_start3A_122 = arith.constant 0 : i32
    %dma_start3A_123 = tpu.memref_slice %arg6[%add3A_116, %dma_start3A_122] : memref<160x256xf32, #tpu.memory_space<hbm>> -> memref<1x256xf32, #tpu.memory_space<hbm>>
    %dma_start3A_124 = tpu.memref_squeeze %dma_start3A_123 : memref<1x256xf32, #tpu.memory_space<hbm>> -> memref<256xf32, #tpu.memory_space<hbm>>
    %dma_start3A_125 = arith.constant 0 : i32
    %dma_start3A_126 = tpu.memref_slice %arg14[%dma_start3A_125] : memref<1280xf32, #tpu.memory_space<vmem>> -> memref<256xf32, #tpu.memory_space<vmem>>
    tpu.enqueue_dma source(%dma_start3A_126 : memref<256xf32, #tpu.memory_space<vmem>>) target(%dma_start3A_124 : memref<256xf32, #tpu.memory_space<hbm>>) target_semaphore(%arg19 : memref<!tpu.dma_semaphore, #tpu.memory_space<semaphore_mem>>)
    %add3A_127 = arith.constant 0 : i32
    %add3A_128 = arith.addi %mul3A_18, %add3A_127 : i32
    %dma_start3A_129 = arith.constant 0 : i32
    %dma_start3A_130 = tpu.memref_slice %arg16[%dma_start3A_129] : memref<1280xf32, #tpu.memory_space<vmem>> -> memref<256xf32, #tpu.memory_space<vmem>>
    %dma_start3A_131 = arith.constant 0 : i32
    %dma_start3A_132 = tpu.memref_slice %arg7[%add3A_128, %dma_start3A_131] : memref<160x256xf32, #tpu.memory_space<hbm>> -> memref<1x256xf32, #tpu.memory_space<hbm>>
    %dma_start3A_133 = tpu.memref_squeeze %dma_start3A_132 : memref<1x256xf32, #tpu.memory_space<hbm>> -> memref<256xf32, #tpu.memory_space<hbm>>
    %dma_start3A_134 = arith.constant 0 : i32
    %dma_start3A_135 = tpu.memref_slice %arg7[%add3A_128, %dma_start3A_134] : memref<160x256xf32, #tpu.memory_space<hbm>> -> memref<1x256xf32, #tpu.memory_space<hbm>>
    %dma_start3A_136 = tpu.memref_squeeze %dma_start3A_135 : memref<1x256xf32, #tpu.memory_space<hbm>> -> memref<256xf32, #tpu.memory_space<hbm>>
    %dma_start3A_137 = arith.constant 0 : i32
    %dma_start3A_138 = tpu.memref_slice %arg16[%dma_start3A_137] : memref<1280xf32, #tpu.memory_space<vmem>> -> memref<256xf32, #tpu.memory_space<vmem>>
    tpu.enqueue_dma source(%dma_start3A_138 : memref<256xf32, #tpu.memory_space<vmem>>) target(%dma_start3A_136 : memref<256xf32, #tpu.memory_space<hbm>>) target_semaphore(%arg19 : memref<!tpu.dma_semaphore, #tpu.memory_space<semaphore_mem>>)
    %add3A_139 = arith.constant 0 : i32
    %add3A_140 = arith.addi %mul3A_18, %add3A_139 : i32
    %dma_start3A_141 = arith.constant 0 : i32
    %dma_start3A_142 = tpu.memref_slice %arg17[%dma_start3A_141] : memref<1280xf32, #tpu.memory_space<vmem>> -> memref<256xf32, #tpu.memory_space<vmem>>
    %dma_start3A_143 = arith.constant 0 : i32
    %dma_start3A_144 = tpu.memref_slice %arg8[%add3A_140, %dma_start3A_143] : memref<160x256xf32, #tpu.memory_space<hbm>> -> memref<1x256xf32, #tpu.memory_space<hbm>>
    %dma_start3A_145 = tpu.memref_squeeze %dma_start3A_144 : memref<1x256xf32, #tpu.memory_space<hbm>> -> memref<256xf32, #tpu.memory_space<hbm>>
    %dma_start3A_146 = arith.constant 0 : i32
    %dma_start3A_147 = tpu.memref_slice %arg8[%add3A_140, %dma_start3A_146] : memref<160x256xf32, #tpu.memory_space<hbm>> -> memref<1x256xf32, #tpu.memory_space<hbm>>
    %dma_start3A_148 = tpu.memref_squeeze %dma_start3A_147 : memref<1x256xf32, #tpu.memory_space<hbm>> -> memref<256xf32, #tpu.memory_space<hbm>>
    %dma_start3A_149 = arith.constant 0 : i32
    %dma_start3A_150 = tpu.memref_slice %arg17[%dma_start3A_149] : memref<1280xf32, #tpu.memory_space<vmem>> -> memref<256xf32, #tpu.memory_space<vmem>>
    tpu.enqueue_dma source(%dma_start3A_150 : memref<256xf32, #tpu.memory_space<vmem>>) target(%dma_start3A_148 : memref<256xf32, #tpu.memory_space<hbm>>) target_semaphore(%arg19 : memref<!tpu.dma_semaphore, #tpu.memory_space<semaphore_mem>>)
    %add3A_151 = arith.constant 1 : i32
    %add3A_152 = arith.addi %mul3A_18, %add3A_151 : i32
    %dma_wait3A_153 = arith.constant 0 : i32
    %dma_wait3A_154 = tpu.memref_slice %arg2[%add3A_152, %dma_wait3A_153] : memref<160x20000xf32, #tpu.memory_space<hbm>> -> memref<1x20000xf32, #tpu.memory_space<hbm>>
    %dma_wait3A_155 = tpu.memref_squeeze %dma_wait3A_154 : memref<1x20000xf32, #tpu.memory_space<hbm>> -> memref<20000xf32, #tpu.memory_space<hbm>>
    %dma_wait3A_156 = arith.constant 0 : i32
    %dma_wait3A_157 = tpu.memref_slice %arg2[%add3A_152, %dma_wait3A_156] : memref<160x20000xf32, #tpu.memory_space<hbm>> -> memref<1x20000xf32, #tpu.memory_space<hbm>>
    %dma_wait3A_158 = tpu.memref_squeeze %dma_wait3A_157 : memref<1x20000xf32, #tpu.memory_space<hbm>> -> memref<20000xf32, #tpu.memory_space<hbm>>
    tpu.wait_dma2 semaphore(%arg18 : memref<!tpu.dma_semaphore, #tpu.memory_space<semaphore_mem>>) src(%dma_wait3A_158 : memref<20000xf32, #tpu.memory_space<hbm>>) dst(%arg10 : memref<20000xf32, #tpu.memory_space<vmem>>)
    %add3A_159 = arith.constant 1 : i32
    %add3A_160 = arith.addi %mul3A_18, %add3A_159 : i32
    %add3A_161 = arith.constant 1 : i32
    %add3A_162 = arith.addi %add3A_160, %add3A_161 : i32
    %dma_start3A_163 = arith.constant 0 : i32
    %dma_start3A_164 = tpu.memref_slice %arg2[%add3A_162, %dma_start3A_163] : memref<160x20000xf32, #tpu.memory_space<hbm>> -> memref<1x20000xf32, #tpu.memory_space<hbm>>
    %dma_start3A_165 = tpu.memref_squeeze %dma_start3A_164 : memref<1x20000xf32, #tpu.memory_space<hbm>> -> memref<20000xf32, #tpu.memory_space<hbm>>
    %dma_start3A_166 = arith.constant 0 : i32
    %dma_start3A_167 = tpu.memref_slice %arg2[%add3A_162, %dma_start3A_166] : memref<160x20000xf32, #tpu.memory_space<hbm>> -> memref<1x20000xf32, #tpu.memory_space<hbm>>
    %dma_start3A_168 = tpu.memref_squeeze %dma_start3A_167 : memref<1x20000xf32, #tpu.memory_space<hbm>> -> memref<20000xf32, #tpu.memory_space<hbm>>
    tpu.enqueue_dma source(%dma_start3A_168 : memref<20000xf32, #tpu.memory_space<hbm>>) target(%arg9 : memref<20000xf32, #tpu.memory_space<vmem>>) target_semaphore(%arg18 : memref<!tpu.dma_semaphore, #tpu.memory_space<semaphore_mem>>)
    %scan3A_169 = arith.constant 0 : i32
    %scan3A_170 = arith.constant 0 : i32
    %scan3A_171 = arith.constant 16 : i32
    %scan3A_172 = arith.addi %scan3A_170, %scan3A_171 : i32
    %scan3A_173 = arith.constant 1 : i32
    %scan3A_174 = scf.for %scan3A_841 = %scan3A_170 to %scan3A_172 step %scan3A_173 iter_args(%scan3A_842 = %scan3A_169) -> (i32)  : i32 {
      %mul3A_843 = arith.constant 16 : i32
      %mul3A_844 = arith.muli %scan3A_841, %mul3A_843 : i32
      %add3A_845 = arith.constant 256 : i32
      %add3A_846 = arith.addi %add3A_845, %mul3A_844 : i32
      %swap3A = arith.index_cast %add3A_846 : i32 to index
      %swap3A_847 = tpu.vector_load %arg14[%swap3A] {strides = array<i32>} : memref<1280xf32, #tpu.memory_space<vmem>>, vector<16xf32>,
      tpu.vector_store %arg14[%swap3A], %broadcast_in_dim3A_21 {strides = array<i32>} : memref<1280xf32, #tpu.memory_space<vmem>>, vector<16xf32>,
      %mul3A_848 = arith.constant 16 : i32
      %mul3A_849 = arith.muli %scan3A_841, %mul3A_848 : i32
      %add3A_850 = arith.constant 256 : i32
      %add3A_851 = arith.addi %add3A_850, %mul3A_849 : i32
      %swap3A_852 = arith.index_cast %add3A_851 : i32 to index
      %swap3A_853 = tpu.vector_load %arg15[%swap3A_852] {strides = array<i32>} : memref<1280xi32, #tpu.memory_space<vmem>>, vector<16xi32>,
      tpu.vector_store %arg15[%swap3A_852], %broadcast_in_dim3A_23 {strides = array<i32>} : memref<1280xi32, #tpu.memory_space<vmem>>, vector<16xi32>,
      %scan3A_854 = arith.constant 0 : i32
      scf.yield %scan3A_854 : i32
    }
    %scan3A_175 = arith.constant 16 : i32
    %get3A_176 = arith.constant 16 : index
    %get3A_177 = tpu.vector_load %arg13[%get3A_176] {strides = array<i32>} : memref<80xf32, #tpu.memory_space<vmem>>, vector<16xf32>,
    %broadcast_in_dim3A_178 = arith.constant 0 : i32
    %broadcast_in_dim3A_179 = vector.broadcast %broadcast_in_dim3A_178 : i32 to vector<16xi32>
    %scan3A_180 = arith.constant 0 : i32
    %scan3A_181 = arith.constant 312 : i32
    %scan3A_182 = arith.addi %scan3A_180, %scan3A_181 : i32
    %scan3A_183 = arith.constant 1 : i32
    %scan3A_184 = scf.for %scan3A_841 = %scan3A_180 to %scan3A_182 step %scan3A_183 iter_args(%scan3A_842 = %broadcast_in_dim3A_179) -> (vector<16xi32>)  : i32 {
      %mul3A_843 = arith.constant 64 : i32
      %mul3A_844 = arith.muli %scan3A_841, %mul3A_843 : i32
      %add3A_845 = arith.constant 0 : i32
      %add3A_846 = arith.addi %mul3A_844, %add3A_845 : i32
      %get3A_847 = arith.index_cast %add3A_846 : i32 to index
      %get3A_848 = tpu.vector_load %arg10[%get3A_847] {strides = array<i32>} : memref<20000xf32, #tpu.memory_space<vmem>>, vector<16xf32>,
      %gt3A_849 = arith.cmpf ogt, %get3A_848, %get3A_177 : vector<16xf32>
      %convert_element_type3A_850 = arith.extui %gt3A_849 : vector<16xi1> to vector<16xi32>
      %broadcast_in_dim3A_851 = arith.constant true
      %broadcast_in_dim3A_852 = vector.broadcast %broadcast_in_dim3A_851 : i1 to vector<16xi1>
      %masked_cumsum3A_853 = tpu.scan <sum>, %convert_element_type3A_850 masked %broadcast_in_dim3A_852 : vector<16xi32>, vector<16xi1> -> vector<16xi32>
      %add3A_854 = arith.addi %scan3A_842, %masked_cumsum3A_853 : vector<16xi32>
      %sub3A_855 = arith.constant 1 : i32
      %sub3A_856 = vector.broadcast %sub3A_855 : i32 to vector<16xi32>
      %sub3A_857 = arith.subi %add3A_854, %sub3A_856 : vector<16xi32>
      %lt3A_858 = arith.constant 256 : i32
      %lt3A_859 = vector.broadcast %lt3A_858 : i32 to vector<16xi32>
      %lt3A_860 = arith.cmpi slt, %sub3A_857, %lt3A_859 : vector<16xi32>
      %and3A_861 = arith.andi %gt3A_849, %lt3A_860 : vector<16xi1>
      %add3A_862 = arith.constant 256 : i32
      %add3A_863 = vector.broadcast %add3A_862 : i32 to vector<16xi32>
      %add3A_864 = arith.addi %sub3A_857, %add3A_863 : vector<16xi32>
      tpu.vector_store_idx %arg14[%add3A_864], %get3A_848 masked %and3A_861 : memref<1280xf32, #tpu.memory_space<vmem>>[vector<16xi32>], vector<16xf32>, vector<16xi1>
      %add3A_865 = arith.constant 256 : i32
      %add3A_866 = vector.broadcast %add3A_865 : i32 to vector<16xi32>
      %add3A_867 = arith.addi %sub3A_857, %add3A_866 : vector<16xi32>
      %add3A_868 = vector.broadcast %add3A_846 : i32 to vector<16xi32>
      %add3A_869 = arith.addi %iota3A, %add3A_868 : vector<16xi32>
      tpu.vector_store_idx %arg15[%add3A_867], %add3A_869 masked %and3A_861 : memref<1280xi32, #tpu.memory_space<vmem>>[vector<16xi32>], vector<16xi32>, vector<16xi1>
      %all_reduce_population_count3A_870 = tpu.all_reduce %gt3A_849 {dim = 0 : i64, kind = #tpu.reduction_kind<sum>} : vector<16xi1> -> vector<16xi32>
      %add3A_871 = arith.addi %scan3A_842, %all_reduce_population_count3A_870 : vector<16xi32>
      %mul3A_872 = arith.constant 64 : i32
      %mul3A_873 = arith.muli %scan3A_841, %mul3A_872 : i32
      %add3A_874 = arith.constant 16 : i32
      %add3A_875 = arith.addi %mul3A_873, %add3A_874 : i32
      %get3A_876 = arith.index_cast %add3A_875 : i32 to index
      %get3A_877 = tpu.vector_load %arg10[%get3A_876] {strides = array<i32>} : memref<20000xf32, #tpu.memory_space<vmem>>, vector<16xf32>,
      %gt3A_878 = arith.cmpf ogt, %get3A_877, %get3A_177 : vector<16xf32>
      %convert_element_type3A_879 = arith.extui %gt3A_878 : vector<16xi1> to vector<16xi32>
      %broadcast_in_dim3A_880 = arith.constant true
      %broadcast_in_dim3A_881 = vector.broadcast %broadcast_in_dim3A_880 : i1 to vector<16xi1>
      %masked_cumsum3A_882 = tpu.scan <sum>, %convert_element_type3A_879 masked %broadcast_in_dim3A_881 : vector<16xi32>, vector<16xi1> -> vector<16xi32>
      %add3A_883 = arith.addi %add3A_871, %masked_cumsum3A_882 : vector<16xi32>
      %sub3A_884 = arith.constant 1 : i32
      %sub3A_885 = vector.broadcast %sub3A_884 : i32 to vector<16xi32>
      %sub3A_886 = arith.subi %add3A_883, %sub3A_885 : vector<16xi32>
      %lt3A_887 = arith.constant 256 : i32
      %lt3A_888 = vector.broadcast %lt3A_887 : i32 to vector<16xi32>
      %lt3A_889 = arith.cmpi slt, %sub3A_886, %lt3A_888 : vector<16xi32>
      %and3A_890 = arith.andi %gt3A_878, %lt3A_889 : vector<16xi1>
      %add3A_891 = arith.constant 256 : i32
      %add3A_892 = vector.broadcast %add3A_891 : i32 to vector<16xi32>
      %add3A_893 = arith.addi %sub3A_886, %add3A_892 : vector<16xi32>
      tpu.vector_store_idx %arg14[%add3A_893], %get3A_877 masked %and3A_890 : memref<1280xf32, #tpu.memory_space<vmem>>[vector<16xi32>], vector<16xf32>, vector<16xi1>
      %add3A_894 = arith.constant 256 : i32
      %add3A_895 = vector.broadcast %add3A_894 : i32 to vector<16xi32>
      %add3A_896 = arith.addi %sub3A_886, %add3A_895 : vector<16xi32>
      %add3A_897 = vector.broadcast %add3A_875 : i32 to vector<16xi32>
      %add3A_898 = arith.addi %iota3A, %add3A_897 : vector<16xi32>
      tpu.vector_store_idx %arg15[%add3A_896], %add3A_898 masked %and3A_890 : memref<1280xi32, #tpu.memory_space<vmem>>[vector<16xi32>], vector<16xi32>, vector<16xi1>
      %all_reduce_population_count3A_899 = tpu.all_reduce %gt3A_878 {dim = 0 : i64, kind = #tpu.reduction_kind<sum>} : vector<16xi1> -> vector<16xi32>
      %add3A_900 = arith.addi %add3A_871, %all_reduce_population_count3A_899 : vector<16xi32>
      %mul3A_901 = arith.constant 64 : i32
      %mul3A_902 = arith.muli %scan3A_841, %mul3A_901 : i32
      %add3A_903 = arith.constant 32 : i32
      %add3A_904 = arith.addi %mul3A_902, %add3A_903 : i32
      %get3A_905 = arith.index_cast %add3A_904 : i32 to index
      %get3A_906 = tpu.vector_load %arg10[%get3A_905] {strides = array<i32>} : memref<20000xf32, #tpu.memory_space<vmem>>, vector<16xf32>,
      %gt3A_907 = arith.cmpf ogt, %get3A_906, %get3A_177 : vector<16xf32>
      %convert_element_type3A_908 = arith.extui %gt3A_907 : vector<16xi1> to vector<16xi32>
      %broadcast_in_dim3A_909 = arith.constant true
      %broadcast_in_dim3A_910 = vector.broadcast %broadcast_in_dim3A_909 : i1 to vector<16xi1>
      %masked_cumsum3A_911 = tpu.scan <sum>, %convert_element_type3A_908 masked %broadcast_in_dim3A_910 : vector<16xi32>, vector<16xi1> -> vector<16xi32>
      %add3A_912 = arith.addi %add3A_900, %masked_cumsum3A_911 : vector<16xi32>
      %sub3A_913 = arith.constant 1 : i32
      %sub3A_914 = vector.broadcast %sub3A_913 : i32 to vector<16xi32>
      %sub3A_915 = arith.subi %add3A_912, %sub3A_914 : vector<16xi32>
      %lt3A_916 = arith.constant 256 : i32
      %lt3A_917 = vector.broadcast %lt3A_916 : i32 to vector<16xi32>
      %lt3A_918 = arith.cmpi slt, %sub3A_915, %lt3A_917 : vector<16xi32>
      %and3A_919 = arith.andi %gt3A_907, %lt3A_918 : vector<16xi1>
      %add3A_920 = arith.constant 256 : i32
      %add3A_921 = vector.broadcast %add3A_920 : i32 to vector<16xi32>
      %add3A_922 = arith.addi %sub3A_915, %add3A_921 : vector<16xi32>
      tpu.vector_store_idx %arg14[%add3A_922], %get3A_906 masked %and3A_919 : memref<1280xf32, #tpu.memory_space<vmem>>[vector<16xi32>], vector<16xf32>, vector<16xi1>
      %add3A_923 = arith.constant 256 : i32
      %add3A_924 = vector.broadcast %add3A_923 : i32 to vector<16xi32>
      %add3A_925 = arith.addi %sub3A_915, %add3A_924 : vector<16xi32>
      %add3A_926 = vector.broadcast %add3A_904 : i32 to vector<16xi32>
      %add3A_927 = arith.addi %iota3A, %add3A_926 : vector<16xi32>
      tpu.vector_store_idx %arg15[%add3A_925], %add3A_927 masked %and3A_919 : memref<1280xi32, #tpu.memory_space<vmem>>[vector<16xi32>], vector<16xi32>, vector<16xi1>
      %all_reduce_population_count3A_928 = tpu.all_reduce %gt3A_907 {dim = 0 : i64, kind = #tpu.reduction_kind<sum>} : vector<16xi1> -> vector<16xi32>
      %add3A_929 = arith.addi %add3A_900, %all_reduce_population_count3A_928 : vector<16xi32>
      %mul3A_930 = arith.constant 64 : i32
      %mul3A_931 = arith.muli %scan3A_841, %mul3A_930 : i32
      %add3A_932 = arith.constant 48 : i32
      %add3A_933 = arith.addi %mul3A_931, %add3A_932 : i32
      %get3A_934 = arith.index_cast %add3A_933 : i32 to index
      %get3A_935 = tpu.vector_load %arg10[%get3A_934] {strides = array<i32>} : memref<20000xf32, #tpu.memory_space<vmem>>, vector<16xf32>,
      %gt3A_936 = arith.cmpf ogt, %get3A_935, %get3A_177 : vector<16xf32>
      %convert_element_type3A_937 = arith.extui %gt3A_936 : vector<16xi1> to vector<16xi32>
      %broadcast_in_dim3A_938 = arith.constant true
      %broadcast_in_dim3A_939 = vector.broadcast %broadcast_in_dim3A_938 : i1 to vector<16xi1>
      %masked_cumsum3A_940 = tpu.scan <sum>, %convert_element_type3A_937 masked %broadcast_in_dim3A_939 : vector<16xi32>, vector<16xi1> -> vector<16xi32>
      %add3A_941 = arith.addi %add3A_929, %masked_cumsum3A_940 : vector<16xi32>
      %sub3A_942 = arith.constant 1 : i32
      %sub3A_943 = vector.broadcast %sub3A_942 : i32 to vector<16xi32>
      %sub3A_944 = arith.subi %add3A_941, %sub3A_943 : vector<16xi32>
      %lt3A_945 = arith.constant 256 : i32
      %lt3A_946 = vector.broadcast %lt3A_945 : i32 to vector<16xi32>
      %lt3A_947 = arith.cmpi slt, %sub3A_944, %lt3A_946 : vector<16xi32>
      %and3A_948 = arith.andi %gt3A_936, %lt3A_947 : vector<16xi1>
      %add3A_949 = arith.constant 256 : i32
      %add3A_950 = vector.broadcast %add3A_949 : i32 to vector<16xi32>
      %add3A_951 = arith.addi %sub3A_944, %add3A_950 : vector<16xi32>
      tpu.vector_store_idx %arg14[%add3A_951], %get3A_935 masked %and3A_948 : memref<1280xf32, #tpu.memory_space<vmem>>[vector<16xi32>], vector<16xf32>, vector<16xi1>
      %add3A_952 = arith.constant 256 : i32
      %add3A_953 = vector.broadcast %add3A_952 : i32 to vector<16xi32>
      %add3A_954 = arith.addi %sub3A_944, %add3A_953 : vector<16xi32>
      %add3A_955 = vector.broadcast %add3A_933 : i32 to vector<16xi32>
      %add3A_956 = arith.addi %iota3A, %add3A_955 : vector<16xi32>
      tpu.vector_store_idx %arg15[%add3A_954], %add3A_956 masked %and3A_948 : memref<1280xi32, #tpu.memory_space<vmem>>[vector<16xi32>], vector<16xi32>, vector<16xi1>
      %all_reduce_population_count3A_957 = tpu.all_reduce %gt3A_936 {dim = 0 : i64, kind = #tpu.reduction_kind<sum>} : vector<16xi1> -> vector<16xi32>
      %add3A_958 = arith.addi %add3A_929, %all_reduce_population_count3A_957 : vector<16xi32>
      scf.yield %add3A_958 : vector<16xi32>
    }
    %scan3A_185 = arith.constant 312 : i32
    %get3A_186 = arith.constant 19968 : index
    %get3A_187 = tpu.vector_load %arg10[%get3A_186] {strides = array<i32>} : memref<20000xf32, #tpu.memory_space<vmem>>, vector<16xf32>,
    %gt3A_188 = arith.cmpf ogt, %get3A_187, %get3A_177 : vector<16xf32>
    %convert_element_type3A_189 = arith.extui %gt3A_188 : vector<16xi1> to vector<16xi32>
    %broadcast_in_dim3A_190 = arith.constant true
    %broadcast_in_dim3A_191 = vector.broadcast %broadcast_in_dim3A_190 : i1 to vector<16xi1>
    %masked_cumsum3A_192 = tpu.scan <sum>, %convert_element_type3A_189 masked %broadcast_in_dim3A_191 : vector<16xi32>, vector<16xi1> -> vector<16xi32>
    %add3A_193 = arith.addi %scan3A_184, %masked_cumsum3A_192 : vector<16xi32>
    %sub3A_194 = arith.constant 1 : i32
    %sub3A_195 = vector.broadcast %sub3A_194 : i32 to vector<16xi32>
    %sub3A_196 = arith.subi %add3A_193, %sub3A_195 : vector<16xi32>
    %lt3A_197 = arith.constant 256 : i32
    %lt3A_198 = vector.broadcast %lt3A_197 : i32 to vector<16xi32>
    %lt3A_199 = arith.cmpi slt, %sub3A_196, %lt3A_198 : vector<16xi32>
    %and3A_200 = arith.andi %gt3A_188, %lt3A_199 : vector<16xi1>
    %add3A_201 = arith.constant 256 : i32
    %add3A_202 = vector.broadcast %add3A_201 : i32 to vector<16xi32>
    %add3A_203 = arith.addi %sub3A_196, %add3A_202 : vector<16xi32>
    tpu.vector_store_idx %arg14[%add3A_203], %get3A_187 masked %and3A_200 : memref<1280xf32, #tpu.memory_space<vmem>>[vector<16xi32>], vector<16xf32>, vector<16xi1>
    %add3A_204 = arith.constant 256 : i32
    %add3A_205 = vector.broadcast %add3A_204 : i32 to vector<16xi32>
    %add3A_206 = arith.addi %sub3A_196, %add3A_205 : vector<16xi32>
    %add3A_207 = arith.constant 19968 : i32
    %add3A_208 = vector.broadcast %add3A_207 : i32 to vector<16xi32>
    %add3A_209 = arith.addi %iota3A, %add3A_208 : vector<16xi32>
    tpu.vector_store_idx %arg15[%add3A_206], %add3A_209 masked %and3A_200 : memref<1280xi32, #tpu.memory_space<vmem>>[vector<16xi32>], vector<16xi32>, vector<16xi1>
    %all_reduce_population_count3A_210 = tpu.all_reduce %gt3A_188 {dim = 0 : i64, kind = #tpu.reduction_kind<sum>} : vector<16xi1> -> vector<16xi32>
    %add3A_211 = arith.addi %scan3A_184, %all_reduce_population_count3A_210 : vector<16xi32>
    %get3A_212 = arith.constant 19984 : index
    %get3A_213 = tpu.vector_load %arg10[%get3A_212] {strides = array<i32>} : memref<20000xf32, #tpu.memory_space<vmem>>, vector<16xf32>,
    %gt3A_214 = arith.cmpf ogt, %get3A_213, %get3A_177 : vector<16xf32>
    %convert_element_type3A_215 = arith.extui %gt3A_214 : vector<16xi1> to vector<16xi32>
    %broadcast_in_dim3A_216 = arith.constant true
    %broadcast_in_dim3A_217 = vector.broadcast %broadcast_in_dim3A_216 : i1 to vector<16xi1>
    %masked_cumsum3A_218 = tpu.scan <sum>, %convert_element_type3A_215 masked %broadcast_in_dim3A_217 : vector<16xi32>, vector<16xi1> -> vector<16xi32>
    %add3A_219 = arith.addi %add3A_211, %masked_cumsum3A_218 : vector<16xi32>
    %sub3A_220 = arith.constant 1 : i32
    %sub3A_221 = vector.broadcast %sub3A_220 : i32 to vector<16xi32>
    %sub3A_222 = arith.subi %add3A_219, %sub3A_221 : vector<16xi32>
    %lt3A_223 = arith.constant 256 : i32
    %lt3A_224 = vector.broadcast %lt3A_223 : i32 to vector<16xi32>
    %lt3A_225 = arith.cmpi slt, %sub3A_222, %lt3A_224 : vector<16xi32>
    %and3A_226 = arith.andi %gt3A_214, %lt3A_225 : vector<16xi1>
    %add3A_227 = arith.constant 256 : i32
    %add3A_228 = vector.broadcast %add3A_227 : i32 to vector<16xi32>
    %add3A_229 = arith.addi %sub3A_222, %add3A_228 : vector<16xi32>
    tpu.vector_store_idx %arg14[%add3A_229], %get3A_213 masked %and3A_226 : memref<1280xf32, #tpu.memory_space<vmem>>[vector<16xi32>], vector<16xf32>, vector<16xi1>
    %add3A_230 = arith.constant 256 : i32
    %add3A_231 = vector.broadcast %add3A_230 : i32 to vector<16xi32>
    %add3A_232 = arith.addi %sub3A_222, %add3A_231 : vector<16xi32>
    %add3A_233 = arith.constant 19984 : i32
    %add3A_234 = vector.broadcast %add3A_233 : i32 to vector<16xi32>
    %add3A_235 = arith.addi %iota3A, %add3A_234 : vector<16xi32>
    tpu.vector_store_idx %arg15[%add3A_232], %add3A_235 masked %and3A_226 : memref<1280xi32, #tpu.memory_space<vmem>>[vector<16xi32>], vector<16xi32>, vector<16xi1>
    %all_reduce_population_count3A_236 = tpu.all_reduce %gt3A_214 {dim = 0 : i64, kind = #tpu.reduction_kind<sum>} : vector<16xi1> -> vector<16xi32>
    %add3A_237 = arith.addi %add3A_211, %all_reduce_population_count3A_236 : vector<16xi32>
    %scan3A_238 = arith.constant 0 : i32
    %scan3A_239 = arith.constant 0 : i32
    %scan3A_240 = arith.constant 16 : i32
    %scan3A_241 = arith.addi %scan3A_239, %scan3A_240 : i32
    %scan3A_242 = arith.constant 1 : i32
    %scan3A_243 = scf.for %scan3A_841 = %scan3A_239 to %scan3A_241 step %scan3A_242 iter_args(%scan3A_842 = %scan3A_238) -> (i32)  : i32 {
      %mul3A_843 = arith.constant 16 : i32
      %mul3A_844 = arith.muli %scan3A_841, %mul3A_843 : i32
      %add3A_845 = arith.constant 256 : i32
      %add3A_846 = arith.addi %add3A_845, %mul3A_844 : i32
      %get3A_847 = arith.index_cast %add3A_846 : i32 to index
      %get3A_848 = tpu.vector_load %arg15[%get3A_847] {strides = array<i32>} : memref<1280xi32, #tpu.memory_space<vmem>>, vector<16xi32>,
      %gather3A = tpu.vector_load_idx %arg11[%get3A_848] : memref<20000xf32, #tpu.memory_space<vmem>>[vector<16xi32>], vector<16xf32>,
      %mul3A_849 = arith.constant 16 : i32
      %mul3A_850 = arith.muli %scan3A_841, %mul3A_849 : i32
      %add3A_851 = arith.constant 256 : i32
      %add3A_852 = arith.addi %add3A_851, %mul3A_850 : i32
      %swap3A = arith.index_cast %add3A_852 : i32 to index
      %swap3A_853 = tpu.vector_load %arg16[%swap3A] {strides = array<i32>} : memref<1280xf32, #tpu.memory_space<vmem>>, vector<16xf32>,
      tpu.vector_store %arg16[%swap3A], %gather3A {strides = array<i32>} : memref<1280xf32, #tpu.memory_space<vmem>>, vector<16xf32>,
      %gather3A_854 = tpu.vector_load_idx %arg12[%get3A_848] : memref<20000xf32, #tpu.memory_space<vmem>>[vector<16xi32>], vector<16xf32>,
      %mul3A_855 = arith.constant 16 : i32
      %mul3A_856 = arith.muli %scan3A_841, %mul3A_855 : i32
      %add3A_857 = arith.constant 256 : i32
      %add3A_858 = arith.addi %add3A_857, %mul3A_856 : i32
      %swap3A_859 = arith.index_cast %add3A_858 : i32 to index
      %swap3A_860 = tpu.vector_load %arg17[%swap3A_859] {strides = array<i32>} : memref<1280xf32, #tpu.memory_space<vmem>>, vector<16xf32>,
      tpu.vector_store %arg17[%swap3A_859], %gather3A_854 {strides = array<i32>} : memref<1280xf32, #tpu.memory_space<vmem>>, vector<16xf32>,
      %scan3A_861 = arith.constant 0 : i32
      scf.yield %scan3A_861 : i32
    }
    %scan3A_244 = arith.constant 16 : i32
    %add3A_245 = arith.constant 1 : i32
    %add3A_246 = arith.addi %mul3A_18, %add3A_245 : i32
    %dma_start3A_247 = arith.constant 256 : i32
    %dma_start3A_248 = tpu.memref_slice %arg14[%dma_start3A_247] : memref<1280xf32, #tpu.memory_space<vmem>> -> memref<256xf32, #tpu.memory_space<vmem>>
    %dma_start3A_249 = arith.constant 0 : i32
    %dma_start3A_250 = tpu.memref_slice %arg6[%add3A_246, %dma_start3A_249] : memref<160x256xf32, #tpu.memory_space<hbm>> -> memref<1x256xf32, #tpu.memory_space<hbm>>
    %dma_start3A_251 = tpu.memref_squeeze %dma_start3A_250 : memref<1x256xf32, #tpu.memory_space<hbm>> -> memref<256xf32, #tpu.memory_space<hbm>>
    %dma_start3A_252 = arith.constant 0 : i32
    %dma_start3A_253 = tpu.memref_slice %arg6[%add3A_246, %dma_start3A_252] : memref<160x256xf32, #tpu.memory_space<hbm>> -> memref<1x256xf32, #tpu.memory_space<hbm>>
    %dma_start3A_254 = tpu.memref_squeeze %dma_start3A_253 : memref<1x256xf32, #tpu.memory_space<hbm>> -> memref<256xf32, #tpu.memory_space<hbm>>
    %dma_start3A_255 = arith.constant 256 : i32
    %dma_start3A_256 = tpu.memref_slice %arg14[%dma_start3A_255] : memref<1280xf32, #tpu.memory_space<vmem>> -> memref<256xf32, #tpu.memory_space<vmem>>
    tpu.enqueue_dma source(%dma_start3A_256 : memref<256xf32, #tpu.memory_space<vmem>>) target(%dma_start3A_254 : memref<256xf32, #tpu.memory_space<hbm>>) target_semaphore(%arg19 : memref<!tpu.dma_semaphore, #tpu.memory_space<semaphore_mem>>)
    %add3A_257 = arith.constant 1 : i32
    %add3A_258 = arith.addi %mul3A_18, %add3A_257 : i32
    %dma_start3A_259 = arith.constant 256 : i32
    %dma_start3A_260 = tpu.memref_slice %arg16[%dma_start3A_259] : memref<1280xf32, #tpu.memory_space<vmem>> -> memref<256xf32, #tpu.memory_space<vmem>>
    %dma_start3A_261 = arith.constant 0 : i32
    %dma_start3A_262 = tpu.memref_slice %arg7[%add3A_258, %dma_start3A_261] : memref<160x256xf32, #tpu.memory_space<hbm>> -> memref<1x256xf32, #tpu.memory_space<hbm>>
    %dma_start3A_263 = tpu.memref_squeeze %dma_start3A_262 : memref<1x256xf32, #tpu.memory_space<hbm>> -> memref<256xf32, #tpu.memory_space<hbm>>
    %dma_start3A_264 = arith.constant 0 : i32
    %dma_start3A_265 = tpu.memref_slice %arg7[%add3A_258, %dma_start3A_264] : memref<160x256xf32, #tpu.memory_space<hbm>> -> memref<1x256xf32, #tpu.memory_space<hbm>>
    %dma_start3A_266 = tpu.memref_squeeze %dma_start3A_265 : memref<1x256xf32, #tpu.memory_space<hbm>> -> memref<256xf32, #tpu.memory_space<hbm>>
    %dma_start3A_267 = arith.constant 256 : i32
    %dma_start3A_268 = tpu.memref_slice %arg16[%dma_start3A_267] : memref<1280xf32, #tpu.memory_space<vmem>> -> memref<256xf32, #tpu.memory_space<vmem>>
    tpu.enqueue_dma source(%dma_start3A_268 : memref<256xf32, #tpu.memory_space<vmem>>) target(%dma_start3A_266 : memref<256xf32, #tpu.memory_space<hbm>>) target_semaphore(%arg19 : memref<!tpu.dma_semaphore, #tpu.memory_space<semaphore_mem>>)
    %add3A_269 = arith.constant 1 : i32
    %add3A_270 = arith.addi %mul3A_18, %add3A_269 : i32
    %dma_start3A_271 = arith.constant 256 : i32
    %dma_start3A_272 = tpu.memref_slice %arg17[%dma_start3A_271] : memref<1280xf32, #tpu.memory_space<vmem>> -> memref<256xf32, #tpu.memory_space<vmem>>
    %dma_start3A_273 = arith.constant 0 : i32
    %dma_start3A_274 = tpu.memref_slice %arg8[%add3A_270, %dma_start3A_273] : memref<160x256xf32, #tpu.memory_space<hbm>> -> memref<1x256xf32, #tpu.memory_space<hbm>>
    %dma_start3A_275 = tpu.memref_squeeze %dma_start3A_274 : memref<1x256xf32, #tpu.memory_space<hbm>> -> memref<256xf32, #tpu.memory_space<hbm>>
    %dma_start3A_276 = arith.constant 0 : i32
    %dma_start3A_277 = tpu.memref_slice %arg8[%add3A_270, %dma_start3A_276] : memref<160x256xf32, #tpu.memory_space<hbm>> -> memref<1x256xf32, #tpu.memory_space<hbm>>
    %dma_start3A_278 = tpu.memref_squeeze %dma_start3A_277 : memref<1x256xf32, #tpu.memory_space<hbm>> -> memref<256xf32, #tpu.memory_space<hbm>>
    %dma_start3A_279 = arith.constant 256 : i32
    %dma_start3A_280 = tpu.memref_slice %arg17[%dma_start3A_279] : memref<1280xf32, #tpu.memory_space<vmem>> -> memref<256xf32, #tpu.memory_space<vmem>>
    tpu.enqueue_dma source(%dma_start3A_280 : memref<256xf32, #tpu.memory_space<vmem>>) target(%dma_start3A_278 : memref<256xf32, #tpu.memory_space<hbm>>) target_semaphore(%arg19 : memref<!tpu.dma_semaphore, #tpu.memory_space<semaphore_mem>>)
    %add3A_281 = arith.constant 2 : i32
    %add3A_282 = arith.addi %mul3A_18, %add3A_281 : i32
    %dma_wait3A_283 = arith.constant 0 : i32
    %dma_wait3A_284 = tpu.memref_slice %arg2[%add3A_282, %dma_wait3A_283] : memref<160x20000xf32, #tpu.memory_space<hbm>> -> memref<1x20000xf32, #tpu.memory_space<hbm>>
    %dma_wait3A_285 = tpu.memref_squeeze %dma_wait3A_284 : memref<1x20000xf32, #tpu.memory_space<hbm>> -> memref<20000xf32, #tpu.memory_space<hbm>>
    %dma_wait3A_286 = arith.constant 0 : i32
    %dma_wait3A_287 = tpu.memref_slice %arg2[%add3A_282, %dma_wait3A_286] : memref<160x20000xf32, #tpu.memory_space<hbm>> -> memref<1x20000xf32, #tpu.memory_space<hbm>>
    %dma_wait3A_288 = tpu.memref_squeeze %dma_wait3A_287 : memref<1x20000xf32, #tpu.memory_space<hbm>> -> memref<20000xf32, #tpu.memory_space<hbm>>
    tpu.wait_dma2 semaphore(%arg18 : memref<!tpu.dma_semaphore, #tpu.memory_space<semaphore_mem>>) src(%dma_wait3A_288 : memref<20000xf32, #tpu.memory_space<hbm>>) dst(%arg9 : memref<20000xf32, #tpu.memory_space<vmem>>)
    %add3A_289 = arith.constant 2 : i32
    %add3A_290 = arith.addi %mul3A_18, %add3A_289 : i32
    %add3A_291 = arith.constant 1 : i32
    %add3A_292 = arith.addi %add3A_290, %add3A_291 : i32
    %dma_start3A_293 = arith.constant 0 : i32
    %dma_start3A_294 = tpu.memref_slice %arg2[%add3A_292, %dma_start3A_293] : memref<160x20000xf32, #tpu.memory_space<hbm>> -> memref<1x20000xf32, #tpu.memory_space<hbm>>
    %dma_start3A_295 = tpu.memref_squeeze %dma_start3A_294 : memref<1x20000xf32, #tpu.memory_space<hbm>> -> memref<20000xf32, #tpu.memory_space<hbm>>
    %dma_start3A_296 = arith.constant 0 : i32
    %dma_start3A_297 = tpu.memref_slice %arg2[%add3A_292, %dma_start3A_296] : memref<160x20000xf32, #tpu.memory_space<hbm>> -> memref<1x20000xf32, #tpu.memory_space<hbm>>
    %dma_start3A_298 = tpu.memref_squeeze %dma_start3A_297 : memref<1x20000xf32, #tpu.memory_space<hbm>> -> memref<20000xf32, #tpu.memory_space<hbm>>
    tpu.enqueue_dma source(%dma_start3A_298 : memref<20000xf32, #tpu.memory_space<hbm>>) target(%arg10 : memref<20000xf32, #tpu.memory_space<vmem>>) target_semaphore(%arg18 : memref<!tpu.dma_semaphore, #tpu.memory_space<semaphore_mem>>)
    %scan3A_299 = arith.constant 0 : i32
    %scan3A_300 = arith.constant 0 : i32
    %scan3A_301 = arith.constant 16 : i32
    %scan3A_302 = arith.addi %scan3A_300, %scan3A_301 : i32
    %scan3A_303 = arith.constant 1 : i32
    %scan3A_304 = scf.for %scan3A_841 = %scan3A_300 to %scan3A_302 step %scan3A_303 iter_args(%scan3A_842 = %scan3A_299) -> (i32)  : i32 {
      %mul3A_843 = arith.constant 16 : i32
      %mul3A_844 = arith.muli %scan3A_841, %mul3A_843 : i32
      %add3A_845 = arith.constant 512 : i32
      %add3A_846 = arith.addi %add3A_845, %mul3A_844 : i32
      %swap3A = arith.index_cast %add3A_846 : i32 to index
      %swap3A_847 = tpu.vector_load %arg14[%swap3A] {strides = array<i32>} : memref<1280xf32, #tpu.memory_space<vmem>>, vector<16xf32>,
      tpu.vector_store %arg14[%swap3A], %broadcast_in_dim3A_21 {strides = array<i32>} : memref<1280xf32, #tpu.memory_space<vmem>>, vector<16xf32>,
      %mul3A_848 = arith.constant 16 : i32
      %mul3A_849 = arith.muli %scan3A_841, %mul3A_848 : i32
      %add3A_850 = arith.constant 512 : i32
      %add3A_851 = arith.addi %add3A_850, %mul3A_849 : i32
      %swap3A_852 = arith.index_cast %add3A_851 : i32 to index
      %swap3A_853 = tpu.vector_load %arg15[%swap3A_852] {strides = array<i32>} : memref<1280xi32, #tpu.memory_space<vmem>>, vector<16xi32>,
      tpu.vector_store %arg15[%swap3A_852], %broadcast_in_dim3A_23 {strides = array<i32>} : memref<1280xi32, #tpu.memory_space<vmem>>, vector<16xi32>,
      %scan3A_854 = arith.constant 0 : i32
      scf.yield %scan3A_854 : i32
    }
    %scan3A_305 = arith.constant 16 : i32
    %get3A_306 = arith.constant 32 : index
    %get3A_307 = tpu.vector_load %arg13[%get3A_306] {strides = array<i32>} : memref<80xf32, #tpu.memory_space<vmem>>, vector<16xf32>,
    %broadcast_in_dim3A_308 = arith.constant 0 : i32
    %broadcast_in_dim3A_309 = vector.broadcast %broadcast_in_dim3A_308 : i32 to vector<16xi32>
    %scan3A_310 = arith.constant 0 : i32
    %scan3A_311 = arith.constant 312 : i32
    %scan3A_312 = arith.addi %scan3A_310, %scan3A_311 : i32
    %scan3A_313 = arith.constant 1 : i32
    %scan3A_314 = scf.for %scan3A_841 = %scan3A_310 to %scan3A_312 step %scan3A_313 iter_args(%scan3A_842 = %broadcast_in_dim3A_309) -> (vector<16xi32>)  : i32 {
      %mul3A_843 = arith.constant 64 : i32
      %mul3A_844 = arith.muli %scan3A_841, %mul3A_843 : i32
      %add3A_845 = arith.constant 0 : i32
      %add3A_846 = arith.addi %mul3A_844, %add3A_845 : i32
      %get3A_847 = arith.index_cast %add3A_846 : i32 to index
      %get3A_848 = tpu.vector_load %arg9[%get3A_847] {strides = array<i32>} : memref<20000xf32, #tpu.memory_space<vmem>>, vector<16xf32>,
      %gt3A_849 = arith.cmpf ogt, %get3A_848, %get3A_307 : vector<16xf32>
      %convert_element_type3A_850 = arith.extui %gt3A_849 : vector<16xi1> to vector<16xi32>
      %broadcast_in_dim3A_851 = arith.constant true
      %broadcast_in_dim3A_852 = vector.broadcast %broadcast_in_dim3A_851 : i1 to vector<16xi1>
      %masked_cumsum3A_853 = tpu.scan <sum>, %convert_element_type3A_850 masked %broadcast_in_dim3A_852 : vector<16xi32>, vector<16xi1> -> vector<16xi32>
      %add3A_854 = arith.addi %scan3A_842, %masked_cumsum3A_853 : vector<16xi32>
      %sub3A_855 = arith.constant 1 : i32
      %sub3A_856 = vector.broadcast %sub3A_855 : i32 to vector<16xi32>
      %sub3A_857 = arith.subi %add3A_854, %sub3A_856 : vector<16xi32>
      %lt3A_858 = arith.constant 256 : i32
      %lt3A_859 = vector.broadcast %lt3A_858 : i32 to vector<16xi32>
      %lt3A_860 = arith.cmpi slt, %sub3A_857, %lt3A_859 : vector<16xi32>
      %and3A_861 = arith.andi %gt3A_849, %lt3A_860 : vector<16xi1>
      %add3A_862 = arith.constant 512 : i32
      %add3A_863 = vector.broadcast %add3A_862 : i32 to vector<16xi32>
      %add3A_864 = arith.addi %sub3A_857, %add3A_863 : vector<16xi32>
      tpu.vector_store_idx %arg14[%add3A_864], %get3A_848 masked %and3A_861 : memref<1280xf32, #tpu.memory_space<vmem>>[vector<16xi32>], vector<16xf32>, vector<16xi1>
      %add3A_865 = arith.constant 512 : i32
      %add3A_866 = vector.broadcast %add3A_865 : i32 to vector<16xi32>
      %add3A_867 = arith.addi %sub3A_857, %add3A_866 : vector<16xi32>
      %add3A_868 = vector.broadcast %add3A_846 : i32 to vector<16xi32>
      %add3A_869 = arith.addi %iota3A, %add3A_868 : vector<16xi32>
      tpu.vector_store_idx %arg15[%add3A_867], %add3A_869 masked %and3A_861 : memref<1280xi32, #tpu.memory_space<vmem>>[vector<16xi32>], vector<16xi32>, vector<16xi1>
      %all_reduce_population_count3A_870 = tpu.all_reduce %gt3A_849 {dim = 0 : i64, kind = #tpu.reduction_kind<sum>} : vector<16xi1> -> vector<16xi32>
      %add3A_871 = arith.addi %scan3A_842, %all_reduce_population_count3A_870 : vector<16xi32>
      %mul3A_872 = arith.constant 64 : i32
      %mul3A_873 = arith.muli %scan3A_841, %mul3A_872 : i32
      %add3A_874 = arith.constant 16 : i32
      %add3A_875 = arith.addi %mul3A_873, %add3A_874 : i32
      %get3A_876 = arith.index_cast %add3A_875 : i32 to index
      %get3A_877 = tpu.vector_load %arg9[%get3A_876] {strides = array<i32>} : memref<20000xf32, #tpu.memory_space<vmem>>, vector<16xf32>,
      %gt3A_878 = arith.cmpf ogt, %get3A_877, %get3A_307 : vector<16xf32>
      %convert_element_type3A_879 = arith.extui %gt3A_878 : vector<16xi1> to vector<16xi32>
      %broadcast_in_dim3A_880 = arith.constant true
      %broadcast_in_dim3A_881 = vector.broadcast %broadcast_in_dim3A_880 : i1 to vector<16xi1>
      %masked_cumsum3A_882 = tpu.scan <sum>, %convert_element_type3A_879 masked %broadcast_in_dim3A_881 : vector<16xi32>, vector<16xi1> -> vector<16xi32>
      %add3A_883 = arith.addi %add3A_871, %masked_cumsum3A_882 : vector<16xi32>
      %sub3A_884 = arith.constant 1 : i32
      %sub3A_885 = vector.broadcast %sub3A_884 : i32 to vector<16xi32>
      %sub3A_886 = arith.subi %add3A_883, %sub3A_885 : vector<16xi32>
      %lt3A_887 = arith.constant 256 : i32
      %lt3A_888 = vector.broadcast %lt3A_887 : i32 to vector<16xi32>
      %lt3A_889 = arith.cmpi slt, %sub3A_886, %lt3A_888 : vector<16xi32>
      %and3A_890 = arith.andi %gt3A_878, %lt3A_889 : vector<16xi1>
      %add3A_891 = arith.constant 512 : i32
      %add3A_892 = vector.broadcast %add3A_891 : i32 to vector<16xi32>
      %add3A_893 = arith.addi %sub3A_886, %add3A_892 : vector<16xi32>
      tpu.vector_store_idx %arg14[%add3A_893], %get3A_877 masked %and3A_890 : memref<1280xf32, #tpu.memory_space<vmem>>[vector<16xi32>], vector<16xf32>, vector<16xi1>
      %add3A_894 = arith.constant 512 : i32
      %add3A_895 = vector.broadcast %add3A_894 : i32 to vector<16xi32>
      %add3A_896 = arith.addi %sub3A_886, %add3A_895 : vector<16xi32>
      %add3A_897 = vector.broadcast %add3A_875 : i32 to vector<16xi32>
      %add3A_898 = arith.addi %iota3A, %add3A_897 : vector<16xi32>
      tpu.vector_store_idx %arg15[%add3A_896], %add3A_898 masked %and3A_890 : memref<1280xi32, #tpu.memory_space<vmem>>[vector<16xi32>], vector<16xi32>, vector<16xi1>
      %all_reduce_population_count3A_899 = tpu.all_reduce %gt3A_878 {dim = 0 : i64, kind = #tpu.reduction_kind<sum>} : vector<16xi1> -> vector<16xi32>
      %add3A_900 = arith.addi %add3A_871, %all_reduce_population_count3A_899 : vector<16xi32>
      %mul3A_901 = arith.constant 64 : i32
      %mul3A_902 = arith.muli %scan3A_841, %mul3A_901 : i32
      %add3A_903 = arith.constant 32 : i32
      %add3A_904 = arith.addi %mul3A_902, %add3A_903 : i32
      %get3A_905 = arith.index_cast %add3A_904 : i32 to index
      %get3A_906 = tpu.vector_load %arg9[%get3A_905] {strides = array<i32>} : memref<20000xf32, #tpu.memory_space<vmem>>, vector<16xf32>,
      %gt3A_907 = arith.cmpf ogt, %get3A_906, %get3A_307 : vector<16xf32>
      %convert_element_type3A_908 = arith.extui %gt3A_907 : vector<16xi1> to vector<16xi32>
      %broadcast_in_dim3A_909 = arith.constant true
      %broadcast_in_dim3A_910 = vector.broadcast %broadcast_in_dim3A_909 : i1 to vector<16xi1>
      %masked_cumsum3A_911 = tpu.scan <sum>, %convert_element_type3A_908 masked %broadcast_in_dim3A_910 : vector<16xi32>, vector<16xi1> -> vector<16xi32>
      %add3A_912 = arith.addi %add3A_900, %masked_cumsum3A_911 : vector<16xi32>
      %sub3A_913 = arith.constant 1 : i32
      %sub3A_914 = vector.broadcast %sub3A_913 : i32 to vector<16xi32>
      %sub3A_915 = arith.subi %add3A_912, %sub3A_914 : vector<16xi32>
      %lt3A_916 = arith.constant 256 : i32
      %lt3A_917 = vector.broadcast %lt3A_916 : i32 to vector<16xi32>
      %lt3A_918 = arith.cmpi slt, %sub3A_915, %lt3A_917 : vector<16xi32>
      %and3A_919 = arith.andi %gt3A_907, %lt3A_918 : vector<16xi1>
      %add3A_920 = arith.constant 512 : i32
      %add3A_921 = vector.broadcast %add3A_920 : i32 to vector<16xi32>
      %add3A_922 = arith.addi %sub3A_915, %add3A_921 : vector<16xi32>
      tpu.vector_store_idx %arg14[%add3A_922], %get3A_906 masked %and3A_919 : memref<1280xf32, #tpu.memory_space<vmem>>[vector<16xi32>], vector<16xf32>, vector<16xi1>
      %add3A_923 = arith.constant 512 : i32
      %add3A_924 = vector.broadcast %add3A_923 : i32 to vector<16xi32>
      %add3A_925 = arith.addi %sub3A_915, %add3A_924 : vector<16xi32>
      %add3A_926 = vector.broadcast %add3A_904 : i32 to vector<16xi32>
      %add3A_927 = arith.addi %iota3A, %add3A_926 : vector<16xi32>
      tpu.vector_store_idx %arg15[%add3A_925], %add3A_927 masked %and3A_919 : memref<1280xi32, #tpu.memory_space<vmem>>[vector<16xi32>], vector<16xi32>, vector<16xi1>
      %all_reduce_population_count3A_928 = tpu.all_reduce %gt3A_907 {dim = 0 : i64, kind = #tpu.reduction_kind<sum>} : vector<16xi1> -> vector<16xi32>
      %add3A_929 = arith.addi %add3A_900, %all_reduce_population_count3A_928 : vector<16xi32>
      %mul3A_930 = arith.constant 64 : i32
      %mul3A_931 = arith.muli %scan3A_841, %mul3A_930 : i32
      %add3A_932 = arith.constant 48 : i32
      %add3A_933 = arith.addi %mul3A_931, %add3A_932 : i32
      %get3A_934 = arith.index_cast %add3A_933 : i32 to index
      %get3A_935 = tpu.vector_load %arg9[%get3A_934] {strides = array<i32>} : memref<20000xf32, #tpu.memory_space<vmem>>, vector<16xf32>,
      %gt3A_936 = arith.cmpf ogt, %get3A_935, %get3A_307 : vector<16xf32>
      %convert_element_type3A_937 = arith.extui %gt3A_936 : vector<16xi1> to vector<16xi32>
      %broadcast_in_dim3A_938 = arith.constant true
      %broadcast_in_dim3A_939 = vector.broadcast %broadcast_in_dim3A_938 : i1 to vector<16xi1>
      %masked_cumsum3A_940 = tpu.scan <sum>, %convert_element_type3A_937 masked %broadcast_in_dim3A_939 : vector<16xi32>, vector<16xi1> -> vector<16xi32>
      %add3A_941 = arith.addi %add3A_929, %masked_cumsum3A_940 : vector<16xi32>
      %sub3A_942 = arith.constant 1 : i32
      %sub3A_943 = vector.broadcast %sub3A_942 : i32 to vector<16xi32>
      %sub3A_944 = arith.subi %add3A_941, %sub3A_943 : vector<16xi32>
      %lt3A_945 = arith.constant 256 : i32
      %lt3A_946 = vector.broadcast %lt3A_945 : i32 to vector<16xi32>
      %lt3A_947 = arith.cmpi slt, %sub3A_944, %lt3A_946 : vector<16xi32>
      %and3A_948 = arith.andi %gt3A_936, %lt3A_947 : vector<16xi1>
      %add3A_949 = arith.constant 512 : i32
      %add3A_950 = vector.broadcast %add3A_949 : i32 to vector<16xi32>
      %add3A_951 = arith.addi %sub3A_944, %add3A_950 : vector<16xi32>
      tpu.vector_store_idx %arg14[%add3A_951], %get3A_935 masked %and3A_948 : memref<1280xf32, #tpu.memory_space<vmem>>[vector<16xi32>], vector<16xf32>, vector<16xi1>
      %add3A_952 = arith.constant 512 : i32
      %add3A_953 = vector.broadcast %add3A_952 : i32 to vector<16xi32>
      %add3A_954 = arith.addi %sub3A_944, %add3A_953 : vector<16xi32>
      %add3A_955 = vector.broadcast %add3A_933 : i32 to vector<16xi32>
      %add3A_956 = arith.addi %iota3A, %add3A_955 : vector<16xi32>
      tpu.vector_store_idx %arg15[%add3A_954], %add3A_956 masked %and3A_948 : memref<1280xi32, #tpu.memory_space<vmem>>[vector<16xi32>], vector<16xi32>, vector<16xi1>
      %all_reduce_population_count3A_957 = tpu.all_reduce %gt3A_936 {dim = 0 : i64, kind = #tpu.reduction_kind<sum>} : vector<16xi1> -> vector<16xi32>
      %add3A_958 = arith.addi %add3A_929, %all_reduce_population_count3A_957 : vector<16xi32>
      scf.yield %add3A_958 : vector<16xi32>
    }
    %scan3A_315 = arith.constant 312 : i32
    %get3A_316 = arith.constant 19968 : index
    %get3A_317 = tpu.vector_load %arg9[%get3A_316] {strides = array<i32>} : memref<20000xf32, #tpu.memory_space<vmem>>, vector<16xf32>,
    %gt3A_318 = arith.cmpf ogt, %get3A_317, %get3A_307 : vector<16xf32>
    %convert_element_type3A_319 = arith.extui %gt3A_318 : vector<16xi1> to vector<16xi32>
    %broadcast_in_dim3A_320 = arith.constant true
    %broadcast_in_dim3A_321 = vector.broadcast %broadcast_in_dim3A_320 : i1 to vector<16xi1>
    %masked_cumsum3A_322 = tpu.scan <sum>, %convert_element_type3A_319 masked %broadcast_in_dim3A_321 : vector<16xi32>, vector<16xi1> -> vector<16xi32>
    %add3A_323 = arith.addi %scan3A_314, %masked_cumsum3A_322 : vector<16xi32>
    %sub3A_324 = arith.constant 1 : i32
    %sub3A_325 = vector.broadcast %sub3A_324 : i32 to vector<16xi32>
    %sub3A_326 = arith.subi %add3A_323, %sub3A_325 : vector<16xi32>
    %lt3A_327 = arith.constant 256 : i32
    %lt3A_328 = vector.broadcast %lt3A_327 : i32 to vector<16xi32>
    %lt3A_329 = arith.cmpi slt, %sub3A_326, %lt3A_328 : vector<16xi32>
    %and3A_330 = arith.andi %gt3A_318, %lt3A_329 : vector<16xi1>
    %add3A_331 = arith.constant 512 : i32
    %add3A_332 = vector.broadcast %add3A_331 : i32 to vector<16xi32>
    %add3A_333 = arith.addi %sub3A_326, %add3A_332 : vector<16xi32>
    tpu.vector_store_idx %arg14[%add3A_333], %get3A_317 masked %and3A_330 : memref<1280xf32, #tpu.memory_space<vmem>>[vector<16xi32>], vector<16xf32>, vector<16xi1>
    %add3A_334 = arith.constant 512 : i32
    %add3A_335 = vector.broadcast %add3A_334 : i32 to vector<16xi32>
    %add3A_336 = arith.addi %sub3A_326, %add3A_335 : vector<16xi32>
    %add3A_337 = arith.constant 19968 : i32
    %add3A_338 = vector.broadcast %add3A_337 : i32 to vector<16xi32>
    %add3A_339 = arith.addi %iota3A, %add3A_338 : vector<16xi32>
    tpu.vector_store_idx %arg15[%add3A_336], %add3A_339 masked %and3A_330 : memref<1280xi32, #tpu.memory_space<vmem>>[vector<16xi32>], vector<16xi32>, vector<16xi1>
    %all_reduce_population_count3A_340 = tpu.all_reduce %gt3A_318 {dim = 0 : i64, kind = #tpu.reduction_kind<sum>} : vector<16xi1> -> vector<16xi32>
    %add3A_341 = arith.addi %scan3A_314, %all_reduce_population_count3A_340 : vector<16xi32>
    %get3A_342 = arith.constant 19984 : index
    %get3A_343 = tpu.vector_load %arg9[%get3A_342] {strides = array<i32>} : memref<20000xf32, #tpu.memory_space<vmem>>, vector<16xf32>,
    %gt3A_344 = arith.cmpf ogt, %get3A_343, %get3A_307 : vector<16xf32>
    %convert_element_type3A_345 = arith.extui %gt3A_344 : vector<16xi1> to vector<16xi32>
    %broadcast_in_dim3A_346 = arith.constant true
    %broadcast_in_dim3A_347 = vector.broadcast %broadcast_in_dim3A_346 : i1 to vector<16xi1>
    %masked_cumsum3A_348 = tpu.scan <sum>, %convert_element_type3A_345 masked %broadcast_in_dim3A_347 : vector<16xi32>, vector<16xi1> -> vector<16xi32>
    %add3A_349 = arith.addi %add3A_341, %masked_cumsum3A_348 : vector<16xi32>
    %sub3A_350 = arith.constant 1 : i32
    %sub3A_351 = vector.broadcast %sub3A_350 : i32 to vector<16xi32>
    %sub3A_352 = arith.subi %add3A_349, %sub3A_351 : vector<16xi32>
    %lt3A_353 = arith.constant 256 : i32
    %lt3A_354 = vector.broadcast %lt3A_353 : i32 to vector<16xi32>
    %lt3A_355 = arith.cmpi slt, %sub3A_352, %lt3A_354 : vector<16xi32>
    %and3A_356 = arith.andi %gt3A_344, %lt3A_355 : vector<16xi1>
    %add3A_357 = arith.constant 512 : i32
    %add3A_358 = vector.broadcast %add3A_357 : i32 to vector<16xi32>
    %add3A_359 = arith.addi %sub3A_352, %add3A_358 : vector<16xi32>
    tpu.vector_store_idx %arg14[%add3A_359], %get3A_343 masked %and3A_356 : memref<1280xf32, #tpu.memory_space<vmem>>[vector<16xi32>], vector<16xf32>, vector<16xi1>
    %add3A_360 = arith.constant 512 : i32
    %add3A_361 = vector.broadcast %add3A_360 : i32 to vector<16xi32>
    %add3A_362 = arith.addi %sub3A_352, %add3A_361 : vector<16xi32>
    %add3A_363 = arith.constant 19984 : i32
    %add3A_364 = vector.broadcast %add3A_363 : i32 to vector<16xi32>
    %add3A_365 = arith.addi %iota3A, %add3A_364 : vector<16xi32>
    tpu.vector_store_idx %arg15[%add3A_362], %add3A_365 masked %and3A_356 : memref<1280xi32, #tpu.memory_space<vmem>>[vector<16xi32>], vector<16xi32>, vector<16xi1>
    %all_reduce_population_count3A_366 = tpu.all_reduce %gt3A_344 {dim = 0 : i64, kind = #tpu.reduction_kind<sum>} : vector<16xi1> -> vector<16xi32>
    %add3A_367 = arith.addi %add3A_341, %all_reduce_population_count3A_366 : vector<16xi32>
    %scan3A_368 = arith.constant 0 : i32
    %scan3A_369 = arith.constant 0 : i32
    %scan3A_370 = arith.constant 16 : i32
    %scan3A_371 = arith.addi %scan3A_369, %scan3A_370 : i32
    %scan3A_372 = arith.constant 1 : i32
    %scan3A_373 = scf.for %scan3A_841 = %scan3A_369 to %scan3A_371 step %scan3A_372 iter_args(%scan3A_842 = %scan3A_368) -> (i32)  : i32 {
      %mul3A_843 = arith.constant 16 : i32
      %mul3A_844 = arith.muli %scan3A_841, %mul3A_843 : i32
      %add3A_845 = arith.constant 512 : i32
      %add3A_846 = arith.addi %add3A_845, %mul3A_844 : i32
      %get3A_847 = arith.index_cast %add3A_846 : i32 to index
      %get3A_848 = tpu.vector_load %arg15[%get3A_847] {strides = array<i32>} : memref<1280xi32, #tpu.memory_space<vmem>>, vector<16xi32>,
      %gather3A = tpu.vector_load_idx %arg11[%get3A_848] : memref<20000xf32, #tpu.memory_space<vmem>>[vector<16xi32>], vector<16xf32>,
      %mul3A_849 = arith.constant 16 : i32
      %mul3A_850 = arith.muli %scan3A_841, %mul3A_849 : i32
      %add3A_851 = arith.constant 512 : i32
      %add3A_852 = arith.addi %add3A_851, %mul3A_850 : i32
      %swap3A = arith.index_cast %add3A_852 : i32 to index
      %swap3A_853 = tpu.vector_load %arg16[%swap3A] {strides = array<i32>} : memref<1280xf32, #tpu.memory_space<vmem>>, vector<16xf32>,
      tpu.vector_store %arg16[%swap3A], %gather3A {strides = array<i32>} : memref<1280xf32, #tpu.memory_space<vmem>>, vector<16xf32>,
      %gather3A_854 = tpu.vector_load_idx %arg12[%get3A_848] : memref<20000xf32, #tpu.memory_space<vmem>>[vector<16xi32>], vector<16xf32>,
      %mul3A_855 = arith.constant 16 : i32
      %mul3A_856 = arith.muli %scan3A_841, %mul3A_855 : i32
      %add3A_857 = arith.constant 512 : i32
      %add3A_858 = arith.addi %add3A_857, %mul3A_856 : i32
      %swap3A_859 = arith.index_cast %add3A_858 : i32 to index
      %swap3A_860 = tpu.vector_load %arg17[%swap3A_859] {strides = array<i32>} : memref<1280xf32, #tpu.memory_space<vmem>>, vector<16xf32>,
      tpu.vector_store %arg17[%swap3A_859], %gather3A_854 {strides = array<i32>} : memref<1280xf32, #tpu.memory_space<vmem>>, vector<16xf32>,
      %scan3A_861 = arith.constant 0 : i32
      scf.yield %scan3A_861 : i32
    }
    %scan3A_374 = arith.constant 16 : i32
    %add3A_375 = arith.constant 2 : i32
    %add3A_376 = arith.addi %mul3A_18, %add3A_375 : i32
    %dma_start3A_377 = arith.constant 512 : i32
    %dma_start3A_378 = tpu.memref_slice %arg14[%dma_start3A_377] : memref<1280xf32, #tpu.memory_space<vmem>> -> memref<256xf32, #tpu.memory_space<vmem>>
    %dma_start3A_379 = arith.constant 0 : i32
    %dma_start3A_380 = tpu.memref_slice %arg6[%add3A_376, %dma_start3A_379] : memref<160x256xf32, #tpu.memory_space<hbm>> -> memref<1x256xf32, #tpu.memory_space<hbm>>
    %dma_start3A_381 = tpu.memref_squeeze %dma_start3A_380 : memref<1x256xf32, #tpu.memory_space<hbm>> -> memref<256xf32, #tpu.memory_space<hbm>>
    %dma_start3A_382 = arith.constant 0 : i32
    %dma_start3A_383 = tpu.memref_slice %arg6[%add3A_376, %dma_start3A_382] : memref<160x256xf32, #tpu.memory_space<hbm>> -> memref<1x256xf32, #tpu.memory_space<hbm>>
    %dma_start3A_384 = tpu.memref_squeeze %dma_start3A_383 : memref<1x256xf32, #tpu.memory_space<hbm>> -> memref<256xf32, #tpu.memory_space<hbm>>
    %dma_start3A_385 = arith.constant 512 : i32
    %dma_start3A_386 = tpu.memref_slice %arg14[%dma_start3A_385] : memref<1280xf32, #tpu.memory_space<vmem>> -> memref<256xf32, #tpu.memory_space<vmem>>
    tpu.enqueue_dma source(%dma_start3A_386 : memref<256xf32, #tpu.memory_space<vmem>>) target(%dma_start3A_384 : memref<256xf32, #tpu.memory_space<hbm>>) target_semaphore(%arg19 : memref<!tpu.dma_semaphore, #tpu.memory_space<semaphore_mem>>)
    %add3A_387 = arith.constant 2 : i32
    %add3A_388 = arith.addi %mul3A_18, %add3A_387 : i32
    %dma_start3A_389 = arith.constant 512 : i32
    %dma_start3A_390 = tpu.memref_slice %arg16[%dma_start3A_389] : memref<1280xf32, #tpu.memory_space<vmem>> -> memref<256xf32, #tpu.memory_space<vmem>>
    %dma_start3A_391 = arith.constant 0 : i32
    %dma_start3A_392 = tpu.memref_slice %arg7[%add3A_388, %dma_start3A_391] : memref<160x256xf32, #tpu.memory_space<hbm>> -> memref<1x256xf32, #tpu.memory_space<hbm>>
    %dma_start3A_393 = tpu.memref_squeeze %dma_start3A_392 : memref<1x256xf32, #tpu.memory_space<hbm>> -> memref<256xf32, #tpu.memory_space<hbm>>
    %dma_start3A_394 = arith.constant 0 : i32
    %dma_start3A_395 = tpu.memref_slice %arg7[%add3A_388, %dma_start3A_394] : memref<160x256xf32, #tpu.memory_space<hbm>> -> memref<1x256xf32, #tpu.memory_space<hbm>>
    %dma_start3A_396 = tpu.memref_squeeze %dma_start3A_395 : memref<1x256xf32, #tpu.memory_space<hbm>> -> memref<256xf32, #tpu.memory_space<hbm>>
    %dma_start3A_397 = arith.constant 512 : i32
    %dma_start3A_398 = tpu.memref_slice %arg16[%dma_start3A_397] : memref<1280xf32, #tpu.memory_space<vmem>> -> memref<256xf32, #tpu.memory_space<vmem>>
    tpu.enqueue_dma source(%dma_start3A_398 : memref<256xf32, #tpu.memory_space<vmem>>) target(%dma_start3A_396 : memref<256xf32, #tpu.memory_space<hbm>>) target_semaphore(%arg19 : memref<!tpu.dma_semaphore, #tpu.memory_space<semaphore_mem>>)
    %add3A_399 = arith.constant 2 : i32
    %add3A_400 = arith.addi %mul3A_18, %add3A_399 : i32
    %dma_start3A_401 = arith.constant 512 : i32
    %dma_start3A_402 = tpu.memref_slice %arg17[%dma_start3A_401] : memref<1280xf32, #tpu.memory_space<vmem>> -> memref<256xf32, #tpu.memory_space<vmem>>
    %dma_start3A_403 = arith.constant 0 : i32
    %dma_start3A_404 = tpu.memref_slice %arg8[%add3A_400, %dma_start3A_403] : memref<160x256xf32, #tpu.memory_space<hbm>> -> memref<1x256xf32, #tpu.memory_space<hbm>>
    %dma_start3A_405 = tpu.memref_squeeze %dma_start3A_404 : memref<1x256xf32, #tpu.memory_space<hbm>> -> memref<256xf32, #tpu.memory_space<hbm>>
    %dma_start3A_406 = arith.constant 0 : i32
    %dma_start3A_407 = tpu.memref_slice %arg8[%add3A_400, %dma_start3A_406] : memref<160x256xf32, #tpu.memory_space<hbm>> -> memref<1x256xf32, #tpu.memory_space<hbm>>
    %dma_start3A_408 = tpu.memref_squeeze %dma_start3A_407 : memref<1x256xf32, #tpu.memory_space<hbm>> -> memref<256xf32, #tpu.memory_space<hbm>>
    %dma_start3A_409 = arith.constant 512 : i32
    %dma_start3A_410 = tpu.memref_slice %arg17[%dma_start3A_409] : memref<1280xf32, #tpu.memory_space<vmem>> -> memref<256xf32, #tpu.memory_space<vmem>>
    tpu.enqueue_dma source(%dma_start3A_410 : memref<256xf32, #tpu.memory_space<vmem>>) target(%dma_start3A_408 : memref<256xf32, #tpu.memory_space<hbm>>) target_semaphore(%arg19 : memref<!tpu.dma_semaphore, #tpu.memory_space<semaphore_mem>>)
    %add3A_411 = arith.constant 3 : i32
    %add3A_412 = arith.addi %mul3A_18, %add3A_411 : i32
    %dma_wait3A_413 = arith.constant 0 : i32
    %dma_wait3A_414 = tpu.memref_slice %arg2[%add3A_412, %dma_wait3A_413] : memref<160x20000xf32, #tpu.memory_space<hbm>> -> memref<1x20000xf32, #tpu.memory_space<hbm>>
    %dma_wait3A_415 = tpu.memref_squeeze %dma_wait3A_414 : memref<1x20000xf32, #tpu.memory_space<hbm>> -> memref<20000xf32, #tpu.memory_space<hbm>>
    %dma_wait3A_416 = arith.constant 0 : i32
    %dma_wait3A_417 = tpu.memref_slice %arg2[%add3A_412, %dma_wait3A_416] : memref<160x20000xf32, #tpu.memory_space<hbm>> -> memref<1x20000xf32, #tpu.memory_space<hbm>>
    %dma_wait3A_418 = tpu.memref_squeeze %dma_wait3A_417 : memref<1x20000xf32, #tpu.memory_space<hbm>> -> memref<20000xf32, #tpu.memory_space<hbm>>
    tpu.wait_dma2 semaphore(%arg18 : memref<!tpu.dma_semaphore, #tpu.memory_space<semaphore_mem>>) src(%dma_wait3A_418 : memref<20000xf32, #tpu.memory_space<hbm>>) dst(%arg10 : memref<20000xf32, #tpu.memory_space<vmem>>)
    %add3A_419 = arith.constant 3 : i32
    %add3A_420 = arith.addi %mul3A_18, %add3A_419 : i32
    %add3A_421 = arith.constant 1 : i32
    %add3A_422 = arith.addi %add3A_420, %add3A_421 : i32
    %dma_start3A_423 = arith.constant 0 : i32
    %dma_start3A_424 = tpu.memref_slice %arg2[%add3A_422, %dma_start3A_423] : memref<160x20000xf32, #tpu.memory_space<hbm>> -> memref<1x20000xf32, #tpu.memory_space<hbm>>
    %dma_start3A_425 = tpu.memref_squeeze %dma_start3A_424 : memref<1x20000xf32, #tpu.memory_space<hbm>> -> memref<20000xf32, #tpu.memory_space<hbm>>
    %dma_start3A_426 = arith.constant 0 : i32
    %dma_start3A_427 = tpu.memref_slice %arg2[%add3A_422, %dma_start3A_426] : memref<160x20000xf32, #tpu.memory_space<hbm>> -> memref<1x20000xf32, #tpu.memory_space<hbm>>
    %dma_start3A_428 = tpu.memref_squeeze %dma_start3A_427 : memref<1x20000xf32, #tpu.memory_space<hbm>> -> memref<20000xf32, #tpu.memory_space<hbm>>
    tpu.enqueue_dma source(%dma_start3A_428 : memref<20000xf32, #tpu.memory_space<hbm>>) target(%arg9 : memref<20000xf32, #tpu.memory_space<vmem>>) target_semaphore(%arg18 : memref<!tpu.dma_semaphore, #tpu.memory_space<semaphore_mem>>)
    %scan3A_429 = arith.constant 0 : i32
    %scan3A_430 = arith.constant 0 : i32
    %scan3A_431 = arith.constant 16 : i32
    %scan3A_432 = arith.addi %scan3A_430, %scan3A_431 : i32
    %scan3A_433 = arith.constant 1 : i32
    %scan3A_434 = scf.for %scan3A_841 = %scan3A_430 to %scan3A_432 step %scan3A_433 iter_args(%scan3A_842 = %scan3A_429) -> (i32)  : i32 {
      %mul3A_843 = arith.constant 16 : i32
      %mul3A_844 = arith.muli %scan3A_841, %mul3A_843 : i32
      %add3A_845 = arith.constant 768 : i32
      %add3A_846 = arith.addi %add3A_845, %mul3A_844 : i32
      %swap3A = arith.index_cast %add3A_846 : i32 to index
      %swap3A_847 = tpu.vector_load %arg14[%swap3A] {strides = array<i32>} : memref<1280xf32, #tpu.memory_space<vmem>>, vector<16xf32>,
      tpu.vector_store %arg14[%swap3A], %broadcast_in_dim3A_21 {strides = array<i32>} : memref<1280xf32, #tpu.memory_space<vmem>>, vector<16xf32>,
      %mul3A_848 = arith.constant 16 : i32
      %mul3A_849 = arith.muli %scan3A_841, %mul3A_848 : i32
      %add3A_850 = arith.constant 768 : i32
      %add3A_851 = arith.addi %add3A_850, %mul3A_849 : i32
      %swap3A_852 = arith.index_cast %add3A_851 : i32 to index
      %swap3A_853 = tpu.vector_load %arg15[%swap3A_852] {strides = array<i32>} : memref<1280xi32, #tpu.memory_space<vmem>>, vector<16xi32>,
      tpu.vector_store %arg15[%swap3A_852], %broadcast_in_dim3A_23 {strides = array<i32>} : memref<1280xi32, #tpu.memory_space<vmem>>, vector<16xi32>,
      %scan3A_854 = arith.constant 0 : i32
      scf.yield %scan3A_854 : i32
    }
    %scan3A_435 = arith.constant 16 : i32
    %get3A_436 = arith.constant 48 : index
    %get3A_437 = tpu.vector_load %arg13[%get3A_436] {strides = array<i32>} : memref<80xf32, #tpu.memory_space<vmem>>, vector<16xf32>,
    %broadcast_in_dim3A_438 = arith.constant 0 : i32
    %broadcast_in_dim3A_439 = vector.broadcast %broadcast_in_dim3A_438 : i32 to vector<16xi32>
    %scan3A_440 = arith.constant 0 : i32
    %scan3A_441 = arith.constant 312 : i32
    %scan3A_442 = arith.addi %scan3A_440, %scan3A_441 : i32
    %scan3A_443 = arith.constant 1 : i32
    %scan3A_444 = scf.for %scan3A_841 = %scan3A_440 to %scan3A_442 step %scan3A_443 iter_args(%scan3A_842 = %broadcast_in_dim3A_439) -> (vector<16xi32>)  : i32 {
      %mul3A_843 = arith.constant 64 : i32
      %mul3A_844 = arith.muli %scan3A_841, %mul3A_843 : i32
      %add3A_845 = arith.constant 0 : i32
      %add3A_846 = arith.addi %mul3A_844, %add3A_845 : i32
      %get3A_847 = arith.index_cast %add3A_846 : i32 to index
      %get3A_848 = tpu.vector_load %arg10[%get3A_847] {strides = array<i32>} : memref<20000xf32, #tpu.memory_space<vmem>>, vector<16xf32>,
      %gt3A_849 = arith.cmpf ogt, %get3A_848, %get3A_437 : vector<16xf32>
      %convert_element_type3A_850 = arith.extui %gt3A_849 : vector<16xi1> to vector<16xi32>
      %broadcast_in_dim3A_851 = arith.constant true
      %broadcast_in_dim3A_852 = vector.broadcast %broadcast_in_dim3A_851 : i1 to vector<16xi1>
      %masked_cumsum3A_853 = tpu.scan <sum>, %convert_element_type3A_850 masked %broadcast_in_dim3A_852 : vector<16xi32>, vector<16xi1> -> vector<16xi32>
      %add3A_854 = arith.addi %scan3A_842, %masked_cumsum3A_853 : vector<16xi32>
      %sub3A_855 = arith.constant 1 : i32
      %sub3A_856 = vector.broadcast %sub3A_855 : i32 to vector<16xi32>
      %sub3A_857 = arith.subi %add3A_854, %sub3A_856 : vector<16xi32>
      %lt3A_858 = arith.constant 256 : i32
      %lt3A_859 = vector.broadcast %lt3A_858 : i32 to vector<16xi32>
      %lt3A_860 = arith.cmpi slt, %sub3A_857, %lt3A_859 : vector<16xi32>
      %and3A_861 = arith.andi %gt3A_849, %lt3A_860 : vector<16xi1>
      %add3A_862 = arith.constant 768 : i32
      %add3A_863 = vector.broadcast %add3A_862 : i32 to vector<16xi32>
      %add3A_864 = arith.addi %sub3A_857, %add3A_863 : vector<16xi32>
      tpu.vector_store_idx %arg14[%add3A_864], %get3A_848 masked %and3A_861 : memref<1280xf32, #tpu.memory_space<vmem>>[vector<16xi32>], vector<16xf32>, vector<16xi1>
      %add3A_865 = arith.constant 768 : i32
      %add3A_866 = vector.broadcast %add3A_865 : i32 to vector<16xi32>
      %add3A_867 = arith.addi %sub3A_857, %add3A_866 : vector<16xi32>
      %add3A_868 = vector.broadcast %add3A_846 : i32 to vector<16xi32>
      %add3A_869 = arith.addi %iota3A, %add3A_868 : vector<16xi32>
      tpu.vector_store_idx %arg15[%add3A_867], %add3A_869 masked %and3A_861 : memref<1280xi32, #tpu.memory_space<vmem>>[vector<16xi32>], vector<16xi32>, vector<16xi1>
      %all_reduce_population_count3A_870 = tpu.all_reduce %gt3A_849 {dim = 0 : i64, kind = #tpu.reduction_kind<sum>} : vector<16xi1> -> vector<16xi32>
      %add3A_871 = arith.addi %scan3A_842, %all_reduce_population_count3A_870 : vector<16xi32>
      %mul3A_872 = arith.constant 64 : i32
      %mul3A_873 = arith.muli %scan3A_841, %mul3A_872 : i32
      %add3A_874 = arith.constant 16 : i32
      %add3A_875 = arith.addi %mul3A_873, %add3A_874 : i32
      %get3A_876 = arith.index_cast %add3A_875 : i32 to index
      %get3A_877 = tpu.vector_load %arg10[%get3A_876] {strides = array<i32>} : memref<20000xf32, #tpu.memory_space<vmem>>, vector<16xf32>,
      %gt3A_878 = arith.cmpf ogt, %get3A_877, %get3A_437 : vector<16xf32>
      %convert_element_type3A_879 = arith.extui %gt3A_878 : vector<16xi1> to vector<16xi32>
      %broadcast_in_dim3A_880 = arith.constant true
      %broadcast_in_dim3A_881 = vector.broadcast %broadcast_in_dim3A_880 : i1 to vector<16xi1>
      %masked_cumsum3A_882 = tpu.scan <sum>, %convert_element_type3A_879 masked %broadcast_in_dim3A_881 : vector<16xi32>, vector<16xi1> -> vector<16xi32>
      %add3A_883 = arith.addi %add3A_871, %masked_cumsum3A_882 : vector<16xi32>
      %sub3A_884 = arith.constant 1 : i32
      %sub3A_885 = vector.broadcast %sub3A_884 : i32 to vector<16xi32>
      %sub3A_886 = arith.subi %add3A_883, %sub3A_885 : vector<16xi32>
      %lt3A_887 = arith.constant 256 : i32
      %lt3A_888 = vector.broadcast %lt3A_887 : i32 to vector<16xi32>
      %lt3A_889 = arith.cmpi slt, %sub3A_886, %lt3A_888 : vector<16xi32>
      %and3A_890 = arith.andi %gt3A_878, %lt3A_889 : vector<16xi1>
      %add3A_891 = arith.constant 768 : i32
      %add3A_892 = vector.broadcast %add3A_891 : i32 to vector<16xi32>
      %add3A_893 = arith.addi %sub3A_886, %add3A_892 : vector<16xi32>
      tpu.vector_store_idx %arg14[%add3A_893], %get3A_877 masked %and3A_890 : memref<1280xf32, #tpu.memory_space<vmem>>[vector<16xi32>], vector<16xf32>, vector<16xi1>
      %add3A_894 = arith.constant 768 : i32
      %add3A_895 = vector.broadcast %add3A_894 : i32 to vector<16xi32>
      %add3A_896 = arith.addi %sub3A_886, %add3A_895 : vector<16xi32>
      %add3A_897 = vector.broadcast %add3A_875 : i32 to vector<16xi32>
      %add3A_898 = arith.addi %iota3A, %add3A_897 : vector<16xi32>
      tpu.vector_store_idx %arg15[%add3A_896], %add3A_898 masked %and3A_890 : memref<1280xi32, #tpu.memory_space<vmem>>[vector<16xi32>], vector<16xi32>, vector<16xi1>
      %all_reduce_population_count3A_899 = tpu.all_reduce %gt3A_878 {dim = 0 : i64, kind = #tpu.reduction_kind<sum>} : vector<16xi1> -> vector<16xi32>
      %add3A_900 = arith.addi %add3A_871, %all_reduce_population_count3A_899 : vector<16xi32>
      %mul3A_901 = arith.constant 64 : i32
      %mul3A_902 = arith.muli %scan3A_841, %mul3A_901 : i32
      %add3A_903 = arith.constant 32 : i32
      %add3A_904 = arith.addi %mul3A_902, %add3A_903 : i32
      %get3A_905 = arith.index_cast %add3A_904 : i32 to index
      %get3A_906 = tpu.vector_load %arg10[%get3A_905] {strides = array<i32>} : memref<20000xf32, #tpu.memory_space<vmem>>, vector<16xf32>,
      %gt3A_907 = arith.cmpf ogt, %get3A_906, %get3A_437 : vector<16xf32>
      %convert_element_type3A_908 = arith.extui %gt3A_907 : vector<16xi1> to vector<16xi32>
      %broadcast_in_dim3A_909 = arith.constant true
      %broadcast_in_dim3A_910 = vector.broadcast %broadcast_in_dim3A_909 : i1 to vector<16xi1>
      %masked_cumsum3A_911 = tpu.scan <sum>, %convert_element_type3A_908 masked %broadcast_in_dim3A_910 : vector<16xi32>, vector<16xi1> -> vector<16xi32>
      %add3A_912 = arith.addi %add3A_900, %masked_cumsum3A_911 : vector<16xi32>
      %sub3A_913 = arith.constant 1 : i32
      %sub3A_914 = vector.broadcast %sub3A_913 : i32 to vector<16xi32>
      %sub3A_915 = arith.subi %add3A_912, %sub3A_914 : vector<16xi32>
      %lt3A_916 = arith.constant 256 : i32
      %lt3A_917 = vector.broadcast %lt3A_916 : i32 to vector<16xi32>
      %lt3A_918 = arith.cmpi slt, %sub3A_915, %lt3A_917 : vector<16xi32>
      %and3A_919 = arith.andi %gt3A_907, %lt3A_918 : vector<16xi1>
      %add3A_920 = arith.constant 768 : i32
      %add3A_921 = vector.broadcast %add3A_920 : i32 to vector<16xi32>
      %add3A_922 = arith.addi %sub3A_915, %add3A_921 : vector<16xi32>
      tpu.vector_store_idx %arg14[%add3A_922], %get3A_906 masked %and3A_919 : memref<1280xf32, #tpu.memory_space<vmem>>[vector<16xi32>], vector<16xf32>, vector<16xi1>
      %add3A_923 = arith.constant 768 : i32
      %add3A_924 = vector.broadcast %add3A_923 : i32 to vector<16xi32>
      %add3A_925 = arith.addi %sub3A_915, %add3A_924 : vector<16xi32>
      %add3A_926 = vector.broadcast %add3A_904 : i32 to vector<16xi32>
      %add3A_927 = arith.addi %iota3A, %add3A_926 : vector<16xi32>
      tpu.vector_store_idx %arg15[%add3A_925], %add3A_927 masked %and3A_919 : memref<1280xi32, #tpu.memory_space<vmem>>[vector<16xi32>], vector<16xi32>, vector<16xi1>
      %all_reduce_population_count3A_928 = tpu.all_reduce %gt3A_907 {dim = 0 : i64, kind = #tpu.reduction_kind<sum>} : vector<16xi1> -> vector<16xi32>
      %add3A_929 = arith.addi %add3A_900, %all_reduce_population_count3A_928 : vector<16xi32>
      %mul3A_930 = arith.constant 64 : i32
      %mul3A_931 = arith.muli %scan3A_841, %mul3A_930 : i32
      %add3A_932 = arith.constant 48 : i32
      %add3A_933 = arith.addi %mul3A_931, %add3A_932 : i32
      %get3A_934 = arith.index_cast %add3A_933 : i32 to index
      %get3A_935 = tpu.vector_load %arg10[%get3A_934] {strides = array<i32>} : memref<20000xf32, #tpu.memory_space<vmem>>, vector<16xf32>,
      %gt3A_936 = arith.cmpf ogt, %get3A_935, %get3A_437 : vector<16xf32>
      %convert_element_type3A_937 = arith.extui %gt3A_936 : vector<16xi1> to vector<16xi32>
      %broadcast_in_dim3A_938 = arith.constant true
      %broadcast_in_dim3A_939 = vector.broadcast %broadcast_in_dim3A_938 : i1 to vector<16xi1>
      %masked_cumsum3A_940 = tpu.scan <sum>, %convert_element_type3A_937 masked %broadcast_in_dim3A_939 : vector<16xi32>, vector<16xi1> -> vector<16xi32>
      %add3A_941 = arith.addi %add3A_929, %masked_cumsum3A_940 : vector<16xi32>
      %sub3A_942 = arith.constant 1 : i32
      %sub3A_943 = vector.broadcast %sub3A_942 : i32 to vector<16xi32>
      %sub3A_944 = arith.subi %add3A_941, %sub3A_943 : vector<16xi32>
      %lt3A_945 = arith.constant 256 : i32
      %lt3A_946 = vector.broadcast %lt3A_945 : i32 to vector<16xi32>
      %lt3A_947 = arith.cmpi slt, %sub3A_944, %lt3A_946 : vector<16xi32>
      %and3A_948 = arith.andi %gt3A_936, %lt3A_947 : vector<16xi1>
      %add3A_949 = arith.constant 768 : i32
      %add3A_950 = vector.broadcast %add3A_949 : i32 to vector<16xi32>
      %add3A_951 = arith.addi %sub3A_944, %add3A_950 : vector<16xi32>
      tpu.vector_store_idx %arg14[%add3A_951], %get3A_935 masked %and3A_948 : memref<1280xf32, #tpu.memory_space<vmem>>[vector<16xi32>], vector<16xf32>, vector<16xi1>
      %add3A_952 = arith.constant 768 : i32
      %add3A_953 = vector.broadcast %add3A_952 : i32 to vector<16xi32>
      %add3A_954 = arith.addi %sub3A_944, %add3A_953 : vector<16xi32>
      %add3A_955 = vector.broadcast %add3A_933 : i32 to vector<16xi32>
      %add3A_956 = arith.addi %iota3A, %add3A_955 : vector<16xi32>
      tpu.vector_store_idx %arg15[%add3A_954], %add3A_956 masked %and3A_948 : memref<1280xi32, #tpu.memory_space<vmem>>[vector<16xi32>], vector<16xi32>, vector<16xi1>
      %all_reduce_population_count3A_957 = tpu.all_reduce %gt3A_936 {dim = 0 : i64, kind = #tpu.reduction_kind<sum>} : vector<16xi1> -> vector<16xi32>
      %add3A_958 = arith.addi %add3A_929, %all_reduce_population_count3A_957 : vector<16xi32>
      scf.yield %add3A_958 : vector<16xi32>
    }
    %scan3A_445 = arith.constant 312 : i32
    %get3A_446 = arith.constant 19968 : index
    %get3A_447 = tpu.vector_load %arg10[%get3A_446] {strides = array<i32>} : memref<20000xf32, #tpu.memory_space<vmem>>, vector<16xf32>,
    %gt3A_448 = arith.cmpf ogt, %get3A_447, %get3A_437 : vector<16xf32>
    %convert_element_type3A_449 = arith.extui %gt3A_448 : vector<16xi1> to vector<16xi32>
    %broadcast_in_dim3A_450 = arith.constant true
    %broadcast_in_dim3A_451 = vector.broadcast %broadcast_in_dim3A_450 : i1 to vector<16xi1>
    %masked_cumsum3A_452 = tpu.scan <sum>, %convert_element_type3A_449 masked %broadcast_in_dim3A_451 : vector<16xi32>, vector<16xi1> -> vector<16xi32>
    %add3A_453 = arith.addi %scan3A_444, %masked_cumsum3A_452 : vector<16xi32>
    %sub3A_454 = arith.constant 1 : i32
    %sub3A_455 = vector.broadcast %sub3A_454 : i32 to vector<16xi32>
    %sub3A_456 = arith.subi %add3A_453, %sub3A_455 : vector<16xi32>
    %lt3A_457 = arith.constant 256 : i32
    %lt3A_458 = vector.broadcast %lt3A_457 : i32 to vector<16xi32>
    %lt3A_459 = arith.cmpi slt, %sub3A_456, %lt3A_458 : vector<16xi32>
    %and3A_460 = arith.andi %gt3A_448, %lt3A_459 : vector<16xi1>
    %add3A_461 = arith.constant 768 : i32
    %add3A_462 = vector.broadcast %add3A_461 : i32 to vector<16xi32>
    %add3A_463 = arith.addi %sub3A_456, %add3A_462 : vector<16xi32>
    tpu.vector_store_idx %arg14[%add3A_463], %get3A_447 masked %and3A_460 : memref<1280xf32, #tpu.memory_space<vmem>>[vector<16xi32>], vector<16xf32>, vector<16xi1>
    %add3A_464 = arith.constant 768 : i32
    %add3A_465 = vector.broadcast %add3A_464 : i32 to vector<16xi32>
    %add3A_466 = arith.addi %sub3A_456, %add3A_465 : vector<16xi32>
    %add3A_467 = arith.constant 19968 : i32
    %add3A_468 = vector.broadcast %add3A_467 : i32 to vector<16xi32>
    %add3A_469 = arith.addi %iota3A, %add3A_468 : vector<16xi32>
    tpu.vector_store_idx %arg15[%add3A_466], %add3A_469 masked %and3A_460 : memref<1280xi32, #tpu.memory_space<vmem>>[vector<16xi32>], vector<16xi32>, vector<16xi1>
    %all_reduce_population_count3A_470 = tpu.all_reduce %gt3A_448 {dim = 0 : i64, kind = #tpu.reduction_kind<sum>} : vector<16xi1> -> vector<16xi32>
    %add3A_471 = arith.addi %scan3A_444, %all_reduce_population_count3A_470 : vector<16xi32>
    %get3A_472 = arith.constant 19984 : index
    %get3A_473 = tpu.vector_load %arg10[%get3A_472] {strides = array<i32>} : memref<20000xf32, #tpu.memory_space<vmem>>, vector<16xf32>,
    %gt3A_474 = arith.cmpf ogt, %get3A_473, %get3A_437 : vector<16xf32>
    %convert_element_type3A_475 = arith.extui %gt3A_474 : vector<16xi1> to vector<16xi32>
    %broadcast_in_dim3A_476 = arith.constant true
    %broadcast_in_dim3A_477 = vector.broadcast %broadcast_in_dim3A_476 : i1 to vector<16xi1>
    %masked_cumsum3A_478 = tpu.scan <sum>, %convert_element_type3A_475 masked %broadcast_in_dim3A_477 : vector<16xi32>, vector<16xi1> -> vector<16xi32>
    %add3A_479 = arith.addi %add3A_471, %masked_cumsum3A_478 : vector<16xi32>
    %sub3A_480 = arith.constant 1 : i32
    %sub3A_481 = vector.broadcast %sub3A_480 : i32 to vector<16xi32>
    %sub3A_482 = arith.subi %add3A_479, %sub3A_481 : vector<16xi32>
    %lt3A_483 = arith.constant 256 : i32
    %lt3A_484 = vector.broadcast %lt3A_483 : i32 to vector<16xi32>
    %lt3A_485 = arith.cmpi slt, %sub3A_482, %lt3A_484 : vector<16xi32>
    %and3A_486 = arith.andi %gt3A_474, %lt3A_485 : vector<16xi1>
    %add3A_487 = arith.constant 768 : i32
    %add3A_488 = vector.broadcast %add3A_487 : i32 to vector<16xi32>
    %add3A_489 = arith.addi %sub3A_482, %add3A_488 : vector<16xi32>
    tpu.vector_store_idx %arg14[%add3A_489], %get3A_473 masked %and3A_486 : memref<1280xf32, #tpu.memory_space<vmem>>[vector<16xi32>], vector<16xf32>, vector<16xi1>
    %add3A_490 = arith.constant 768 : i32
    %add3A_491 = vector.broadcast %add3A_490 : i32 to vector<16xi32>
    %add3A_492 = arith.addi %sub3A_482, %add3A_491 : vector<16xi32>
    %add3A_493 = arith.constant 19984 : i32
    %add3A_494 = vector.broadcast %add3A_493 : i32 to vector<16xi32>
    %add3A_495 = arith.addi %iota3A, %add3A_494 : vector<16xi32>
    tpu.vector_store_idx %arg15[%add3A_492], %add3A_495 masked %and3A_486 : memref<1280xi32, #tpu.memory_space<vmem>>[vector<16xi32>], vector<16xi32>, vector<16xi1>
    %all_reduce_population_count3A_496 = tpu.all_reduce %gt3A_474 {dim = 0 : i64, kind = #tpu.reduction_kind<sum>} : vector<16xi1> -> vector<16xi32>
    %add3A_497 = arith.addi %add3A_471, %all_reduce_population_count3A_496 : vector<16xi32>
    %scan3A_498 = arith.constant 0 : i32
    %scan3A_499 = arith.constant 0 : i32
    %scan3A_500 = arith.constant 16 : i32
    %scan3A_501 = arith.addi %scan3A_499, %scan3A_500 : i32
    %scan3A_502 = arith.constant 1 : i32
    %scan3A_503 = scf.for %scan3A_841 = %scan3A_499 to %scan3A_501 step %scan3A_502 iter_args(%scan3A_842 = %scan3A_498) -> (i32)  : i32 {
      %mul3A_843 = arith.constant 16 : i32
      %mul3A_844 = arith.muli %scan3A_841, %mul3A_843 : i32
      %add3A_845 = arith.constant 768 : i32
      %add3A_846 = arith.addi %add3A_845, %mul3A_844 : i32
      %get3A_847 = arith.index_cast %add3A_846 : i32 to index
      %get3A_848 = tpu.vector_load %arg15[%get3A_847] {strides = array<i32>} : memref<1280xi32, #tpu.memory_space<vmem>>, vector<16xi32>,
      %gather3A = tpu.vector_load_idx %arg11[%get3A_848] : memref<20000xf32, #tpu.memory_space<vmem>>[vector<16xi32>], vector<16xf32>,
      %mul3A_849 = arith.constant 16 : i32
      %mul3A_850 = arith.muli %scan3A_841, %mul3A_849 : i32
      %add3A_851 = arith.constant 768 : i32
      %add3A_852 = arith.addi %add3A_851, %mul3A_850 : i32
      %swap3A = arith.index_cast %add3A_852 : i32 to index
      %swap3A_853 = tpu.vector_load %arg16[%swap3A] {strides = array<i32>} : memref<1280xf32, #tpu.memory_space<vmem>>, vector<16xf32>,
      tpu.vector_store %arg16[%swap3A], %gather3A {strides = array<i32>} : memref<1280xf32, #tpu.memory_space<vmem>>, vector<16xf32>,
      %gather3A_854 = tpu.vector_load_idx %arg12[%get3A_848] : memref<20000xf32, #tpu.memory_space<vmem>>[vector<16xi32>], vector<16xf32>,
      %mul3A_855 = arith.constant 16 : i32
      %mul3A_856 = arith.muli %scan3A_841, %mul3A_855 : i32
      %add3A_857 = arith.constant 768 : i32
      %add3A_858 = arith.addi %add3A_857, %mul3A_856 : i32
      %swap3A_859 = arith.index_cast %add3A_858 : i32 to index
      %swap3A_860 = tpu.vector_load %arg17[%swap3A_859] {strides = array<i32>} : memref<1280xf32, #tpu.memory_space<vmem>>, vector<16xf32>,
      tpu.vector_store %arg17[%swap3A_859], %gather3A_854 {strides = array<i32>} : memref<1280xf32, #tpu.memory_space<vmem>>, vector<16xf32>,
      %scan3A_861 = arith.constant 0 : i32
      scf.yield %scan3A_861 : i32
    }
    %scan3A_504 = arith.constant 16 : i32
    %add3A_505 = arith.constant 3 : i32
    %add3A_506 = arith.addi %mul3A_18, %add3A_505 : i32
    %dma_start3A_507 = arith.constant 768 : i32
    %dma_start3A_508 = tpu.memref_slice %arg14[%dma_start3A_507] : memref<1280xf32, #tpu.memory_space<vmem>> -> memref<256xf32, #tpu.memory_space<vmem>>
    %dma_start3A_509 = arith.constant 0 : i32
    %dma_start3A_510 = tpu.memref_slice %arg6[%add3A_506, %dma_start3A_509] : memref<160x256xf32, #tpu.memory_space<hbm>> -> memref<1x256xf32, #tpu.memory_space<hbm>>
    %dma_start3A_511 = tpu.memref_squeeze %dma_start3A_510 : memref<1x256xf32, #tpu.memory_space<hbm>> -> memref<256xf32, #tpu.memory_space<hbm>>
    %dma_start3A_512 = arith.constant 0 : i32
    %dma_start3A_513 = tpu.memref_slice %arg6[%add3A_506, %dma_start3A_512] : memref<160x256xf32, #tpu.memory_space<hbm>> -> memref<1x256xf32, #tpu.memory_space<hbm>>
    %dma_start3A_514 = tpu.memref_squeeze %dma_start3A_513 : memref<1x256xf32, #tpu.memory_space<hbm>> -> memref<256xf32, #tpu.memory_space<hbm>>
    %dma_start3A_515 = arith.constant 768 : i32
    %dma_start3A_516 = tpu.memref_slice %arg14[%dma_start3A_515] : memref<1280xf32, #tpu.memory_space<vmem>> -> memref<256xf32, #tpu.memory_space<vmem>>
    tpu.enqueue_dma source(%dma_start3A_516 : memref<256xf32, #tpu.memory_space<vmem>>) target(%dma_start3A_514 : memref<256xf32, #tpu.memory_space<hbm>>) target_semaphore(%arg19 : memref<!tpu.dma_semaphore, #tpu.memory_space<semaphore_mem>>)
    %add3A_517 = arith.constant 3 : i32
    %add3A_518 = arith.addi %mul3A_18, %add3A_517 : i32
    %dma_start3A_519 = arith.constant 768 : i32
    %dma_start3A_520 = tpu.memref_slice %arg16[%dma_start3A_519] : memref<1280xf32, #tpu.memory_space<vmem>> -> memref<256xf32, #tpu.memory_space<vmem>>
    %dma_start3A_521 = arith.constant 0 : i32
    %dma_start3A_522 = tpu.memref_slice %arg7[%add3A_518, %dma_start3A_521] : memref<160x256xf32, #tpu.memory_space<hbm>> -> memref<1x256xf32, #tpu.memory_space<hbm>>
    %dma_start3A_523 = tpu.memref_squeeze %dma_start3A_522 : memref<1x256xf32, #tpu.memory_space<hbm>> -> memref<256xf32, #tpu.memory_space<hbm>>
    %dma_start3A_524 = arith.constant 0 : i32
    %dma_start3A_525 = tpu.memref_slice %arg7[%add3A_518, %dma_start3A_524] : memref<160x256xf32, #tpu.memory_space<hbm>> -> memref<1x256xf32, #tpu.memory_space<hbm>>
    %dma_start3A_526 = tpu.memref_squeeze %dma_start3A_525 : memref<1x256xf32, #tpu.memory_space<hbm>> -> memref<256xf32, #tpu.memory_space<hbm>>
    %dma_start3A_527 = arith.constant 768 : i32
    %dma_start3A_528 = tpu.memref_slice %arg16[%dma_start3A_527] : memref<1280xf32, #tpu.memory_space<vmem>> -> memref<256xf32, #tpu.memory_space<vmem>>
    tpu.enqueue_dma source(%dma_start3A_528 : memref<256xf32, #tpu.memory_space<vmem>>) target(%dma_start3A_526 : memref<256xf32, #tpu.memory_space<hbm>>) target_semaphore(%arg19 : memref<!tpu.dma_semaphore, #tpu.memory_space<semaphore_mem>>)
    %add3A_529 = arith.constant 3 : i32
    %add3A_530 = arith.addi %mul3A_18, %add3A_529 : i32
    %dma_start3A_531 = arith.constant 768 : i32
    %dma_start3A_532 = tpu.memref_slice %arg17[%dma_start3A_531] : memref<1280xf32, #tpu.memory_space<vmem>> -> memref<256xf32, #tpu.memory_space<vmem>>
    %dma_start3A_533 = arith.constant 0 : i32
    %dma_start3A_534 = tpu.memref_slice %arg8[%add3A_530, %dma_start3A_533] : memref<160x256xf32, #tpu.memory_space<hbm>> -> memref<1x256xf32, #tpu.memory_space<hbm>>
    %dma_start3A_535 = tpu.memref_squeeze %dma_start3A_534 : memref<1x256xf32, #tpu.memory_space<hbm>> -> memref<256xf32, #tpu.memory_space<hbm>>
    %dma_start3A_536 = arith.constant 0 : i32
    %dma_start3A_537 = tpu.memref_slice %arg8[%add3A_530, %dma_start3A_536] : memref<160x256xf32, #tpu.memory_space<hbm>> -> memref<1x256xf32, #tpu.memory_space<hbm>>
    %dma_start3A_538 = tpu.memref_squeeze %dma_start3A_537 : memref<1x256xf32, #tpu.memory_space<hbm>> -> memref<256xf32, #tpu.memory_space<hbm>>
    %dma_start3A_539 = arith.constant 768 : i32
    %dma_start3A_540 = tpu.memref_slice %arg17[%dma_start3A_539] : memref<1280xf32, #tpu.memory_space<vmem>> -> memref<256xf32, #tpu.memory_space<vmem>>
    tpu.enqueue_dma source(%dma_start3A_540 : memref<256xf32, #tpu.memory_space<vmem>>) target(%dma_start3A_538 : memref<256xf32, #tpu.memory_space<hbm>>) target_semaphore(%arg19 : memref<!tpu.dma_semaphore, #tpu.memory_space<semaphore_mem>>)
    %add3A_541 = arith.constant 4 : i32
    %add3A_542 = arith.addi %mul3A_18, %add3A_541 : i32
    %dma_wait3A_543 = arith.constant 0 : i32
    %dma_wait3A_544 = tpu.memref_slice %arg2[%add3A_542, %dma_wait3A_543] : memref<160x20000xf32, #tpu.memory_space<hbm>> -> memref<1x20000xf32, #tpu.memory_space<hbm>>
    %dma_wait3A_545 = tpu.memref_squeeze %dma_wait3A_544 : memref<1x20000xf32, #tpu.memory_space<hbm>> -> memref<20000xf32, #tpu.memory_space<hbm>>
    %dma_wait3A_546 = arith.constant 0 : i32
    %dma_wait3A_547 = tpu.memref_slice %arg2[%add3A_542, %dma_wait3A_546] : memref<160x20000xf32, #tpu.memory_space<hbm>> -> memref<1x20000xf32, #tpu.memory_space<hbm>>
    %dma_wait3A_548 = tpu.memref_squeeze %dma_wait3A_547 : memref<1x20000xf32, #tpu.memory_space<hbm>> -> memref<20000xf32, #tpu.memory_space<hbm>>
    tpu.wait_dma2 semaphore(%arg18 : memref<!tpu.dma_semaphore, #tpu.memory_space<semaphore_mem>>) src(%dma_wait3A_548 : memref<20000xf32, #tpu.memory_space<hbm>>) dst(%arg9 : memref<20000xf32, #tpu.memory_space<vmem>>)
    %scan3A_549 = arith.constant 0 : i32
    %scan3A_550 = arith.constant 0 : i32
    %scan3A_551 = arith.constant 16 : i32
    %scan3A_552 = arith.addi %scan3A_550, %scan3A_551 : i32
    %scan3A_553 = arith.constant 1 : i32
    %scan3A_554 = scf.for %scan3A_841 = %scan3A_550 to %scan3A_552 step %scan3A_553 iter_args(%scan3A_842 = %scan3A_549) -> (i32)  : i32 {
      %mul3A_843 = arith.constant 16 : i32
      %mul3A_844 = arith.muli %scan3A_841, %mul3A_843 : i32
      %add3A_845 = arith.constant 1024 : i32
      %add3A_846 = arith.addi %add3A_845, %mul3A_844 : i32
      %swap3A = arith.index_cast %add3A_846 : i32 to index
      %swap3A_847 = tpu.vector_load %arg14[%swap3A] {strides = array<i32>} : memref<1280xf32, #tpu.memory_space<vmem>>, vector<16xf32>,
      tpu.vector_store %arg14[%swap3A], %broadcast_in_dim3A_21 {strides = array<i32>} : memref<1280xf32, #tpu.memory_space<vmem>>, vector<16xf32>,
      %mul3A_848 = arith.constant 16 : i32
      %mul3A_849 = arith.muli %scan3A_841, %mul3A_848 : i32
      %add3A_850 = arith.constant 1024 : i32
      %add3A_851 = arith.addi %add3A_850, %mul3A_849 : i32
      %swap3A_852 = arith.index_cast %add3A_851 : i32 to index
      %swap3A_853 = tpu.vector_load %arg15[%swap3A_852] {strides = array<i32>} : memref<1280xi32, #tpu.memory_space<vmem>>, vector<16xi32>,
      tpu.vector_store %arg15[%swap3A_852], %broadcast_in_dim3A_23 {strides = array<i32>} : memref<1280xi32, #tpu.memory_space<vmem>>, vector<16xi32>,
      %scan3A_854 = arith.constant 0 : i32
      scf.yield %scan3A_854 : i32
    }
    %scan3A_555 = arith.constant 16 : i32
    %get3A_556 = arith.constant 64 : index
    %get3A_557 = tpu.vector_load %arg13[%get3A_556] {strides = array<i32>} : memref<80xf32, #tpu.memory_space<vmem>>, vector<16xf32>,
    %broadcast_in_dim3A_558 = arith.constant 0 : i32
    %broadcast_in_dim3A_559 = vector.broadcast %broadcast_in_dim3A_558 : i32 to vector<16xi32>
    %scan3A_560 = arith.constant 0 : i32
    %scan3A_561 = arith.constant 312 : i32
    %scan3A_562 = arith.addi %scan3A_560, %scan3A_561 : i32
    %scan3A_563 = arith.constant 1 : i32
    %scan3A_564 = scf.for %scan3A_841 = %scan3A_560 to %scan3A_562 step %scan3A_563 iter_args(%scan3A_842 = %broadcast_in_dim3A_559) -> (vector<16xi32>)  : i32 {
      %mul3A_843 = arith.constant 64 : i32
      %mul3A_844 = arith.muli %scan3A_841, %mul3A_843 : i32
      %add3A_845 = arith.constant 0 : i32
      %add3A_846 = arith.addi %mul3A_844, %add3A_845 : i32
      %get3A_847 = arith.index_cast %add3A_846 : i32 to index
      %get3A_848 = tpu.vector_load %arg9[%get3A_847] {strides = array<i32>} : memref<20000xf32, #tpu.memory_space<vmem>>, vector<16xf32>,
      %gt3A_849 = arith.cmpf ogt, %get3A_848, %get3A_557 : vector<16xf32>
      %convert_element_type3A_850 = arith.extui %gt3A_849 : vector<16xi1> to vector<16xi32>
      %broadcast_in_dim3A_851 = arith.constant true
      %broadcast_in_dim3A_852 = vector.broadcast %broadcast_in_dim3A_851 : i1 to vector<16xi1>
      %masked_cumsum3A_853 = tpu.scan <sum>, %convert_element_type3A_850 masked %broadcast_in_dim3A_852 : vector<16xi32>, vector<16xi1> -> vector<16xi32>
      %add3A_854 = arith.addi %scan3A_842, %masked_cumsum3A_853 : vector<16xi32>
      %sub3A_855 = arith.constant 1 : i32
      %sub3A_856 = vector.broadcast %sub3A_855 : i32 to vector<16xi32>
      %sub3A_857 = arith.subi %add3A_854, %sub3A_856 : vector<16xi32>
      %lt3A_858 = arith.constant 256 : i32
      %lt3A_859 = vector.broadcast %lt3A_858 : i32 to vector<16xi32>
      %lt3A_860 = arith.cmpi slt, %sub3A_857, %lt3A_859 : vector<16xi32>
      %and3A_861 = arith.andi %gt3A_849, %lt3A_860 : vector<16xi1>
      %add3A_862 = arith.constant 1024 : i32
      %add3A_863 = vector.broadcast %add3A_862 : i32 to vector<16xi32>
      %add3A_864 = arith.addi %sub3A_857, %add3A_863 : vector<16xi32>
      tpu.vector_store_idx %arg14[%add3A_864], %get3A_848 masked %and3A_861 : memref<1280xf32, #tpu.memory_space<vmem>>[vector<16xi32>], vector<16xf32>, vector<16xi1>
      %add3A_865 = arith.constant 1024 : i32
      %add3A_866 = vector.broadcast %add3A_865 : i32 to vector<16xi32>
      %add3A_867 = arith.addi %sub3A_857, %add3A_866 : vector<16xi32>
      %add3A_868 = vector.broadcast %add3A_846 : i32 to vector<16xi32>
      %add3A_869 = arith.addi %iota3A, %add3A_868 : vector<16xi32>
      tpu.vector_store_idx %arg15[%add3A_867], %add3A_869 masked %and3A_861 : memref<1280xi32, #tpu.memory_space<vmem>>[vector<16xi32>], vector<16xi32>, vector<16xi1>
      %all_reduce_population_count3A_870 = tpu.all_reduce %gt3A_849 {dim = 0 : i64, kind = #tpu.reduction_kind<sum>} : vector<16xi1> -> vector<16xi32>
      %add3A_871 = arith.addi %scan3A_842, %all_reduce_population_count3A_870 : vector<16xi32>
      %mul3A_872 = arith.constant 64 : i32
      %mul3A_873 = arith.muli %scan3A_841, %mul3A_872 : i32
      %add3A_874 = arith.constant 16 : i32
      %add3A_875 = arith.addi %mul3A_873, %add3A_874 : i32
      %get3A_876 = arith.index_cast %add3A_875 : i32 to index
      %get3A_877 = tpu.vector_load %arg9[%get3A_876] {strides = array<i32>} : memref<20000xf32, #tpu.memory_space<vmem>>, vector<16xf32>,
      %gt3A_878 = arith.cmpf ogt, %get3A_877, %get3A_557 : vector<16xf32>
      %convert_element_type3A_879 = arith.extui %gt3A_878 : vector<16xi1> to vector<16xi32>
      %broadcast_in_dim3A_880 = arith.constant true
      %broadcast_in_dim3A_881 = vector.broadcast %broadcast_in_dim3A_880 : i1 to vector<16xi1>
      %masked_cumsum3A_882 = tpu.scan <sum>, %convert_element_type3A_879 masked %broadcast_in_dim3A_881 : vector<16xi32>, vector<16xi1> -> vector<16xi32>
      %add3A_883 = arith.addi %add3A_871, %masked_cumsum3A_882 : vector<16xi32>
      %sub3A_884 = arith.constant 1 : i32
      %sub3A_885 = vector.broadcast %sub3A_884 : i32 to vector<16xi32>
      %sub3A_886 = arith.subi %add3A_883, %sub3A_885 : vector<16xi32>
      %lt3A_887 = arith.constant 256 : i32
      %lt3A_888 = vector.broadcast %lt3A_887 : i32 to vector<16xi32>
      %lt3A_889 = arith.cmpi slt, %sub3A_886, %lt3A_888 : vector<16xi32>
      %and3A_890 = arith.andi %gt3A_878, %lt3A_889 : vector<16xi1>
      %add3A_891 = arith.constant 1024 : i32
      %add3A_892 = vector.broadcast %add3A_891 : i32 to vector<16xi32>
      %add3A_893 = arith.addi %sub3A_886, %add3A_892 : vector<16xi32>
      tpu.vector_store_idx %arg14[%add3A_893], %get3A_877 masked %and3A_890 : memref<1280xf32, #tpu.memory_space<vmem>>[vector<16xi32>], vector<16xf32>, vector<16xi1>
      %add3A_894 = arith.constant 1024 : i32
      %add3A_895 = vector.broadcast %add3A_894 : i32 to vector<16xi32>
      %add3A_896 = arith.addi %sub3A_886, %add3A_895 : vector<16xi32>
      %add3A_897 = vector.broadcast %add3A_875 : i32 to vector<16xi32>
      %add3A_898 = arith.addi %iota3A, %add3A_897 : vector<16xi32>
      tpu.vector_store_idx %arg15[%add3A_896], %add3A_898 masked %and3A_890 : memref<1280xi32, #tpu.memory_space<vmem>>[vector<16xi32>], vector<16xi32>, vector<16xi1>
      %all_reduce_population_count3A_899 = tpu.all_reduce %gt3A_878 {dim = 0 : i64, kind = #tpu.reduction_kind<sum>} : vector<16xi1> -> vector<16xi32>
      %add3A_900 = arith.addi %add3A_871, %all_reduce_population_count3A_899 : vector<16xi32>
      %mul3A_901 = arith.constant 64 : i32
      %mul3A_902 = arith.muli %scan3A_841, %mul3A_901 : i32
      %add3A_903 = arith.constant 32 : i32
      %add3A_904 = arith.addi %mul3A_902, %add3A_903 : i32
      %get3A_905 = arith.index_cast %add3A_904 : i32 to index
      %get3A_906 = tpu.vector_load %arg9[%get3A_905] {strides = array<i32>} : memref<20000xf32, #tpu.memory_space<vmem>>, vector<16xf32>,
      %gt3A_907 = arith.cmpf ogt, %get3A_906, %get3A_557 : vector<16xf32>
      %convert_element_type3A_908 = arith.extui %gt3A_907 : vector<16xi1> to vector<16xi32>
      %broadcast_in_dim3A_909 = arith.constant true
      %broadcast_in_dim3A_910 = vector.broadcast %broadcast_in_dim3A_909 : i1 to vector<16xi1>
      %masked_cumsum3A_911 = tpu.scan <sum>, %convert_element_type3A_908 masked %broadcast_in_dim3A_910 : vector<16xi32>, vector<16xi1> -> vector<16xi32>
      %add3A_912 = arith.addi %add3A_900, %masked_cumsum3A_911 : vector<16xi32>
      %sub3A_913 = arith.constant 1 : i32
      %sub3A_914 = vector.broadcast %sub3A_913 : i32 to vector<16xi32>
      %sub3A_915 = arith.subi %add3A_912, %sub3A_914 : vector<16xi32>
      %lt3A_916 = arith.constant 256 : i32
      %lt3A_917 = vector.broadcast %lt3A_916 : i32 to vector<16xi32>
      %lt3A_918 = arith.cmpi slt, %sub3A_915, %lt3A_917 : vector<16xi32>
      %and3A_919 = arith.andi %gt3A_907, %lt3A_918 : vector<16xi1>
      %add3A_920 = arith.constant 1024 : i32
      %add3A_921 = vector.broadcast %add3A_920 : i32 to vector<16xi32>
      %add3A_922 = arith.addi %sub3A_915, %add3A_921 : vector<16xi32>
      tpu.vector_store_idx %arg14[%add3A_922], %get3A_906 masked %and3A_919 : memref<1280xf32, #tpu.memory_space<vmem>>[vector<16xi32>], vector<16xf32>, vector<16xi1>
      %add3A_923 = arith.constant 1024 : i32
      %add3A_924 = vector.broadcast %add3A_923 : i32 to vector<16xi32>
      %add3A_925 = arith.addi %sub3A_915, %add3A_924 : vector<16xi32>
      %add3A_926 = vector.broadcast %add3A_904 : i32 to vector<16xi32>
      %add3A_927 = arith.addi %iota3A, %add3A_926 : vector<16xi32>
      tpu.vector_store_idx %arg15[%add3A_925], %add3A_927 masked %and3A_919 : memref<1280xi32, #tpu.memory_space<vmem>>[vector<16xi32>], vector<16xi32>, vector<16xi1>
      %all_reduce_population_count3A_928 = tpu.all_reduce %gt3A_907 {dim = 0 : i64, kind = #tpu.reduction_kind<sum>} : vector<16xi1> -> vector<16xi32>
      %add3A_929 = arith.addi %add3A_900, %all_reduce_population_count3A_928 : vector<16xi32>
      %mul3A_930 = arith.constant 64 : i32
      %mul3A_931 = arith.muli %scan3A_841, %mul3A_930 : i32
      %add3A_932 = arith.constant 48 : i32
      %add3A_933 = arith.addi %mul3A_931, %add3A_932 : i32
      %get3A_934 = arith.index_cast %add3A_933 : i32 to index
      %get3A_935 = tpu.vector_load %arg9[%get3A_934] {strides = array<i32>} : memref<20000xf32, #tpu.memory_space<vmem>>, vector<16xf32>,
      %gt3A_936 = arith.cmpf ogt, %get3A_935, %get3A_557 : vector<16xf32>
      %convert_element_type3A_937 = arith.extui %gt3A_936 : vector<16xi1> to vector<16xi32>
      %broadcast_in_dim3A_938 = arith.constant true
      %broadcast_in_dim3A_939 = vector.broadcast %broadcast_in_dim3A_938 : i1 to vector<16xi1>
      %masked_cumsum3A_940 = tpu.scan <sum>, %convert_element_type3A_937 masked %broadcast_in_dim3A_939 : vector<16xi32>, vector<16xi1> -> vector<16xi32>
      %add3A_941 = arith.addi %add3A_929, %masked_cumsum3A_940 : vector<16xi32>
      %sub3A_942 = arith.constant 1 : i32
      %sub3A_943 = vector.broadcast %sub3A_942 : i32 to vector<16xi32>
      %sub3A_944 = arith.subi %add3A_941, %sub3A_943 : vector<16xi32>
      %lt3A_945 = arith.constant 256 : i32
      %lt3A_946 = vector.broadcast %lt3A_945 : i32 to vector<16xi32>
      %lt3A_947 = arith.cmpi slt, %sub3A_944, %lt3A_946 : vector<16xi32>
      %and3A_948 = arith.andi %gt3A_936, %lt3A_947 : vector<16xi1>
      %add3A_949 = arith.constant 1024 : i32
      %add3A_950 = vector.broadcast %add3A_949 : i32 to vector<16xi32>
      %add3A_951 = arith.addi %sub3A_944, %add3A_950 : vector<16xi32>
      tpu.vector_store_idx %arg14[%add3A_951], %get3A_935 masked %and3A_948 : memref<1280xf32, #tpu.memory_space<vmem>>[vector<16xi32>], vector<16xf32>, vector<16xi1>
      %add3A_952 = arith.constant 1024 : i32
      %add3A_953 = vector.broadcast %add3A_952 : i32 to vector<16xi32>
      %add3A_954 = arith.addi %sub3A_944, %add3A_953 : vector<16xi32>
      %add3A_955 = vector.broadcast %add3A_933 : i32 to vector<16xi32>
      %add3A_956 = arith.addi %iota3A, %add3A_955 : vector<16xi32>
      tpu.vector_store_idx %arg15[%add3A_954], %add3A_956 masked %and3A_948 : memref<1280xi32, #tpu.memory_space<vmem>>[vector<16xi32>], vector<16xi32>, vector<16xi1>
      %all_reduce_population_count3A_957 = tpu.all_reduce %gt3A_936 {dim = 0 : i64, kind = #tpu.reduction_kind<sum>} : vector<16xi1> -> vector<16xi32>
      %add3A_958 = arith.addi %add3A_929, %all_reduce_population_count3A_957 : vector<16xi32>
      scf.yield %add3A_958 : vector<16xi32>
    }
    %scan3A_565 = arith.constant 312 : i32
    %get3A_566 = arith.constant 19968 : index
    %get3A_567 = tpu.vector_load %arg9[%get3A_566] {strides = array<i32>} : memref<20000xf32, #tpu.memory_space<vmem>>, vector<16xf32>,
    %gt3A_568 = arith.cmpf ogt, %get3A_567, %get3A_557 : vector<16xf32>
    %convert_element_type3A_569 = arith.extui %gt3A_568 : vector<16xi1> to vector<16xi32>
    %broadcast_in_dim3A_570 = arith.constant true
    %broadcast_in_dim3A_571 = vector.broadcast %broadcast_in_dim3A_570 : i1 to vector<16xi1>
    %masked_cumsum3A_572 = tpu.scan <sum>, %convert_element_type3A_569 masked %broadcast_in_dim3A_571 : vector<16xi32>, vector<16xi1> -> vector<16xi32>
    %add3A_573 = arith.addi %scan3A_564, %masked_cumsum3A_572 : vector<16xi32>
    %sub3A_574 = arith.constant 1 : i32
    %sub3A_575 = vector.broadcast %sub3A_574 : i32 to vector<16xi32>
    %sub3A_576 = arith.subi %add3A_573, %sub3A_575 : vector<16xi32>
    %lt3A_577 = arith.constant 256 : i32
    %lt3A_578 = vector.broadcast %lt3A_577 : i32 to vector<16xi32>
    %lt3A_579 = arith.cmpi slt, %sub3A_576, %lt3A_578 : vector<16xi32>
    %and3A_580 = arith.andi %gt3A_568, %lt3A_579 : vector<16xi1>
    %add3A_581 = arith.constant 1024 : i32
    %add3A_582 = vector.broadcast %add3A_581 : i32 to vector<16xi32>
    %add3A_583 = arith.addi %sub3A_576, %add3A_582 : vector<16xi32>
    tpu.vector_store_idx %arg14[%add3A_583], %get3A_567 masked %and3A_580 : memref<1280xf32, #tpu.memory_space<vmem>>[vector<16xi32>], vector<16xf32>, vector<16xi1>
    %add3A_584 = arith.constant 1024 : i32
    %add3A_585 = vector.broadcast %add3A_584 : i32 to vector<16xi32>
    %add3A_586 = arith.addi %sub3A_576, %add3A_585 : vector<16xi32>
    %add3A_587 = arith.constant 19968 : i32
    %add3A_588 = vector.broadcast %add3A_587 : i32 to vector<16xi32>
    %add3A_589 = arith.addi %iota3A, %add3A_588 : vector<16xi32>
    tpu.vector_store_idx %arg15[%add3A_586], %add3A_589 masked %and3A_580 : memref<1280xi32, #tpu.memory_space<vmem>>[vector<16xi32>], vector<16xi32>, vector<16xi1>
    %all_reduce_population_count3A_590 = tpu.all_reduce %gt3A_568 {dim = 0 : i64, kind = #tpu.reduction_kind<sum>} : vector<16xi1> -> vector<16xi32>
    %add3A_591 = arith.addi %scan3A_564, %all_reduce_population_count3A_590 : vector<16xi32>
    %get3A_592 = arith.constant 19984 : index
    %get3A_593 = tpu.vector_load %arg9[%get3A_592] {strides = array<i32>} : memref<20000xf32, #tpu.memory_space<vmem>>, vector<16xf32>,
    %gt3A_594 = arith.cmpf ogt, %get3A_593, %get3A_557 : vector<16xf32>
    %convert_element_type3A_595 = arith.extui %gt3A_594 : vector<16xi1> to vector<16xi32>
    %broadcast_in_dim3A_596 = arith.constant true
    %broadcast_in_dim3A_597 = vector.broadcast %broadcast_in_dim3A_596 : i1 to vector<16xi1>
    %masked_cumsum3A_598 = tpu.scan <sum>, %convert_element_type3A_595 masked %broadcast_in_dim3A_597 : vector<16xi32>, vector<16xi1> -> vector<16xi32>
    %add3A_599 = arith.addi %add3A_591, %masked_cumsum3A_598 : vector<16xi32>
    %sub3A_600 = arith.constant 1 : i32
    %sub3A_601 = vector.broadcast %sub3A_600 : i32 to vector<16xi32>
    %sub3A_602 = arith.subi %add3A_599, %sub3A_601 : vector<16xi32>
    %lt3A_603 = arith.constant 256 : i32
    %lt3A_604 = vector.broadcast %lt3A_603 : i32 to vector<16xi32>
    %lt3A_605 = arith.cmpi slt, %sub3A_602, %lt3A_604 : vector<16xi32>
    %and3A_606 = arith.andi %gt3A_594, %lt3A_605 : vector<16xi1>
    %add3A_607 = arith.constant 1024 : i32
    %add3A_608 = vector.broadcast %add3A_607 : i32 to vector<16xi32>
    %add3A_609 = arith.addi %sub3A_602, %add3A_608 : vector<16xi32>
    tpu.vector_store_idx %arg14[%add3A_609], %get3A_593 masked %and3A_606 : memref<1280xf32, #tpu.memory_space<vmem>>[vector<16xi32>], vector<16xf32>, vector<16xi1>
    %add3A_610 = arith.constant 1024 : i32
    %add3A_611 = vector.broadcast %add3A_610 : i32 to vector<16xi32>
    %add3A_612 = arith.addi %sub3A_602, %add3A_611 : vector<16xi32>
    %add3A_613 = arith.constant 19984 : i32
    %add3A_614 = vector.broadcast %add3A_613 : i32 to vector<16xi32>
    %add3A_615 = arith.addi %iota3A, %add3A_614 : vector<16xi32>
    tpu.vector_store_idx %arg15[%add3A_612], %add3A_615 masked %and3A_606 : memref<1280xi32, #tpu.memory_space<vmem>>[vector<16xi32>], vector<16xi32>, vector<16xi1>
    %all_reduce_population_count3A_616 = tpu.all_reduce %gt3A_594 {dim = 0 : i64, kind = #tpu.reduction_kind<sum>} : vector<16xi1> -> vector<16xi32>
    %add3A_617 = arith.addi %add3A_591, %all_reduce_population_count3A_616 : vector<16xi32>
    %scan3A_618 = arith.constant 0 : i32
    %scan3A_619 = arith.constant 0 : i32
    %scan3A_620 = arith.constant 16 : i32
    %scan3A_621 = arith.addi %scan3A_619, %scan3A_620 : i32
    %scan3A_622 = arith.constant 1 : i32
    %scan3A_623 = scf.for %scan3A_841 = %scan3A_619 to %scan3A_621 step %scan3A_622 iter_args(%scan3A_842 = %scan3A_618) -> (i32)  : i32 {
      %mul3A_843 = arith.constant 16 : i32
      %mul3A_844 = arith.muli %scan3A_841, %mul3A_843 : i32
      %add3A_845 = arith.constant 1024 : i32
      %add3A_846 = arith.addi %add3A_845, %mul3A_844 : i32
      %get3A_847 = arith.index_cast %add3A_846 : i32 to index
      %get3A_848 = tpu.vector_load %arg15[%get3A_847] {strides = array<i32>} : memref<1280xi32, #tpu.memory_space<vmem>>, vector<16xi32>,
      %gather3A = tpu.vector_load_idx %arg11[%get3A_848] : memref<20000xf32, #tpu.memory_space<vmem>>[vector<16xi32>], vector<16xf32>,
      %mul3A_849 = arith.constant 16 : i32
      %mul3A_850 = arith.muli %scan3A_841, %mul3A_849 : i32
      %add3A_851 = arith.constant 1024 : i32
      %add3A_852 = arith.addi %add3A_851, %mul3A_850 : i32
      %swap3A = arith.index_cast %add3A_852 : i32 to index
      %swap3A_853 = tpu.vector_load %arg16[%swap3A] {strides = array<i32>} : memref<1280xf32, #tpu.memory_space<vmem>>, vector<16xf32>,
      tpu.vector_store %arg16[%swap3A], %gather3A {strides = array<i32>} : memref<1280xf32, #tpu.memory_space<vmem>>, vector<16xf32>,
      %gather3A_854 = tpu.vector_load_idx %arg12[%get3A_848] : memref<20000xf32, #tpu.memory_space<vmem>>[vector<16xi32>], vector<16xf32>,
      %mul3A_855 = arith.constant 16 : i32
      %mul3A_856 = arith.muli %scan3A_841, %mul3A_855 : i32
      %add3A_857 = arith.constant 1024 : i32
      %add3A_858 = arith.addi %add3A_857, %mul3A_856 : i32
      %swap3A_859 = arith.index_cast %add3A_858 : i32 to index
      %swap3A_860 = tpu.vector_load %arg17[%swap3A_859] {strides = array<i32>} : memref<1280xf32, #tpu.memory_space<vmem>>, vector<16xf32>,
      tpu.vector_store %arg17[%swap3A_859], %gather3A_854 {strides = array<i32>} : memref<1280xf32, #tpu.memory_space<vmem>>, vector<16xf32>,
      %scan3A_861 = arith.constant 0 : i32
      scf.yield %scan3A_861 : i32
    }
    %scan3A_624 = arith.constant 16 : i32
    %add3A_625 = arith.constant 4 : i32
    %add3A_626 = arith.addi %mul3A_18, %add3A_625 : i32
    %dma_start3A_627 = arith.constant 1024 : i32
    %dma_start3A_628 = tpu.memref_slice %arg14[%dma_start3A_627] : memref<1280xf32, #tpu.memory_space<vmem>> -> memref<256xf32, #tpu.memory_space<vmem>>
    %dma_start3A_629 = arith.constant 0 : i32
    %dma_start3A_630 = tpu.memref_slice %arg6[%add3A_626, %dma_start3A_629] : memref<160x256xf32, #tpu.memory_space<hbm>> -> memref<1x256xf32, #tpu.memory_space<hbm>>
    %dma_start3A_631 = tpu.memref_squeeze %dma_start3A_630 : memref<1x256xf32, #tpu.memory_space<hbm>> -> memref<256xf32, #tpu.memory_space<hbm>>
    %dma_start3A_632 = arith.constant 0 : i32
    %dma_start3A_633 = tpu.memref_slice %arg6[%add3A_626, %dma_start3A_632] : memref<160x256xf32, #tpu.memory_space<hbm>> -> memref<1x256xf32, #tpu.memory_space<hbm>>
    %dma_start3A_634 = tpu.memref_squeeze %dma_start3A_633 : memref<1x256xf32, #tpu.memory_space<hbm>> -> memref<256xf32, #tpu.memory_space<hbm>>
    %dma_start3A_635 = arith.constant 1024 : i32
    %dma_start3A_636 = tpu.memref_slice %arg14[%dma_start3A_635] : memref<1280xf32, #tpu.memory_space<vmem>> -> memref<256xf32, #tpu.memory_space<vmem>>
    tpu.enqueue_dma source(%dma_start3A_636 : memref<256xf32, #tpu.memory_space<vmem>>) target(%dma_start3A_634 : memref<256xf32, #tpu.memory_space<hbm>>) target_semaphore(%arg19 : memref<!tpu.dma_semaphore, #tpu.memory_space<semaphore_mem>>)
    %add3A_637 = arith.constant 4 : i32
    %add3A_638 = arith.addi %mul3A_18, %add3A_637 : i32
    %dma_start3A_639 = arith.constant 1024 : i32
    %dma_start3A_640 = tpu.memref_slice %arg16[%dma_start3A_639] : memref<1280xf32, #tpu.memory_space<vmem>> -> memref<256xf32, #tpu.memory_space<vmem>>
    %dma_start3A_641 = arith.constant 0 : i32
    %dma_start3A_642 = tpu.memref_slice %arg7[%add3A_638, %dma_start3A_641] : memref<160x256xf32, #tpu.memory_space<hbm>> -> memref<1x256xf32, #tpu.memory_space<hbm>>
    %dma_start3A_643 = tpu.memref_squeeze %dma_start3A_642 : memref<1x256xf32, #tpu.memory_space<hbm>> -> memref<256xf32, #tpu.memory_space<hbm>>
    %dma_start3A_644 = arith.constant 0 : i32
    %dma_start3A_645 = tpu.memref_slice %arg7[%add3A_638, %dma_start3A_644] : memref<160x256xf32, #tpu.memory_space<hbm>> -> memref<1x256xf32, #tpu.memory_space<hbm>>
    %dma_start3A_646 = tpu.memref_squeeze %dma_start3A_645 : memref<1x256xf32, #tpu.memory_space<hbm>> -> memref<256xf32, #tpu.memory_space<hbm>>
    %dma_start3A_647 = arith.constant 1024 : i32
    %dma_start3A_648 = tpu.memref_slice %arg16[%dma_start3A_647] : memref<1280xf32, #tpu.memory_space<vmem>> -> memref<256xf32, #tpu.memory_space<vmem>>
    tpu.enqueue_dma source(%dma_start3A_648 : memref<256xf32, #tpu.memory_space<vmem>>) target(%dma_start3A_646 : memref<256xf32, #tpu.memory_space<hbm>>) target_semaphore(%arg19 : memref<!tpu.dma_semaphore, #tpu.memory_space<semaphore_mem>>)
    %add3A_649 = arith.constant 4 : i32
    %add3A_650 = arith.addi %mul3A_18, %add3A_649 : i32
    %dma_start3A_651 = arith.constant 1024 : i32
    %dma_start3A_652 = tpu.memref_slice %arg17[%dma_start3A_651] : memref<1280xf32, #tpu.memory_space<vmem>> -> memref<256xf32, #tpu.memory_space<vmem>>
    %dma_start3A_653 = arith.constant 0 : i32
    %dma_start3A_654 = tpu.memref_slice %arg8[%add3A_650, %dma_start3A_653] : memref<160x256xf32, #tpu.memory_space<hbm>> -> memref<1x256xf32, #tpu.memory_space<hbm>>
    %dma_start3A_655 = tpu.memref_squeeze %dma_start3A_654 : memref<1x256xf32, #tpu.memory_space<hbm>> -> memref<256xf32, #tpu.memory_space<hbm>>
    %dma_start3A_656 = arith.constant 0 : i32
    %dma_start3A_657 = tpu.memref_slice %arg8[%add3A_650, %dma_start3A_656] : memref<160x256xf32, #tpu.memory_space<hbm>> -> memref<1x256xf32, #tpu.memory_space<hbm>>
    %dma_start3A_658 = tpu.memref_squeeze %dma_start3A_657 : memref<1x256xf32, #tpu.memory_space<hbm>> -> memref<256xf32, #tpu.memory_space<hbm>>
    %dma_start3A_659 = arith.constant 1024 : i32
    %dma_start3A_660 = tpu.memref_slice %arg17[%dma_start3A_659] : memref<1280xf32, #tpu.memory_space<vmem>> -> memref<256xf32, #tpu.memory_space<vmem>>
    tpu.enqueue_dma source(%dma_start3A_660 : memref<256xf32, #tpu.memory_space<vmem>>) target(%dma_start3A_658 : memref<256xf32, #tpu.memory_space<hbm>>) target_semaphore(%arg19 : memref<!tpu.dma_semaphore, #tpu.memory_space<semaphore_mem>>)
    %add3A_661 = arith.constant 0 : i32
    %add3A_662 = arith.addi %mul3A_18, %add3A_661 : i32
    %dma_wait3A_663 = arith.constant 0 : i32
    %dma_wait3A_664 = tpu.memref_slice %arg14[%dma_wait3A_663] : memref<1280xf32, #tpu.memory_space<vmem>> -> memref<256xf32, #tpu.memory_space<vmem>>
    %dma_wait3A_665 = arith.constant 0 : i32
    %dma_wait3A_666 = tpu.memref_slice %arg6[%add3A_662, %dma_wait3A_665] : memref<160x256xf32, #tpu.memory_space<hbm>> -> memref<1x256xf32, #tpu.memory_space<hbm>>
    %dma_wait3A_667 = tpu.memref_squeeze %dma_wait3A_666 : memref<1x256xf32, #tpu.memory_space<hbm>> -> memref<256xf32, #tpu.memory_space<hbm>>
    %dma_wait3A_668 = arith.constant 0 : i32
    %dma_wait3A_669 = tpu.memref_slice %arg6[%add3A_662, %dma_wait3A_668] : memref<160x256xf32, #tpu.memory_space<hbm>> -> memref<1x256xf32, #tpu.memory_space<hbm>>
    %dma_wait3A_670 = tpu.memref_squeeze %dma_wait3A_669 : memref<1x256xf32, #tpu.memory_space<hbm>> -> memref<256xf32, #tpu.memory_space<hbm>>
    %dma_wait3A_671 = arith.constant 0 : i32
    %dma_wait3A_672 = tpu.memref_slice %arg14[%dma_wait3A_671] : memref<1280xf32, #tpu.memory_space<vmem>> -> memref<256xf32, #tpu.memory_space<vmem>>
    tpu.wait_dma2 semaphore(%arg19 : memref<!tpu.dma_semaphore, #tpu.memory_space<semaphore_mem>>) src(%dma_wait3A_672 : memref<256xf32, #tpu.memory_space<vmem>>) dst(%dma_wait3A_670 : memref<256xf32, #tpu.memory_space<hbm>>)
    %add3A_673 = arith.constant 0 : i32
    %add3A_674 = arith.addi %mul3A_18, %add3A_673 : i32
    %dma_wait3A_675 = arith.constant 0 : i32
    %dma_wait3A_676 = tpu.memref_slice %arg16[%dma_wait3A_675] : memref<1280xf32, #tpu.memory_space<vmem>> -> memref<256xf32, #tpu.memory_space<vmem>>
    %dma_wait3A_677 = arith.constant 0 : i32
    %dma_wait3A_678 = tpu.memref_slice %arg7[%add3A_674, %dma_wait3A_677] : memref<160x256xf32, #tpu.memory_space<hbm>> -> memref<1x256xf32, #tpu.memory_space<hbm>>
    %dma_wait3A_679 = tpu.memref_squeeze %dma_wait3A_678 : memref<1x256xf32, #tpu.memory_space<hbm>> -> memref<256xf32, #tpu.memory_space<hbm>>
    %dma_wait3A_680 = arith.constant 0 : i32
    %dma_wait3A_681 = tpu.memref_slice %arg7[%add3A_674, %dma_wait3A_680] : memref<160x256xf32, #tpu.memory_space<hbm>> -> memref<1x256xf32, #tpu.memory_space<hbm>>
    %dma_wait3A_682 = tpu.memref_squeeze %dma_wait3A_681 : memref<1x256xf32, #tpu.memory_space<hbm>> -> memref<256xf32, #tpu.memory_space<hbm>>
    %dma_wait3A_683 = arith.constant 0 : i32
    %dma_wait3A_684 = tpu.memref_slice %arg16[%dma_wait3A_683] : memref<1280xf32, #tpu.memory_space<vmem>> -> memref<256xf32, #tpu.memory_space<vmem>>
    tpu.wait_dma2 semaphore(%arg19 : memref<!tpu.dma_semaphore, #tpu.memory_space<semaphore_mem>>) src(%dma_wait3A_684 : memref<256xf32, #tpu.memory_space<vmem>>) dst(%dma_wait3A_682 : memref<256xf32, #tpu.memory_space<hbm>>)
    %add3A_685 = arith.constant 0 : i32
    %add3A_686 = arith.addi %mul3A_18, %add3A_685 : i32
    %dma_wait3A_687 = arith.constant 0 : i32
    %dma_wait3A_688 = tpu.memref_slice %arg17[%dma_wait3A_687] : memref<1280xf32, #tpu.memory_space<vmem>> -> memref<256xf32, #tpu.memory_space<vmem>>
    %dma_wait3A_689 = arith.constant 0 : i32
    %dma_wait3A_690 = tpu.memref_slice %arg8[%add3A_686, %dma_wait3A_689] : memref<160x256xf32, #tpu.memory_space<hbm>> -> memref<1x256xf32, #tpu.memory_space<hbm>>
    %dma_wait3A_691 = tpu.memref_squeeze %dma_wait3A_690 : memref<1x256xf32, #tpu.memory_space<hbm>> -> memref<256xf32, #tpu.memory_space<hbm>>
    %dma_wait3A_692 = arith.constant 0 : i32
    %dma_wait3A_693 = tpu.memref_slice %arg8[%add3A_686, %dma_wait3A_692] : memref<160x256xf32, #tpu.memory_space<hbm>> -> memref<1x256xf32, #tpu.memory_space<hbm>>
    %dma_wait3A_694 = tpu.memref_squeeze %dma_wait3A_693 : memref<1x256xf32, #tpu.memory_space<hbm>> -> memref<256xf32, #tpu.memory_space<hbm>>
    %dma_wait3A_695 = arith.constant 0 : i32
    %dma_wait3A_696 = tpu.memref_slice %arg17[%dma_wait3A_695] : memref<1280xf32, #tpu.memory_space<vmem>> -> memref<256xf32, #tpu.memory_space<vmem>>
    tpu.wait_dma2 semaphore(%arg19 : memref<!tpu.dma_semaphore, #tpu.memory_space<semaphore_mem>>) src(%dma_wait3A_696 : memref<256xf32, #tpu.memory_space<vmem>>) dst(%dma_wait3A_694 : memref<256xf32, #tpu.memory_space<hbm>>)
    %add3A_697 = arith.constant 1 : i32
    %add3A_698 = arith.addi %mul3A_18, %add3A_697 : i32
    %dma_wait3A_699 = arith.constant 256 : i32
    %dma_wait3A_700 = tpu.memref_slice %arg14[%dma_wait3A_699] : memref<1280xf32, #tpu.memory_space<vmem>> -> memref<256xf32, #tpu.memory_space<vmem>>
    %dma_wait3A_701 = arith.constant 0 : i32
    %dma_wait3A_702 = tpu.memref_slice %arg6[%add3A_698, %dma_wait3A_701] : memref<160x256xf32, #tpu.memory_space<hbm>> -> memref<1x256xf32, #tpu.memory_space<hbm>>
    %dma_wait3A_703 = tpu.memref_squeeze %dma_wait3A_702 : memref<1x256xf32, #tpu.memory_space<hbm>> -> memref<256xf32, #tpu.memory_space<hbm>>
    %dma_wait3A_704 = arith.constant 0 : i32
    %dma_wait3A_705 = tpu.memref_slice %arg6[%add3A_698, %dma_wait3A_704] : memref<160x256xf32, #tpu.memory_space<hbm>> -> memref<1x256xf32, #tpu.memory_space<hbm>>
    %dma_wait3A_706 = tpu.memref_squeeze %dma_wait3A_705 : memref<1x256xf32, #tpu.memory_space<hbm>> -> memref<256xf32, #tpu.memory_space<hbm>>
    %dma_wait3A_707 = arith.constant 256 : i32
    %dma_wait3A_708 = tpu.memref_slice %arg14[%dma_wait3A_707] : memref<1280xf32, #tpu.memory_space<vmem>> -> memref<256xf32, #tpu.memory_space<vmem>>
    tpu.wait_dma2 semaphore(%arg19 : memref<!tpu.dma_semaphore, #tpu.memory_space<semaphore_mem>>) src(%dma_wait3A_708 : memref<256xf32, #tpu.memory_space<vmem>>) dst(%dma_wait3A_706 : memref<256xf32, #tpu.memory_space<hbm>>)
    %add3A_709 = arith.constant 1 : i32
    %add3A_710 = arith.addi %mul3A_18, %add3A_709 : i32
    %dma_wait3A_711 = arith.constant 256 : i32
    %dma_wait3A_712 = tpu.memref_slice %arg16[%dma_wait3A_711] : memref<1280xf32, #tpu.memory_space<vmem>> -> memref<256xf32, #tpu.memory_space<vmem>>
    %dma_wait3A_713 = arith.constant 0 : i32
    %dma_wait3A_714 = tpu.memref_slice %arg7[%add3A_710, %dma_wait3A_713] : memref<160x256xf32, #tpu.memory_space<hbm>> -> memref<1x256xf32, #tpu.memory_space<hbm>>
    %dma_wait3A_715 = tpu.memref_squeeze %dma_wait3A_714 : memref<1x256xf32, #tpu.memory_space<hbm>> -> memref<256xf32, #tpu.memory_space<hbm>>
    %dma_wait3A_716 = arith.constant 0 : i32
    %dma_wait3A_717 = tpu.memref_slice %arg7[%add3A_710, %dma_wait3A_716] : memref<160x256xf32, #tpu.memory_space<hbm>> -> memref<1x256xf32, #tpu.memory_space<hbm>>
    %dma_wait3A_718 = tpu.memref_squeeze %dma_wait3A_717 : memref<1x256xf32, #tpu.memory_space<hbm>> -> memref<256xf32, #tpu.memory_space<hbm>>
    %dma_wait3A_719 = arith.constant 256 : i32
    %dma_wait3A_720 = tpu.memref_slice %arg16[%dma_wait3A_719] : memref<1280xf32, #tpu.memory_space<vmem>> -> memref<256xf32, #tpu.memory_space<vmem>>
    tpu.wait_dma2 semaphore(%arg19 : memref<!tpu.dma_semaphore, #tpu.memory_space<semaphore_mem>>) src(%dma_wait3A_720 : memref<256xf32, #tpu.memory_space<vmem>>) dst(%dma_wait3A_718 : memref<256xf32, #tpu.memory_space<hbm>>)
    %add3A_721 = arith.constant 1 : i32
    %add3A_722 = arith.addi %mul3A_18, %add3A_721 : i32
    %dma_wait3A_723 = arith.constant 256 : i32
    %dma_wait3A_724 = tpu.memref_slice %arg17[%dma_wait3A_723] : memref<1280xf32, #tpu.memory_space<vmem>> -> memref<256xf32, #tpu.memory_space<vmem>>
    %dma_wait3A_725 = arith.constant 0 : i32
    %dma_wait3A_726 = tpu.memref_slice %arg8[%add3A_722, %dma_wait3A_725] : memref<160x256xf32, #tpu.memory_space<hbm>> -> memref<1x256xf32, #tpu.memory_space<hbm>>
    %dma_wait3A_727 = tpu.memref_squeeze %dma_wait3A_726 : memref<1x256xf32, #tpu.memory_space<hbm>> -> memref<256xf32, #tpu.memory_space<hbm>>
    %dma_wait3A_728 = arith.constant 0 : i32
    %dma_wait3A_729 = tpu.memref_slice %arg8[%add3A_722, %dma_wait3A_728] : memref<160x256xf32, #tpu.memory_space<hbm>> -> memref<1x256xf32, #tpu.memory_space<hbm>>
    %dma_wait3A_730 = tpu.memref_squeeze %dma_wait3A_729 : memref<1x256xf32, #tpu.memory_space<hbm>> -> memref<256xf32, #tpu.memory_space<hbm>>
    %dma_wait3A_731 = arith.constant 256 : i32
    %dma_wait3A_732 = tpu.memref_slice %arg17[%dma_wait3A_731] : memref<1280xf32, #tpu.memory_space<vmem>> -> memref<256xf32, #tpu.memory_space<vmem>>
    tpu.wait_dma2 semaphore(%arg19 : memref<!tpu.dma_semaphore, #tpu.memory_space<semaphore_mem>>) src(%dma_wait3A_732 : memref<256xf32, #tpu.memory_space<vmem>>) dst(%dma_wait3A_730 : memref<256xf32, #tpu.memory_space<hbm>>)
    %add3A_733 = arith.constant 2 : i32
    %add3A_734 = arith.addi %mul3A_18, %add3A_733 : i32
    %dma_wait3A_735 = arith.constant 512 : i32
    %dma_wait3A_736 = tpu.memref_slice %arg14[%dma_wait3A_735] : memref<1280xf32, #tpu.memory_space<vmem>> -> memref<256xf32, #tpu.memory_space<vmem>>
    %dma_wait3A_737 = arith.constant 0 : i32
    %dma_wait3A_738 = tpu.memref_slice %arg6[%add3A_734, %dma_wait3A_737] : memref<160x256xf32, #tpu.memory_space<hbm>> -> memref<1x256xf32, #tpu.memory_space<hbm>>
    %dma_wait3A_739 = tpu.memref_squeeze %dma_wait3A_738 : memref<1x256xf32, #tpu.memory_space<hbm>> -> memref<256xf32, #tpu.memory_space<hbm>>
    %dma_wait3A_740 = arith.constant 0 : i32
    %dma_wait3A_741 = tpu.memref_slice %arg6[%add3A_734, %dma_wait3A_740] : memref<160x256xf32, #tpu.memory_space<hbm>> -> memref<1x256xf32, #tpu.memory_space<hbm>>
    %dma_wait3A_742 = tpu.memref_squeeze %dma_wait3A_741 : memref<1x256xf32, #tpu.memory_space<hbm>> -> memref<256xf32, #tpu.memory_space<hbm>>
    %dma_wait3A_743 = arith.constant 512 : i32
    %dma_wait3A_744 = tpu.memref_slice %arg14[%dma_wait3A_743] : memref<1280xf32, #tpu.memory_space<vmem>> -> memref<256xf32, #tpu.memory_space<vmem>>
    tpu.wait_dma2 semaphore(%arg19 : memref<!tpu.dma_semaphore, #tpu.memory_space<semaphore_mem>>) src(%dma_wait3A_744 : memref<256xf32, #tpu.memory_space<vmem>>) dst(%dma_wait3A_742 : memref<256xf32, #tpu.memory_space<hbm>>)
    %add3A_745 = arith.constant 2 : i32
    %add3A_746 = arith.addi %mul3A_18, %add3A_745 : i32
    %dma_wait3A_747 = arith.constant 512 : i32
    %dma_wait3A_748 = tpu.memref_slice %arg16[%dma_wait3A_747] : memref<1280xf32, #tpu.memory_space<vmem>> -> memref<256xf32, #tpu.memory_space<vmem>>
    %dma_wait3A_749 = arith.constant 0 : i32
    %dma_wait3A_750 = tpu.memref_slice %arg7[%add3A_746, %dma_wait3A_749] : memref<160x256xf32, #tpu.memory_space<hbm>> -> memref<1x256xf32, #tpu.memory_space<hbm>>
    %dma_wait3A_751 = tpu.memref_squeeze %dma_wait3A_750 : memref<1x256xf32, #tpu.memory_space<hbm>> -> memref<256xf32, #tpu.memory_space<hbm>>
    %dma_wait3A_752 = arith.constant 0 : i32
    %dma_wait3A_753 = tpu.memref_slice %arg7[%add3A_746, %dma_wait3A_752] : memref<160x256xf32, #tpu.memory_space<hbm>> -> memref<1x256xf32, #tpu.memory_space<hbm>>
    %dma_wait3A_754 = tpu.memref_squeeze %dma_wait3A_753 : memref<1x256xf32, #tpu.memory_space<hbm>> -> memref<256xf32, #tpu.memory_space<hbm>>
    %dma_wait3A_755 = arith.constant 512 : i32
    %dma_wait3A_756 = tpu.memref_slice %arg16[%dma_wait3A_755] : memref<1280xf32, #tpu.memory_space<vmem>> -> memref<256xf32, #tpu.memory_space<vmem>>
    tpu.wait_dma2 semaphore(%arg19 : memref<!tpu.dma_semaphore, #tpu.memory_space<semaphore_mem>>) src(%dma_wait3A_756 : memref<256xf32, #tpu.memory_space<vmem>>) dst(%dma_wait3A_754 : memref<256xf32, #tpu.memory_space<hbm>>)
    %add3A_757 = arith.constant 2 : i32
    %add3A_758 = arith.addi %mul3A_18, %add3A_757 : i32
    %dma_wait3A_759 = arith.constant 512 : i32
    %dma_wait3A_760 = tpu.memref_slice %arg17[%dma_wait3A_759] : memref<1280xf32, #tpu.memory_space<vmem>> -> memref<256xf32, #tpu.memory_space<vmem>>
    %dma_wait3A_761 = arith.constant 0 : i32
    %dma_wait3A_762 = tpu.memref_slice %arg8[%add3A_758, %dma_wait3A_761] : memref<160x256xf32, #tpu.memory_space<hbm>> -> memref<1x256xf32, #tpu.memory_space<hbm>>
    %dma_wait3A_763 = tpu.memref_squeeze %dma_wait3A_762 : memref<1x256xf32, #tpu.memory_space<hbm>> -> memref<256xf32, #tpu.memory_space<hbm>>
    %dma_wait3A_764 = arith.constant 0 : i32
    %dma_wait3A_765 = tpu.memref_slice %arg8[%add3A_758, %dma_wait3A_764] : memref<160x256xf32, #tpu.memory_space<hbm>> -> memref<1x256xf32, #tpu.memory_space<hbm>>
    %dma_wait3A_766 = tpu.memref_squeeze %dma_wait3A_765 : memref<1x256xf32, #tpu.memory_space<hbm>> -> memref<256xf32, #tpu.memory_space<hbm>>
    %dma_wait3A_767 = arith.constant 512 : i32
    %dma_wait3A_768 = tpu.memref_slice %arg17[%dma_wait3A_767] : memref<1280xf32, #tpu.memory_space<vmem>> -> memref<256xf32, #tpu.memory_space<vmem>>
    tpu.wait_dma2 semaphore(%arg19 : memref<!tpu.dma_semaphore, #tpu.memory_space<semaphore_mem>>) src(%dma_wait3A_768 : memref<256xf32, #tpu.memory_space<vmem>>) dst(%dma_wait3A_766 : memref<256xf32, #tpu.memory_space<hbm>>)
    %add3A_769 = arith.constant 3 : i32
    %add3A_770 = arith.addi %mul3A_18, %add3A_769 : i32
    %dma_wait3A_771 = arith.constant 768 : i32
    %dma_wait3A_772 = tpu.memref_slice %arg14[%dma_wait3A_771] : memref<1280xf32, #tpu.memory_space<vmem>> -> memref<256xf32, #tpu.memory_space<vmem>>
    %dma_wait3A_773 = arith.constant 0 : i32
    %dma_wait3A_774 = tpu.memref_slice %arg6[%add3A_770, %dma_wait3A_773] : memref<160x256xf32, #tpu.memory_space<hbm>> -> memref<1x256xf32, #tpu.memory_space<hbm>>
    %dma_wait3A_775 = tpu.memref_squeeze %dma_wait3A_774 : memref<1x256xf32, #tpu.memory_space<hbm>> -> memref<256xf32, #tpu.memory_space<hbm>>
    %dma_wait3A_776 = arith.constant 0 : i32
    %dma_wait3A_777 = tpu.memref_slice %arg6[%add3A_770, %dma_wait3A_776] : memref<160x256xf32, #tpu.memory_space<hbm>> -> memref<1x256xf32, #tpu.memory_space<hbm>>
    %dma_wait3A_778 = tpu.memref_squeeze %dma_wait3A_777 : memref<1x256xf32, #tpu.memory_space<hbm>> -> memref<256xf32, #tpu.memory_space<hbm>>
    %dma_wait3A_779 = arith.constant 768 : i32
    %dma_wait3A_780 = tpu.memref_slice %arg14[%dma_wait3A_779] : memref<1280xf32, #tpu.memory_space<vmem>> -> memref<256xf32, #tpu.memory_space<vmem>>
    tpu.wait_dma2 semaphore(%arg19 : memref<!tpu.dma_semaphore, #tpu.memory_space<semaphore_mem>>) src(%dma_wait3A_780 : memref<256xf32, #tpu.memory_space<vmem>>) dst(%dma_wait3A_778 : memref<256xf32, #tpu.memory_space<hbm>>)
    %add3A_781 = arith.constant 3 : i32
    %add3A_782 = arith.addi %mul3A_18, %add3A_781 : i32
    %dma_wait3A_783 = arith.constant 768 : i32
    %dma_wait3A_784 = tpu.memref_slice %arg16[%dma_wait3A_783] : memref<1280xf32, #tpu.memory_space<vmem>> -> memref<256xf32, #tpu.memory_space<vmem>>
    %dma_wait3A_785 = arith.constant 0 : i32
    %dma_wait3A_786 = tpu.memref_slice %arg7[%add3A_782, %dma_wait3A_785] : memref<160x256xf32, #tpu.memory_space<hbm>> -> memref<1x256xf32, #tpu.memory_space<hbm>>
    %dma_wait3A_787 = tpu.memref_squeeze %dma_wait3A_786 : memref<1x256xf32, #tpu.memory_space<hbm>> -> memref<256xf32, #tpu.memory_space<hbm>>
    %dma_wait3A_788 = arith.constant 0 : i32
    %dma_wait3A_789 = tpu.memref_slice %arg7[%add3A_782, %dma_wait3A_788] : memref<160x256xf32, #tpu.memory_space<hbm>> -> memref<1x256xf32, #tpu.memory_space<hbm>>
    %dma_wait3A_790 = tpu.memref_squeeze %dma_wait3A_789 : memref<1x256xf32, #tpu.memory_space<hbm>> -> memref<256xf32, #tpu.memory_space<hbm>>
    %dma_wait3A_791 = arith.constant 768 : i32
    %dma_wait3A_792 = tpu.memref_slice %arg16[%dma_wait3A_791] : memref<1280xf32, #tpu.memory_space<vmem>> -> memref<256xf32, #tpu.memory_space<vmem>>
    tpu.wait_dma2 semaphore(%arg19 : memref<!tpu.dma_semaphore, #tpu.memory_space<semaphore_mem>>) src(%dma_wait3A_792 : memref<256xf32, #tpu.memory_space<vmem>>) dst(%dma_wait3A_790 : memref<256xf32, #tpu.memory_space<hbm>>)
    %add3A_793 = arith.constant 3 : i32
    %add3A_794 = arith.addi %mul3A_18, %add3A_793 : i32
    %dma_wait3A_795 = arith.constant 768 : i32
    %dma_wait3A_796 = tpu.memref_slice %arg17[%dma_wait3A_795] : memref<1280xf32, #tpu.memory_space<vmem>> -> memref<256xf32, #tpu.memory_space<vmem>>
    %dma_wait3A_797 = arith.constant 0 : i32
    %dma_wait3A_798 = tpu.memref_slice %arg8[%add3A_794, %dma_wait3A_797] : memref<160x256xf32, #tpu.memory_space<hbm>> -> memref<1x256xf32, #tpu.memory_space<hbm>>
    %dma_wait3A_799 = tpu.memref_squeeze %dma_wait3A_798 : memref<1x256xf32, #tpu.memory_space<hbm>> -> memref<256xf32, #tpu.memory_space<hbm>>
    %dma_wait3A_800 = arith.constant 0 : i32
    %dma_wait3A_801 = tpu.memref_slice %arg8[%add3A_794, %dma_wait3A_800] : memref<160x256xf32, #tpu.memory_space<hbm>> -> memref<1x256xf32, #tpu.memory_space<hbm>>
    %dma_wait3A_802 = tpu.memref_squeeze %dma_wait3A_801 : memref<1x256xf32, #tpu.memory_space<hbm>> -> memref<256xf32, #tpu.memory_space<hbm>>
    %dma_wait3A_803 = arith.constant 768 : i32
    %dma_wait3A_804 = tpu.memref_slice %arg17[%dma_wait3A_803] : memref<1280xf32, #tpu.memory_space<vmem>> -> memref<256xf32, #tpu.memory_space<vmem>>
    tpu.wait_dma2 semaphore(%arg19 : memref<!tpu.dma_semaphore, #tpu.memory_space<semaphore_mem>>) src(%dma_wait3A_804 : memref<256xf32, #tpu.memory_space<vmem>>) dst(%dma_wait3A_802 : memref<256xf32, #tpu.memory_space<hbm>>)
    %add3A_805 = arith.constant 4 : i32
    %add3A_806 = arith.addi %mul3A_18, %add3A_805 : i32
    %dma_wait3A_807 = arith.constant 1024 : i32
    %dma_wait3A_808 = tpu.memref_slice %arg14[%dma_wait3A_807] : memref<1280xf32, #tpu.memory_space<vmem>> -> memref<256xf32, #tpu.memory_space<vmem>>
    %dma_wait3A_809 = arith.constant 0 : i32
    %dma_wait3A_810 = tpu.memref_slice %arg6[%add3A_806, %dma_wait3A_809] : memref<160x256xf32, #tpu.memory_space<hbm>> -> memref<1x256xf32, #tpu.memory_space<hbm>>
    %dma_wait3A_811 = tpu.memref_squeeze %dma_wait3A_810 : memref<1x256xf32, #tpu.memory_space<hbm>> -> memref<256xf32, #tpu.memory_space<hbm>>
    %dma_wait3A_812 = arith.constant 0 : i32
    %dma_wait3A_813 = tpu.memref_slice %arg6[%add3A_806, %dma_wait3A_812] : memref<160x256xf32, #tpu.memory_space<hbm>> -> memref<1x256xf32, #tpu.memory_space<hbm>>
    %dma_wait3A_814 = tpu.memref_squeeze %dma_wait3A_813 : memref<1x256xf32, #tpu.memory_space<hbm>> -> memref<256xf32, #tpu.memory_space<hbm>>
    %dma_wait3A_815 = arith.constant 1024 : i32
    %dma_wait3A_816 = tpu.memref_slice %arg14[%dma_wait3A_815] : memref<1280xf32, #tpu.memory_space<vmem>> -> memref<256xf32, #tpu.memory_space<vmem>>
    tpu.wait_dma2 semaphore(%arg19 : memref<!tpu.dma_semaphore, #tpu.memory_space<semaphore_mem>>) src(%dma_wait3A_816 : memref<256xf32, #tpu.memory_space<vmem>>) dst(%dma_wait3A_814 : memref<256xf32, #tpu.memory_space<hbm>>)
    %add3A_817 = arith.constant 4 : i32
    %add3A_818 = arith.addi %mul3A_18, %add3A_817 : i32
    %dma_wait3A_819 = arith.constant 1024 : i32
    %dma_wait3A_820 = tpu.memref_slice %arg16[%dma_wait3A_819] : memref<1280xf32, #tpu.memory_space<vmem>> -> memref<256xf32, #tpu.memory_space<vmem>>
    %dma_wait3A_821 = arith.constant 0 : i32
    %dma_wait3A_822 = tpu.memref_slice %arg7[%add3A_818, %dma_wait3A_821] : memref<160x256xf32, #tpu.memory_space<hbm>> -> memref<1x256xf32, #tpu.memory_space<hbm>>
    %dma_wait3A_823 = tpu.memref_squeeze %dma_wait3A_822 : memref<1x256xf32, #tpu.memory_space<hbm>> -> memref<256xf32, #tpu.memory_space<hbm>>
    %dma_wait3A_824 = arith.constant 0 : i32
    %dma_wait3A_825 = tpu.memref_slice %arg7[%add3A_818, %dma_wait3A_824] : memref<160x256xf32, #tpu.memory_space<hbm>> -> memref<1x256xf32, #tpu.memory_space<hbm>>
    %dma_wait3A_826 = tpu.memref_squeeze %dma_wait3A_825 : memref<1x256xf32, #tpu.memory_space<hbm>> -> memref<256xf32, #tpu.memory_space<hbm>>
    %dma_wait3A_827 = arith.constant 1024 : i32
    %dma_wait3A_828 = tpu.memref_slice %arg16[%dma_wait3A_827] : memref<1280xf32, #tpu.memory_space<vmem>> -> memref<256xf32, #tpu.memory_space<vmem>>
    tpu.wait_dma2 semaphore(%arg19 : memref<!tpu.dma_semaphore, #tpu.memory_space<semaphore_mem>>) src(%dma_wait3A_828 : memref<256xf32, #tpu.memory_space<vmem>>) dst(%dma_wait3A_826 : memref<256xf32, #tpu.memory_space<hbm>>)
    %add3A_829 = arith.constant 4 : i32
    %add3A_830 = arith.addi %mul3A_18, %add3A_829 : i32
    %dma_wait3A_831 = arith.constant 1024 : i32
    %dma_wait3A_832 = tpu.memref_slice %arg17[%dma_wait3A_831] : memref<1280xf32, #tpu.memory_space<vmem>> -> memref<256xf32, #tpu.memory_space<vmem>>
    %dma_wait3A_833 = arith.constant 0 : i32
    %dma_wait3A_834 = tpu.memref_slice %arg8[%add3A_830, %dma_wait3A_833] : memref<160x256xf32, #tpu.memory_space<hbm>> -> memref<1x256xf32, #tpu.memory_space<hbm>>
    %dma_wait3A_835 = tpu.memref_squeeze %dma_wait3A_834 : memref<1x256xf32, #tpu.memory_space<hbm>> -> memref<256xf32, #tpu.memory_space<hbm>>
    %dma_wait3A_836 = arith.constant 0 : i32
    %dma_wait3A_837 = tpu.memref_slice %arg8[%add3A_830, %dma_wait3A_836] : memref<160x256xf32, #tpu.memory_space<hbm>> -> memref<1x256xf32, #tpu.memory_space<hbm>>
    %dma_wait3A_838 = tpu.memref_squeeze %dma_wait3A_837 : memref<1x256xf32, #tpu.memory_space<hbm>> -> memref<256xf32, #tpu.memory_space<hbm>>
    %dma_wait3A_839 = arith.constant 1024 : i32
    %dma_wait3A_840 = tpu.memref_slice %arg17[%dma_wait3A_839] : memref<1280xf32, #tpu.memory_space<vmem>> -> memref<256xf32, #tpu.memory_space<vmem>>
    tpu.wait_dma2 semaphore(%arg19 : memref<!tpu.dma_semaphore, #tpu.memory_space<semaphore_mem>>) src(%dma_wait3A_840 : memref<256xf32, #tpu.memory_space<vmem>>) dst(%dma_wait3A_838 : memref<256xf32, #tpu.memory_space<hbm>>)
    return
  }
}

module attributes {stable_mosaic.version = 14 : i64} {
  func.func @_thresh_body(%arg0: memref<160x20000xf32, #tpu.memory_space<vmem>>, %arg1: memref<160x16xf32, #tpu.memory_space<vmem>>) attributes {dimension_semantics = [], scalar_prefetch = 0 : i64, scratch_operands = 0 : i64, tpu.core_type = #tpu.core_type<tc>} {
    %get3A = arith.constant 0 : index
    %get3A_0 = arith.constant 0 : index
    %get3A_1 = vector.load %arg0[%get3A, %get3A_0] : memref<160x20000xf32, #tpu.memory_space<vmem>>, vector<160x20000xf32>
    %broadcast_in_dim3A = arith.constant 0 : i32
    %broadcast_in_dim3A_2 = vector.broadcast %broadcast_in_dim3A : i32 to vector<160x1xi32>
    %scan3A = arith.constant 0 : i32
    %scan3A_3 = arith.constant 26 : i32
    %scan3A_4 = arith.addi %scan3A, %scan3A_3 : i32
    %scan3A_5 = arith.constant 1 : i32
    %scan3A_6 = scf.for %scan3A_16 = %scan3A to %scan3A_4 step %scan3A_5 iter_args(%scan3A_17 = %broadcast_in_dim3A_2) -> (vector<160x1xi32>)  : i32 {
      %sub3A = arith.constant 25 : i32
      %sub3A_18 = arith.subi %sub3A, %scan3A_16 : i32
      %shift_left3A = arith.constant 1 : i32
      %shift_left3A_19 = arith.shli %shift_left3A, %sub3A_18 : i32
      %or3A = vector.broadcast %shift_left3A_19 : i32 to vector<160x1xi32>
      %or3A_20 = arith.ori %scan3A_17, %or3A : vector<160x1xi32>
      %add3A_21 = arith.constant 1008981770 : i32
      %add3A_22 = vector.broadcast %add3A_21 : i32 to vector<160x1xi32>
      %add3A_23 = arith.addi %add3A_22, %or3A_20 : vector<160x1xi32>
      %bitcast_convert_type3A_24 = tpu.bitcast %add3A_23 : vector<160x1xi32> -> vector<160x1xf32>
      %gt3A = vector.broadcast %bitcast_convert_type3A_24 : vector<160x1xf32> to vector<160x20000xf32>
      %gt3A_25 = arith.cmpf ogt, %get3A_1, %gt3A : vector<160x20000xf32>
      %convert_element_type3A = arith.extui %gt3A_25 : vector<160x20000xi1> to vector<160x20000xi32>
      %convert_element_type3A_26 = arith.sitofp %convert_element_type3A : vector<160x20000xi32> to vector<160x20000xf32>
      %reduce_sum3A = arith.constant dense<0.000000e+00> : vector<160xf32>
      %reduce_sum3A_27 = vector.multi_reduction <add>, %convert_element_type3A_26, %reduce_sum3A [1] : vector<160x20000xf32> to vector<160xf32>
      %broadcast_in_dim3A_28 = vector.shape_cast %reduce_sum3A_27 : vector<160xf32> to vector<160x1xf32>
      %ge3A = arith.constant 2.000000e+02 : f32
      %ge3A_29 = vector.broadcast %ge3A : f32 to vector<160x1xf32>
      %ge3A_30 = arith.cmpf oge, %broadcast_in_dim3A_28, %ge3A_29 : vector<160x1xf32>
      %select_n3A = arith.select %ge3A_30, %or3A_20, %scan3A_17 : vector<160x1xi1>, vector<160x1xi32>
      scf.yield %select_n3A : vector<160x1xi32>
    }
    %scan3A_7 = arith.constant 26 : i32
    %add3A = arith.constant 1008981770 : i32
    %add3A_8 = vector.broadcast %add3A : i32 to vector<160x1xi32>
    %add3A_9 = arith.addi %add3A_8, %scan3A_6 : vector<160x1xi32>
    %bitcast_convert_type3A = tpu.bitcast %add3A_9 : vector<160x1xi32> -> vector<160x1xf32>
    %max3A = arith.constant 0.00999999977 : f32
    %max3A_10 = vector.broadcast %max3A : f32 to vector<160x1xf32>
    %max3A_11 = arith.maximumf %bitcast_convert_type3A, %max3A_10 : vector<160x1xf32>
    %broadcast_in_dim3A_12 = vector.shape_cast %max3A_11 : vector<160x1xf32> to vector<160x1xf32>
    %broadcast_in_dim3A_13 = vector.broadcast %broadcast_in_dim3A_12 : vector<160x1xf32> to vector<160x16xf32>
    %swap3A = arith.constant 0 : index
    %swap3A_14 = arith.constant 0 : index
    %swap3A_15 = vector.load %arg1[%swap3A, %swap3A_14] : memref<160x16xf32, #tpu.memory_space<vmem>>, vector<160x16xf32>
    tpu.vector_store %arg1[%swap3A, %swap3A_14], %broadcast_in_dim3A_13 {strides = array<i32>} : memref<160x16xf32, #tpu.memory_space<vmem>>, vector<160x16xf32>,
    return
  }
}

module attributes {stable_mosaic.version = 14 : i64} {
  func.func @_rank_body(%arg0: i32, %arg1: memref<8x256xf32, #tpu.memory_space<vmem>>, %arg2: memref<8x256xf32, #tpu.memory_space<vmem>>, %arg3: memref<8x256xf32, #tpu.memory_space<vmem>>, %arg4: memref<8x256xf32, #tpu.memory_space<vmem>>, %arg5: memref<8x256xf32, #tpu.memory_space<vmem>>, %arg6: memref<8x256xf32, #tpu.memory_space<vmem>>) attributes {dimension_semantics = [#tpu.dimension_semantics<arbitrary>], iteration_bounds = array<i64: 20>, scalar_prefetch = 0 : i64, scratch_operands = 0 : i64, tpu.core_type = #tpu.core_type<tc>, window_params = [{transform_indices = @transform_0, window_bounds = array<i64: 8, 256>}, {transform_indices = @transform_1, window_bounds = array<i64: 8, 256>}, {transform_indices = @transform_2, window_bounds = array<i64: 8, 256>}, {transform_indices = @transform_3, window_bounds = array<i64: 8, 256>}, {transform_indices = @transform_4, window_bounds = array<i64: 8, 256>}, {transform_indices = @transform_5, window_bounds = array<i64: 8, 256>}]} {
    %get3A = arith.constant 0 : index
    %get3A_0 = arith.constant 0 : index
    %get3A_1 = vector.load %arg1[%get3A, %get3A_0] : memref<8x256xf32, #tpu.memory_space<vmem>>, vector<8x256xf32>
    %broadcast_in_dim3A = vector.shape_cast %get3A_1 : vector<8x256xf32> to vector<8x256x1xf32>
    %broadcast_in_dim3A_2 = arith.constant 0.000000e+00 : f32
    %broadcast_in_dim3A_3 = vector.broadcast %broadcast_in_dim3A_2 : f32 to vector<8x256xf32>
    %slice3A = vector.extract_strided_slice %get3A_1 {offsets = [0, 0], sizes = [8, 128], strides = [1, 1]} : vector<8x256xf32> to vector<8x128xf32>
    %broadcast_in_dim3A_4 = vector.shape_cast %slice3A : vector<8x128xf32> to vector<8x1x128xf32>
    %iota3A = tpu.iota {dimensions = array<i32: 2>} : vector<8x256x128xi32>
    %add3A = arith.constant 0 : i32
    %add3A_5 = vector.broadcast %add3A : i32 to vector<8x256x128xi32>
    %add3A_6 = arith.addi %add3A_5, %iota3A : vector<8x256x128xi32>
    %iota3A_7 = tpu.iota {dimensions = array<i32: 1>} : vector<8x256x128xi32>
    %gt3A = vector.broadcast %broadcast_in_dim3A_4 : vector<8x1x128xf32> to vector<8x256x128xf32>
    %gt3A_8 = vector.broadcast %broadcast_in_dim3A : vector<8x256x1xf32> to vector<8x256x128xf32>
    %gt3A_9 = arith.cmpf ogt, %gt3A, %gt3A_8 : vector<8x256x128xf32>
    %eq3A = vector.broadcast %broadcast_in_dim3A_4 : vector<8x1x128xf32> to vector<8x256x128xf32>
    %eq3A_10 = vector.broadcast %broadcast_in_dim3A : vector<8x256x1xf32> to vector<8x256x128xf32>
    %eq3A_11 = arith.cmpf oeq, %eq3A, %eq3A_10 : vector<8x256x128xf32>
    %lt3A = arith.cmpi slt, %add3A_6, %iota3A_7 : vector<8x256x128xi32>
    %and3A = arith.andi %eq3A_11, %lt3A : vector<8x256x128xi1>
    %or3A = arith.ori %gt3A_9, %and3A : vector<8x256x128xi1>
    %convert_element_type3A = arith.extui %or3A : vector<8x256x128xi1> to vector<8x256x128xi32>
    %convert_element_type3A_12 = arith.sitofp %convert_element_type3A : vector<8x256x128xi32> to vector<8x256x128xf32>
    %reduce_sum3A = arith.constant dense<0.000000e+00> : vector<8x256xf32>
    %reduce_sum3A_13 = vector.multi_reduction <add>, %convert_element_type3A_12, %reduce_sum3A [2] : vector<8x256x128xf32> to vector<8x256xf32>
    %add3A_14 = arith.addf %broadcast_in_dim3A_3, %reduce_sum3A_13 : vector<8x256xf32>
    %slice3A_15 = vector.extract_strided_slice %get3A_1 {offsets = [0, 128], sizes = [8, 128], strides = [1, 1]} : vector<8x256xf32> to vector<8x128xf32>
    %broadcast_in_dim3A_16 = vector.shape_cast %slice3A_15 : vector<8x128xf32> to vector<8x1x128xf32>
    %iota3A_17 = tpu.iota {dimensions = array<i32: 2>} : vector<8x256x128xi32>
    %add3A_18 = arith.constant 128 : i32
    %add3A_19 = vector.broadcast %add3A_18 : i32 to vector<8x256x128xi32>
    %add3A_20 = arith.addi %add3A_19, %iota3A_17 : vector<8x256x128xi32>
    %iota3A_21 = tpu.iota {dimensions = array<i32: 1>} : vector<8x256x128xi32>
    %gt3A_22 = vector.broadcast %broadcast_in_dim3A_16 : vector<8x1x128xf32> to vector<8x256x128xf32>
    %gt3A_23 = vector.broadcast %broadcast_in_dim3A : vector<8x256x1xf32> to vector<8x256x128xf32>
    %gt3A_24 = arith.cmpf ogt, %gt3A_22, %gt3A_23 : vector<8x256x128xf32>
    %eq3A_25 = vector.broadcast %broadcast_in_dim3A_16 : vector<8x1x128xf32> to vector<8x256x128xf32>
    %eq3A_26 = vector.broadcast %broadcast_in_dim3A : vector<8x256x1xf32> to vector<8x256x128xf32>
    %eq3A_27 = arith.cmpf oeq, %eq3A_25, %eq3A_26 : vector<8x256x128xf32>
    %lt3A_28 = arith.cmpi slt, %add3A_20, %iota3A_21 : vector<8x256x128xi32>
    %and3A_29 = arith.andi %eq3A_27, %lt3A_28 : vector<8x256x128xi1>
    %or3A_30 = arith.ori %gt3A_24, %and3A_29 : vector<8x256x128xi1>
    %convert_element_type3A_31 = arith.extui %or3A_30 : vector<8x256x128xi1> to vector<8x256x128xi32>
    %convert_element_type3A_32 = arith.sitofp %convert_element_type3A_31 : vector<8x256x128xi32> to vector<8x256x128xf32>
    %reduce_sum3A_33 = arith.constant dense<0.000000e+00> : vector<8x256xf32>
    %reduce_sum3A_34 = vector.multi_reduction <add>, %convert_element_type3A_32, %reduce_sum3A_33 [2] : vector<8x256x128xf32> to vector<8x256xf32>
    %add3A_35 = arith.addf %add3A_14, %reduce_sum3A_34 : vector<8x256xf32>
    %get3A_36 = arith.constant 0 : index
    %get3A_37 = arith.constant 0 : index
    %get3A_38 = vector.load %arg2[%get3A_36, %get3A_37] : memref<8x256xf32, #tpu.memory_space<vmem>>, vector<8x256xf32>
    %get3A_39 = arith.constant 0 : index
    %get3A_40 = arith.constant 0 : index
    %get3A_41 = vector.load %arg3[%get3A_39, %get3A_40] : memref<8x256xf32, #tpu.memory_space<vmem>>, vector<8x256xf32>
    %iota3A_42 = tpu.iota {dimensions = array<i32: 2>} : vector<8x256x128xi32>
    %add3A_43 = arith.constant 0 : i32
    %add3A_44 = vector.broadcast %add3A_43 : i32 to vector<8x256x128xi32>
    %add3A_45 = arith.addi %add3A_44, %iota3A_42 : vector<8x256x128xi32>
    %convert_element_type3A_46 = arith.sitofp %add3A_45 : vector<8x256x128xi32> to vector<8x256x128xf32>
    %broadcast_in_dim3A_47 = vector.shape_cast %add3A_35 : vector<8x256xf32> to vector<8x256x1xf32>
    %eq3A_48 = vector.broadcast %broadcast_in_dim3A_47 : vector<8x256x1xf32> to vector<8x256x128xf32>
    %eq3A_49 = arith.cmpf oeq, %eq3A_48, %convert_element_type3A_46 : vector<8x256x128xf32>
    %convert_element_type3A_50 = arith.extui %eq3A_49 : vector<8x256x128xi1> to vector<8x256x128xi32>
    %convert_element_type3A_51 = arith.sitofp %convert_element_type3A_50 : vector<8x256x128xi32> to vector<8x256x128xf32>
    %broadcast_in_dim3A_52 = vector.shape_cast %get3A_1 : vector<8x256xf32> to vector<8x256x1xf32>
    %mul3A = vector.broadcast %broadcast_in_dim3A_52 : vector<8x256x1xf32> to vector<8x256x128xf32>
    %mul3A_53 = arith.mulf %mul3A, %convert_element_type3A_51 : vector<8x256x128xf32>
    %reduce_sum3A_54 = arith.constant dense<0.000000e+00> : vector<8x128xf32>
    %reduce_sum3A_55 = vector.multi_reduction <add>, %mul3A_53, %reduce_sum3A_54 [1] : vector<8x256x128xf32> to vector<8x128xf32>
    %swap3A = arith.constant 0 : index
    %swap3A_56 = arith.constant 0 : index
    %swap3A_57 = vector.load %arg4[%swap3A, %swap3A_56] : memref<8x256xf32, #tpu.memory_space<vmem>>, vector<8x128xf32>
    tpu.vector_store %arg4[%swap3A, %swap3A_56], %reduce_sum3A_55 {strides = array<i32>} : memref<8x256xf32, #tpu.memory_space<vmem>>, vector<8x128xf32>,
    %broadcast_in_dim3A_58 = vector.shape_cast %get3A_38 : vector<8x256xf32> to vector<8x256x1xf32>
    %mul3A_59 = vector.broadcast %broadcast_in_dim3A_58 : vector<8x256x1xf32> to vector<8x256x128xf32>
    %mul3A_60 = arith.mulf %mul3A_59, %convert_element_type3A_51 : vector<8x256x128xf32>
    %reduce_sum3A_61 = arith.constant dense<0.000000e+00> : vector<8x128xf32>
    %reduce_sum3A_62 = vector.multi_reduction <add>, %mul3A_60, %reduce_sum3A_61 [1] : vector<8x256x128xf32> to vector<8x128xf32>
    %swap3A_63 = arith.constant 0 : index
    %swap3A_64 = arith.constant 0 : index
    %swap3A_65 = vector.load %arg5[%swap3A_63, %swap3A_64] : memref<8x256xf32, #tpu.memory_space<vmem>>, vector<8x128xf32>
    tpu.vector_store %arg5[%swap3A_63, %swap3A_64], %reduce_sum3A_62 {strides = array<i32>} : memref<8x256xf32, #tpu.memory_space<vmem>>, vector<8x128xf32>,
    %broadcast_in_dim3A_66 = vector.shape_cast %get3A_41 : vector<8x256xf32> to vector<8x256x1xf32>
    %mul3A_67 = vector.broadcast %broadcast_in_dim3A_66 : vector<8x256x1xf32> to vector<8x256x128xf32>
    %mul3A_68 = arith.mulf %mul3A_67, %convert_element_type3A_51 : vector<8x256x128xf32>
    %reduce_sum3A_69 = arith.constant dense<0.000000e+00> : vector<8x128xf32>
    %reduce_sum3A_70 = vector.multi_reduction <add>, %mul3A_68, %reduce_sum3A_69 [1] : vector<8x256x128xf32> to vector<8x128xf32>
    %swap3A_71 = arith.constant 0 : index
    %swap3A_72 = arith.constant 0 : index
    %swap3A_73 = vector.load %arg6[%swap3A_71, %swap3A_72] : memref<8x256xf32, #tpu.memory_space<vmem>>, vector<8x128xf32>
    tpu.vector_store %arg6[%swap3A_71, %swap3A_72], %reduce_sum3A_70 {strides = array<i32>} : memref<8x256xf32, #tpu.memory_space<vmem>>, vector<8x128xf32>,
    %iota3A_74 = tpu.iota {dimensions = array<i32: 2>} : vector<8x256x128xi32>
    %add3A_75 = arith.constant 128 : i32
    %add3A_76 = vector.broadcast %add3A_75 : i32 to vector<8x256x128xi32>
    %add3A_77 = arith.addi %add3A_76, %iota3A_74 : vector<8x256x128xi32>
    %convert_element_type3A_78 = arith.sitofp %add3A_77 : vector<8x256x128xi32> to vector<8x256x128xf32>
    %broadcast_in_dim3A_79 = vector.shape_cast %add3A_35 : vector<8x256xf32> to vector<8x256x1xf32>
    %eq3A_80 = vector.broadcast %broadcast_in_dim3A_79 : vector<8x256x1xf32> to vector<8x256x128xf32>
    %eq3A_81 = arith.cmpf oeq, %eq3A_80, %convert_element_type3A_78 : vector<8x256x128xf32>
    %convert_element_type3A_82 = arith.extui %eq3A_81 : vector<8x256x128xi1> to vector<8x256x128xi32>
    %convert_element_type3A_83 = arith.sitofp %convert_element_type3A_82 : vector<8x256x128xi32> to vector<8x256x128xf32>
    %broadcast_in_dim3A_84 = vector.shape_cast %get3A_1 : vector<8x256xf32> to vector<8x256x1xf32>
    %mul3A_85 = vector.broadcast %broadcast_in_dim3A_84 : vector<8x256x1xf32> to vector<8x256x128xf32>
    %mul3A_86 = arith.mulf %mul3A_85, %convert_element_type3A_83 : vector<8x256x128xf32>
    %reduce_sum3A_87 = arith.constant dense<0.000000e+00> : vector<8x128xf32>
    %reduce_sum3A_88 = vector.multi_reduction <add>, %mul3A_86, %reduce_sum3A_87 [1] : vector<8x256x128xf32> to vector<8x128xf32>
    %swap3A_89 = arith.constant 0 : index
    %swap3A_90 = arith.constant 128 : index
    %swap3A_91 = vector.load %arg4[%swap3A_89, %swap3A_90] : memref<8x256xf32, #tpu.memory_space<vmem>>, vector<8x128xf32>
    tpu.vector_store %arg4[%swap3A_89, %swap3A_90], %reduce_sum3A_88 {strides = array<i32>} : memref<8x256xf32, #tpu.memory_space<vmem>>, vector<8x128xf32>,
    %broadcast_in_dim3A_92 = vector.shape_cast %get3A_38 : vector<8x256xf32> to vector<8x256x1xf32>
    %mul3A_93 = vector.broadcast %broadcast_in_dim3A_92 : vector<8x256x1xf32> to vector<8x256x128xf32>
    %mul3A_94 = arith.mulf %mul3A_93, %convert_element_type3A_83 : vector<8x256x128xf32>
    %reduce_sum3A_95 = arith.constant dense<0.000000e+00> : vector<8x128xf32>
    %reduce_sum3A_96 = vector.multi_reduction <add>, %mul3A_94, %reduce_sum3A_95 [1] : vector<8x256x128xf32> to vector<8x128xf32>
    %swap3A_97 = arith.constant 0 : index
    %swap3A_98 = arith.constant 128 : index
    %swap3A_99 = vector.load %arg5[%swap3A_97, %swap3A_98] : memref<8x256xf32, #tpu.memory_space<vmem>>, vector<8x128xf32>
    tpu.vector_store %arg5[%swap3A_97, %swap3A_98], %reduce_sum3A_96 {strides = array<i32>} : memref<8x256xf32, #tpu.memory_space<vmem>>, vector<8x128xf32>,
    %broadcast_in_dim3A_100 = vector.shape_cast %get3A_41 : vector<8x256xf32> to vector<8x256x1xf32>
    %mul3A_101 = vector.broadcast %broadcast_in_dim3A_100 : vector<8x256x1xf32> to vector<8x256x128xf32>
    %mul3A_102 = arith.mulf %mul3A_101, %convert_element_type3A_83 : vector<8x256x128xf32>
    %reduce_sum3A_103 = arith.constant dense<0.000000e+00> : vector<8x128xf32>
    %reduce_sum3A_104 = vector.multi_reduction <add>, %mul3A_102, %reduce_sum3A_103 [1] : vector<8x256x128xf32> to vector<8x128xf32>
    %swap3A_105 = arith.constant 0 : index
    %swap3A_106 = arith.constant 128 : index
    %swap3A_107 = vector.load %arg6[%swap3A_105, %swap3A_106] : memref<8x256xf32, #tpu.memory_space<vmem>>, vector<8x128xf32>
    tpu.vector_store %arg6[%swap3A_105, %swap3A_106], %reduce_sum3A_104 {strides = array<i32>} : memref<8x256xf32, #tpu.memory_space<vmem>>, vector<8x128xf32>,
    return
  }
  func.func @transform_0(%arg0: i32) -> (i32, i32) {
    %c0_i32 = arith.constant 0 : i32
    %c0_i32_0 = arith.constant 0 : i32
    return %arg0, %c0_i32 : i32, i32
  }
  func.func @transform_1(%arg0: i32) -> (i32, i32) {
    %c0_i32 = arith.constant 0 : i32
    %c0_i32_0 = arith.constant 0 : i32
    return %arg0, %c0_i32 : i32, i32
  }
  func.func @transform_2(%arg0: i32) -> (i32, i32) {
    %c0_i32 = arith.constant 0 : i32
    %c0_i32_0 = arith.constant 0 : i32
    return %arg0, %c0_i32 : i32, i32
  }
  func.func @transform_3(%arg0: i32) -> (i32, i32) {
    %c0_i32 = arith.constant 0 : i32
    %c0_i32_0 = arith.constant 0 : i32
    return %arg0, %c0_i32 : i32, i32
  }
  func.func @transform_4(%arg0: i32) -> (i32, i32) {
    %c0_i32 = arith.constant 0 : i32
    %c0_i32_0 = arith.constant 0 : i32
    return %arg0, %c0_i32 : i32, i32
  }
  func.func @transform_5(%arg0: i32) -> (i32, i32) {
    %c0_i32 = arith.constant 0 : i32
    %c0_i32_0 = arith.constant 0 : i32
    return %arg0, %c0_i32 : i32, i32
  }
}

module attributes {stable_mosaic.version = 14 : i64} {
  func.func @_nms_body(%arg0: memref<200x160xf32, #tpu.memory_space<vmem>>, %arg1: memref<200x160xf32, #tpu.memory_space<vmem>>, %arg2: memref<200x160xf32, #tpu.memory_space<vmem>>, %arg3: memref<200x160xf32, #tpu.memory_space<vmem>>, %arg4: memref<200x160xf32, #tpu.memory_space<vmem>>, %arg5: memref<200x160xf32, #tpu.memory_space<vmem>>, %arg6: memref<200x160xf32, #tpu.memory_space<vmem>>) attributes {dimension_semantics = [], scalar_prefetch = 0 : i64, scratch_operands = 1 : i64, tpu.core_type = #tpu.core_type<tc>} {
    %get3A = arith.constant 0 : index
    %get3A_0 = arith.constant 0 : index
    %get3A_1 = vector.load %arg2[%get3A, %get3A_0] : memref<200x160xf32, #tpu.memory_space<vmem>>, vector<200x160xf32>
    %gt3A = arith.constant 0.00999999977 : f32
    %gt3A_2 = vector.broadcast %gt3A : f32 to vector<200x160xf32>
    %gt3A_3 = arith.cmpf ogt, %get3A_1, %gt3A_2 : vector<200x160xf32>
    %convert_element_type3A = arith.extui %gt3A_3 : vector<200x160xi1> to vector<200x160xi32>
    %convert_element_type3A_4 = arith.sitofp %convert_element_type3A : vector<200x160xi32> to vector<200x160xf32>
    %swap3A = arith.constant 0 : index
    %swap3A_5 = arith.constant 0 : index
    %swap3A_6 = vector.load %arg6[%swap3A, %swap3A_5] : memref<200x160xf32, #tpu.memory_space<vmem>>, vector<200x160xf32>
    tpu.vector_store %arg6[%swap3A, %swap3A_5], %convert_element_type3A_4 {strides = array<i32>} : memref<200x160xf32, #tpu.memory_space<vmem>>, vector<200x160xf32>,
    %get3A_7 = arith.constant 0 : index
    %get3A_8 = arith.constant 0 : index
    %get3A_9 = vector.load %arg0[%get3A_7, %get3A_8] : memref<200x160xf32, #tpu.memory_space<vmem>>, vector<200x160xf32>
    %get3A_10 = arith.constant 0 : index
    %get3A_11 = arith.constant 0 : index
    %get3A_12 = vector.load %arg1[%get3A_10, %get3A_11] : memref<200x160xf32, #tpu.memory_space<vmem>>, vector<200x160xf32>
    %sub3A = arith.subf %get3A_12, %get3A_9 : vector<200x160xf32>
    %max3A = arith.constant 0.000000e+00 : f32
    %max3A_13 = vector.broadcast %max3A : f32 to vector<200x160xf32>
    %max3A_14 = arith.maximumf %sub3A, %max3A_13 : vector<200x160xf32>
    %iota3A = tpu.iota {dimensions = array<i32: 0>} : vector<200x160xi32>
    %add3A = arith.constant 0 : i32
    %add3A_15 = vector.broadcast %add3A : i32 to vector<200x160xi32>
    %add3A_16 = arith.addi %add3A_15, %iota3A : vector<200x160xi32>
    %scan3A = arith.constant 0 : i32
    %scan3A_17 = arith.constant 8 : i32
    %scan3A_18 = arith.addi %scan3A, %scan3A_17 : i32
    %scan3A_19 = arith.constant 1 : i32
    scf.for %scan3A_500 = %scan3A to %scan3A_18 step %scan3A_19  : i32 {
      %add3A_501 = arith.constant 0 : i32
      %add3A_502 = arith.addi %add3A_501, %scan3A_500 : i32
      %get3A_503 = arith.index_cast %add3A_502 : i32 to index
      %get3A_504 = arith.constant 0 : index
      %get3A_505 = vector.load %arg0[%get3A_503, %get3A_504] : memref<200x160xf32, #tpu.memory_space<vmem>>, vector<1x160xf32>
      %get3A_506 = arith.index_cast %add3A_502 : i32 to index
      %get3A_507 = arith.constant 0 : index
      %get3A_508 = vector.load %arg1[%get3A_506, %get3A_507] : memref<200x160xf32, #tpu.memory_space<vmem>>, vector<1x160xf32>
      %sub3A_509 = arith.subf %get3A_508, %get3A_505 : vector<1x160xf32>
      %max3A_510 = arith.constant 0.000000e+00 : f32
      %max3A_511 = vector.broadcast %max3A_510 : f32 to vector<1x160xf32>
      %max3A_512 = arith.maximumf %sub3A_509, %max3A_511 : vector<1x160xf32>
      %get3A_513 = arith.index_cast %add3A_502 : i32 to index
      %get3A_514 = arith.constant 0 : index
      %get3A_515 = vector.load %arg6[%get3A_513, %get3A_514] : memref<200x160xf32, #tpu.memory_space<vmem>>, vector<1x160xf32>
      %min3A = vector.broadcast %get3A_508 : vector<1x160xf32> to vector<200x160xf32>
      %min3A_516 = arith.minimumf %get3A_12, %min3A : vector<200x160xf32>
      %max3A_517 = vector.broadcast %get3A_505 : vector<1x160xf32> to vector<200x160xf32>
      %max3A_518 = arith.maximumf %get3A_9, %max3A_517 : vector<200x160xf32>
      %sub3A_519 = arith.subf %min3A_516, %max3A_518 : vector<200x160xf32>
      %max3A_520 = arith.constant 0.000000e+00 : f32
      %max3A_521 = vector.broadcast %max3A_520 : f32 to vector<200x160xf32>
      %max3A_522 = arith.maximumf %sub3A_519, %max3A_521 : vector<200x160xf32>
      %add3A_523 = vector.broadcast %max3A_512 : vector<1x160xf32> to vector<200x160xf32>
      %add3A_524 = arith.addf %max3A_14, %add3A_523 : vector<200x160xf32>
      %sub3A_525 = arith.subf %add3A_524, %max3A_522 : vector<200x160xf32>
      %add3A_526 = arith.constant 9.99999971E-10 : f32
      %add3A_527 = vector.broadcast %add3A_526 : f32 to vector<200x160xf32>
      %add3A_528 = arith.addf %sub3A_525, %add3A_527 : vector<200x160xf32>
      %div3A = arith.divf %max3A_522, %add3A_528 : vector<200x160xf32>
      %gt3A_529 = arith.constant 4.500000e-01 : f32
      %gt3A_530 = vector.broadcast %gt3A_529 : f32 to vector<200x160xf32>
      %gt3A_531 = arith.cmpf ogt, %div3A, %gt3A_530 : vector<200x160xf32>
      %gt3A_532 = vector.broadcast %add3A_502 : i32 to vector<200x160xi32>
      %gt3A_533 = arith.cmpi sgt, %add3A_16, %gt3A_532 : vector<200x160xi32>
      %and3A = arith.andi %gt3A_531, %gt3A_533 : vector<200x160xi1>
      %convert_element_type3A_534 = arith.extui %and3A : vector<200x160xi1> to vector<200x160xi32>
      %convert_element_type3A_535 = arith.sitofp %convert_element_type3A_534 : vector<200x160xi32> to vector<200x160xf32>
      %get3A_536 = arith.constant 0 : index
      %get3A_537 = arith.constant 0 : index
      %get3A_538 = vector.load %arg6[%get3A_536, %get3A_537] : memref<200x160xf32, #tpu.memory_space<vmem>>, vector<200x160xf32>
      %mul3A_539 = vector.broadcast %get3A_515 : vector<1x160xf32> to vector<200x160xf32>
      %mul3A_540 = arith.mulf %mul3A_539, %convert_element_type3A_535 : vector<200x160xf32>
      %sub3A_541 = arith.constant 1.000000e+00 : f32
      %sub3A_542 = vector.broadcast %sub3A_541 : f32 to vector<200x160xf32>
      %sub3A_543 = arith.subf %sub3A_542, %mul3A_540 : vector<200x160xf32>
      %mul3A_544 = arith.mulf %get3A_538, %sub3A_543 : vector<200x160xf32>
      %swap3A_545 = arith.constant 0 : index
      %swap3A_546 = arith.constant 0 : index
      %swap3A_547 = vector.load %arg6[%swap3A_545, %swap3A_546] : memref<200x160xf32, #tpu.memory_space<vmem>>, vector<200x160xf32>
      tpu.vector_store %arg6[%swap3A_545, %swap3A_546], %mul3A_544 {strides = array<i32>} : memref<200x160xf32, #tpu.memory_space<vmem>>, vector<200x160xf32>,
    }
    %scan3A_20 = arith.constant 8 : i32
    %get3A_21 = arith.constant 8 : index
    %get3A_22 = arith.constant 0 : index
    %get3A_23 = vector.load %arg0[%get3A_21, %get3A_22] : memref<200x160xf32, #tpu.memory_space<vmem>>, vector<192x160xf32>
    %get3A_24 = arith.constant 8 : index
    %get3A_25 = arith.constant 0 : index
    %get3A_26 = vector.load %arg1[%get3A_24, %get3A_25] : memref<200x160xf32, #tpu.memory_space<vmem>>, vector<192x160xf32>
    %sub3A_27 = arith.subf %get3A_26, %get3A_23 : vector<192x160xf32>
    %max3A_28 = arith.constant 0.000000e+00 : f32
    %max3A_29 = vector.broadcast %max3A_28 : f32 to vector<192x160xf32>
    %max3A_30 = arith.maximumf %sub3A_27, %max3A_29 : vector<192x160xf32>
    %iota3A_31 = tpu.iota {dimensions = array<i32: 0>} : vector<192x160xi32>
    %add3A_32 = arith.constant 8 : i32
    %add3A_33 = vector.broadcast %add3A_32 : i32 to vector<192x160xi32>
    %add3A_34 = arith.addi %add3A_33, %iota3A_31 : vector<192x160xi32>
    %scan3A_35 = arith.constant 0 : i32
    %scan3A_36 = arith.constant 8 : i32
    %scan3A_37 = arith.addi %scan3A_35, %scan3A_36 : i32
    %scan3A_38 = arith.constant 1 : i32
    scf.for %scan3A_500 = %scan3A_35 to %scan3A_37 step %scan3A_38  : i32 {
      %add3A_501 = arith.constant 8 : i32
      %add3A_502 = arith.addi %add3A_501, %scan3A_500 : i32
      %get3A_503 = arith.index_cast %add3A_502 : i32 to index
      %get3A_504 = arith.constant 0 : index
      %get3A_505 = vector.load %arg0[%get3A_503, %get3A_504] : memref<200x160xf32, #tpu.memory_space<vmem>>, vector<1x160xf32>
      %get3A_506 = arith.index_cast %add3A_502 : i32 to index
      %get3A_507 = arith.constant 0 : index
      %get3A_508 = vector.load %arg1[%get3A_506, %get3A_507] : memref<200x160xf32, #tpu.memory_space<vmem>>, vector<1x160xf32>
      %sub3A_509 = arith.subf %get3A_508, %get3A_505 : vector<1x160xf32>
      %max3A_510 = arith.constant 0.000000e+00 : f32
      %max3A_511 = vector.broadcast %max3A_510 : f32 to vector<1x160xf32>
      %max3A_512 = arith.maximumf %sub3A_509, %max3A_511 : vector<1x160xf32>
      %get3A_513 = arith.index_cast %add3A_502 : i32 to index
      %get3A_514 = arith.constant 0 : index
      %get3A_515 = vector.load %arg6[%get3A_513, %get3A_514] : memref<200x160xf32, #tpu.memory_space<vmem>>, vector<1x160xf32>
      %min3A = vector.broadcast %get3A_508 : vector<1x160xf32> to vector<192x160xf32>
      %min3A_516 = arith.minimumf %get3A_26, %min3A : vector<192x160xf32>
      %max3A_517 = vector.broadcast %get3A_505 : vector<1x160xf32> to vector<192x160xf32>
      %max3A_518 = arith.maximumf %get3A_23, %max3A_517 : vector<192x160xf32>
      %sub3A_519 = arith.subf %min3A_516, %max3A_518 : vector<192x160xf32>
      %max3A_520 = arith.constant 0.000000e+00 : f32
      %max3A_521 = vector.broadcast %max3A_520 : f32 to vector<192x160xf32>
      %max3A_522 = arith.maximumf %sub3A_519, %max3A_521 : vector<192x160xf32>
      %add3A_523 = vector.broadcast %max3A_512 : vector<1x160xf32> to vector<192x160xf32>
      %add3A_524 = arith.addf %max3A_30, %add3A_523 : vector<192x160xf32>
      %sub3A_525 = arith.subf %add3A_524, %max3A_522 : vector<192x160xf32>
      %add3A_526 = arith.constant 9.99999971E-10 : f32
      %add3A_527 = vector.broadcast %add3A_526 : f32 to vector<192x160xf32>
      %add3A_528 = arith.addf %sub3A_525, %add3A_527 : vector<192x160xf32>
      %div3A = arith.divf %max3A_522, %add3A_528 : vector<192x160xf32>
      %gt3A_529 = arith.constant 4.500000e-01 : f32
      %gt3A_530 = vector.broadcast %gt3A_529 : f32 to vector<192x160xf32>
      %gt3A_531 = arith.cmpf ogt, %div3A, %gt3A_530 : vector<192x160xf32>
      %gt3A_532 = vector.broadcast %add3A_502 : i32 to vector<192x160xi32>
      %gt3A_533 = arith.cmpi sgt, %add3A_34, %gt3A_532 : vector<192x160xi32>
      %and3A = arith.andi %gt3A_531, %gt3A_533 : vector<192x160xi1>
      %convert_element_type3A_534 = arith.extui %and3A : vector<192x160xi1> to vector<192x160xi32>
      %convert_element_type3A_535 = arith.sitofp %convert_element_type3A_534 : vector<192x160xi32> to vector<192x160xf32>
      %get3A_536 = arith.constant 8 : index
      %get3A_537 = arith.constant 0 : index
      %get3A_538 = vector.load %arg6[%get3A_536, %get3A_537] : memref<200x160xf32, #tpu.memory_space<vmem>>, vector<192x160xf32>
      %mul3A_539 = vector.broadcast %get3A_515 : vector<1x160xf32> to vector<192x160xf32>
      %mul3A_540 = arith.mulf %mul3A_539, %convert_element_type3A_535 : vector<192x160xf32>
      %sub3A_541 = arith.constant 1.000000e+00 : f32
      %sub3A_542 = vector.broadcast %sub3A_541 : f32 to vector<192x160xf32>
      %sub3A_543 = arith.subf %sub3A_542, %mul3A_540 : vector<192x160xf32>
      %mul3A_544 = arith.mulf %get3A_538, %sub3A_543 : vector<192x160xf32>
      %swap3A_545 = arith.constant 8 : index
      %swap3A_546 = arith.constant 0 : index
      %swap3A_547 = vector.load %arg6[%swap3A_545, %swap3A_546] : memref<200x160xf32, #tpu.memory_space<vmem>>, vector<192x160xf32>
      tpu.vector_store %arg6[%swap3A_545, %swap3A_546], %mul3A_544 {strides = array<i32>} : memref<200x160xf32, #tpu.memory_space<vmem>>, vector<192x160xf32>,
    }
    %scan3A_39 = arith.constant 8 : i32
    %get3A_40 = arith.constant 16 : index
    %get3A_41 = arith.constant 0 : index
    %get3A_42 = vector.load %arg0[%get3A_40, %get3A_41] : memref<200x160xf32, #tpu.memory_space<vmem>>, vector<184x160xf32>
    %get3A_43 = arith.constant 16 : index
    %get3A_44 = arith.constant 0 : index
    %get3A_45 = vector.load %arg1[%get3A_43, %get3A_44] : memref<200x160xf32, #tpu.memory_space<vmem>>, vector<184x160xf32>
    %sub3A_46 = arith.subf %get3A_45, %get3A_42 : vector<184x160xf32>
    %max3A_47 = arith.constant 0.000000e+00 : f32
    %max3A_48 = vector.broadcast %max3A_47 : f32 to vector<184x160xf32>
    %max3A_49 = arith.maximumf %sub3A_46, %max3A_48 : vector<184x160xf32>
    %iota3A_50 = tpu.iota {dimensions = array<i32: 0>} : vector<184x160xi32>
    %add3A_51 = arith.constant 16 : i32
    %add3A_52 = vector.broadcast %add3A_51 : i32 to vector<184x160xi32>
    %add3A_53 = arith.addi %add3A_52, %iota3A_50 : vector<184x160xi32>
    %scan3A_54 = arith.constant 0 : i32
    %scan3A_55 = arith.constant 8 : i32
    %scan3A_56 = arith.addi %scan3A_54, %scan3A_55 : i32
    %scan3A_57 = arith.constant 1 : i32
    scf.for %scan3A_500 = %scan3A_54 to %scan3A_56 step %scan3A_57  : i32 {
      %add3A_501 = arith.constant 16 : i32
      %add3A_502 = arith.addi %add3A_501, %scan3A_500 : i32
      %get3A_503 = arith.index_cast %add3A_502 : i32 to index
      %get3A_504 = arith.constant 0 : index
      %get3A_505 = vector.load %arg0[%get3A_503, %get3A_504] : memref<200x160xf32, #tpu.memory_space<vmem>>, vector<1x160xf32>
      %get3A_506 = arith.index_cast %add3A_502 : i32 to index
      %get3A_507 = arith.constant 0 : index
      %get3A_508 = vector.load %arg1[%get3A_506, %get3A_507] : memref<200x160xf32, #tpu.memory_space<vmem>>, vector<1x160xf32>
      %sub3A_509 = arith.subf %get3A_508, %get3A_505 : vector<1x160xf32>
      %max3A_510 = arith.constant 0.000000e+00 : f32
      %max3A_511 = vector.broadcast %max3A_510 : f32 to vector<1x160xf32>
      %max3A_512 = arith.maximumf %sub3A_509, %max3A_511 : vector<1x160xf32>
      %get3A_513 = arith.index_cast %add3A_502 : i32 to index
      %get3A_514 = arith.constant 0 : index
      %get3A_515 = vector.load %arg6[%get3A_513, %get3A_514] : memref<200x160xf32, #tpu.memory_space<vmem>>, vector<1x160xf32>
      %min3A = vector.broadcast %get3A_508 : vector<1x160xf32> to vector<184x160xf32>
      %min3A_516 = arith.minimumf %get3A_45, %min3A : vector<184x160xf32>
      %max3A_517 = vector.broadcast %get3A_505 : vector<1x160xf32> to vector<184x160xf32>
      %max3A_518 = arith.maximumf %get3A_42, %max3A_517 : vector<184x160xf32>
      %sub3A_519 = arith.subf %min3A_516, %max3A_518 : vector<184x160xf32>
      %max3A_520 = arith.constant 0.000000e+00 : f32
      %max3A_521 = vector.broadcast %max3A_520 : f32 to vector<184x160xf32>
      %max3A_522 = arith.maximumf %sub3A_519, %max3A_521 : vector<184x160xf32>
      %add3A_523 = vector.broadcast %max3A_512 : vector<1x160xf32> to vector<184x160xf32>
      %add3A_524 = arith.addf %max3A_49, %add3A_523 : vector<184x160xf32>
      %sub3A_525 = arith.subf %add3A_524, %max3A_522 : vector<184x160xf32>
      %add3A_526 = arith.constant 9.99999971E-10 : f32
      %add3A_527 = vector.broadcast %add3A_526 : f32 to vector<184x160xf32>
      %add3A_528 = arith.addf %sub3A_525, %add3A_527 : vector<184x160xf32>
      %div3A = arith.divf %max3A_522, %add3A_528 : vector<184x160xf32>
      %gt3A_529 = arith.constant 4.500000e-01 : f32
      %gt3A_530 = vector.broadcast %gt3A_529 : f32 to vector<184x160xf32>
      %gt3A_531 = arith.cmpf ogt, %div3A, %gt3A_530 : vector<184x160xf32>
      %gt3A_532 = vector.broadcast %add3A_502 : i32 to vector<184x160xi32>
      %gt3A_533 = arith.cmpi sgt, %add3A_53, %gt3A_532 : vector<184x160xi32>
      %and3A = arith.andi %gt3A_531, %gt3A_533 : vector<184x160xi1>
      %convert_element_type3A_534 = arith.extui %and3A : vector<184x160xi1> to vector<184x160xi32>
      %convert_element_type3A_535 = arith.sitofp %convert_element_type3A_534 : vector<184x160xi32> to vector<184x160xf32>
      %get3A_536 = arith.constant 16 : index
      %get3A_537 = arith.constant 0 : index
      %get3A_538 = vector.load %arg6[%get3A_536, %get3A_537] : memref<200x160xf32, #tpu.memory_space<vmem>>, vector<184x160xf32>
      %mul3A_539 = vector.broadcast %get3A_515 : vector<1x160xf32> to vector<184x160xf32>
      %mul3A_540 = arith.mulf %mul3A_539, %convert_element_type3A_535 : vector<184x160xf32>
      %sub3A_541 = arith.constant 1.000000e+00 : f32
      %sub3A_542 = vector.broadcast %sub3A_541 : f32 to vector<184x160xf32>
      %sub3A_543 = arith.subf %sub3A_542, %mul3A_540 : vector<184x160xf32>
      %mul3A_544 = arith.mulf %get3A_538, %sub3A_543 : vector<184x160xf32>
      %swap3A_545 = arith.constant 16 : index
      %swap3A_546 = arith.constant 0 : index
      %swap3A_547 = vector.load %arg6[%swap3A_545, %swap3A_546] : memref<200x160xf32, #tpu.memory_space<vmem>>, vector<184x160xf32>
      tpu.vector_store %arg6[%swap3A_545, %swap3A_546], %mul3A_544 {strides = array<i32>} : memref<200x160xf32, #tpu.memory_space<vmem>>, vector<184x160xf32>,
    }
    %scan3A_58 = arith.constant 8 : i32
    %get3A_59 = arith.constant 24 : index
    %get3A_60 = arith.constant 0 : index
    %get3A_61 = vector.load %arg0[%get3A_59, %get3A_60] : memref<200x160xf32, #tpu.memory_space<vmem>>, vector<176x160xf32>
    %get3A_62 = arith.constant 24 : index
    %get3A_63 = arith.constant 0 : index
    %get3A_64 = vector.load %arg1[%get3A_62, %get3A_63] : memref<200x160xf32, #tpu.memory_space<vmem>>, vector<176x160xf32>
    %sub3A_65 = arith.subf %get3A_64, %get3A_61 : vector<176x160xf32>
    %max3A_66 = arith.constant 0.000000e+00 : f32
    %max3A_67 = vector.broadcast %max3A_66 : f32 to vector<176x160xf32>
    %max3A_68 = arith.maximumf %sub3A_65, %max3A_67 : vector<176x160xf32>
    %iota3A_69 = tpu.iota {dimensions = array<i32: 0>} : vector<176x160xi32>
    %add3A_70 = arith.constant 24 : i32
    %add3A_71 = vector.broadcast %add3A_70 : i32 to vector<176x160xi32>
    %add3A_72 = arith.addi %add3A_71, %iota3A_69 : vector<176x160xi32>
    %scan3A_73 = arith.constant 0 : i32
    %scan3A_74 = arith.constant 8 : i32
    %scan3A_75 = arith.addi %scan3A_73, %scan3A_74 : i32
    %scan3A_76 = arith.constant 1 : i32
    scf.for %scan3A_500 = %scan3A_73 to %scan3A_75 step %scan3A_76  : i32 {
      %add3A_501 = arith.constant 24 : i32
      %add3A_502 = arith.addi %add3A_501, %scan3A_500 : i32
      %get3A_503 = arith.index_cast %add3A_502 : i32 to index
      %get3A_504 = arith.constant 0 : index
      %get3A_505 = vector.load %arg0[%get3A_503, %get3A_504] : memref<200x160xf32, #tpu.memory_space<vmem>>, vector<1x160xf32>
      %get3A_506 = arith.index_cast %add3A_502 : i32 to index
      %get3A_507 = arith.constant 0 : index
      %get3A_508 = vector.load %arg1[%get3A_506, %get3A_507] : memref<200x160xf32, #tpu.memory_space<vmem>>, vector<1x160xf32>
      %sub3A_509 = arith.subf %get3A_508, %get3A_505 : vector<1x160xf32>
      %max3A_510 = arith.constant 0.000000e+00 : f32
      %max3A_511 = vector.broadcast %max3A_510 : f32 to vector<1x160xf32>
      %max3A_512 = arith.maximumf %sub3A_509, %max3A_511 : vector<1x160xf32>
      %get3A_513 = arith.index_cast %add3A_502 : i32 to index
      %get3A_514 = arith.constant 0 : index
      %get3A_515 = vector.load %arg6[%get3A_513, %get3A_514] : memref<200x160xf32, #tpu.memory_space<vmem>>, vector<1x160xf32>
      %min3A = vector.broadcast %get3A_508 : vector<1x160xf32> to vector<176x160xf32>
      %min3A_516 = arith.minimumf %get3A_64, %min3A : vector<176x160xf32>
      %max3A_517 = vector.broadcast %get3A_505 : vector<1x160xf32> to vector<176x160xf32>
      %max3A_518 = arith.maximumf %get3A_61, %max3A_517 : vector<176x160xf32>
      %sub3A_519 = arith.subf %min3A_516, %max3A_518 : vector<176x160xf32>
      %max3A_520 = arith.constant 0.000000e+00 : f32
      %max3A_521 = vector.broadcast %max3A_520 : f32 to vector<176x160xf32>
      %max3A_522 = arith.maximumf %sub3A_519, %max3A_521 : vector<176x160xf32>
      %add3A_523 = vector.broadcast %max3A_512 : vector<1x160xf32> to vector<176x160xf32>
      %add3A_524 = arith.addf %max3A_68, %add3A_523 : vector<176x160xf32>
      %sub3A_525 = arith.subf %add3A_524, %max3A_522 : vector<176x160xf32>
      %add3A_526 = arith.constant 9.99999971E-10 : f32
      %add3A_527 = vector.broadcast %add3A_526 : f32 to vector<176x160xf32>
      %add3A_528 = arith.addf %sub3A_525, %add3A_527 : vector<176x160xf32>
      %div3A = arith.divf %max3A_522, %add3A_528 : vector<176x160xf32>
      %gt3A_529 = arith.constant 4.500000e-01 : f32
      %gt3A_530 = vector.broadcast %gt3A_529 : f32 to vector<176x160xf32>
      %gt3A_531 = arith.cmpf ogt, %div3A, %gt3A_530 : vector<176x160xf32>
      %gt3A_532 = vector.broadcast %add3A_502 : i32 to vector<176x160xi32>
      %gt3A_533 = arith.cmpi sgt, %add3A_72, %gt3A_532 : vector<176x160xi32>
      %and3A = arith.andi %gt3A_531, %gt3A_533 : vector<176x160xi1>
      %convert_element_type3A_534 = arith.extui %and3A : vector<176x160xi1> to vector<176x160xi32>
      %convert_element_type3A_535 = arith.sitofp %convert_element_type3A_534 : vector<176x160xi32> to vector<176x160xf32>
      %get3A_536 = arith.constant 24 : index
      %get3A_537 = arith.constant 0 : index
      %get3A_538 = vector.load %arg6[%get3A_536, %get3A_537] : memref<200x160xf32, #tpu.memory_space<vmem>>, vector<176x160xf32>
      %mul3A_539 = vector.broadcast %get3A_515 : vector<1x160xf32> to vector<176x160xf32>
      %mul3A_540 = arith.mulf %mul3A_539, %convert_element_type3A_535 : vector<176x160xf32>
      %sub3A_541 = arith.constant 1.000000e+00 : f32
      %sub3A_542 = vector.broadcast %sub3A_541 : f32 to vector<176x160xf32>
      %sub3A_543 = arith.subf %sub3A_542, %mul3A_540 : vector<176x160xf32>
      %mul3A_544 = arith.mulf %get3A_538, %sub3A_543 : vector<176x160xf32>
      %swap3A_545 = arith.constant 24 : index
      %swap3A_546 = arith.constant 0 : index
      %swap3A_547 = vector.load %arg6[%swap3A_545, %swap3A_546] : memref<200x160xf32, #tpu.memory_space<vmem>>, vector<176x160xf32>
      tpu.vector_store %arg6[%swap3A_545, %swap3A_546], %mul3A_544 {strides = array<i32>} : memref<200x160xf32, #tpu.memory_space<vmem>>, vector<176x160xf32>,
    }
    %scan3A_77 = arith.constant 8 : i32
    %get3A_78 = arith.constant 32 : index
    %get3A_79 = arith.constant 0 : index
    %get3A_80 = vector.load %arg0[%get3A_78, %get3A_79] : memref<200x160xf32, #tpu.memory_space<vmem>>, vector<168x160xf32>
    %get3A_81 = arith.constant 32 : index
    %get3A_82 = arith.constant 0 : index
    %get3A_83 = vector.load %arg1[%get3A_81, %get3A_82] : memref<200x160xf32, #tpu.memory_space<vmem>>, vector<168x160xf32>
    %sub3A_84 = arith.subf %get3A_83, %get3A_80 : vector<168x160xf32>
    %max3A_85 = arith.constant 0.000000e+00 : f32
    %max3A_86 = vector.broadcast %max3A_85 : f32 to vector<168x160xf32>
    %max3A_87 = arith.maximumf %sub3A_84, %max3A_86 : vector<168x160xf32>
    %iota3A_88 = tpu.iota {dimensions = array<i32: 0>} : vector<168x160xi32>
    %add3A_89 = arith.constant 32 : i32
    %add3A_90 = vector.broadcast %add3A_89 : i32 to vector<168x160xi32>
    %add3A_91 = arith.addi %add3A_90, %iota3A_88 : vector<168x160xi32>
    %scan3A_92 = arith.constant 0 : i32
    %scan3A_93 = arith.constant 8 : i32
    %scan3A_94 = arith.addi %scan3A_92, %scan3A_93 : i32
    %scan3A_95 = arith.constant 1 : i32
    scf.for %scan3A_500 = %scan3A_92 to %scan3A_94 step %scan3A_95  : i32 {
      %add3A_501 = arith.constant 32 : i32
      %add3A_502 = arith.addi %add3A_501, %scan3A_500 : i32
      %get3A_503 = arith.index_cast %add3A_502 : i32 to index
      %get3A_504 = arith.constant 0 : index
      %get3A_505 = vector.load %arg0[%get3A_503, %get3A_504] : memref<200x160xf32, #tpu.memory_space<vmem>>, vector<1x160xf32>
      %get3A_506 = arith.index_cast %add3A_502 : i32 to index
      %get3A_507 = arith.constant 0 : index
      %get3A_508 = vector.load %arg1[%get3A_506, %get3A_507] : memref<200x160xf32, #tpu.memory_space<vmem>>, vector<1x160xf32>
      %sub3A_509 = arith.subf %get3A_508, %get3A_505 : vector<1x160xf32>
      %max3A_510 = arith.constant 0.000000e+00 : f32
      %max3A_511 = vector.broadcast %max3A_510 : f32 to vector<1x160xf32>
      %max3A_512 = arith.maximumf %sub3A_509, %max3A_511 : vector<1x160xf32>
      %get3A_513 = arith.index_cast %add3A_502 : i32 to index
      %get3A_514 = arith.constant 0 : index
      %get3A_515 = vector.load %arg6[%get3A_513, %get3A_514] : memref<200x160xf32, #tpu.memory_space<vmem>>, vector<1x160xf32>
      %min3A = vector.broadcast %get3A_508 : vector<1x160xf32> to vector<168x160xf32>
      %min3A_516 = arith.minimumf %get3A_83, %min3A : vector<168x160xf32>
      %max3A_517 = vector.broadcast %get3A_505 : vector<1x160xf32> to vector<168x160xf32>
      %max3A_518 = arith.maximumf %get3A_80, %max3A_517 : vector<168x160xf32>
      %sub3A_519 = arith.subf %min3A_516, %max3A_518 : vector<168x160xf32>
      %max3A_520 = arith.constant 0.000000e+00 : f32
      %max3A_521 = vector.broadcast %max3A_520 : f32 to vector<168x160xf32>
      %max3A_522 = arith.maximumf %sub3A_519, %max3A_521 : vector<168x160xf32>
      %add3A_523 = vector.broadcast %max3A_512 : vector<1x160xf32> to vector<168x160xf32>
      %add3A_524 = arith.addf %max3A_87, %add3A_523 : vector<168x160xf32>
      %sub3A_525 = arith.subf %add3A_524, %max3A_522 : vector<168x160xf32>
      %add3A_526 = arith.constant 9.99999971E-10 : f32
      %add3A_527 = vector.broadcast %add3A_526 : f32 to vector<168x160xf32>
      %add3A_528 = arith.addf %sub3A_525, %add3A_527 : vector<168x160xf32>
      %div3A = arith.divf %max3A_522, %add3A_528 : vector<168x160xf32>
      %gt3A_529 = arith.constant 4.500000e-01 : f32
      %gt3A_530 = vector.broadcast %gt3A_529 : f32 to vector<168x160xf32>
      %gt3A_531 = arith.cmpf ogt, %div3A, %gt3A_530 : vector<168x160xf32>
      %gt3A_532 = vector.broadcast %add3A_502 : i32 to vector<168x160xi32>
      %gt3A_533 = arith.cmpi sgt, %add3A_91, %gt3A_532 : vector<168x160xi32>
      %and3A = arith.andi %gt3A_531, %gt3A_533 : vector<168x160xi1>
      %convert_element_type3A_534 = arith.extui %and3A : vector<168x160xi1> to vector<168x160xi32>
      %convert_element_type3A_535 = arith.sitofp %convert_element_type3A_534 : vector<168x160xi32> to vector<168x160xf32>
      %get3A_536 = arith.constant 32 : index
      %get3A_537 = arith.constant 0 : index
      %get3A_538 = vector.load %arg6[%get3A_536, %get3A_537] : memref<200x160xf32, #tpu.memory_space<vmem>>, vector<168x160xf32>
      %mul3A_539 = vector.broadcast %get3A_515 : vector<1x160xf32> to vector<168x160xf32>
      %mul3A_540 = arith.mulf %mul3A_539, %convert_element_type3A_535 : vector<168x160xf32>
      %sub3A_541 = arith.constant 1.000000e+00 : f32
      %sub3A_542 = vector.broadcast %sub3A_541 : f32 to vector<168x160xf32>
      %sub3A_543 = arith.subf %sub3A_542, %mul3A_540 : vector<168x160xf32>
      %mul3A_544 = arith.mulf %get3A_538, %sub3A_543 : vector<168x160xf32>
      %swap3A_545 = arith.constant 32 : index
      %swap3A_546 = arith.constant 0 : index
      %swap3A_547 = vector.load %arg6[%swap3A_545, %swap3A_546] : memref<200x160xf32, #tpu.memory_space<vmem>>, vector<168x160xf32>
      tpu.vector_store %arg6[%swap3A_545, %swap3A_546], %mul3A_544 {strides = array<i32>} : memref<200x160xf32, #tpu.memory_space<vmem>>, vector<168x160xf32>,
    }
    %scan3A_96 = arith.constant 8 : i32
    %get3A_97 = arith.constant 40 : index
    %get3A_98 = arith.constant 0 : index
    %get3A_99 = vector.load %arg0[%get3A_97, %get3A_98] : memref<200x160xf32, #tpu.memory_space<vmem>>, vector<160x160xf32>
    %get3A_100 = arith.constant 40 : index
    %get3A_101 = arith.constant 0 : index
    %get3A_102 = vector.load %arg1[%get3A_100, %get3A_101] : memref<200x160xf32, #tpu.memory_space<vmem>>, vector<160x160xf32>
    %sub3A_103 = arith.subf %get3A_102, %get3A_99 : vector<160x160xf32>
    %max3A_104 = arith.constant 0.000000e+00 : f32
    %max3A_105 = vector.broadcast %max3A_104 : f32 to vector<160x160xf32>
    %max3A_106 = arith.maximumf %sub3A_103, %max3A_105 : vector<160x160xf32>
    %iota3A_107 = tpu.iota {dimensions = array<i32: 0>} : vector<160x160xi32>
    %add3A_108 = arith.constant 40 : i32
    %add3A_109 = vector.broadcast %add3A_108 : i32 to vector<160x160xi32>
    %add3A_110 = arith.addi %add3A_109, %iota3A_107 : vector<160x160xi32>
    %scan3A_111 = arith.constant 0 : i32
    %scan3A_112 = arith.constant 8 : i32
    %scan3A_113 = arith.addi %scan3A_111, %scan3A_112 : i32
    %scan3A_114 = arith.constant 1 : i32
    scf.for %scan3A_500 = %scan3A_111 to %scan3A_113 step %scan3A_114  : i32 {
      %add3A_501 = arith.constant 40 : i32
      %add3A_502 = arith.addi %add3A_501, %scan3A_500 : i32
      %get3A_503 = arith.index_cast %add3A_502 : i32 to index
      %get3A_504 = arith.constant 0 : index
      %get3A_505 = vector.load %arg0[%get3A_503, %get3A_504] : memref<200x160xf32, #tpu.memory_space<vmem>>, vector<1x160xf32>
      %get3A_506 = arith.index_cast %add3A_502 : i32 to index
      %get3A_507 = arith.constant 0 : index
      %get3A_508 = vector.load %arg1[%get3A_506, %get3A_507] : memref<200x160xf32, #tpu.memory_space<vmem>>, vector<1x160xf32>
      %sub3A_509 = arith.subf %get3A_508, %get3A_505 : vector<1x160xf32>
      %max3A_510 = arith.constant 0.000000e+00 : f32
      %max3A_511 = vector.broadcast %max3A_510 : f32 to vector<1x160xf32>
      %max3A_512 = arith.maximumf %sub3A_509, %max3A_511 : vector<1x160xf32>
      %get3A_513 = arith.index_cast %add3A_502 : i32 to index
      %get3A_514 = arith.constant 0 : index
      %get3A_515 = vector.load %arg6[%get3A_513, %get3A_514] : memref<200x160xf32, #tpu.memory_space<vmem>>, vector<1x160xf32>
      %min3A = vector.broadcast %get3A_508 : vector<1x160xf32> to vector<160x160xf32>
      %min3A_516 = arith.minimumf %get3A_102, %min3A : vector<160x160xf32>
      %max3A_517 = vector.broadcast %get3A_505 : vector<1x160xf32> to vector<160x160xf32>
      %max3A_518 = arith.maximumf %get3A_99, %max3A_517 : vector<160x160xf32>
      %sub3A_519 = arith.subf %min3A_516, %max3A_518 : vector<160x160xf32>
      %max3A_520 = arith.constant 0.000000e+00 : f32
      %max3A_521 = vector.broadcast %max3A_520 : f32 to vector<160x160xf32>
      %max3A_522 = arith.maximumf %sub3A_519, %max3A_521 : vector<160x160xf32>
      %add3A_523 = vector.broadcast %max3A_512 : vector<1x160xf32> to vector<160x160xf32>
      %add3A_524 = arith.addf %max3A_106, %add3A_523 : vector<160x160xf32>
      %sub3A_525 = arith.subf %add3A_524, %max3A_522 : vector<160x160xf32>
      %add3A_526 = arith.constant 9.99999971E-10 : f32
      %add3A_527 = vector.broadcast %add3A_526 : f32 to vector<160x160xf32>
      %add3A_528 = arith.addf %sub3A_525, %add3A_527 : vector<160x160xf32>
      %div3A = arith.divf %max3A_522, %add3A_528 : vector<160x160xf32>
      %gt3A_529 = arith.constant 4.500000e-01 : f32
      %gt3A_530 = vector.broadcast %gt3A_529 : f32 to vector<160x160xf32>
      %gt3A_531 = arith.cmpf ogt, %div3A, %gt3A_530 : vector<160x160xf32>
      %gt3A_532 = vector.broadcast %add3A_502 : i32 to vector<160x160xi32>
      %gt3A_533 = arith.cmpi sgt, %add3A_110, %gt3A_532 : vector<160x160xi32>
      %and3A = arith.andi %gt3A_531, %gt3A_533 : vector<160x160xi1>
      %convert_element_type3A_534 = arith.extui %and3A : vector<160x160xi1> to vector<160x160xi32>
      %convert_element_type3A_535 = arith.sitofp %convert_element_type3A_534 : vector<160x160xi32> to vector<160x160xf32>
      %get3A_536 = arith.constant 40 : index
      %get3A_537 = arith.constant 0 : index
      %get3A_538 = vector.load %arg6[%get3A_536, %get3A_537] : memref<200x160xf32, #tpu.memory_space<vmem>>, vector<160x160xf32>
      %mul3A_539 = vector.broadcast %get3A_515 : vector<1x160xf32> to vector<160x160xf32>
      %mul3A_540 = arith.mulf %mul3A_539, %convert_element_type3A_535 : vector<160x160xf32>
      %sub3A_541 = arith.constant 1.000000e+00 : f32
      %sub3A_542 = vector.broadcast %sub3A_541 : f32 to vector<160x160xf32>
      %sub3A_543 = arith.subf %sub3A_542, %mul3A_540 : vector<160x160xf32>
      %mul3A_544 = arith.mulf %get3A_538, %sub3A_543 : vector<160x160xf32>
      %swap3A_545 = arith.constant 40 : index
      %swap3A_546 = arith.constant 0 : index
      %swap3A_547 = vector.load %arg6[%swap3A_545, %swap3A_546] : memref<200x160xf32, #tpu.memory_space<vmem>>, vector<160x160xf32>
      tpu.vector_store %arg6[%swap3A_545, %swap3A_546], %mul3A_544 {strides = array<i32>} : memref<200x160xf32, #tpu.memory_space<vmem>>, vector<160x160xf32>,
    }
    %scan3A_115 = arith.constant 8 : i32
    %get3A_116 = arith.constant 48 : index
    %get3A_117 = arith.constant 0 : index
    %get3A_118 = vector.load %arg0[%get3A_116, %get3A_117] : memref<200x160xf32, #tpu.memory_space<vmem>>, vector<152x160xf32>
    %get3A_119 = arith.constant 48 : index
    %get3A_120 = arith.constant 0 : index
    %get3A_121 = vector.load %arg1[%get3A_119, %get3A_120] : memref<200x160xf32, #tpu.memory_space<vmem>>, vector<152x160xf32>
    %sub3A_122 = arith.subf %get3A_121, %get3A_118 : vector<152x160xf32>
    %max3A_123 = arith.constant 0.000000e+00 : f32
    %max3A_124 = vector.broadcast %max3A_123 : f32 to vector<152x160xf32>
    %max3A_125 = arith.maximumf %sub3A_122, %max3A_124 : vector<152x160xf32>
    %iota3A_126 = tpu.iota {dimensions = array<i32: 0>} : vector<152x160xi32>
    %add3A_127 = arith.constant 48 : i32
    %add3A_128 = vector.broadcast %add3A_127 : i32 to vector<152x160xi32>
    %add3A_129 = arith.addi %add3A_128, %iota3A_126 : vector<152x160xi32>
    %scan3A_130 = arith.constant 0 : i32
    %scan3A_131 = arith.constant 8 : i32
    %scan3A_132 = arith.addi %scan3A_130, %scan3A_131 : i32
    %scan3A_133 = arith.constant 1 : i32
    scf.for %scan3A_500 = %scan3A_130 to %scan3A_132 step %scan3A_133  : i32 {
      %add3A_501 = arith.constant 48 : i32
      %add3A_502 = arith.addi %add3A_501, %scan3A_500 : i32
      %get3A_503 = arith.index_cast %add3A_502 : i32 to index
      %get3A_504 = arith.constant 0 : index
      %get3A_505 = vector.load %arg0[%get3A_503, %get3A_504] : memref<200x160xf32, #tpu.memory_space<vmem>>, vector<1x160xf32>
      %get3A_506 = arith.index_cast %add3A_502 : i32 to index
      %get3A_507 = arith.constant 0 : index
      %get3A_508 = vector.load %arg1[%get3A_506, %get3A_507] : memref<200x160xf32, #tpu.memory_space<vmem>>, vector<1x160xf32>
      %sub3A_509 = arith.subf %get3A_508, %get3A_505 : vector<1x160xf32>
      %max3A_510 = arith.constant 0.000000e+00 : f32
      %max3A_511 = vector.broadcast %max3A_510 : f32 to vector<1x160xf32>
      %max3A_512 = arith.maximumf %sub3A_509, %max3A_511 : vector<1x160xf32>
      %get3A_513 = arith.index_cast %add3A_502 : i32 to index
      %get3A_514 = arith.constant 0 : index
      %get3A_515 = vector.load %arg6[%get3A_513, %get3A_514] : memref<200x160xf32, #tpu.memory_space<vmem>>, vector<1x160xf32>
      %min3A = vector.broadcast %get3A_508 : vector<1x160xf32> to vector<152x160xf32>
      %min3A_516 = arith.minimumf %get3A_121, %min3A : vector<152x160xf32>
      %max3A_517 = vector.broadcast %get3A_505 : vector<1x160xf32> to vector<152x160xf32>
      %max3A_518 = arith.maximumf %get3A_118, %max3A_517 : vector<152x160xf32>
      %sub3A_519 = arith.subf %min3A_516, %max3A_518 : vector<152x160xf32>
      %max3A_520 = arith.constant 0.000000e+00 : f32
      %max3A_521 = vector.broadcast %max3A_520 : f32 to vector<152x160xf32>
      %max3A_522 = arith.maximumf %sub3A_519, %max3A_521 : vector<152x160xf32>
      %add3A_523 = vector.broadcast %max3A_512 : vector<1x160xf32> to vector<152x160xf32>
      %add3A_524 = arith.addf %max3A_125, %add3A_523 : vector<152x160xf32>
      %sub3A_525 = arith.subf %add3A_524, %max3A_522 : vector<152x160xf32>
      %add3A_526 = arith.constant 9.99999971E-10 : f32
      %add3A_527 = vector.broadcast %add3A_526 : f32 to vector<152x160xf32>
      %add3A_528 = arith.addf %sub3A_525, %add3A_527 : vector<152x160xf32>
      %div3A = arith.divf %max3A_522, %add3A_528 : vector<152x160xf32>
      %gt3A_529 = arith.constant 4.500000e-01 : f32
      %gt3A_530 = vector.broadcast %gt3A_529 : f32 to vector<152x160xf32>
      %gt3A_531 = arith.cmpf ogt, %div3A, %gt3A_530 : vector<152x160xf32>
      %gt3A_532 = vector.broadcast %add3A_502 : i32 to vector<152x160xi32>
      %gt3A_533 = arith.cmpi sgt, %add3A_129, %gt3A_532 : vector<152x160xi32>
      %and3A = arith.andi %gt3A_531, %gt3A_533 : vector<152x160xi1>
      %convert_element_type3A_534 = arith.extui %and3A : vector<152x160xi1> to vector<152x160xi32>
      %convert_element_type3A_535 = arith.sitofp %convert_element_type3A_534 : vector<152x160xi32> to vector<152x160xf32>
      %get3A_536 = arith.constant 48 : index
      %get3A_537 = arith.constant 0 : index
      %get3A_538 = vector.load %arg6[%get3A_536, %get3A_537] : memref<200x160xf32, #tpu.memory_space<vmem>>, vector<152x160xf32>
      %mul3A_539 = vector.broadcast %get3A_515 : vector<1x160xf32> to vector<152x160xf32>
      %mul3A_540 = arith.mulf %mul3A_539, %convert_element_type3A_535 : vector<152x160xf32>
      %sub3A_541 = arith.constant 1.000000e+00 : f32
      %sub3A_542 = vector.broadcast %sub3A_541 : f32 to vector<152x160xf32>
      %sub3A_543 = arith.subf %sub3A_542, %mul3A_540 : vector<152x160xf32>
      %mul3A_544 = arith.mulf %get3A_538, %sub3A_543 : vector<152x160xf32>
      %swap3A_545 = arith.constant 48 : index
      %swap3A_546 = arith.constant 0 : index
      %swap3A_547 = vector.load %arg6[%swap3A_545, %swap3A_546] : memref<200x160xf32, #tpu.memory_space<vmem>>, vector<152x160xf32>
      tpu.vector_store %arg6[%swap3A_545, %swap3A_546], %mul3A_544 {strides = array<i32>} : memref<200x160xf32, #tpu.memory_space<vmem>>, vector<152x160xf32>,
    }
    %scan3A_134 = arith.constant 8 : i32
    %get3A_135 = arith.constant 56 : index
    %get3A_136 = arith.constant 0 : index
    %get3A_137 = vector.load %arg0[%get3A_135, %get3A_136] : memref<200x160xf32, #tpu.memory_space<vmem>>, vector<144x160xf32>
    %get3A_138 = arith.constant 56 : index
    %get3A_139 = arith.constant 0 : index
    %get3A_140 = vector.load %arg1[%get3A_138, %get3A_139] : memref<200x160xf32, #tpu.memory_space<vmem>>, vector<144x160xf32>
    %sub3A_141 = arith.subf %get3A_140, %get3A_137 : vector<144x160xf32>
    %max3A_142 = arith.constant 0.000000e+00 : f32
    %max3A_143 = vector.broadcast %max3A_142 : f32 to vector<144x160xf32>
    %max3A_144 = arith.maximumf %sub3A_141, %max3A_143 : vector<144x160xf32>
    %iota3A_145 = tpu.iota {dimensions = array<i32: 0>} : vector<144x160xi32>
    %add3A_146 = arith.constant 56 : i32
    %add3A_147 = vector.broadcast %add3A_146 : i32 to vector<144x160xi32>
    %add3A_148 = arith.addi %add3A_147, %iota3A_145 : vector<144x160xi32>
    %scan3A_149 = arith.constant 0 : i32
    %scan3A_150 = arith.constant 8 : i32
    %scan3A_151 = arith.addi %scan3A_149, %scan3A_150 : i32
    %scan3A_152 = arith.constant 1 : i32
    scf.for %scan3A_500 = %scan3A_149 to %scan3A_151 step %scan3A_152  : i32 {
      %add3A_501 = arith.constant 56 : i32
      %add3A_502 = arith.addi %add3A_501, %scan3A_500 : i32
      %get3A_503 = arith.index_cast %add3A_502 : i32 to index
      %get3A_504 = arith.constant 0 : index
      %get3A_505 = vector.load %arg0[%get3A_503, %get3A_504] : memref<200x160xf32, #tpu.memory_space<vmem>>, vector<1x160xf32>
      %get3A_506 = arith.index_cast %add3A_502 : i32 to index
      %get3A_507 = arith.constant 0 : index
      %get3A_508 = vector.load %arg1[%get3A_506, %get3A_507] : memref<200x160xf32, #tpu.memory_space<vmem>>, vector<1x160xf32>
      %sub3A_509 = arith.subf %get3A_508, %get3A_505 : vector<1x160xf32>
      %max3A_510 = arith.constant 0.000000e+00 : f32
      %max3A_511 = vector.broadcast %max3A_510 : f32 to vector<1x160xf32>
      %max3A_512 = arith.maximumf %sub3A_509, %max3A_511 : vector<1x160xf32>
      %get3A_513 = arith.index_cast %add3A_502 : i32 to index
      %get3A_514 = arith.constant 0 : index
      %get3A_515 = vector.load %arg6[%get3A_513, %get3A_514] : memref<200x160xf32, #tpu.memory_space<vmem>>, vector<1x160xf32>
      %min3A = vector.broadcast %get3A_508 : vector<1x160xf32> to vector<144x160xf32>
      %min3A_516 = arith.minimumf %get3A_140, %min3A : vector<144x160xf32>
      %max3A_517 = vector.broadcast %get3A_505 : vector<1x160xf32> to vector<144x160xf32>
      %max3A_518 = arith.maximumf %get3A_137, %max3A_517 : vector<144x160xf32>
      %sub3A_519 = arith.subf %min3A_516, %max3A_518 : vector<144x160xf32>
      %max3A_520 = arith.constant 0.000000e+00 : f32
      %max3A_521 = vector.broadcast %max3A_520 : f32 to vector<144x160xf32>
      %max3A_522 = arith.maximumf %sub3A_519, %max3A_521 : vector<144x160xf32>
      %add3A_523 = vector.broadcast %max3A_512 : vector<1x160xf32> to vector<144x160xf32>
      %add3A_524 = arith.addf %max3A_144, %add3A_523 : vector<144x160xf32>
      %sub3A_525 = arith.subf %add3A_524, %max3A_522 : vector<144x160xf32>
      %add3A_526 = arith.constant 9.99999971E-10 : f32
      %add3A_527 = vector.broadcast %add3A_526 : f32 to vector<144x160xf32>
      %add3A_528 = arith.addf %sub3A_525, %add3A_527 : vector<144x160xf32>
      %div3A = arith.divf %max3A_522, %add3A_528 : vector<144x160xf32>
      %gt3A_529 = arith.constant 4.500000e-01 : f32
      %gt3A_530 = vector.broadcast %gt3A_529 : f32 to vector<144x160xf32>
      %gt3A_531 = arith.cmpf ogt, %div3A, %gt3A_530 : vector<144x160xf32>
      %gt3A_532 = vector.broadcast %add3A_502 : i32 to vector<144x160xi32>
      %gt3A_533 = arith.cmpi sgt, %add3A_148, %gt3A_532 : vector<144x160xi32>
      %and3A = arith.andi %gt3A_531, %gt3A_533 : vector<144x160xi1>
      %convert_element_type3A_534 = arith.extui %and3A : vector<144x160xi1> to vector<144x160xi32>
      %convert_element_type3A_535 = arith.sitofp %convert_element_type3A_534 : vector<144x160xi32> to vector<144x160xf32>
      %get3A_536 = arith.constant 56 : index
      %get3A_537 = arith.constant 0 : index
      %get3A_538 = vector.load %arg6[%get3A_536, %get3A_537] : memref<200x160xf32, #tpu.memory_space<vmem>>, vector<144x160xf32>
      %mul3A_539 = vector.broadcast %get3A_515 : vector<1x160xf32> to vector<144x160xf32>
      %mul3A_540 = arith.mulf %mul3A_539, %convert_element_type3A_535 : vector<144x160xf32>
      %sub3A_541 = arith.constant 1.000000e+00 : f32
      %sub3A_542 = vector.broadcast %sub3A_541 : f32 to vector<144x160xf32>
      %sub3A_543 = arith.subf %sub3A_542, %mul3A_540 : vector<144x160xf32>
      %mul3A_544 = arith.mulf %get3A_538, %sub3A_543 : vector<144x160xf32>
      %swap3A_545 = arith.constant 56 : index
      %swap3A_546 = arith.constant 0 : index
      %swap3A_547 = vector.load %arg6[%swap3A_545, %swap3A_546] : memref<200x160xf32, #tpu.memory_space<vmem>>, vector<144x160xf32>
      tpu.vector_store %arg6[%swap3A_545, %swap3A_546], %mul3A_544 {strides = array<i32>} : memref<200x160xf32, #tpu.memory_space<vmem>>, vector<144x160xf32>,
    }
    %scan3A_153 = arith.constant 8 : i32
    %get3A_154 = arith.constant 64 : index
    %get3A_155 = arith.constant 0 : index
    %get3A_156 = vector.load %arg0[%get3A_154, %get3A_155] : memref<200x160xf32, #tpu.memory_space<vmem>>, vector<136x160xf32>
    %get3A_157 = arith.constant 64 : index
    %get3A_158 = arith.constant 0 : index
    %get3A_159 = vector.load %arg1[%get3A_157, %get3A_158] : memref<200x160xf32, #tpu.memory_space<vmem>>, vector<136x160xf32>
    %sub3A_160 = arith.subf %get3A_159, %get3A_156 : vector<136x160xf32>
    %max3A_161 = arith.constant 0.000000e+00 : f32
    %max3A_162 = vector.broadcast %max3A_161 : f32 to vector<136x160xf32>
    %max3A_163 = arith.maximumf %sub3A_160, %max3A_162 : vector<136x160xf32>
    %iota3A_164 = tpu.iota {dimensions = array<i32: 0>} : vector<136x160xi32>
    %add3A_165 = arith.constant 64 : i32
    %add3A_166 = vector.broadcast %add3A_165 : i32 to vector<136x160xi32>
    %add3A_167 = arith.addi %add3A_166, %iota3A_164 : vector<136x160xi32>
    %scan3A_168 = arith.constant 0 : i32
    %scan3A_169 = arith.constant 8 : i32
    %scan3A_170 = arith.addi %scan3A_168, %scan3A_169 : i32
    %scan3A_171 = arith.constant 1 : i32
    scf.for %scan3A_500 = %scan3A_168 to %scan3A_170 step %scan3A_171  : i32 {
      %add3A_501 = arith.constant 64 : i32
      %add3A_502 = arith.addi %add3A_501, %scan3A_500 : i32
      %get3A_503 = arith.index_cast %add3A_502 : i32 to index
      %get3A_504 = arith.constant 0 : index
      %get3A_505 = vector.load %arg0[%get3A_503, %get3A_504] : memref<200x160xf32, #tpu.memory_space<vmem>>, vector<1x160xf32>
      %get3A_506 = arith.index_cast %add3A_502 : i32 to index
      %get3A_507 = arith.constant 0 : index
      %get3A_508 = vector.load %arg1[%get3A_506, %get3A_507] : memref<200x160xf32, #tpu.memory_space<vmem>>, vector<1x160xf32>
      %sub3A_509 = arith.subf %get3A_508, %get3A_505 : vector<1x160xf32>
      %max3A_510 = arith.constant 0.000000e+00 : f32
      %max3A_511 = vector.broadcast %max3A_510 : f32 to vector<1x160xf32>
      %max3A_512 = arith.maximumf %sub3A_509, %max3A_511 : vector<1x160xf32>
      %get3A_513 = arith.index_cast %add3A_502 : i32 to index
      %get3A_514 = arith.constant 0 : index
      %get3A_515 = vector.load %arg6[%get3A_513, %get3A_514] : memref<200x160xf32, #tpu.memory_space<vmem>>, vector<1x160xf32>
      %min3A = vector.broadcast %get3A_508 : vector<1x160xf32> to vector<136x160xf32>
      %min3A_516 = arith.minimumf %get3A_159, %min3A : vector<136x160xf32>
      %max3A_517 = vector.broadcast %get3A_505 : vector<1x160xf32> to vector<136x160xf32>
      %max3A_518 = arith.maximumf %get3A_156, %max3A_517 : vector<136x160xf32>
      %sub3A_519 = arith.subf %min3A_516, %max3A_518 : vector<136x160xf32>
      %max3A_520 = arith.constant 0.000000e+00 : f32
      %max3A_521 = vector.broadcast %max3A_520 : f32 to vector<136x160xf32>
      %max3A_522 = arith.maximumf %sub3A_519, %max3A_521 : vector<136x160xf32>
      %add3A_523 = vector.broadcast %max3A_512 : vector<1x160xf32> to vector<136x160xf32>
      %add3A_524 = arith.addf %max3A_163, %add3A_523 : vector<136x160xf32>
      %sub3A_525 = arith.subf %add3A_524, %max3A_522 : vector<136x160xf32>
      %add3A_526 = arith.constant 9.99999971E-10 : f32
      %add3A_527 = vector.broadcast %add3A_526 : f32 to vector<136x160xf32>
      %add3A_528 = arith.addf %sub3A_525, %add3A_527 : vector<136x160xf32>
      %div3A = arith.divf %max3A_522, %add3A_528 : vector<136x160xf32>
      %gt3A_529 = arith.constant 4.500000e-01 : f32
      %gt3A_530 = vector.broadcast %gt3A_529 : f32 to vector<136x160xf32>
      %gt3A_531 = arith.cmpf ogt, %div3A, %gt3A_530 : vector<136x160xf32>
      %gt3A_532 = vector.broadcast %add3A_502 : i32 to vector<136x160xi32>
      %gt3A_533 = arith.cmpi sgt, %add3A_167, %gt3A_532 : vector<136x160xi32>
      %and3A = arith.andi %gt3A_531, %gt3A_533 : vector<136x160xi1>
      %convert_element_type3A_534 = arith.extui %and3A : vector<136x160xi1> to vector<136x160xi32>
      %convert_element_type3A_535 = arith.sitofp %convert_element_type3A_534 : vector<136x160xi32> to vector<136x160xf32>
      %get3A_536 = arith.constant 64 : index
      %get3A_537 = arith.constant 0 : index
      %get3A_538 = vector.load %arg6[%get3A_536, %get3A_537] : memref<200x160xf32, #tpu.memory_space<vmem>>, vector<136x160xf32>
      %mul3A_539 = vector.broadcast %get3A_515 : vector<1x160xf32> to vector<136x160xf32>
      %mul3A_540 = arith.mulf %mul3A_539, %convert_element_type3A_535 : vector<136x160xf32>
      %sub3A_541 = arith.constant 1.000000e+00 : f32
      %sub3A_542 = vector.broadcast %sub3A_541 : f32 to vector<136x160xf32>
      %sub3A_543 = arith.subf %sub3A_542, %mul3A_540 : vector<136x160xf32>
      %mul3A_544 = arith.mulf %get3A_538, %sub3A_543 : vector<136x160xf32>
      %swap3A_545 = arith.constant 64 : index
      %swap3A_546 = arith.constant 0 : index
      %swap3A_547 = vector.load %arg6[%swap3A_545, %swap3A_546] : memref<200x160xf32, #tpu.memory_space<vmem>>, vector<136x160xf32>
      tpu.vector_store %arg6[%swap3A_545, %swap3A_546], %mul3A_544 {strides = array<i32>} : memref<200x160xf32, #tpu.memory_space<vmem>>, vector<136x160xf32>,
    }
    %scan3A_172 = arith.constant 8 : i32
    %get3A_173 = arith.constant 72 : index
    %get3A_174 = arith.constant 0 : index
    %get3A_175 = vector.load %arg0[%get3A_173, %get3A_174] : memref<200x160xf32, #tpu.memory_space<vmem>>, vector<128x160xf32>
    %get3A_176 = arith.constant 72 : index
    %get3A_177 = arith.constant 0 : index
    %get3A_178 = vector.load %arg1[%get3A_176, %get3A_177] : memref<200x160xf32, #tpu.memory_space<vmem>>, vector<128x160xf32>
    %sub3A_179 = arith.subf %get3A_178, %get3A_175 : vector<128x160xf32>
    %max3A_180 = arith.constant 0.000000e+00 : f32
    %max3A_181 = vector.broadcast %max3A_180 : f32 to vector<128x160xf32>
    %max3A_182 = arith.maximumf %sub3A_179, %max3A_181 : vector<128x160xf32>
    %iota3A_183 = tpu.iota {dimensions = array<i32: 0>} : vector<128x160xi32>
    %add3A_184 = arith.constant 72 : i32
    %add3A_185 = vector.broadcast %add3A_184 : i32 to vector<128x160xi32>
    %add3A_186 = arith.addi %add3A_185, %iota3A_183 : vector<128x160xi32>
    %scan3A_187 = arith.constant 0 : i32
    %scan3A_188 = arith.constant 8 : i32
    %scan3A_189 = arith.addi %scan3A_187, %scan3A_188 : i32
    %scan3A_190 = arith.constant 1 : i32
    scf.for %scan3A_500 = %scan3A_187 to %scan3A_189 step %scan3A_190  : i32 {
      %add3A_501 = arith.constant 72 : i32
      %add3A_502 = arith.addi %add3A_501, %scan3A_500 : i32
      %get3A_503 = arith.index_cast %add3A_502 : i32 to index
      %get3A_504 = arith.constant 0 : index
      %get3A_505 = vector.load %arg0[%get3A_503, %get3A_504] : memref<200x160xf32, #tpu.memory_space<vmem>>, vector<1x160xf32>
      %get3A_506 = arith.index_cast %add3A_502 : i32 to index
      %get3A_507 = arith.constant 0 : index
      %get3A_508 = vector.load %arg1[%get3A_506, %get3A_507] : memref<200x160xf32, #tpu.memory_space<vmem>>, vector<1x160xf32>
      %sub3A_509 = arith.subf %get3A_508, %get3A_505 : vector<1x160xf32>
      %max3A_510 = arith.constant 0.000000e+00 : f32
      %max3A_511 = vector.broadcast %max3A_510 : f32 to vector<1x160xf32>
      %max3A_512 = arith.maximumf %sub3A_509, %max3A_511 : vector<1x160xf32>
      %get3A_513 = arith.index_cast %add3A_502 : i32 to index
      %get3A_514 = arith.constant 0 : index
      %get3A_515 = vector.load %arg6[%get3A_513, %get3A_514] : memref<200x160xf32, #tpu.memory_space<vmem>>, vector<1x160xf32>
      %min3A = vector.broadcast %get3A_508 : vector<1x160xf32> to vector<128x160xf32>
      %min3A_516 = arith.minimumf %get3A_178, %min3A : vector<128x160xf32>
      %max3A_517 = vector.broadcast %get3A_505 : vector<1x160xf32> to vector<128x160xf32>
      %max3A_518 = arith.maximumf %get3A_175, %max3A_517 : vector<128x160xf32>
      %sub3A_519 = arith.subf %min3A_516, %max3A_518 : vector<128x160xf32>
      %max3A_520 = arith.constant 0.000000e+00 : f32
      %max3A_521 = vector.broadcast %max3A_520 : f32 to vector<128x160xf32>
      %max3A_522 = arith.maximumf %sub3A_519, %max3A_521 : vector<128x160xf32>
      %add3A_523 = vector.broadcast %max3A_512 : vector<1x160xf32> to vector<128x160xf32>
      %add3A_524 = arith.addf %max3A_182, %add3A_523 : vector<128x160xf32>
      %sub3A_525 = arith.subf %add3A_524, %max3A_522 : vector<128x160xf32>
      %add3A_526 = arith.constant 9.99999971E-10 : f32
      %add3A_527 = vector.broadcast %add3A_526 : f32 to vector<128x160xf32>
      %add3A_528 = arith.addf %sub3A_525, %add3A_527 : vector<128x160xf32>
      %div3A = arith.divf %max3A_522, %add3A_528 : vector<128x160xf32>
      %gt3A_529 = arith.constant 4.500000e-01 : f32
      %gt3A_530 = vector.broadcast %gt3A_529 : f32 to vector<128x160xf32>
      %gt3A_531 = arith.cmpf ogt, %div3A, %gt3A_530 : vector<128x160xf32>
      %gt3A_532 = vector.broadcast %add3A_502 : i32 to vector<128x160xi32>
      %gt3A_533 = arith.cmpi sgt, %add3A_186, %gt3A_532 : vector<128x160xi32>
      %and3A = arith.andi %gt3A_531, %gt3A_533 : vector<128x160xi1>
      %convert_element_type3A_534 = arith.extui %and3A : vector<128x160xi1> to vector<128x160xi32>
      %convert_element_type3A_535 = arith.sitofp %convert_element_type3A_534 : vector<128x160xi32> to vector<128x160xf32>
      %get3A_536 = arith.constant 72 : index
      %get3A_537 = arith.constant 0 : index
      %get3A_538 = vector.load %arg6[%get3A_536, %get3A_537] : memref<200x160xf32, #tpu.memory_space<vmem>>, vector<128x160xf32>
      %mul3A_539 = vector.broadcast %get3A_515 : vector<1x160xf32> to vector<128x160xf32>
      %mul3A_540 = arith.mulf %mul3A_539, %convert_element_type3A_535 : vector<128x160xf32>
      %sub3A_541 = arith.constant 1.000000e+00 : f32
      %sub3A_542 = vector.broadcast %sub3A_541 : f32 to vector<128x160xf32>
      %sub3A_543 = arith.subf %sub3A_542, %mul3A_540 : vector<128x160xf32>
      %mul3A_544 = arith.mulf %get3A_538, %sub3A_543 : vector<128x160xf32>
      %swap3A_545 = arith.constant 72 : index
      %swap3A_546 = arith.constant 0 : index
      %swap3A_547 = vector.load %arg6[%swap3A_545, %swap3A_546] : memref<200x160xf32, #tpu.memory_space<vmem>>, vector<128x160xf32>
      tpu.vector_store %arg6[%swap3A_545, %swap3A_546], %mul3A_544 {strides = array<i32>} : memref<200x160xf32, #tpu.memory_space<vmem>>, vector<128x160xf32>,
    }
    %scan3A_191 = arith.constant 8 : i32
    %get3A_192 = arith.constant 80 : index
    %get3A_193 = arith.constant 0 : index
    %get3A_194 = vector.load %arg0[%get3A_192, %get3A_193] : memref<200x160xf32, #tpu.memory_space<vmem>>, vector<120x160xf32>
    %get3A_195 = arith.constant 80 : index
    %get3A_196 = arith.constant 0 : index
    %get3A_197 = vector.load %arg1[%get3A_195, %get3A_196] : memref<200x160xf32, #tpu.memory_space<vmem>>, vector<120x160xf32>
    %sub3A_198 = arith.subf %get3A_197, %get3A_194 : vector<120x160xf32>
    %max3A_199 = arith.constant 0.000000e+00 : f32
    %max3A_200 = vector.broadcast %max3A_199 : f32 to vector<120x160xf32>
    %max3A_201 = arith.maximumf %sub3A_198, %max3A_200 : vector<120x160xf32>
    %iota3A_202 = tpu.iota {dimensions = array<i32: 0>} : vector<120x160xi32>
    %add3A_203 = arith.constant 80 : i32
    %add3A_204 = vector.broadcast %add3A_203 : i32 to vector<120x160xi32>
    %add3A_205 = arith.addi %add3A_204, %iota3A_202 : vector<120x160xi32>
    %scan3A_206 = arith.constant 0 : i32
    %scan3A_207 = arith.constant 8 : i32
    %scan3A_208 = arith.addi %scan3A_206, %scan3A_207 : i32
    %scan3A_209 = arith.constant 1 : i32
    scf.for %scan3A_500 = %scan3A_206 to %scan3A_208 step %scan3A_209  : i32 {
      %add3A_501 = arith.constant 80 : i32
      %add3A_502 = arith.addi %add3A_501, %scan3A_500 : i32
      %get3A_503 = arith.index_cast %add3A_502 : i32 to index
      %get3A_504 = arith.constant 0 : index
      %get3A_505 = vector.load %arg0[%get3A_503, %get3A_504] : memref<200x160xf32, #tpu.memory_space<vmem>>, vector<1x160xf32>
      %get3A_506 = arith.index_cast %add3A_502 : i32 to index
      %get3A_507 = arith.constant 0 : index
      %get3A_508 = vector.load %arg1[%get3A_506, %get3A_507] : memref<200x160xf32, #tpu.memory_space<vmem>>, vector<1x160xf32>
      %sub3A_509 = arith.subf %get3A_508, %get3A_505 : vector<1x160xf32>
      %max3A_510 = arith.constant 0.000000e+00 : f32
      %max3A_511 = vector.broadcast %max3A_510 : f32 to vector<1x160xf32>
      %max3A_512 = arith.maximumf %sub3A_509, %max3A_511 : vector<1x160xf32>
      %get3A_513 = arith.index_cast %add3A_502 : i32 to index
      %get3A_514 = arith.constant 0 : index
      %get3A_515 = vector.load %arg6[%get3A_513, %get3A_514] : memref<200x160xf32, #tpu.memory_space<vmem>>, vector<1x160xf32>
      %min3A = vector.broadcast %get3A_508 : vector<1x160xf32> to vector<120x160xf32>
      %min3A_516 = arith.minimumf %get3A_197, %min3A : vector<120x160xf32>
      %max3A_517 = vector.broadcast %get3A_505 : vector<1x160xf32> to vector<120x160xf32>
      %max3A_518 = arith.maximumf %get3A_194, %max3A_517 : vector<120x160xf32>
      %sub3A_519 = arith.subf %min3A_516, %max3A_518 : vector<120x160xf32>
      %max3A_520 = arith.constant 0.000000e+00 : f32
      %max3A_521 = vector.broadcast %max3A_520 : f32 to vector<120x160xf32>
      %max3A_522 = arith.maximumf %sub3A_519, %max3A_521 : vector<120x160xf32>
      %add3A_523 = vector.broadcast %max3A_512 : vector<1x160xf32> to vector<120x160xf32>
      %add3A_524 = arith.addf %max3A_201, %add3A_523 : vector<120x160xf32>
      %sub3A_525 = arith.subf %add3A_524, %max3A_522 : vector<120x160xf32>
      %add3A_526 = arith.constant 9.99999971E-10 : f32
      %add3A_527 = vector.broadcast %add3A_526 : f32 to vector<120x160xf32>
      %add3A_528 = arith.addf %sub3A_525, %add3A_527 : vector<120x160xf32>
      %div3A = arith.divf %max3A_522, %add3A_528 : vector<120x160xf32>
      %gt3A_529 = arith.constant 4.500000e-01 : f32
      %gt3A_530 = vector.broadcast %gt3A_529 : f32 to vector<120x160xf32>
      %gt3A_531 = arith.cmpf ogt, %div3A, %gt3A_530 : vector<120x160xf32>
      %gt3A_532 = vector.broadcast %add3A_502 : i32 to vector<120x160xi32>
      %gt3A_533 = arith.cmpi sgt, %add3A_205, %gt3A_532 : vector<120x160xi32>
      %and3A = arith.andi %gt3A_531, %gt3A_533 : vector<120x160xi1>
      %convert_element_type3A_534 = arith.extui %and3A : vector<120x160xi1> to vector<120x160xi32>
      %convert_element_type3A_535 = arith.sitofp %convert_element_type3A_534 : vector<120x160xi32> to vector<120x160xf32>
      %get3A_536 = arith.constant 80 : index
      %get3A_537 = arith.constant 0 : index
      %get3A_538 = vector.load %arg6[%get3A_536, %get3A_537] : memref<200x160xf32, #tpu.memory_space<vmem>>, vector<120x160xf32>
      %mul3A_539 = vector.broadcast %get3A_515 : vector<1x160xf32> to vector<120x160xf32>
      %mul3A_540 = arith.mulf %mul3A_539, %convert_element_type3A_535 : vector<120x160xf32>
      %sub3A_541 = arith.constant 1.000000e+00 : f32
      %sub3A_542 = vector.broadcast %sub3A_541 : f32 to vector<120x160xf32>
      %sub3A_543 = arith.subf %sub3A_542, %mul3A_540 : vector<120x160xf32>
      %mul3A_544 = arith.mulf %get3A_538, %sub3A_543 : vector<120x160xf32>
      %swap3A_545 = arith.constant 80 : index
      %swap3A_546 = arith.constant 0 : index
      %swap3A_547 = vector.load %arg6[%swap3A_545, %swap3A_546] : memref<200x160xf32, #tpu.memory_space<vmem>>, vector<120x160xf32>
      tpu.vector_store %arg6[%swap3A_545, %swap3A_546], %mul3A_544 {strides = array<i32>} : memref<200x160xf32, #tpu.memory_space<vmem>>, vector<120x160xf32>,
    }
    %scan3A_210 = arith.constant 8 : i32
    %get3A_211 = arith.constant 88 : index
    %get3A_212 = arith.constant 0 : index
    %get3A_213 = vector.load %arg0[%get3A_211, %get3A_212] : memref<200x160xf32, #tpu.memory_space<vmem>>, vector<112x160xf32>
    %get3A_214 = arith.constant 88 : index
    %get3A_215 = arith.constant 0 : index
    %get3A_216 = vector.load %arg1[%get3A_214, %get3A_215] : memref<200x160xf32, #tpu.memory_space<vmem>>, vector<112x160xf32>
    %sub3A_217 = arith.subf %get3A_216, %get3A_213 : vector<112x160xf32>
    %max3A_218 = arith.constant 0.000000e+00 : f32
    %max3A_219 = vector.broadcast %max3A_218 : f32 to vector<112x160xf32>
    %max3A_220 = arith.maximumf %sub3A_217, %max3A_219 : vector<112x160xf32>
    %iota3A_221 = tpu.iota {dimensions = array<i32: 0>} : vector<112x160xi32>
    %add3A_222 = arith.constant 88 : i32
    %add3A_223 = vector.broadcast %add3A_222 : i32 to vector<112x160xi32>
    %add3A_224 = arith.addi %add3A_223, %iota3A_221 : vector<112x160xi32>
    %scan3A_225 = arith.constant 0 : i32
    %scan3A_226 = arith.constant 8 : i32
    %scan3A_227 = arith.addi %scan3A_225, %scan3A_226 : i32
    %scan3A_228 = arith.constant 1 : i32
    scf.for %scan3A_500 = %scan3A_225 to %scan3A_227 step %scan3A_228  : i32 {
      %add3A_501 = arith.constant 88 : i32
      %add3A_502 = arith.addi %add3A_501, %scan3A_500 : i32
      %get3A_503 = arith.index_cast %add3A_502 : i32 to index
      %get3A_504 = arith.constant 0 : index
      %get3A_505 = vector.load %arg0[%get3A_503, %get3A_504] : memref<200x160xf32, #tpu.memory_space<vmem>>, vector<1x160xf32>
      %get3A_506 = arith.index_cast %add3A_502 : i32 to index
      %get3A_507 = arith.constant 0 : index
      %get3A_508 = vector.load %arg1[%get3A_506, %get3A_507] : memref<200x160xf32, #tpu.memory_space<vmem>>, vector<1x160xf32>
      %sub3A_509 = arith.subf %get3A_508, %get3A_505 : vector<1x160xf32>
      %max3A_510 = arith.constant 0.000000e+00 : f32
      %max3A_511 = vector.broadcast %max3A_510 : f32 to vector<1x160xf32>
      %max3A_512 = arith.maximumf %sub3A_509, %max3A_511 : vector<1x160xf32>
      %get3A_513 = arith.index_cast %add3A_502 : i32 to index
      %get3A_514 = arith.constant 0 : index
      %get3A_515 = vector.load %arg6[%get3A_513, %get3A_514] : memref<200x160xf32, #tpu.memory_space<vmem>>, vector<1x160xf32>
      %min3A = vector.broadcast %get3A_508 : vector<1x160xf32> to vector<112x160xf32>
      %min3A_516 = arith.minimumf %get3A_216, %min3A : vector<112x160xf32>
      %max3A_517 = vector.broadcast %get3A_505 : vector<1x160xf32> to vector<112x160xf32>
      %max3A_518 = arith.maximumf %get3A_213, %max3A_517 : vector<112x160xf32>
      %sub3A_519 = arith.subf %min3A_516, %max3A_518 : vector<112x160xf32>
      %max3A_520 = arith.constant 0.000000e+00 : f32
      %max3A_521 = vector.broadcast %max3A_520 : f32 to vector<112x160xf32>
      %max3A_522 = arith.maximumf %sub3A_519, %max3A_521 : vector<112x160xf32>
      %add3A_523 = vector.broadcast %max3A_512 : vector<1x160xf32> to vector<112x160xf32>
      %add3A_524 = arith.addf %max3A_220, %add3A_523 : vector<112x160xf32>
      %sub3A_525 = arith.subf %add3A_524, %max3A_522 : vector<112x160xf32>
      %add3A_526 = arith.constant 9.99999971E-10 : f32
      %add3A_527 = vector.broadcast %add3A_526 : f32 to vector<112x160xf32>
      %add3A_528 = arith.addf %sub3A_525, %add3A_527 : vector<112x160xf32>
      %div3A = arith.divf %max3A_522, %add3A_528 : vector<112x160xf32>
      %gt3A_529 = arith.constant 4.500000e-01 : f32
      %gt3A_530 = vector.broadcast %gt3A_529 : f32 to vector<112x160xf32>
      %gt3A_531 = arith.cmpf ogt, %div3A, %gt3A_530 : vector<112x160xf32>
      %gt3A_532 = vector.broadcast %add3A_502 : i32 to vector<112x160xi32>
      %gt3A_533 = arith.cmpi sgt, %add3A_224, %gt3A_532 : vector<112x160xi32>
      %and3A = arith.andi %gt3A_531, %gt3A_533 : vector<112x160xi1>
      %convert_element_type3A_534 = arith.extui %and3A : vector<112x160xi1> to vector<112x160xi32>
      %convert_element_type3A_535 = arith.sitofp %convert_element_type3A_534 : vector<112x160xi32> to vector<112x160xf32>
      %get3A_536 = arith.constant 88 : index
      %get3A_537 = arith.constant 0 : index
      %get3A_538 = vector.load %arg6[%get3A_536, %get3A_537] : memref<200x160xf32, #tpu.memory_space<vmem>>, vector<112x160xf32>
      %mul3A_539 = vector.broadcast %get3A_515 : vector<1x160xf32> to vector<112x160xf32>
      %mul3A_540 = arith.mulf %mul3A_539, %convert_element_type3A_535 : vector<112x160xf32>
      %sub3A_541 = arith.constant 1.000000e+00 : f32
      %sub3A_542 = vector.broadcast %sub3A_541 : f32 to vector<112x160xf32>
      %sub3A_543 = arith.subf %sub3A_542, %mul3A_540 : vector<112x160xf32>
      %mul3A_544 = arith.mulf %get3A_538, %sub3A_543 : vector<112x160xf32>
      %swap3A_545 = arith.constant 88 : index
      %swap3A_546 = arith.constant 0 : index
      %swap3A_547 = vector.load %arg6[%swap3A_545, %swap3A_546] : memref<200x160xf32, #tpu.memory_space<vmem>>, vector<112x160xf32>
      tpu.vector_store %arg6[%swap3A_545, %swap3A_546], %mul3A_544 {strides = array<i32>} : memref<200x160xf32, #tpu.memory_space<vmem>>, vector<112x160xf32>,
    }
    %scan3A_229 = arith.constant 8 : i32
    %get3A_230 = arith.constant 96 : index
    %get3A_231 = arith.constant 0 : index
    %get3A_232 = vector.load %arg0[%get3A_230, %get3A_231] : memref<200x160xf32, #tpu.memory_space<vmem>>, vector<104x160xf32>
    %get3A_233 = arith.constant 96 : index
    %get3A_234 = arith.constant 0 : index
    %get3A_235 = vector.load %arg1[%get3A_233, %get3A_234] : memref<200x160xf32, #tpu.memory_space<vmem>>, vector<104x160xf32>
    %sub3A_236 = arith.subf %get3A_235, %get3A_232 : vector<104x160xf32>
    %max3A_237 = arith.constant 0.000000e+00 : f32
    %max3A_238 = vector.broadcast %max3A_237 : f32 to vector<104x160xf32>
    %max3A_239 = arith.maximumf %sub3A_236, %max3A_238 : vector<104x160xf32>
    %iota3A_240 = tpu.iota {dimensions = array<i32: 0>} : vector<104x160xi32>
    %add3A_241 = arith.constant 96 : i32
    %add3A_242 = vector.broadcast %add3A_241 : i32 to vector<104x160xi32>
    %add3A_243 = arith.addi %add3A_242, %iota3A_240 : vector<104x160xi32>
    %scan3A_244 = arith.constant 0 : i32
    %scan3A_245 = arith.constant 8 : i32
    %scan3A_246 = arith.addi %scan3A_244, %scan3A_245 : i32
    %scan3A_247 = arith.constant 1 : i32
    scf.for %scan3A_500 = %scan3A_244 to %scan3A_246 step %scan3A_247  : i32 {
      %add3A_501 = arith.constant 96 : i32
      %add3A_502 = arith.addi %add3A_501, %scan3A_500 : i32
      %get3A_503 = arith.index_cast %add3A_502 : i32 to index
      %get3A_504 = arith.constant 0 : index
      %get3A_505 = vector.load %arg0[%get3A_503, %get3A_504] : memref<200x160xf32, #tpu.memory_space<vmem>>, vector<1x160xf32>
      %get3A_506 = arith.index_cast %add3A_502 : i32 to index
      %get3A_507 = arith.constant 0 : index
      %get3A_508 = vector.load %arg1[%get3A_506, %get3A_507] : memref<200x160xf32, #tpu.memory_space<vmem>>, vector<1x160xf32>
      %sub3A_509 = arith.subf %get3A_508, %get3A_505 : vector<1x160xf32>
      %max3A_510 = arith.constant 0.000000e+00 : f32
      %max3A_511 = vector.broadcast %max3A_510 : f32 to vector<1x160xf32>
      %max3A_512 = arith.maximumf %sub3A_509, %max3A_511 : vector<1x160xf32>
      %get3A_513 = arith.index_cast %add3A_502 : i32 to index
      %get3A_514 = arith.constant 0 : index
      %get3A_515 = vector.load %arg6[%get3A_513, %get3A_514] : memref<200x160xf32, #tpu.memory_space<vmem>>, vector<1x160xf32>
      %min3A = vector.broadcast %get3A_508 : vector<1x160xf32> to vector<104x160xf32>
      %min3A_516 = arith.minimumf %get3A_235, %min3A : vector<104x160xf32>
      %max3A_517 = vector.broadcast %get3A_505 : vector<1x160xf32> to vector<104x160xf32>
      %max3A_518 = arith.maximumf %get3A_232, %max3A_517 : vector<104x160xf32>
      %sub3A_519 = arith.subf %min3A_516, %max3A_518 : vector<104x160xf32>
      %max3A_520 = arith.constant 0.000000e+00 : f32
      %max3A_521 = vector.broadcast %max3A_520 : f32 to vector<104x160xf32>
      %max3A_522 = arith.maximumf %sub3A_519, %max3A_521 : vector<104x160xf32>
      %add3A_523 = vector.broadcast %max3A_512 : vector<1x160xf32> to vector<104x160xf32>
      %add3A_524 = arith.addf %max3A_239, %add3A_523 : vector<104x160xf32>
      %sub3A_525 = arith.subf %add3A_524, %max3A_522 : vector<104x160xf32>
      %add3A_526 = arith.constant 9.99999971E-10 : f32
      %add3A_527 = vector.broadcast %add3A_526 : f32 to vector<104x160xf32>
      %add3A_528 = arith.addf %sub3A_525, %add3A_527 : vector<104x160xf32>
      %div3A = arith.divf %max3A_522, %add3A_528 : vector<104x160xf32>
      %gt3A_529 = arith.constant 4.500000e-01 : f32
      %gt3A_530 = vector.broadcast %gt3A_529 : f32 to vector<104x160xf32>
      %gt3A_531 = arith.cmpf ogt, %div3A, %gt3A_530 : vector<104x160xf32>
      %gt3A_532 = vector.broadcast %add3A_502 : i32 to vector<104x160xi32>
      %gt3A_533 = arith.cmpi sgt, %add3A_243, %gt3A_532 : vector<104x160xi32>
      %and3A = arith.andi %gt3A_531, %gt3A_533 : vector<104x160xi1>
      %convert_element_type3A_534 = arith.extui %and3A : vector<104x160xi1> to vector<104x160xi32>
      %convert_element_type3A_535 = arith.sitofp %convert_element_type3A_534 : vector<104x160xi32> to vector<104x160xf32>
      %get3A_536 = arith.constant 96 : index
      %get3A_537 = arith.constant 0 : index
      %get3A_538 = vector.load %arg6[%get3A_536, %get3A_537] : memref<200x160xf32, #tpu.memory_space<vmem>>, vector<104x160xf32>
      %mul3A_539 = vector.broadcast %get3A_515 : vector<1x160xf32> to vector<104x160xf32>
      %mul3A_540 = arith.mulf %mul3A_539, %convert_element_type3A_535 : vector<104x160xf32>
      %sub3A_541 = arith.constant 1.000000e+00 : f32
      %sub3A_542 = vector.broadcast %sub3A_541 : f32 to vector<104x160xf32>
      %sub3A_543 = arith.subf %sub3A_542, %mul3A_540 : vector<104x160xf32>
      %mul3A_544 = arith.mulf %get3A_538, %sub3A_543 : vector<104x160xf32>
      %swap3A_545 = arith.constant 96 : index
      %swap3A_546 = arith.constant 0 : index
      %swap3A_547 = vector.load %arg6[%swap3A_545, %swap3A_546] : memref<200x160xf32, #tpu.memory_space<vmem>>, vector<104x160xf32>
      tpu.vector_store %arg6[%swap3A_545, %swap3A_546], %mul3A_544 {strides = array<i32>} : memref<200x160xf32, #tpu.memory_space<vmem>>, vector<104x160xf32>,
    }
    %scan3A_248 = arith.constant 8 : i32
    %get3A_249 = arith.constant 104 : index
    %get3A_250 = arith.constant 0 : index
    %get3A_251 = vector.load %arg0[%get3A_249, %get3A_250] : memref<200x160xf32, #tpu.memory_space<vmem>>, vector<96x160xf32>
    %get3A_252 = arith.constant 104 : index
    %get3A_253 = arith.constant 0 : index
    %get3A_254 = vector.load %arg1[%get3A_252, %get3A_253] : memref<200x160xf32, #tpu.memory_space<vmem>>, vector<96x160xf32>
    %sub3A_255 = arith.subf %get3A_254, %get3A_251 : vector<96x160xf32>
    %max3A_256 = arith.constant 0.000000e+00 : f32
    %max3A_257 = vector.broadcast %max3A_256 : f32 to vector<96x160xf32>
    %max3A_258 = arith.maximumf %sub3A_255, %max3A_257 : vector<96x160xf32>
    %iota3A_259 = tpu.iota {dimensions = array<i32: 0>} : vector<96x160xi32>
    %add3A_260 = arith.constant 104 : i32
    %add3A_261 = vector.broadcast %add3A_260 : i32 to vector<96x160xi32>
    %add3A_262 = arith.addi %add3A_261, %iota3A_259 : vector<96x160xi32>
    %scan3A_263 = arith.constant 0 : i32
    %scan3A_264 = arith.constant 8 : i32
    %scan3A_265 = arith.addi %scan3A_263, %scan3A_264 : i32
    %scan3A_266 = arith.constant 1 : i32
    scf.for %scan3A_500 = %scan3A_263 to %scan3A_265 step %scan3A_266  : i32 {
      %add3A_501 = arith.constant 104 : i32
      %add3A_502 = arith.addi %add3A_501, %scan3A_500 : i32
      %get3A_503 = arith.index_cast %add3A_502 : i32 to index
      %get3A_504 = arith.constant 0 : index
      %get3A_505 = vector.load %arg0[%get3A_503, %get3A_504] : memref<200x160xf32, #tpu.memory_space<vmem>>, vector<1x160xf32>
      %get3A_506 = arith.index_cast %add3A_502 : i32 to index
      %get3A_507 = arith.constant 0 : index
      %get3A_508 = vector.load %arg1[%get3A_506, %get3A_507] : memref<200x160xf32, #tpu.memory_space<vmem>>, vector<1x160xf32>
      %sub3A_509 = arith.subf %get3A_508, %get3A_505 : vector<1x160xf32>
      %max3A_510 = arith.constant 0.000000e+00 : f32
      %max3A_511 = vector.broadcast %max3A_510 : f32 to vector<1x160xf32>
      %max3A_512 = arith.maximumf %sub3A_509, %max3A_511 : vector<1x160xf32>
      %get3A_513 = arith.index_cast %add3A_502 : i32 to index
      %get3A_514 = arith.constant 0 : index
      %get3A_515 = vector.load %arg6[%get3A_513, %get3A_514] : memref<200x160xf32, #tpu.memory_space<vmem>>, vector<1x160xf32>
      %min3A = vector.broadcast %get3A_508 : vector<1x160xf32> to vector<96x160xf32>
      %min3A_516 = arith.minimumf %get3A_254, %min3A : vector<96x160xf32>
      %max3A_517 = vector.broadcast %get3A_505 : vector<1x160xf32> to vector<96x160xf32>
      %max3A_518 = arith.maximumf %get3A_251, %max3A_517 : vector<96x160xf32>
      %sub3A_519 = arith.subf %min3A_516, %max3A_518 : vector<96x160xf32>
      %max3A_520 = arith.constant 0.000000e+00 : f32
      %max3A_521 = vector.broadcast %max3A_520 : f32 to vector<96x160xf32>
      %max3A_522 = arith.maximumf %sub3A_519, %max3A_521 : vector<96x160xf32>
      %add3A_523 = vector.broadcast %max3A_512 : vector<1x160xf32> to vector<96x160xf32>
      %add3A_524 = arith.addf %max3A_258, %add3A_523 : vector<96x160xf32>
      %sub3A_525 = arith.subf %add3A_524, %max3A_522 : vector<96x160xf32>
      %add3A_526 = arith.constant 9.99999971E-10 : f32
      %add3A_527 = vector.broadcast %add3A_526 : f32 to vector<96x160xf32>
      %add3A_528 = arith.addf %sub3A_525, %add3A_527 : vector<96x160xf32>
      %div3A = arith.divf %max3A_522, %add3A_528 : vector<96x160xf32>
      %gt3A_529 = arith.constant 4.500000e-01 : f32
      %gt3A_530 = vector.broadcast %gt3A_529 : f32 to vector<96x160xf32>
      %gt3A_531 = arith.cmpf ogt, %div3A, %gt3A_530 : vector<96x160xf32>
      %gt3A_532 = vector.broadcast %add3A_502 : i32 to vector<96x160xi32>
      %gt3A_533 = arith.cmpi sgt, %add3A_262, %gt3A_532 : vector<96x160xi32>
      %and3A = arith.andi %gt3A_531, %gt3A_533 : vector<96x160xi1>
      %convert_element_type3A_534 = arith.extui %and3A : vector<96x160xi1> to vector<96x160xi32>
      %convert_element_type3A_535 = arith.sitofp %convert_element_type3A_534 : vector<96x160xi32> to vector<96x160xf32>
      %get3A_536 = arith.constant 104 : index
      %get3A_537 = arith.constant 0 : index
      %get3A_538 = vector.load %arg6[%get3A_536, %get3A_537] : memref<200x160xf32, #tpu.memory_space<vmem>>, vector<96x160xf32>
      %mul3A_539 = vector.broadcast %get3A_515 : vector<1x160xf32> to vector<96x160xf32>
      %mul3A_540 = arith.mulf %mul3A_539, %convert_element_type3A_535 : vector<96x160xf32>
      %sub3A_541 = arith.constant 1.000000e+00 : f32
      %sub3A_542 = vector.broadcast %sub3A_541 : f32 to vector<96x160xf32>
      %sub3A_543 = arith.subf %sub3A_542, %mul3A_540 : vector<96x160xf32>
      %mul3A_544 = arith.mulf %get3A_538, %sub3A_543 : vector<96x160xf32>
      %swap3A_545 = arith.constant 104 : index
      %swap3A_546 = arith.constant 0 : index
      %swap3A_547 = vector.load %arg6[%swap3A_545, %swap3A_546] : memref<200x160xf32, #tpu.memory_space<vmem>>, vector<96x160xf32>
      tpu.vector_store %arg6[%swap3A_545, %swap3A_546], %mul3A_544 {strides = array<i32>} : memref<200x160xf32, #tpu.memory_space<vmem>>, vector<96x160xf32>,
    }
    %scan3A_267 = arith.constant 8 : i32
    %get3A_268 = arith.constant 112 : index
    %get3A_269 = arith.constant 0 : index
    %get3A_270 = vector.load %arg0[%get3A_268, %get3A_269] : memref<200x160xf32, #tpu.memory_space<vmem>>, vector<88x160xf32>
    %get3A_271 = arith.constant 112 : index
    %get3A_272 = arith.constant 0 : index
    %get3A_273 = vector.load %arg1[%get3A_271, %get3A_272] : memref<200x160xf32, #tpu.memory_space<vmem>>, vector<88x160xf32>
    %sub3A_274 = arith.subf %get3A_273, %get3A_270 : vector<88x160xf32>
    %max3A_275 = arith.constant 0.000000e+00 : f32
    %max3A_276 = vector.broadcast %max3A_275 : f32 to vector<88x160xf32>
    %max3A_277 = arith.maximumf %sub3A_274, %max3A_276 : vector<88x160xf32>
    %iota3A_278 = tpu.iota {dimensions = array<i32: 0>} : vector<88x160xi32>
    %add3A_279 = arith.constant 112 : i32
    %add3A_280 = vector.broadcast %add3A_279 : i32 to vector<88x160xi32>
    %add3A_281 = arith.addi %add3A_280, %iota3A_278 : vector<88x160xi32>
    %scan3A_282 = arith.constant 0 : i32
    %scan3A_283 = arith.constant 8 : i32
    %scan3A_284 = arith.addi %scan3A_282, %scan3A_283 : i32
    %scan3A_285 = arith.constant 1 : i32
    scf.for %scan3A_500 = %scan3A_282 to %scan3A_284 step %scan3A_285  : i32 {
      %add3A_501 = arith.constant 112 : i32
      %add3A_502 = arith.addi %add3A_501, %scan3A_500 : i32
      %get3A_503 = arith.index_cast %add3A_502 : i32 to index
      %get3A_504 = arith.constant 0 : index
      %get3A_505 = vector.load %arg0[%get3A_503, %get3A_504] : memref<200x160xf32, #tpu.memory_space<vmem>>, vector<1x160xf32>
      %get3A_506 = arith.index_cast %add3A_502 : i32 to index
      %get3A_507 = arith.constant 0 : index
      %get3A_508 = vector.load %arg1[%get3A_506, %get3A_507] : memref<200x160xf32, #tpu.memory_space<vmem>>, vector<1x160xf32>
      %sub3A_509 = arith.subf %get3A_508, %get3A_505 : vector<1x160xf32>
      %max3A_510 = arith.constant 0.000000e+00 : f32
      %max3A_511 = vector.broadcast %max3A_510 : f32 to vector<1x160xf32>
      %max3A_512 = arith.maximumf %sub3A_509, %max3A_511 : vector<1x160xf32>
      %get3A_513 = arith.index_cast %add3A_502 : i32 to index
      %get3A_514 = arith.constant 0 : index
      %get3A_515 = vector.load %arg6[%get3A_513, %get3A_514] : memref<200x160xf32, #tpu.memory_space<vmem>>, vector<1x160xf32>
      %min3A = vector.broadcast %get3A_508 : vector<1x160xf32> to vector<88x160xf32>
      %min3A_516 = arith.minimumf %get3A_273, %min3A : vector<88x160xf32>
      %max3A_517 = vector.broadcast %get3A_505 : vector<1x160xf32> to vector<88x160xf32>
      %max3A_518 = arith.maximumf %get3A_270, %max3A_517 : vector<88x160xf32>
      %sub3A_519 = arith.subf %min3A_516, %max3A_518 : vector<88x160xf32>
      %max3A_520 = arith.constant 0.000000e+00 : f32
      %max3A_521 = vector.broadcast %max3A_520 : f32 to vector<88x160xf32>
      %max3A_522 = arith.maximumf %sub3A_519, %max3A_521 : vector<88x160xf32>
      %add3A_523 = vector.broadcast %max3A_512 : vector<1x160xf32> to vector<88x160xf32>
      %add3A_524 = arith.addf %max3A_277, %add3A_523 : vector<88x160xf32>
      %sub3A_525 = arith.subf %add3A_524, %max3A_522 : vector<88x160xf32>
      %add3A_526 = arith.constant 9.99999971E-10 : f32
      %add3A_527 = vector.broadcast %add3A_526 : f32 to vector<88x160xf32>
      %add3A_528 = arith.addf %sub3A_525, %add3A_527 : vector<88x160xf32>
      %div3A = arith.divf %max3A_522, %add3A_528 : vector<88x160xf32>
      %gt3A_529 = arith.constant 4.500000e-01 : f32
      %gt3A_530 = vector.broadcast %gt3A_529 : f32 to vector<88x160xf32>
      %gt3A_531 = arith.cmpf ogt, %div3A, %gt3A_530 : vector<88x160xf32>
      %gt3A_532 = vector.broadcast %add3A_502 : i32 to vector<88x160xi32>
      %gt3A_533 = arith.cmpi sgt, %add3A_281, %gt3A_532 : vector<88x160xi32>
      %and3A = arith.andi %gt3A_531, %gt3A_533 : vector<88x160xi1>
      %convert_element_type3A_534 = arith.extui %and3A : vector<88x160xi1> to vector<88x160xi32>
      %convert_element_type3A_535 = arith.sitofp %convert_element_type3A_534 : vector<88x160xi32> to vector<88x160xf32>
      %get3A_536 = arith.constant 112 : index
      %get3A_537 = arith.constant 0 : index
      %get3A_538 = vector.load %arg6[%get3A_536, %get3A_537] : memref<200x160xf32, #tpu.memory_space<vmem>>, vector<88x160xf32>
      %mul3A_539 = vector.broadcast %get3A_515 : vector<1x160xf32> to vector<88x160xf32>
      %mul3A_540 = arith.mulf %mul3A_539, %convert_element_type3A_535 : vector<88x160xf32>
      %sub3A_541 = arith.constant 1.000000e+00 : f32
      %sub3A_542 = vector.broadcast %sub3A_541 : f32 to vector<88x160xf32>
      %sub3A_543 = arith.subf %sub3A_542, %mul3A_540 : vector<88x160xf32>
      %mul3A_544 = arith.mulf %get3A_538, %sub3A_543 : vector<88x160xf32>
      %swap3A_545 = arith.constant 112 : index
      %swap3A_546 = arith.constant 0 : index
      %swap3A_547 = vector.load %arg6[%swap3A_545, %swap3A_546] : memref<200x160xf32, #tpu.memory_space<vmem>>, vector<88x160xf32>
      tpu.vector_store %arg6[%swap3A_545, %swap3A_546], %mul3A_544 {strides = array<i32>} : memref<200x160xf32, #tpu.memory_space<vmem>>, vector<88x160xf32>,
    }
    %scan3A_286 = arith.constant 8 : i32
    %get3A_287 = arith.constant 120 : index
    %get3A_288 = arith.constant 0 : index
    %get3A_289 = vector.load %arg0[%get3A_287, %get3A_288] : memref<200x160xf32, #tpu.memory_space<vmem>>, vector<80x160xf32>
    %get3A_290 = arith.constant 120 : index
    %get3A_291 = arith.constant 0 : index
    %get3A_292 = vector.load %arg1[%get3A_290, %get3A_291] : memref<200x160xf32, #tpu.memory_space<vmem>>, vector<80x160xf32>
    %sub3A_293 = arith.subf %get3A_292, %get3A_289 : vector<80x160xf32>
    %max3A_294 = arith.constant 0.000000e+00 : f32
    %max3A_295 = vector.broadcast %max3A_294 : f32 to vector<80x160xf32>
    %max3A_296 = arith.maximumf %sub3A_293, %max3A_295 : vector<80x160xf32>
    %iota3A_297 = tpu.iota {dimensions = array<i32: 0>} : vector<80x160xi32>
    %add3A_298 = arith.constant 120 : i32
    %add3A_299 = vector.broadcast %add3A_298 : i32 to vector<80x160xi32>
    %add3A_300 = arith.addi %add3A_299, %iota3A_297 : vector<80x160xi32>
    %scan3A_301 = arith.constant 0 : i32
    %scan3A_302 = arith.constant 8 : i32
    %scan3A_303 = arith.addi %scan3A_301, %scan3A_302 : i32
    %scan3A_304 = arith.constant 1 : i32
    scf.for %scan3A_500 = %scan3A_301 to %scan3A_303 step %scan3A_304  : i32 {
      %add3A_501 = arith.constant 120 : i32
      %add3A_502 = arith.addi %add3A_501, %scan3A_500 : i32
      %get3A_503 = arith.index_cast %add3A_502 : i32 to index
      %get3A_504 = arith.constant 0 : index
      %get3A_505 = vector.load %arg0[%get3A_503, %get3A_504] : memref<200x160xf32, #tpu.memory_space<vmem>>, vector<1x160xf32>
      %get3A_506 = arith.index_cast %add3A_502 : i32 to index
      %get3A_507 = arith.constant 0 : index
      %get3A_508 = vector.load %arg1[%get3A_506, %get3A_507] : memref<200x160xf32, #tpu.memory_space<vmem>>, vector<1x160xf32>
      %sub3A_509 = arith.subf %get3A_508, %get3A_505 : vector<1x160xf32>
      %max3A_510 = arith.constant 0.000000e+00 : f32
      %max3A_511 = vector.broadcast %max3A_510 : f32 to vector<1x160xf32>
      %max3A_512 = arith.maximumf %sub3A_509, %max3A_511 : vector<1x160xf32>
      %get3A_513 = arith.index_cast %add3A_502 : i32 to index
      %get3A_514 = arith.constant 0 : index
      %get3A_515 = vector.load %arg6[%get3A_513, %get3A_514] : memref<200x160xf32, #tpu.memory_space<vmem>>, vector<1x160xf32>
      %min3A = vector.broadcast %get3A_508 : vector<1x160xf32> to vector<80x160xf32>
      %min3A_516 = arith.minimumf %get3A_292, %min3A : vector<80x160xf32>
      %max3A_517 = vector.broadcast %get3A_505 : vector<1x160xf32> to vector<80x160xf32>
      %max3A_518 = arith.maximumf %get3A_289, %max3A_517 : vector<80x160xf32>
      %sub3A_519 = arith.subf %min3A_516, %max3A_518 : vector<80x160xf32>
      %max3A_520 = arith.constant 0.000000e+00 : f32
      %max3A_521 = vector.broadcast %max3A_520 : f32 to vector<80x160xf32>
      %max3A_522 = arith.maximumf %sub3A_519, %max3A_521 : vector<80x160xf32>
      %add3A_523 = vector.broadcast %max3A_512 : vector<1x160xf32> to vector<80x160xf32>
      %add3A_524 = arith.addf %max3A_296, %add3A_523 : vector<80x160xf32>
      %sub3A_525 = arith.subf %add3A_524, %max3A_522 : vector<80x160xf32>
      %add3A_526 = arith.constant 9.99999971E-10 : f32
      %add3A_527 = vector.broadcast %add3A_526 : f32 to vector<80x160xf32>
      %add3A_528 = arith.addf %sub3A_525, %add3A_527 : vector<80x160xf32>
      %div3A = arith.divf %max3A_522, %add3A_528 : vector<80x160xf32>
      %gt3A_529 = arith.constant 4.500000e-01 : f32
      %gt3A_530 = vector.broadcast %gt3A_529 : f32 to vector<80x160xf32>
      %gt3A_531 = arith.cmpf ogt, %div3A, %gt3A_530 : vector<80x160xf32>
      %gt3A_532 = vector.broadcast %add3A_502 : i32 to vector<80x160xi32>
      %gt3A_533 = arith.cmpi sgt, %add3A_300, %gt3A_532 : vector<80x160xi32>
      %and3A = arith.andi %gt3A_531, %gt3A_533 : vector<80x160xi1>
      %convert_element_type3A_534 = arith.extui %and3A : vector<80x160xi1> to vector<80x160xi32>
      %convert_element_type3A_535 = arith.sitofp %convert_element_type3A_534 : vector<80x160xi32> to vector<80x160xf32>
      %get3A_536 = arith.constant 120 : index
      %get3A_537 = arith.constant 0 : index
      %get3A_538 = vector.load %arg6[%get3A_536, %get3A_537] : memref<200x160xf32, #tpu.memory_space<vmem>>, vector<80x160xf32>
      %mul3A_539 = vector.broadcast %get3A_515 : vector<1x160xf32> to vector<80x160xf32>
      %mul3A_540 = arith.mulf %mul3A_539, %convert_element_type3A_535 : vector<80x160xf32>
      %sub3A_541 = arith.constant 1.000000e+00 : f32
      %sub3A_542 = vector.broadcast %sub3A_541 : f32 to vector<80x160xf32>
      %sub3A_543 = arith.subf %sub3A_542, %mul3A_540 : vector<80x160xf32>
      %mul3A_544 = arith.mulf %get3A_538, %sub3A_543 : vector<80x160xf32>
      %swap3A_545 = arith.constant 120 : index
      %swap3A_546 = arith.constant 0 : index
      %swap3A_547 = vector.load %arg6[%swap3A_545, %swap3A_546] : memref<200x160xf32, #tpu.memory_space<vmem>>, vector<80x160xf32>
      tpu.vector_store %arg6[%swap3A_545, %swap3A_546], %mul3A_544 {strides = array<i32>} : memref<200x160xf32, #tpu.memory_space<vmem>>, vector<80x160xf32>,
    }
    %scan3A_305 = arith.constant 8 : i32
    %get3A_306 = arith.constant 128 : index
    %get3A_307 = arith.constant 0 : index
    %get3A_308 = vector.load %arg0[%get3A_306, %get3A_307] : memref<200x160xf32, #tpu.memory_space<vmem>>, vector<72x160xf32>
    %get3A_309 = arith.constant 128 : index
    %get3A_310 = arith.constant 0 : index
    %get3A_311 = vector.load %arg1[%get3A_309, %get3A_310] : memref<200x160xf32, #tpu.memory_space<vmem>>, vector<72x160xf32>
    %sub3A_312 = arith.subf %get3A_311, %get3A_308 : vector<72x160xf32>
    %max3A_313 = arith.constant 0.000000e+00 : f32
    %max3A_314 = vector.broadcast %max3A_313 : f32 to vector<72x160xf32>
    %max3A_315 = arith.maximumf %sub3A_312, %max3A_314 : vector<72x160xf32>
    %iota3A_316 = tpu.iota {dimensions = array<i32: 0>} : vector<72x160xi32>
    %add3A_317 = arith.constant 128 : i32
    %add3A_318 = vector.broadcast %add3A_317 : i32 to vector<72x160xi32>
    %add3A_319 = arith.addi %add3A_318, %iota3A_316 : vector<72x160xi32>
    %scan3A_320 = arith.constant 0 : i32
    %scan3A_321 = arith.constant 8 : i32
    %scan3A_322 = arith.addi %scan3A_320, %scan3A_321 : i32
    %scan3A_323 = arith.constant 1 : i32
    scf.for %scan3A_500 = %scan3A_320 to %scan3A_322 step %scan3A_323  : i32 {
      %add3A_501 = arith.constant 128 : i32
      %add3A_502 = arith.addi %add3A_501, %scan3A_500 : i32
      %get3A_503 = arith.index_cast %add3A_502 : i32 to index
      %get3A_504 = arith.constant 0 : index
      %get3A_505 = vector.load %arg0[%get3A_503, %get3A_504] : memref<200x160xf32, #tpu.memory_space<vmem>>, vector<1x160xf32>
      %get3A_506 = arith.index_cast %add3A_502 : i32 to index
      %get3A_507 = arith.constant 0 : index
      %get3A_508 = vector.load %arg1[%get3A_506, %get3A_507] : memref<200x160xf32, #tpu.memory_space<vmem>>, vector<1x160xf32>
      %sub3A_509 = arith.subf %get3A_508, %get3A_505 : vector<1x160xf32>
      %max3A_510 = arith.constant 0.000000e+00 : f32
      %max3A_511 = vector.broadcast %max3A_510 : f32 to vector<1x160xf32>
      %max3A_512 = arith.maximumf %sub3A_509, %max3A_511 : vector<1x160xf32>
      %get3A_513 = arith.index_cast %add3A_502 : i32 to index
      %get3A_514 = arith.constant 0 : index
      %get3A_515 = vector.load %arg6[%get3A_513, %get3A_514] : memref<200x160xf32, #tpu.memory_space<vmem>>, vector<1x160xf32>
      %min3A = vector.broadcast %get3A_508 : vector<1x160xf32> to vector<72x160xf32>
      %min3A_516 = arith.minimumf %get3A_311, %min3A : vector<72x160xf32>
      %max3A_517 = vector.broadcast %get3A_505 : vector<1x160xf32> to vector<72x160xf32>
      %max3A_518 = arith.maximumf %get3A_308, %max3A_517 : vector<72x160xf32>
      %sub3A_519 = arith.subf %min3A_516, %max3A_518 : vector<72x160xf32>
      %max3A_520 = arith.constant 0.000000e+00 : f32
      %max3A_521 = vector.broadcast %max3A_520 : f32 to vector<72x160xf32>
      %max3A_522 = arith.maximumf %sub3A_519, %max3A_521 : vector<72x160xf32>
      %add3A_523 = vector.broadcast %max3A_512 : vector<1x160xf32> to vector<72x160xf32>
      %add3A_524 = arith.addf %max3A_315, %add3A_523 : vector<72x160xf32>
      %sub3A_525 = arith.subf %add3A_524, %max3A_522 : vector<72x160xf32>
      %add3A_526 = arith.constant 9.99999971E-10 : f32
      %add3A_527 = vector.broadcast %add3A_526 : f32 to vector<72x160xf32>
      %add3A_528 = arith.addf %sub3A_525, %add3A_527 : vector<72x160xf32>
      %div3A = arith.divf %max3A_522, %add3A_528 : vector<72x160xf32>
      %gt3A_529 = arith.constant 4.500000e-01 : f32
      %gt3A_530 = vector.broadcast %gt3A_529 : f32 to vector<72x160xf32>
      %gt3A_531 = arith.cmpf ogt, %div3A, %gt3A_530 : vector<72x160xf32>
      %gt3A_532 = vector.broadcast %add3A_502 : i32 to vector<72x160xi32>
      %gt3A_533 = arith.cmpi sgt, %add3A_319, %gt3A_532 : vector<72x160xi32>
      %and3A = arith.andi %gt3A_531, %gt3A_533 : vector<72x160xi1>
      %convert_element_type3A_534 = arith.extui %and3A : vector<72x160xi1> to vector<72x160xi32>
      %convert_element_type3A_535 = arith.sitofp %convert_element_type3A_534 : vector<72x160xi32> to vector<72x160xf32>
      %get3A_536 = arith.constant 128 : index
      %get3A_537 = arith.constant 0 : index
      %get3A_538 = vector.load %arg6[%get3A_536, %get3A_537] : memref<200x160xf32, #tpu.memory_space<vmem>>, vector<72x160xf32>
      %mul3A_539 = vector.broadcast %get3A_515 : vector<1x160xf32> to vector<72x160xf32>
      %mul3A_540 = arith.mulf %mul3A_539, %convert_element_type3A_535 : vector<72x160xf32>
      %sub3A_541 = arith.constant 1.000000e+00 : f32
      %sub3A_542 = vector.broadcast %sub3A_541 : f32 to vector<72x160xf32>
      %sub3A_543 = arith.subf %sub3A_542, %mul3A_540 : vector<72x160xf32>
      %mul3A_544 = arith.mulf %get3A_538, %sub3A_543 : vector<72x160xf32>
      %swap3A_545 = arith.constant 128 : index
      %swap3A_546 = arith.constant 0 : index
      %swap3A_547 = vector.load %arg6[%swap3A_545, %swap3A_546] : memref<200x160xf32, #tpu.memory_space<vmem>>, vector<72x160xf32>
      tpu.vector_store %arg6[%swap3A_545, %swap3A_546], %mul3A_544 {strides = array<i32>} : memref<200x160xf32, #tpu.memory_space<vmem>>, vector<72x160xf32>,
    }
    %scan3A_324 = arith.constant 8 : i32
    %get3A_325 = arith.constant 136 : index
    %get3A_326 = arith.constant 0 : index
    %get3A_327 = vector.load %arg0[%get3A_325, %get3A_326] : memref<200x160xf32, #tpu.memory_space<vmem>>, vector<64x160xf32>
    %get3A_328 = arith.constant 136 : index
    %get3A_329 = arith.constant 0 : index
    %get3A_330 = vector.load %arg1[%get3A_328, %get3A_329] : memref<200x160xf32, #tpu.memory_space<vmem>>, vector<64x160xf32>
    %sub3A_331 = arith.subf %get3A_330, %get3A_327 : vector<64x160xf32>
    %max3A_332 = arith.constant 0.000000e+00 : f32
    %max3A_333 = vector.broadcast %max3A_332 : f32 to vector<64x160xf32>
    %max3A_334 = arith.maximumf %sub3A_331, %max3A_333 : vector<64x160xf32>
    %iota3A_335 = tpu.iota {dimensions = array<i32: 0>} : vector<64x160xi32>
    %add3A_336 = arith.constant 136 : i32
    %add3A_337 = vector.broadcast %add3A_336 : i32 to vector<64x160xi32>
    %add3A_338 = arith.addi %add3A_337, %iota3A_335 : vector<64x160xi32>
    %scan3A_339 = arith.constant 0 : i32
    %scan3A_340 = arith.constant 8 : i32
    %scan3A_341 = arith.addi %scan3A_339, %scan3A_340 : i32
    %scan3A_342 = arith.constant 1 : i32
    scf.for %scan3A_500 = %scan3A_339 to %scan3A_341 step %scan3A_342  : i32 {
      %add3A_501 = arith.constant 136 : i32
      %add3A_502 = arith.addi %add3A_501, %scan3A_500 : i32
      %get3A_503 = arith.index_cast %add3A_502 : i32 to index
      %get3A_504 = arith.constant 0 : index
      %get3A_505 = vector.load %arg0[%get3A_503, %get3A_504] : memref<200x160xf32, #tpu.memory_space<vmem>>, vector<1x160xf32>
      %get3A_506 = arith.index_cast %add3A_502 : i32 to index
      %get3A_507 = arith.constant 0 : index
      %get3A_508 = vector.load %arg1[%get3A_506, %get3A_507] : memref<200x160xf32, #tpu.memory_space<vmem>>, vector<1x160xf32>
      %sub3A_509 = arith.subf %get3A_508, %get3A_505 : vector<1x160xf32>
      %max3A_510 = arith.constant 0.000000e+00 : f32
      %max3A_511 = vector.broadcast %max3A_510 : f32 to vector<1x160xf32>
      %max3A_512 = arith.maximumf %sub3A_509, %max3A_511 : vector<1x160xf32>
      %get3A_513 = arith.index_cast %add3A_502 : i32 to index
      %get3A_514 = arith.constant 0 : index
      %get3A_515 = vector.load %arg6[%get3A_513, %get3A_514] : memref<200x160xf32, #tpu.memory_space<vmem>>, vector<1x160xf32>
      %min3A = vector.broadcast %get3A_508 : vector<1x160xf32> to vector<64x160xf32>
      %min3A_516 = arith.minimumf %get3A_330, %min3A : vector<64x160xf32>
      %max3A_517 = vector.broadcast %get3A_505 : vector<1x160xf32> to vector<64x160xf32>
      %max3A_518 = arith.maximumf %get3A_327, %max3A_517 : vector<64x160xf32>
      %sub3A_519 = arith.subf %min3A_516, %max3A_518 : vector<64x160xf32>
      %max3A_520 = arith.constant 0.000000e+00 : f32
      %max3A_521 = vector.broadcast %max3A_520 : f32 to vector<64x160xf32>
      %max3A_522 = arith.maximumf %sub3A_519, %max3A_521 : vector<64x160xf32>
      %add3A_523 = vector.broadcast %max3A_512 : vector<1x160xf32> to vector<64x160xf32>
      %add3A_524 = arith.addf %max3A_334, %add3A_523 : vector<64x160xf32>
      %sub3A_525 = arith.subf %add3A_524, %max3A_522 : vector<64x160xf32>
      %add3A_526 = arith.constant 9.99999971E-10 : f32
      %add3A_527 = vector.broadcast %add3A_526 : f32 to vector<64x160xf32>
      %add3A_528 = arith.addf %sub3A_525, %add3A_527 : vector<64x160xf32>
      %div3A = arith.divf %max3A_522, %add3A_528 : vector<64x160xf32>
      %gt3A_529 = arith.constant 4.500000e-01 : f32
      %gt3A_530 = vector.broadcast %gt3A_529 : f32 to vector<64x160xf32>
      %gt3A_531 = arith.cmpf ogt, %div3A, %gt3A_530 : vector<64x160xf32>
      %gt3A_532 = vector.broadcast %add3A_502 : i32 to vector<64x160xi32>
      %gt3A_533 = arith.cmpi sgt, %add3A_338, %gt3A_532 : vector<64x160xi32>
      %and3A = arith.andi %gt3A_531, %gt3A_533 : vector<64x160xi1>
      %convert_element_type3A_534 = arith.extui %and3A : vector<64x160xi1> to vector<64x160xi32>
      %convert_element_type3A_535 = arith.sitofp %convert_element_type3A_534 : vector<64x160xi32> to vector<64x160xf32>
      %get3A_536 = arith.constant 136 : index
      %get3A_537 = arith.constant 0 : index
      %get3A_538 = vector.load %arg6[%get3A_536, %get3A_537] : memref<200x160xf32, #tpu.memory_space<vmem>>, vector<64x160xf32>
      %mul3A_539 = vector.broadcast %get3A_515 : vector<1x160xf32> to vector<64x160xf32>
      %mul3A_540 = arith.mulf %mul3A_539, %convert_element_type3A_535 : vector<64x160xf32>
      %sub3A_541 = arith.constant 1.000000e+00 : f32
      %sub3A_542 = vector.broadcast %sub3A_541 : f32 to vector<64x160xf32>
      %sub3A_543 = arith.subf %sub3A_542, %mul3A_540 : vector<64x160xf32>
      %mul3A_544 = arith.mulf %get3A_538, %sub3A_543 : vector<64x160xf32>
      %swap3A_545 = arith.constant 136 : index
      %swap3A_546 = arith.constant 0 : index
      %swap3A_547 = vector.load %arg6[%swap3A_545, %swap3A_546] : memref<200x160xf32, #tpu.memory_space<vmem>>, vector<64x160xf32>
      tpu.vector_store %arg6[%swap3A_545, %swap3A_546], %mul3A_544 {strides = array<i32>} : memref<200x160xf32, #tpu.memory_space<vmem>>, vector<64x160xf32>,
    }
    %scan3A_343 = arith.constant 8 : i32
    %get3A_344 = arith.constant 144 : index
    %get3A_345 = arith.constant 0 : index
    %get3A_346 = vector.load %arg0[%get3A_344, %get3A_345] : memref<200x160xf32, #tpu.memory_space<vmem>>, vector<56x160xf32>
    %get3A_347 = arith.constant 144 : index
    %get3A_348 = arith.constant 0 : index
    %get3A_349 = vector.load %arg1[%get3A_347, %get3A_348] : memref<200x160xf32, #tpu.memory_space<vmem>>, vector<56x160xf32>
    %sub3A_350 = arith.subf %get3A_349, %get3A_346 : vector<56x160xf32>
    %max3A_351 = arith.constant 0.000000e+00 : f32
    %max3A_352 = vector.broadcast %max3A_351 : f32 to vector<56x160xf32>
    %max3A_353 = arith.maximumf %sub3A_350, %max3A_352 : vector<56x160xf32>
    %iota3A_354 = tpu.iota {dimensions = array<i32: 0>} : vector<56x160xi32>
    %add3A_355 = arith.constant 144 : i32
    %add3A_356 = vector.broadcast %add3A_355 : i32 to vector<56x160xi32>
    %add3A_357 = arith.addi %add3A_356, %iota3A_354 : vector<56x160xi32>
    %scan3A_358 = arith.constant 0 : i32
    %scan3A_359 = arith.constant 8 : i32
    %scan3A_360 = arith.addi %scan3A_358, %scan3A_359 : i32
    %scan3A_361 = arith.constant 1 : i32
    scf.for %scan3A_500 = %scan3A_358 to %scan3A_360 step %scan3A_361  : i32 {
      %add3A_501 = arith.constant 144 : i32
      %add3A_502 = arith.addi %add3A_501, %scan3A_500 : i32
      %get3A_503 = arith.index_cast %add3A_502 : i32 to index
      %get3A_504 = arith.constant 0 : index
      %get3A_505 = vector.load %arg0[%get3A_503, %get3A_504] : memref<200x160xf32, #tpu.memory_space<vmem>>, vector<1x160xf32>
      %get3A_506 = arith.index_cast %add3A_502 : i32 to index
      %get3A_507 = arith.constant 0 : index
      %get3A_508 = vector.load %arg1[%get3A_506, %get3A_507] : memref<200x160xf32, #tpu.memory_space<vmem>>, vector<1x160xf32>
      %sub3A_509 = arith.subf %get3A_508, %get3A_505 : vector<1x160xf32>
      %max3A_510 = arith.constant 0.000000e+00 : f32
      %max3A_511 = vector.broadcast %max3A_510 : f32 to vector<1x160xf32>
      %max3A_512 = arith.maximumf %sub3A_509, %max3A_511 : vector<1x160xf32>
      %get3A_513 = arith.index_cast %add3A_502 : i32 to index
      %get3A_514 = arith.constant 0 : index
      %get3A_515 = vector.load %arg6[%get3A_513, %get3A_514] : memref<200x160xf32, #tpu.memory_space<vmem>>, vector<1x160xf32>
      %min3A = vector.broadcast %get3A_508 : vector<1x160xf32> to vector<56x160xf32>
      %min3A_516 = arith.minimumf %get3A_349, %min3A : vector<56x160xf32>
      %max3A_517 = vector.broadcast %get3A_505 : vector<1x160xf32> to vector<56x160xf32>
      %max3A_518 = arith.maximumf %get3A_346, %max3A_517 : vector<56x160xf32>
      %sub3A_519 = arith.subf %min3A_516, %max3A_518 : vector<56x160xf32>
      %max3A_520 = arith.constant 0.000000e+00 : f32
      %max3A_521 = vector.broadcast %max3A_520 : f32 to vector<56x160xf32>
      %max3A_522 = arith.maximumf %sub3A_519, %max3A_521 : vector<56x160xf32>
      %add3A_523 = vector.broadcast %max3A_512 : vector<1x160xf32> to vector<56x160xf32>
      %add3A_524 = arith.addf %max3A_353, %add3A_523 : vector<56x160xf32>
      %sub3A_525 = arith.subf %add3A_524, %max3A_522 : vector<56x160xf32>
      %add3A_526 = arith.constant 9.99999971E-10 : f32
      %add3A_527 = vector.broadcast %add3A_526 : f32 to vector<56x160xf32>
      %add3A_528 = arith.addf %sub3A_525, %add3A_527 : vector<56x160xf32>
      %div3A = arith.divf %max3A_522, %add3A_528 : vector<56x160xf32>
      %gt3A_529 = arith.constant 4.500000e-01 : f32
      %gt3A_530 = vector.broadcast %gt3A_529 : f32 to vector<56x160xf32>
      %gt3A_531 = arith.cmpf ogt, %div3A, %gt3A_530 : vector<56x160xf32>
      %gt3A_532 = vector.broadcast %add3A_502 : i32 to vector<56x160xi32>
      %gt3A_533 = arith.cmpi sgt, %add3A_357, %gt3A_532 : vector<56x160xi32>
      %and3A = arith.andi %gt3A_531, %gt3A_533 : vector<56x160xi1>
      %convert_element_type3A_534 = arith.extui %and3A : vector<56x160xi1> to vector<56x160xi32>
      %convert_element_type3A_535 = arith.sitofp %convert_element_type3A_534 : vector<56x160xi32> to vector<56x160xf32>
      %get3A_536 = arith.constant 144 : index
      %get3A_537 = arith.constant 0 : index
      %get3A_538 = vector.load %arg6[%get3A_536, %get3A_537] : memref<200x160xf32, #tpu.memory_space<vmem>>, vector<56x160xf32>
      %mul3A_539 = vector.broadcast %get3A_515 : vector<1x160xf32> to vector<56x160xf32>
      %mul3A_540 = arith.mulf %mul3A_539, %convert_element_type3A_535 : vector<56x160xf32>
      %sub3A_541 = arith.constant 1.000000e+00 : f32
      %sub3A_542 = vector.broadcast %sub3A_541 : f32 to vector<56x160xf32>
      %sub3A_543 = arith.subf %sub3A_542, %mul3A_540 : vector<56x160xf32>
      %mul3A_544 = arith.mulf %get3A_538, %sub3A_543 : vector<56x160xf32>
      %swap3A_545 = arith.constant 144 : index
      %swap3A_546 = arith.constant 0 : index
      %swap3A_547 = vector.load %arg6[%swap3A_545, %swap3A_546] : memref<200x160xf32, #tpu.memory_space<vmem>>, vector<56x160xf32>
      tpu.vector_store %arg6[%swap3A_545, %swap3A_546], %mul3A_544 {strides = array<i32>} : memref<200x160xf32, #tpu.memory_space<vmem>>, vector<56x160xf32>,
    }
    %scan3A_362 = arith.constant 8 : i32
    %get3A_363 = arith.constant 152 : index
    %get3A_364 = arith.constant 0 : index
    %get3A_365 = vector.load %arg0[%get3A_363, %get3A_364] : memref<200x160xf32, #tpu.memory_space<vmem>>, vector<48x160xf32>
    %get3A_366 = arith.constant 152 : index
    %get3A_367 = arith.constant 0 : index
    %get3A_368 = vector.load %arg1[%get3A_366, %get3A_367] : memref<200x160xf32, #tpu.memory_space<vmem>>, vector<48x160xf32>
    %sub3A_369 = arith.subf %get3A_368, %get3A_365 : vector<48x160xf32>
    %max3A_370 = arith.constant 0.000000e+00 : f32
    %max3A_371 = vector.broadcast %max3A_370 : f32 to vector<48x160xf32>
    %max3A_372 = arith.maximumf %sub3A_369, %max3A_371 : vector<48x160xf32>
    %iota3A_373 = tpu.iota {dimensions = array<i32: 0>} : vector<48x160xi32>
    %add3A_374 = arith.constant 152 : i32
    %add3A_375 = vector.broadcast %add3A_374 : i32 to vector<48x160xi32>
    %add3A_376 = arith.addi %add3A_375, %iota3A_373 : vector<48x160xi32>
    %scan3A_377 = arith.constant 0 : i32
    %scan3A_378 = arith.constant 8 : i32
    %scan3A_379 = arith.addi %scan3A_377, %scan3A_378 : i32
    %scan3A_380 = arith.constant 1 : i32
    scf.for %scan3A_500 = %scan3A_377 to %scan3A_379 step %scan3A_380  : i32 {
      %add3A_501 = arith.constant 152 : i32
      %add3A_502 = arith.addi %add3A_501, %scan3A_500 : i32
      %get3A_503 = arith.index_cast %add3A_502 : i32 to index
      %get3A_504 = arith.constant 0 : index
      %get3A_505 = vector.load %arg0[%get3A_503, %get3A_504] : memref<200x160xf32, #tpu.memory_space<vmem>>, vector<1x160xf32>
      %get3A_506 = arith.index_cast %add3A_502 : i32 to index
      %get3A_507 = arith.constant 0 : index
      %get3A_508 = vector.load %arg1[%get3A_506, %get3A_507] : memref<200x160xf32, #tpu.memory_space<vmem>>, vector<1x160xf32>
      %sub3A_509 = arith.subf %get3A_508, %get3A_505 : vector<1x160xf32>
      %max3A_510 = arith.constant 0.000000e+00 : f32
      %max3A_511 = vector.broadcast %max3A_510 : f32 to vector<1x160xf32>
      %max3A_512 = arith.maximumf %sub3A_509, %max3A_511 : vector<1x160xf32>
      %get3A_513 = arith.index_cast %add3A_502 : i32 to index
      %get3A_514 = arith.constant 0 : index
      %get3A_515 = vector.load %arg6[%get3A_513, %get3A_514] : memref<200x160xf32, #tpu.memory_space<vmem>>, vector<1x160xf32>
      %min3A = vector.broadcast %get3A_508 : vector<1x160xf32> to vector<48x160xf32>
      %min3A_516 = arith.minimumf %get3A_368, %min3A : vector<48x160xf32>
      %max3A_517 = vector.broadcast %get3A_505 : vector<1x160xf32> to vector<48x160xf32>
      %max3A_518 = arith.maximumf %get3A_365, %max3A_517 : vector<48x160xf32>
      %sub3A_519 = arith.subf %min3A_516, %max3A_518 : vector<48x160xf32>
      %max3A_520 = arith.constant 0.000000e+00 : f32
      %max3A_521 = vector.broadcast %max3A_520 : f32 to vector<48x160xf32>
      %max3A_522 = arith.maximumf %sub3A_519, %max3A_521 : vector<48x160xf32>
      %add3A_523 = vector.broadcast %max3A_512 : vector<1x160xf32> to vector<48x160xf32>
      %add3A_524 = arith.addf %max3A_372, %add3A_523 : vector<48x160xf32>
      %sub3A_525 = arith.subf %add3A_524, %max3A_522 : vector<48x160xf32>
      %add3A_526 = arith.constant 9.99999971E-10 : f32
      %add3A_527 = vector.broadcast %add3A_526 : f32 to vector<48x160xf32>
      %add3A_528 = arith.addf %sub3A_525, %add3A_527 : vector<48x160xf32>
      %div3A = arith.divf %max3A_522, %add3A_528 : vector<48x160xf32>
      %gt3A_529 = arith.constant 4.500000e-01 : f32
      %gt3A_530 = vector.broadcast %gt3A_529 : f32 to vector<48x160xf32>
      %gt3A_531 = arith.cmpf ogt, %div3A, %gt3A_530 : vector<48x160xf32>
      %gt3A_532 = vector.broadcast %add3A_502 : i32 to vector<48x160xi32>
      %gt3A_533 = arith.cmpi sgt, %add3A_376, %gt3A_532 : vector<48x160xi32>
      %and3A = arith.andi %gt3A_531, %gt3A_533 : vector<48x160xi1>
      %convert_element_type3A_534 = arith.extui %and3A : vector<48x160xi1> to vector<48x160xi32>
      %convert_element_type3A_535 = arith.sitofp %convert_element_type3A_534 : vector<48x160xi32> to vector<48x160xf32>
      %get3A_536 = arith.constant 152 : index
      %get3A_537 = arith.constant 0 : index
      %get3A_538 = vector.load %arg6[%get3A_536, %get3A_537] : memref<200x160xf32, #tpu.memory_space<vmem>>, vector<48x160xf32>
      %mul3A_539 = vector.broadcast %get3A_515 : vector<1x160xf32> to vector<48x160xf32>
      %mul3A_540 = arith.mulf %mul3A_539, %convert_element_type3A_535 : vector<48x160xf32>
      %sub3A_541 = arith.constant 1.000000e+00 : f32
      %sub3A_542 = vector.broadcast %sub3A_541 : f32 to vector<48x160xf32>
      %sub3A_543 = arith.subf %sub3A_542, %mul3A_540 : vector<48x160xf32>
      %mul3A_544 = arith.mulf %get3A_538, %sub3A_543 : vector<48x160xf32>
      %swap3A_545 = arith.constant 152 : index
      %swap3A_546 = arith.constant 0 : index
      %swap3A_547 = vector.load %arg6[%swap3A_545, %swap3A_546] : memref<200x160xf32, #tpu.memory_space<vmem>>, vector<48x160xf32>
      tpu.vector_store %arg6[%swap3A_545, %swap3A_546], %mul3A_544 {strides = array<i32>} : memref<200x160xf32, #tpu.memory_space<vmem>>, vector<48x160xf32>,
    }
    %scan3A_381 = arith.constant 8 : i32
    %get3A_382 = arith.constant 160 : index
    %get3A_383 = arith.constant 0 : index
    %get3A_384 = vector.load %arg0[%get3A_382, %get3A_383] : memref<200x160xf32, #tpu.memory_space<vmem>>, vector<40x160xf32>
    %get3A_385 = arith.constant 160 : index
    %get3A_386 = arith.constant 0 : index
    %get3A_387 = vector.load %arg1[%get3A_385, %get3A_386] : memref<200x160xf32, #tpu.memory_space<vmem>>, vector<40x160xf32>
    %sub3A_388 = arith.subf %get3A_387, %get3A_384 : vector<40x160xf32>
    %max3A_389 = arith.constant 0.000000e+00 : f32
    %max3A_390 = vector.broadcast %max3A_389 : f32 to vector<40x160xf32>
    %max3A_391 = arith.maximumf %sub3A_388, %max3A_390 : vector<40x160xf32>
    %iota3A_392 = tpu.iota {dimensions = array<i32: 0>} : vector<40x160xi32>
    %add3A_393 = arith.constant 160 : i32
    %add3A_394 = vector.broadcast %add3A_393 : i32 to vector<40x160xi32>
    %add3A_395 = arith.addi %add3A_394, %iota3A_392 : vector<40x160xi32>
    %scan3A_396 = arith.constant 0 : i32
    %scan3A_397 = arith.constant 8 : i32
    %scan3A_398 = arith.addi %scan3A_396, %scan3A_397 : i32
    %scan3A_399 = arith.constant 1 : i32
    scf.for %scan3A_500 = %scan3A_396 to %scan3A_398 step %scan3A_399  : i32 {
      %add3A_501 = arith.constant 160 : i32
      %add3A_502 = arith.addi %add3A_501, %scan3A_500 : i32
      %get3A_503 = arith.index_cast %add3A_502 : i32 to index
      %get3A_504 = arith.constant 0 : index
      %get3A_505 = vector.load %arg0[%get3A_503, %get3A_504] : memref<200x160xf32, #tpu.memory_space<vmem>>, vector<1x160xf32>
      %get3A_506 = arith.index_cast %add3A_502 : i32 to index
      %get3A_507 = arith.constant 0 : index
      %get3A_508 = vector.load %arg1[%get3A_506, %get3A_507] : memref<200x160xf32, #tpu.memory_space<vmem>>, vector<1x160xf32>
      %sub3A_509 = arith.subf %get3A_508, %get3A_505 : vector<1x160xf32>
      %max3A_510 = arith.constant 0.000000e+00 : f32
      %max3A_511 = vector.broadcast %max3A_510 : f32 to vector<1x160xf32>
      %max3A_512 = arith.maximumf %sub3A_509, %max3A_511 : vector<1x160xf32>
      %get3A_513 = arith.index_cast %add3A_502 : i32 to index
      %get3A_514 = arith.constant 0 : index
      %get3A_515 = vector.load %arg6[%get3A_513, %get3A_514] : memref<200x160xf32, #tpu.memory_space<vmem>>, vector<1x160xf32>
      %min3A = vector.broadcast %get3A_508 : vector<1x160xf32> to vector<40x160xf32>
      %min3A_516 = arith.minimumf %get3A_387, %min3A : vector<40x160xf32>
      %max3A_517 = vector.broadcast %get3A_505 : vector<1x160xf32> to vector<40x160xf32>
      %max3A_518 = arith.maximumf %get3A_384, %max3A_517 : vector<40x160xf32>
      %sub3A_519 = arith.subf %min3A_516, %max3A_518 : vector<40x160xf32>
      %max3A_520 = arith.constant 0.000000e+00 : f32
      %max3A_521 = vector.broadcast %max3A_520 : f32 to vector<40x160xf32>
      %max3A_522 = arith.maximumf %sub3A_519, %max3A_521 : vector<40x160xf32>
      %add3A_523 = vector.broadcast %max3A_512 : vector<1x160xf32> to vector<40x160xf32>
      %add3A_524 = arith.addf %max3A_391, %add3A_523 : vector<40x160xf32>
      %sub3A_525 = arith.subf %add3A_524, %max3A_522 : vector<40x160xf32>
      %add3A_526 = arith.constant 9.99999971E-10 : f32
      %add3A_527 = vector.broadcast %add3A_526 : f32 to vector<40x160xf32>
      %add3A_528 = arith.addf %sub3A_525, %add3A_527 : vector<40x160xf32>
      %div3A = arith.divf %max3A_522, %add3A_528 : vector<40x160xf32>
      %gt3A_529 = arith.constant 4.500000e-01 : f32
      %gt3A_530 = vector.broadcast %gt3A_529 : f32 to vector<40x160xf32>
      %gt3A_531 = arith.cmpf ogt, %div3A, %gt3A_530 : vector<40x160xf32>
      %gt3A_532 = vector.broadcast %add3A_502 : i32 to vector<40x160xi32>
      %gt3A_533 = arith.cmpi sgt, %add3A_395, %gt3A_532 : vector<40x160xi32>
      %and3A = arith.andi %gt3A_531, %gt3A_533 : vector<40x160xi1>
      %convert_element_type3A_534 = arith.extui %and3A : vector<40x160xi1> to vector<40x160xi32>
      %convert_element_type3A_535 = arith.sitofp %convert_element_type3A_534 : vector<40x160xi32> to vector<40x160xf32>
      %get3A_536 = arith.constant 160 : index
      %get3A_537 = arith.constant 0 : index
      %get3A_538 = vector.load %arg6[%get3A_536, %get3A_537] : memref<200x160xf32, #tpu.memory_space<vmem>>, vector<40x160xf32>
      %mul3A_539 = vector.broadcast %get3A_515 : vector<1x160xf32> to vector<40x160xf32>
      %mul3A_540 = arith.mulf %mul3A_539, %convert_element_type3A_535 : vector<40x160xf32>
      %sub3A_541 = arith.constant 1.000000e+00 : f32
      %sub3A_542 = vector.broadcast %sub3A_541 : f32 to vector<40x160xf32>
      %sub3A_543 = arith.subf %sub3A_542, %mul3A_540 : vector<40x160xf32>
      %mul3A_544 = arith.mulf %get3A_538, %sub3A_543 : vector<40x160xf32>
      %swap3A_545 = arith.constant 160 : index
      %swap3A_546 = arith.constant 0 : index
      %swap3A_547 = vector.load %arg6[%swap3A_545, %swap3A_546] : memref<200x160xf32, #tpu.memory_space<vmem>>, vector<40x160xf32>
      tpu.vector_store %arg6[%swap3A_545, %swap3A_546], %mul3A_544 {strides = array<i32>} : memref<200x160xf32, #tpu.memory_space<vmem>>, vector<40x160xf32>,
    }
    %scan3A_400 = arith.constant 8 : i32
    %get3A_401 = arith.constant 168 : index
    %get3A_402 = arith.constant 0 : index
    %get3A_403 = vector.load %arg0[%get3A_401, %get3A_402] : memref<200x160xf32, #tpu.memory_space<vmem>>, vector<32x160xf32>
    %get3A_404 = arith.constant 168 : index
    %get3A_405 = arith.constant 0 : index
    %get3A_406 = vector.load %arg1[%get3A_404, %get3A_405] : memref<200x160xf32, #tpu.memory_space<vmem>>, vector<32x160xf32>
    %sub3A_407 = arith.subf %get3A_406, %get3A_403 : vector<32x160xf32>
    %max3A_408 = arith.constant 0.000000e+00 : f32
    %max3A_409 = vector.broadcast %max3A_408 : f32 to vector<32x160xf32>
    %max3A_410 = arith.maximumf %sub3A_407, %max3A_409 : vector<32x160xf32>
    %iota3A_411 = tpu.iota {dimensions = array<i32: 0>} : vector<32x160xi32>
    %add3A_412 = arith.constant 168 : i32
    %add3A_413 = vector.broadcast %add3A_412 : i32 to vector<32x160xi32>
    %add3A_414 = arith.addi %add3A_413, %iota3A_411 : vector<32x160xi32>
    %scan3A_415 = arith.constant 0 : i32
    %scan3A_416 = arith.constant 8 : i32
    %scan3A_417 = arith.addi %scan3A_415, %scan3A_416 : i32
    %scan3A_418 = arith.constant 1 : i32
    scf.for %scan3A_500 = %scan3A_415 to %scan3A_417 step %scan3A_418  : i32 {
      %add3A_501 = arith.constant 168 : i32
      %add3A_502 = arith.addi %add3A_501, %scan3A_500 : i32
      %get3A_503 = arith.index_cast %add3A_502 : i32 to index
      %get3A_504 = arith.constant 0 : index
      %get3A_505 = vector.load %arg0[%get3A_503, %get3A_504] : memref<200x160xf32, #tpu.memory_space<vmem>>, vector<1x160xf32>
      %get3A_506 = arith.index_cast %add3A_502 : i32 to index
      %get3A_507 = arith.constant 0 : index
      %get3A_508 = vector.load %arg1[%get3A_506, %get3A_507] : memref<200x160xf32, #tpu.memory_space<vmem>>, vector<1x160xf32>
      %sub3A_509 = arith.subf %get3A_508, %get3A_505 : vector<1x160xf32>
      %max3A_510 = arith.constant 0.000000e+00 : f32
      %max3A_511 = vector.broadcast %max3A_510 : f32 to vector<1x160xf32>
      %max3A_512 = arith.maximumf %sub3A_509, %max3A_511 : vector<1x160xf32>
      %get3A_513 = arith.index_cast %add3A_502 : i32 to index
      %get3A_514 = arith.constant 0 : index
      %get3A_515 = vector.load %arg6[%get3A_513, %get3A_514] : memref<200x160xf32, #tpu.memory_space<vmem>>, vector<1x160xf32>
      %min3A = vector.broadcast %get3A_508 : vector<1x160xf32> to vector<32x160xf32>
      %min3A_516 = arith.minimumf %get3A_406, %min3A : vector<32x160xf32>
      %max3A_517 = vector.broadcast %get3A_505 : vector<1x160xf32> to vector<32x160xf32>
      %max3A_518 = arith.maximumf %get3A_403, %max3A_517 : vector<32x160xf32>
      %sub3A_519 = arith.subf %min3A_516, %max3A_518 : vector<32x160xf32>
      %max3A_520 = arith.constant 0.000000e+00 : f32
      %max3A_521 = vector.broadcast %max3A_520 : f32 to vector<32x160xf32>
      %max3A_522 = arith.maximumf %sub3A_519, %max3A_521 : vector<32x160xf32>
      %add3A_523 = vector.broadcast %max3A_512 : vector<1x160xf32> to vector<32x160xf32>
      %add3A_524 = arith.addf %max3A_410, %add3A_523 : vector<32x160xf32>
      %sub3A_525 = arith.subf %add3A_524, %max3A_522 : vector<32x160xf32>
      %add3A_526 = arith.constant 9.99999971E-10 : f32
      %add3A_527 = vector.broadcast %add3A_526 : f32 to vector<32x160xf32>
      %add3A_528 = arith.addf %sub3A_525, %add3A_527 : vector<32x160xf32>
      %div3A = arith.divf %max3A_522, %add3A_528 : vector<32x160xf32>
      %gt3A_529 = arith.constant 4.500000e-01 : f32
      %gt3A_530 = vector.broadcast %gt3A_529 : f32 to vector<32x160xf32>
      %gt3A_531 = arith.cmpf ogt, %div3A, %gt3A_530 : vector<32x160xf32>
      %gt3A_532 = vector.broadcast %add3A_502 : i32 to vector<32x160xi32>
      %gt3A_533 = arith.cmpi sgt, %add3A_414, %gt3A_532 : vector<32x160xi32>
      %and3A = arith.andi %gt3A_531, %gt3A_533 : vector<32x160xi1>
      %convert_element_type3A_534 = arith.extui %and3A : vector<32x160xi1> to vector<32x160xi32>
      %convert_element_type3A_535 = arith.sitofp %convert_element_type3A_534 : vector<32x160xi32> to vector<32x160xf32>
      %get3A_536 = arith.constant 168 : index
      %get3A_537 = arith.constant 0 : index
      %get3A_538 = vector.load %arg6[%get3A_536, %get3A_537] : memref<200x160xf32, #tpu.memory_space<vmem>>, vector<32x160xf32>
      %mul3A_539 = vector.broadcast %get3A_515 : vector<1x160xf32> to vector<32x160xf32>
      %mul3A_540 = arith.mulf %mul3A_539, %convert_element_type3A_535 : vector<32x160xf32>
      %sub3A_541 = arith.constant 1.000000e+00 : f32
      %sub3A_542 = vector.broadcast %sub3A_541 : f32 to vector<32x160xf32>
      %sub3A_543 = arith.subf %sub3A_542, %mul3A_540 : vector<32x160xf32>
      %mul3A_544 = arith.mulf %get3A_538, %sub3A_543 : vector<32x160xf32>
      %swap3A_545 = arith.constant 168 : index
      %swap3A_546 = arith.constant 0 : index
      %swap3A_547 = vector.load %arg6[%swap3A_545, %swap3A_546] : memref<200x160xf32, #tpu.memory_space<vmem>>, vector<32x160xf32>
      tpu.vector_store %arg6[%swap3A_545, %swap3A_546], %mul3A_544 {strides = array<i32>} : memref<200x160xf32, #tpu.memory_space<vmem>>, vector<32x160xf32>,
    }
    %scan3A_419 = arith.constant 8 : i32
    %get3A_420 = arith.constant 176 : index
    %get3A_421 = arith.constant 0 : index
    %get3A_422 = vector.load %arg0[%get3A_420, %get3A_421] : memref<200x160xf32, #tpu.memory_space<vmem>>, vector<24x160xf32>
    %get3A_423 = arith.constant 176 : index
    %get3A_424 = arith.constant 0 : index
    %get3A_425 = vector.load %arg1[%get3A_423, %get3A_424] : memref<200x160xf32, #tpu.memory_space<vmem>>, vector<24x160xf32>
    %sub3A_426 = arith.subf %get3A_425, %get3A_422 : vector<24x160xf32>
    %max3A_427 = arith.constant 0.000000e+00 : f32
    %max3A_428 = vector.broadcast %max3A_427 : f32 to vector<24x160xf32>
    %max3A_429 = arith.maximumf %sub3A_426, %max3A_428 : vector<24x160xf32>
    %iota3A_430 = tpu.iota {dimensions = array<i32: 0>} : vector<24x160xi32>
    %add3A_431 = arith.constant 176 : i32
    %add3A_432 = vector.broadcast %add3A_431 : i32 to vector<24x160xi32>
    %add3A_433 = arith.addi %add3A_432, %iota3A_430 : vector<24x160xi32>
    %scan3A_434 = arith.constant 0 : i32
    %scan3A_435 = arith.constant 8 : i32
    %scan3A_436 = arith.addi %scan3A_434, %scan3A_435 : i32
    %scan3A_437 = arith.constant 1 : i32
    scf.for %scan3A_500 = %scan3A_434 to %scan3A_436 step %scan3A_437  : i32 {
      %add3A_501 = arith.constant 176 : i32
      %add3A_502 = arith.addi %add3A_501, %scan3A_500 : i32
      %get3A_503 = arith.index_cast %add3A_502 : i32 to index
      %get3A_504 = arith.constant 0 : index
      %get3A_505 = vector.load %arg0[%get3A_503, %get3A_504] : memref<200x160xf32, #tpu.memory_space<vmem>>, vector<1x160xf32>
      %get3A_506 = arith.index_cast %add3A_502 : i32 to index
      %get3A_507 = arith.constant 0 : index
      %get3A_508 = vector.load %arg1[%get3A_506, %get3A_507] : memref<200x160xf32, #tpu.memory_space<vmem>>, vector<1x160xf32>
      %sub3A_509 = arith.subf %get3A_508, %get3A_505 : vector<1x160xf32>
      %max3A_510 = arith.constant 0.000000e+00 : f32
      %max3A_511 = vector.broadcast %max3A_510 : f32 to vector<1x160xf32>
      %max3A_512 = arith.maximumf %sub3A_509, %max3A_511 : vector<1x160xf32>
      %get3A_513 = arith.index_cast %add3A_502 : i32 to index
      %get3A_514 = arith.constant 0 : index
      %get3A_515 = vector.load %arg6[%get3A_513, %get3A_514] : memref<200x160xf32, #tpu.memory_space<vmem>>, vector<1x160xf32>
      %min3A = vector.broadcast %get3A_508 : vector<1x160xf32> to vector<24x160xf32>
      %min3A_516 = arith.minimumf %get3A_425, %min3A : vector<24x160xf32>
      %max3A_517 = vector.broadcast %get3A_505 : vector<1x160xf32> to vector<24x160xf32>
      %max3A_518 = arith.maximumf %get3A_422, %max3A_517 : vector<24x160xf32>
      %sub3A_519 = arith.subf %min3A_516, %max3A_518 : vector<24x160xf32>
      %max3A_520 = arith.constant 0.000000e+00 : f32
      %max3A_521 = vector.broadcast %max3A_520 : f32 to vector<24x160xf32>
      %max3A_522 = arith.maximumf %sub3A_519, %max3A_521 : vector<24x160xf32>
      %add3A_523 = vector.broadcast %max3A_512 : vector<1x160xf32> to vector<24x160xf32>
      %add3A_524 = arith.addf %max3A_429, %add3A_523 : vector<24x160xf32>
      %sub3A_525 = arith.subf %add3A_524, %max3A_522 : vector<24x160xf32>
      %add3A_526 = arith.constant 9.99999971E-10 : f32
      %add3A_527 = vector.broadcast %add3A_526 : f32 to vector<24x160xf32>
      %add3A_528 = arith.addf %sub3A_525, %add3A_527 : vector<24x160xf32>
      %div3A = arith.divf %max3A_522, %add3A_528 : vector<24x160xf32>
      %gt3A_529 = arith.constant 4.500000e-01 : f32
      %gt3A_530 = vector.broadcast %gt3A_529 : f32 to vector<24x160xf32>
      %gt3A_531 = arith.cmpf ogt, %div3A, %gt3A_530 : vector<24x160xf32>
      %gt3A_532 = vector.broadcast %add3A_502 : i32 to vector<24x160xi32>
      %gt3A_533 = arith.cmpi sgt, %add3A_433, %gt3A_532 : vector<24x160xi32>
      %and3A = arith.andi %gt3A_531, %gt3A_533 : vector<24x160xi1>
      %convert_element_type3A_534 = arith.extui %and3A : vector<24x160xi1> to vector<24x160xi32>
      %convert_element_type3A_535 = arith.sitofp %convert_element_type3A_534 : vector<24x160xi32> to vector<24x160xf32>
      %get3A_536 = arith.constant 176 : index
      %get3A_537 = arith.constant 0 : index
      %get3A_538 = vector.load %arg6[%get3A_536, %get3A_537] : memref<200x160xf32, #tpu.memory_space<vmem>>, vector<24x160xf32>
      %mul3A_539 = vector.broadcast %get3A_515 : vector<1x160xf32> to vector<24x160xf32>
      %mul3A_540 = arith.mulf %mul3A_539, %convert_element_type3A_535 : vector<24x160xf32>
      %sub3A_541 = arith.constant 1.000000e+00 : f32
      %sub3A_542 = vector.broadcast %sub3A_541 : f32 to vector<24x160xf32>
      %sub3A_543 = arith.subf %sub3A_542, %mul3A_540 : vector<24x160xf32>
      %mul3A_544 = arith.mulf %get3A_538, %sub3A_543 : vector<24x160xf32>
      %swap3A_545 = arith.constant 176 : index
      %swap3A_546 = arith.constant 0 : index
      %swap3A_547 = vector.load %arg6[%swap3A_545, %swap3A_546] : memref<200x160xf32, #tpu.memory_space<vmem>>, vector<24x160xf32>
      tpu.vector_store %arg6[%swap3A_545, %swap3A_546], %mul3A_544 {strides = array<i32>} : memref<200x160xf32, #tpu.memory_space<vmem>>, vector<24x160xf32>,
    }
    %scan3A_438 = arith.constant 8 : i32
    %get3A_439 = arith.constant 184 : index
    %get3A_440 = arith.constant 0 : index
    %get3A_441 = vector.load %arg0[%get3A_439, %get3A_440] : memref<200x160xf32, #tpu.memory_space<vmem>>, vector<16x160xf32>
    %get3A_442 = arith.constant 184 : index
    %get3A_443 = arith.constant 0 : index
    %get3A_444 = vector.load %arg1[%get3A_442, %get3A_443] : memref<200x160xf32, #tpu.memory_space<vmem>>, vector<16x160xf32>
    %sub3A_445 = arith.subf %get3A_444, %get3A_441 : vector<16x160xf32>
    %max3A_446 = arith.constant 0.000000e+00 : f32
    %max3A_447 = vector.broadcast %max3A_446 : f32 to vector<16x160xf32>
    %max3A_448 = arith.maximumf %sub3A_445, %max3A_447 : vector<16x160xf32>
    %iota3A_449 = tpu.iota {dimensions = array<i32: 0>} : vector<16x160xi32>
    %add3A_450 = arith.constant 184 : i32
    %add3A_451 = vector.broadcast %add3A_450 : i32 to vector<16x160xi32>
    %add3A_452 = arith.addi %add3A_451, %iota3A_449 : vector<16x160xi32>
    %scan3A_453 = arith.constant 0 : i32
    %scan3A_454 = arith.constant 8 : i32
    %scan3A_455 = arith.addi %scan3A_453, %scan3A_454 : i32
    %scan3A_456 = arith.constant 1 : i32
    scf.for %scan3A_500 = %scan3A_453 to %scan3A_455 step %scan3A_456  : i32 {
      %add3A_501 = arith.constant 184 : i32
      %add3A_502 = arith.addi %add3A_501, %scan3A_500 : i32
      %get3A_503 = arith.index_cast %add3A_502 : i32 to index
      %get3A_504 = arith.constant 0 : index
      %get3A_505 = vector.load %arg0[%get3A_503, %get3A_504] : memref<200x160xf32, #tpu.memory_space<vmem>>, vector<1x160xf32>
      %get3A_506 = arith.index_cast %add3A_502 : i32 to index
      %get3A_507 = arith.constant 0 : index
      %get3A_508 = vector.load %arg1[%get3A_506, %get3A_507] : memref<200x160xf32, #tpu.memory_space<vmem>>, vector<1x160xf32>
      %sub3A_509 = arith.subf %get3A_508, %get3A_505 : vector<1x160xf32>
      %max3A_510 = arith.constant 0.000000e+00 : f32
      %max3A_511 = vector.broadcast %max3A_510 : f32 to vector<1x160xf32>
      %max3A_512 = arith.maximumf %sub3A_509, %max3A_511 : vector<1x160xf32>
      %get3A_513 = arith.index_cast %add3A_502 : i32 to index
      %get3A_514 = arith.constant 0 : index
      %get3A_515 = vector.load %arg6[%get3A_513, %get3A_514] : memref<200x160xf32, #tpu.memory_space<vmem>>, vector<1x160xf32>
      %min3A = vector.broadcast %get3A_508 : vector<1x160xf32> to vector<16x160xf32>
      %min3A_516 = arith.minimumf %get3A_444, %min3A : vector<16x160xf32>
      %max3A_517 = vector.broadcast %get3A_505 : vector<1x160xf32> to vector<16x160xf32>
      %max3A_518 = arith.maximumf %get3A_441, %max3A_517 : vector<16x160xf32>
      %sub3A_519 = arith.subf %min3A_516, %max3A_518 : vector<16x160xf32>
      %max3A_520 = arith.constant 0.000000e+00 : f32
      %max3A_521 = vector.broadcast %max3A_520 : f32 to vector<16x160xf32>
      %max3A_522 = arith.maximumf %sub3A_519, %max3A_521 : vector<16x160xf32>
      %add3A_523 = vector.broadcast %max3A_512 : vector<1x160xf32> to vector<16x160xf32>
      %add3A_524 = arith.addf %max3A_448, %add3A_523 : vector<16x160xf32>
      %sub3A_525 = arith.subf %add3A_524, %max3A_522 : vector<16x160xf32>
      %add3A_526 = arith.constant 9.99999971E-10 : f32
      %add3A_527 = vector.broadcast %add3A_526 : f32 to vector<16x160xf32>
      %add3A_528 = arith.addf %sub3A_525, %add3A_527 : vector<16x160xf32>
      %div3A = arith.divf %max3A_522, %add3A_528 : vector<16x160xf32>
      %gt3A_529 = arith.constant 4.500000e-01 : f32
      %gt3A_530 = vector.broadcast %gt3A_529 : f32 to vector<16x160xf32>
      %gt3A_531 = arith.cmpf ogt, %div3A, %gt3A_530 : vector<16x160xf32>
      %gt3A_532 = vector.broadcast %add3A_502 : i32 to vector<16x160xi32>
      %gt3A_533 = arith.cmpi sgt, %add3A_452, %gt3A_532 : vector<16x160xi32>
      %and3A = arith.andi %gt3A_531, %gt3A_533 : vector<16x160xi1>
      %convert_element_type3A_534 = arith.extui %and3A : vector<16x160xi1> to vector<16x160xi32>
      %convert_element_type3A_535 = arith.sitofp %convert_element_type3A_534 : vector<16x160xi32> to vector<16x160xf32>
      %get3A_536 = arith.constant 184 : index
      %get3A_537 = arith.constant 0 : index
      %get3A_538 = vector.load %arg6[%get3A_536, %get3A_537] : memref<200x160xf32, #tpu.memory_space<vmem>>, vector<16x160xf32>
      %mul3A_539 = vector.broadcast %get3A_515 : vector<1x160xf32> to vector<16x160xf32>
      %mul3A_540 = arith.mulf %mul3A_539, %convert_element_type3A_535 : vector<16x160xf32>
      %sub3A_541 = arith.constant 1.000000e+00 : f32
      %sub3A_542 = vector.broadcast %sub3A_541 : f32 to vector<16x160xf32>
      %sub3A_543 = arith.subf %sub3A_542, %mul3A_540 : vector<16x160xf32>
      %mul3A_544 = arith.mulf %get3A_538, %sub3A_543 : vector<16x160xf32>
      %swap3A_545 = arith.constant 184 : index
      %swap3A_546 = arith.constant 0 : index
      %swap3A_547 = vector.load %arg6[%swap3A_545, %swap3A_546] : memref<200x160xf32, #tpu.memory_space<vmem>>, vector<16x160xf32>
      tpu.vector_store %arg6[%swap3A_545, %swap3A_546], %mul3A_544 {strides = array<i32>} : memref<200x160xf32, #tpu.memory_space<vmem>>, vector<16x160xf32>,
    }
    %scan3A_457 = arith.constant 8 : i32
    %get3A_458 = arith.constant 192 : index
    %get3A_459 = arith.constant 0 : index
    %get3A_460 = vector.load %arg0[%get3A_458, %get3A_459] : memref<200x160xf32, #tpu.memory_space<vmem>>, vector<8x160xf32>
    %get3A_461 = arith.constant 192 : index
    %get3A_462 = arith.constant 0 : index
    %get3A_463 = vector.load %arg1[%get3A_461, %get3A_462] : memref<200x160xf32, #tpu.memory_space<vmem>>, vector<8x160xf32>
    %sub3A_464 = arith.subf %get3A_463, %get3A_460 : vector<8x160xf32>
    %max3A_465 = arith.constant 0.000000e+00 : f32
    %max3A_466 = vector.broadcast %max3A_465 : f32 to vector<8x160xf32>
    %max3A_467 = arith.maximumf %sub3A_464, %max3A_466 : vector<8x160xf32>
    %iota3A_468 = tpu.iota {dimensions = array<i32: 0>} : vector<8x160xi32>
    %add3A_469 = arith.constant 192 : i32
    %add3A_470 = vector.broadcast %add3A_469 : i32 to vector<8x160xi32>
    %add3A_471 = arith.addi %add3A_470, %iota3A_468 : vector<8x160xi32>
    %scan3A_472 = arith.constant 0 : i32
    %scan3A_473 = arith.constant 8 : i32
    %scan3A_474 = arith.addi %scan3A_472, %scan3A_473 : i32
    %scan3A_475 = arith.constant 1 : i32
    scf.for %scan3A_500 = %scan3A_472 to %scan3A_474 step %scan3A_475  : i32 {
      %add3A_501 = arith.constant 192 : i32
      %add3A_502 = arith.addi %add3A_501, %scan3A_500 : i32
      %get3A_503 = arith.index_cast %add3A_502 : i32 to index
      %get3A_504 = arith.constant 0 : index
      %get3A_505 = vector.load %arg0[%get3A_503, %get3A_504] : memref<200x160xf32, #tpu.memory_space<vmem>>, vector<1x160xf32>
      %get3A_506 = arith.index_cast %add3A_502 : i32 to index
      %get3A_507 = arith.constant 0 : index
      %get3A_508 = vector.load %arg1[%get3A_506, %get3A_507] : memref<200x160xf32, #tpu.memory_space<vmem>>, vector<1x160xf32>
      %sub3A_509 = arith.subf %get3A_508, %get3A_505 : vector<1x160xf32>
      %max3A_510 = arith.constant 0.000000e+00 : f32
      %max3A_511 = vector.broadcast %max3A_510 : f32 to vector<1x160xf32>
      %max3A_512 = arith.maximumf %sub3A_509, %max3A_511 : vector<1x160xf32>
      %get3A_513 = arith.index_cast %add3A_502 : i32 to index
      %get3A_514 = arith.constant 0 : index
      %get3A_515 = vector.load %arg6[%get3A_513, %get3A_514] : memref<200x160xf32, #tpu.memory_space<vmem>>, vector<1x160xf32>
      %min3A = vector.broadcast %get3A_508 : vector<1x160xf32> to vector<8x160xf32>
      %min3A_516 = arith.minimumf %get3A_463, %min3A : vector<8x160xf32>
      %max3A_517 = vector.broadcast %get3A_505 : vector<1x160xf32> to vector<8x160xf32>
      %max3A_518 = arith.maximumf %get3A_460, %max3A_517 : vector<8x160xf32>
      %sub3A_519 = arith.subf %min3A_516, %max3A_518 : vector<8x160xf32>
      %max3A_520 = arith.constant 0.000000e+00 : f32
      %max3A_521 = vector.broadcast %max3A_520 : f32 to vector<8x160xf32>
      %max3A_522 = arith.maximumf %sub3A_519, %max3A_521 : vector<8x160xf32>
      %add3A_523 = vector.broadcast %max3A_512 : vector<1x160xf32> to vector<8x160xf32>
      %add3A_524 = arith.addf %max3A_467, %add3A_523 : vector<8x160xf32>
      %sub3A_525 = arith.subf %add3A_524, %max3A_522 : vector<8x160xf32>
      %add3A_526 = arith.constant 9.99999971E-10 : f32
      %add3A_527 = vector.broadcast %add3A_526 : f32 to vector<8x160xf32>
      %add3A_528 = arith.addf %sub3A_525, %add3A_527 : vector<8x160xf32>
      %div3A = arith.divf %max3A_522, %add3A_528 : vector<8x160xf32>
      %gt3A_529 = arith.constant 4.500000e-01 : f32
      %gt3A_530 = vector.broadcast %gt3A_529 : f32 to vector<8x160xf32>
      %gt3A_531 = arith.cmpf ogt, %div3A, %gt3A_530 : vector<8x160xf32>
      %gt3A_532 = vector.broadcast %add3A_502 : i32 to vector<8x160xi32>
      %gt3A_533 = arith.cmpi sgt, %add3A_471, %gt3A_532 : vector<8x160xi32>
      %and3A = arith.andi %gt3A_531, %gt3A_533 : vector<8x160xi1>
      %convert_element_type3A_534 = arith.extui %and3A : vector<8x160xi1> to vector<8x160xi32>
      %convert_element_type3A_535 = arith.sitofp %convert_element_type3A_534 : vector<8x160xi32> to vector<8x160xf32>
      %get3A_536 = arith.constant 192 : index
      %get3A_537 = arith.constant 0 : index
      %get3A_538 = vector.load %arg6[%get3A_536, %get3A_537] : memref<200x160xf32, #tpu.memory_space<vmem>>, vector<8x160xf32>
      %mul3A_539 = vector.broadcast %get3A_515 : vector<1x160xf32> to vector<8x160xf32>
      %mul3A_540 = arith.mulf %mul3A_539, %convert_element_type3A_535 : vector<8x160xf32>
      %sub3A_541 = arith.constant 1.000000e+00 : f32
      %sub3A_542 = vector.broadcast %sub3A_541 : f32 to vector<8x160xf32>
      %sub3A_543 = arith.subf %sub3A_542, %mul3A_540 : vector<8x160xf32>
      %mul3A_544 = arith.mulf %get3A_538, %sub3A_543 : vector<8x160xf32>
      %swap3A_545 = arith.constant 192 : index
      %swap3A_546 = arith.constant 0 : index
      %swap3A_547 = vector.load %arg6[%swap3A_545, %swap3A_546] : memref<200x160xf32, #tpu.memory_space<vmem>>, vector<8x160xf32>
      tpu.vector_store %arg6[%swap3A_545, %swap3A_546], %mul3A_544 {strides = array<i32>} : memref<200x160xf32, #tpu.memory_space<vmem>>, vector<8x160xf32>,
    }
    %scan3A_476 = arith.constant 8 : i32
    %get3A_477 = arith.constant 0 : index
    %get3A_478 = arith.constant 0 : index
    %get3A_479 = vector.load %arg6[%get3A_477, %get3A_478] : memref<200x160xf32, #tpu.memory_space<vmem>>, vector<200x160xf32>
    %get3A_480 = arith.constant 0 : index
    %get3A_481 = arith.constant 0 : index
    %get3A_482 = vector.load %arg0[%get3A_480, %get3A_481] : memref<200x160xf32, #tpu.memory_space<vmem>>, vector<200x160xf32>
    %mul3A = arith.mulf %get3A_482, %get3A_479 : vector<200x160xf32>
    %swap3A_483 = arith.constant 0 : index
    %swap3A_484 = arith.constant 0 : index
    %swap3A_485 = vector.load %arg3[%swap3A_483, %swap3A_484] : memref<200x160xf32, #tpu.memory_space<vmem>>, vector<200x160xf32>
    tpu.vector_store %arg3[%swap3A_483, %swap3A_484], %mul3A {strides = array<i32>} : memref<200x160xf32, #tpu.memory_space<vmem>>, vector<200x160xf32>,
    %get3A_486 = arith.constant 0 : index
    %get3A_487 = arith.constant 0 : index
    %get3A_488 = vector.load %arg1[%get3A_486, %get3A_487] : memref<200x160xf32, #tpu.memory_space<vmem>>, vector<200x160xf32>
    %mul3A_489 = arith.mulf %get3A_488, %get3A_479 : vector<200x160xf32>
    %swap3A_490 = arith.constant 0 : index
    %swap3A_491 = arith.constant 0 : index
    %swap3A_492 = vector.load %arg4[%swap3A_490, %swap3A_491] : memref<200x160xf32, #tpu.memory_space<vmem>>, vector<200x160xf32>
    tpu.vector_store %arg4[%swap3A_490, %swap3A_491], %mul3A_489 {strides = array<i32>} : memref<200x160xf32, #tpu.memory_space<vmem>>, vector<200x160xf32>,
    %get3A_493 = arith.constant 0 : index
    %get3A_494 = arith.constant 0 : index
    %get3A_495 = vector.load %arg2[%get3A_493, %get3A_494] : memref<200x160xf32, #tpu.memory_space<vmem>>, vector<200x160xf32>
    %mul3A_496 = arith.mulf %get3A_495, %get3A_479 : vector<200x160xf32>
    %swap3A_497 = arith.constant 0 : index
    %swap3A_498 = arith.constant 0 : index
    %swap3A_499 = vector.load %arg5[%swap3A_497, %swap3A_498] : memref<200x160xf32, #tpu.memory_space<vmem>>, vector<200x160xf32>
    tpu.vector_store %arg5[%swap3A_497, %swap3A_498], %mul3A_496 {strides = array<i32>} : memref<200x160xf32, #tpu.memory_space<vmem>>, vector<200x160xf32>,
    return
  }
}

</mosaic_0001>

<sc_bundles>
// kernel: kernel.6.cloned.1.call-start
scs
__scs_entry_jumppad:
0x0: {  	(pc) =	sbr.rel $0x88, $3  }
0x1: {  	(tag) =	ssettag $0x0;
	lr =	simm.s32 $0x1  }
0x2: {  	[smem:$0x3F9E] =	sst lr;
	_ =	strace $0xD0000000  }
0x3: {  	_ = 	snop  }
0x4: {  	_ = 	snop  }
0x5: {  	_ = 	snop  }
0x6: {  	_ = 	snop  }
0x7: {  	_ = 	snop  }
__scs_overlays_trampoline_lowered:
0x8: {  	[smem:$0x3FAD] =	sst s0  }
0x9: {  	[smem:$0x3FAE] =	sst s1  }
0xa: {  	[smem:$0x3FAF] =	sst s2  }
0xb: {  	[smem:$0x3FB0] =	sst s3  }
0xc: {  	[smem:$0x3FB1] =	sst s4  }
0xd: {  	[smem:$0x3FB2] =	sst s5  }
0xe: {  	[smem:$0x3FB3] =	sst s6  }
0xf: {  	[smem:$0x3FB4] =	sst s7  }
0x10: {  	[smem:$0x3FB5] =	sst s8  }
0x11: {  	[smem:$0x3FB6] =	sst s9;
	s0 =	simm.s32 @!p0 $0x0  }
0x12: {  	s1 =	sld [smem:$0x3F9C];
	s0 =	simm.s32 @p0 $0x1  }
0x13: {  	[smem:$0x3FB7] =	sst s0;
	s0 =	simm.s32 @!p1 $0x0  }
0x14: {  	s2 =	sld [smem:$0x3F9B];
	s0 =	simm.s32 @p1 $0x1  }
0x15: {  	[smem:$0x3FB8] =	sst s0;
	s0 =	simm.s32 @!p2 $0x0  }
0x16: {  	s3 =	sld [smem:$0x3FDB];
	s0 =	simm.s32 @p2 $0x1  }
0x17: {  	s4 =	simm.s32 $0x1BF5;
	[smem:$0x3FBA] =	sst s0  }
0x18: {  	s0 =	sld [smem:$0x3F9D];
	_ =	swait.ge [sflag:s4], $0x0  }
0x19: {  	s7 =	sld [smem:$0x3F9E]  }
0x1a: {  	s8 =	sadd.s32 $0xFFFFE003, lr  }
0x1b: {  	s9 =	sadd.s32 $0xFFFFFEF7, lr;
	s5 =	simm.s32 $0xFFFFFFFF;
	p2 =	slt.u32 s8, $0xFFFFF086  }
0x1c: {  	p1 =	slt.u32 s9, $0xF7A;
	s5 =	simm.s32 @!p2 $0x0  }
0x1d: {  	s5 =	simm.s32 @p1 $0x1;
	p0 =	seq.s32 s7, s2  }
0x1e: {  	s7 =	smul.u32 @!p0 $0xF7A, s2;
	p2 =	seq.s32 @!p0 s5, $0x0  }
0x1f: {  	s9 =	smul.u32 $0xF7A, s1;
	s8 =	simm.s32 @!p0 $0x1BF5;
	p2 =	por !p2, p0  }
0x20: {  	[sflag:s8] =	ssyncset.s32 @!p0 $0xFFFFF086;
	s6 =	sadd.s32 @!p0 s3, s7;
	s7 =	simm.s32 @!p0 $0x108  }
0x21: {  	s3 =	sadd.s32 s3, s9;
	s6 =	sadd.s32 @!p0 $0x88, s6;
	s7 =	simm.s32 @p2 $0x1082  }
0x22: {  	[simem:s7], [sflag:s8] =	dma.local @!p0 [hbm:s6], $0xF7A  }
0x23: {  	s9 =	sor.u32 $0xD0000000, s2;
	s6 =	simm.s32 $0x108;
	_ =	swait.ge @!p0 [sflag:s8], $0x0  }
0x24: {  	s3 =	sadd.s32 $0x88, s3;
	s6 =	simm.s32 @!p1 $0x1082;
	[sflag:s4] =	ssyncset.s32 $0xFFFFF086  }
0x25: {  	[simem:s6], [sflag:s4] =	dma.local [hbm:s3], $0xF7A  }
0x26: {  	[smem:$0x3F9E] =	sst s1;
	(tag) =	ssettag s2;
	_ =	strace s9  }
0x27: {  	s1 =	sld [smem:$0x3FAE]  }
0x28: {  	s2 =	sld [smem:$0x3FAF]  }
0x29: {  	s4 =	sld [smem:$0x3FB1]  }
0x2a: {  	p0 =	seq.s32 s5, $0x0;
	s5 =	sld [smem:$0x3FB2]  }
0x2b: {  	s6 =	sld [smem:$0x3FB3]  }
0x2c: {  	s7 =	sld [smem:$0x3FB4]  }
0x2d: {  	s3 =	simm.s32 $0x108;
	s8 =	sld [smem:$0x3FB5]  }
0x2e: {  	s3 =	simm.s32 @!p0 $0x1082;
	s9 =	sld [smem:$0x3FB6]  }
0x2f: {  	lr =	sadd.s32 s0, s3;
	s0 =	sld [smem:$0x3FAD]  }
0x30: {  	s3 =	sld [smem:$0x3FB0]  }
0x31: {  	[smem:$0x3FB9] =	sst s10  }
0x32: {  	s10 =	sld [smem:$0x3FB7];
	_ =	sdelay $0x3  }
0x33: {  	p0 =	seq.s32 s10, $0x1;
	s10 =	sld [smem:$0x3FB9];
	_ =	sdelay $0x3  }
0x34: {  	[smem:$0x3FB9] =	sst s10  }
0x35: {  	s10 =	sld [smem:$0x3FB8];
	_ =	sdelay $0x3  }
0x36: {  	p1 =	seq.s32 s10, $0x1;
	s10 =	sld [smem:$0x3FB9];
	_ =	sdelay $0x3  }
0x37: {  	[smem:$0x3FB9] =	sst s10  }
0x38: {  	s10 =	sld [smem:$0x3FBA]  }
0x39: {  	_ = 	snop;
	(pc) =	sbr.ind lr, $3  }
0x3a: {  	_ = 	snop  }
0x3b: {  	_ = 	snop  }
0x3c: {  	p2 =	seq.s32 s10, $0x1;
	s10 =	sld [smem:$0x3FB9]  }
0x3d: {  	_ =	shalt  }
0x3e: {  	_ =	shalt  }
0x3f: {  	_ =	shalt  }
0x40: {  	_ =	shalt  }
0x41: {  	_ =	shalt  }
0x42: {  	_ =	shalt  }
0x43: {  	_ =	shalt  }
0x44: {  	_ =	shalt  }
0x45: {  	_ =	shalt  }
0x46: {  	_ =	shalt  }
0x47: {  	_ =	shalt  }
0x48: {  	_ =	shalt  }
0x49: {  	_ =	shalt  }
0x4a: {  	_ =	shalt  }
0x4b: {  	_ =	shalt  }
0x4c: {  	_ =	shalt  }
0x4d: {  	_ =	shalt  }
0x4e: {  	_ =	shalt  }
0x4f: {  	_ =	shalt  }
0x50: {  	_ =	shalt  }
0x51: {  	_ =	shalt  }
0x52: {  	_ =	shalt  }
0x53: {  	_ =	shalt  }
0x54: {  	_ =	shalt  }
0x55: {  	_ =	shalt  }
0x56: {  	_ =	shalt  }
0x57: {  	_ =	shalt  }
0x58: {  	_ =	shalt  }
0x59: {  	_ =	shalt  }
0x5a: {  	_ =	shalt  }
0x5b: {  	_ =	shalt  }
0x5c: {  	_ =	shalt  }
0x5d: {  	_ =	shalt  }
0x5e: {  	_ =	shalt  }
0x5f: {  	_ =	shalt  }
0x60: {  	_ =	shalt  }
0x61: {  	_ =	shalt  }
0x62: {  	_ =	shalt  }
0x63: {  	_ =	shalt  }
0x64: {  	_ =	shalt  }
0x65: {  	_ =	shalt  }
0x66: {  	_ =	shalt  }
0x67: {  	_ =	shalt  }
0x68: {  	_ =	shalt  }
0x69: {  	_ =	shalt  }
0x6a: {  	_ =	shalt  }
0x6b: {  	_ =	shalt  }
0x6c: {  	_ =	shalt  }
0x6d: {  	_ =	shalt  }
0x6e: {  	_ =	shalt  }
0x6f: {  	_ =	shalt  }
0x70: {  	_ =	shalt  }
0x71: {  	_ =	shalt  }
0x72: {  	_ =	shalt  }
0x73: {  	_ =	shalt  }
0x74: {  	_ =	shalt  }
0x75: {  	_ =	shalt  }
0x76: {  	_ =	shalt  }
0x77: {  	_ =	shalt  }
0x78: {  	_ =	shalt  }
0x79: {  	_ =	shalt  }
0x7a: {  	_ =	shalt  }
0x7b: {  	_ =	shalt  }
0x7c: {  	_ =	shalt  }
0x7d: {  	_ =	shalt  }
0x7e: {  	_ =	shalt  }
0x7f: {  	_ =	shalt  }
0x80: {  	_ =	shalt  }
0x81: {  	_ =	shalt  }
0x82: {  	_ =	shalt  }
0x83: {  	_ =	shalt  }
0x84: {  	_ =	shalt  }
0x85: {  	_ =	shalt  }
0x86: {  	_ =	shalt  }
0x87: {  	_ =	shalt  }
.Lfunc_end0:
.L_simem_size_0:
called_computation_lowered:
.L_overlay_start_0:
0x88: {  	s2 =	sld [smem:$0x3FD9]  }
0x89: {  	s3 =	sld [smem:$0x3FFE];
	_ =	sdelay $0x1  }
0x8a: {  	s1 =	srdreg.scid  }
0x8b: {  	s0 =	sand.u32 $0x1, s1  }
0x8c: {  	s17 =	sshll.u32 s0, $0xA;
	s2 =	sadd.s32 s3, s2  }
0x8d: {  	s2 =	sadd.s32 s2, s17  }
0x8e: {  	[smem:$0x3FC5] =	sst s2  }
0x8f: {  	_ = 	snop  }
0x90: {  	s2 =	sld [smem:$0x3FD0];
	(tm) =	ssettm $0x1  }
0x91: {  	s18 =	sld [smem:$0x3FFB];
	_ =	sdelay $0x3  }
0x92: {  	_ =	strace s18  }
0x93: {  	s3 =	sld [smem:$0x3FFC];
	_ =	sdelay $0x3  }
0x94: {  	_ =	strace s3  }
0x95: {  	s3 =	sld [smem:$0x3FFD];
	_ =	sdelay $0x3  }
0x96: {  	_ =	strace s3  }
0x97: {  	_ =	strace $0x8FFFFFFF  }
0x98: {  	s19 =	sld [smem:$0x3FDB];
	_ =	sdelay $0x1  }
0x99: {  	s4 =	simm.s32 $_scs_section_size  }
0x9a: {  	s5 =	simm.s32 $_size__tile_overlayer_lowered;
	s6 =	simm.s32 $_tile_overlayer_lowered  }
0x9b: {  	s22 =	simm.s32 $0x1BFF;
	s21 =	sshll.u32 s6, $0x1;
	s3 =	sadd.s32 s4, s19  }
0x9c: {  	s7 =	simm.s32 $0x0;
	s20 =	sshll.u32 s5, $0x1;
	s5 =	sadd.s32 s21, s3  }
0x9d: {  	[timem:s7], [sflag:s22] =	dma.local [hbm:s5], s20  }
0x9e: {  	_ =	swait.ge [sflag:s22], s20  }
0x9f: {  	s4 =	ssub.s32 $0x0, s20;
	[sflag:s22] =	ssyncset.done $0x0  }
0xa0: {  	[sflag:s22] =	ssyncadd.s32 s4;
	_ =	sdelay $0x1  }
0xa1: {  	s23 =	simm.s32 $0x1B8B  }
0xa2: {  	_ =	swait.ge [sflag:s23], $0x1  }
0xa3: {  	[sflag:s23] =	ssyncset.done $0x0  }
0xa4: {  	s25 =	simm.s32 $0x1B8E;
	s24 =	sld [smem:$0x3FFE];
	[sflag:s23] =	ssyncadd.s32 $0xFFFFFFFF  }
0xa5: {  	s26 =	simm.s32 $execute0_lowered;
	[smem:$0x3FD2] =	sst s25  }
0xa6: {  	s5 =	sshll.u32 s26, $0x1;
	_ =	strace $0x80000046;
	[dreg:$0x1] =	wrdreg $0xFFFFFFFF  }
0xa7: {  	s28 =	simm.s32 $_size_execute0_lowered;
	s3 =	sadd.s32 s3, s5;
	[dreg:$0x0] =	wrdreg $0x0  }
0xa8: {  	s5 =	sshll.u32 s28, $0x1;
	[dreg:$0x2] =	wrdreg s3  }
0xa9: {  	[dreg:$0x3] =	wrdreg s5  }
0xaa: {  	[dreg:$0x4] =	wrdreg $0xC0  }
0xab: {  	_ =	task [dreg:s7], $0x5FFFF  }
0xac: {  	[dreg:$0x1] =	wrdreg $0xFFFFFFFF  }
0xad: {  	[dreg:$0x0] =	wrdreg $0x60  }
0xae: {  	[dreg:$0x2] =	wrdreg s24  }
0xaf: {  	[dreg:$0x3] =	wrdreg s2  }
0xb0: {  	[dreg:$0x4] =	wrdreg $0x9  }
0xb1: {  	_ =	task.clear_ibuf [dreg:s7], $0x5FFFF;
	_ =	strace $0x90000046  }
0xb2: {  	s29 =	simm.s32 $0x9;
	_ =	strace $0x80000048  }
0xb3: {  	_ =	swait.ge [sflag:s29], $0x1  }
0xb4: {  	[sflag:s29] =	ssyncadd.s32 $0xFFFFFFFF  }
0xb5: {  	_ =	strace $0x90000048  }
0xb6: {  	_ =	sfence  }
0xb7: {  	s30 =	sld [smem:$0x0];
	_ =	sdelay $0x2  }
0xb8: {  	s31 =	sshll.u32 s1, $0xD;
	s1 =	sshrl.u32 s1, $0x2  }
0xb9: {  	s3 =	sand.u32 $0x4000, s31;
	s1 =	sadd.s32 s1, s30  }
0xba: {  	s0 =	sor.u32 s3, s0;
	s1 =	sshll.u32 s1, $0x11  }
0xbb: {  	s0 =	sor.u32 s1, s0  }
0xbc: {  	s0 =	sadd.s32 $0x8F2B, s0  }
0xbd: {  	[sflag:s0] =	ssyncadd.remote.s32 $0x1  }
0xbe: {  	_ =	sfence.sel $0xFFFF  }
0xbf: {  	[dreg:$0x0] =	wrdreg $0xFFFFFFFF;
	(pc) =	sbr.abs _section_cstart, $3  }
0xc0: {  	[dreg:$0x1] =	wrdreg $0xFFFFFFFF  }
0xc1: {  	_ =	task.clear_ibuf [dreg:s7], $0x2FFFF;
	_ =	strace $0x9FFFFFFF  }
0xc2: {  	(tm) =	ssettm $0x7FFFFFFF  }
0xc3: {  	_ =	shalt  }
tec
execute0_lowered:
.L_overlay_start_1:
0x0: {  	(tag) =	ssettag $0x1  }
0x1: {  	s0 =	srdreg.scid  }
0x2: {  	s3 =	stileid.u32;
	s5 =	rddreg [dreg:$0x0]  }
0x3: {  	s1 =	simm.s32 $0x0;
	s28 =	simm.s32 $0x80;
	s29 =	simm.s32 $0x400  }
0x4: {  	s30 =	simm.s32 $0x9D00;
	s7 =	sand.u32 $0x1, s0;
	s0 =	rddreg [dreg:$0x1]  }
0x5: {  	s31 =	simm.s32 $0x3;
	s2 =	sshll.u32 s3, $0x1;
	[smem:$0x7FF] =	sst s1  }
0x6: {  	s3 =	sshll.u32 s3, $0x3;
	s6 =	sadd.s32 $0xE00, s5;
	s8 =	sor.u32 s7, s2  }
0x7: {  	s4 =	sadd.s32 $0x6D200, s5;
	s7 =	ssub.s32 $0x2, s7;
	s2 =	smul.u32 $0xA, s8  }
0x8: {  	s3 =	sand.u32 $0x70, s3;
	s9 =	smul.u32 $0x5, s8;
	s13 =	sshrl.u32 s7, $0x1  }
0x9: {  	s3 =	sadd.s32 s3, s5;
	s8 =	smul.u32 $0x280, s8;
	s7 =	ssub.s32 s7, s13  }
0xa: {  	s2 =	sadd.s32 s2, s5;
	s5 =	sadd.s32 $0x6E600, s5;
	s10 =	sshrl.u32 s9, $0x3  }
0xb: {  	s12 =	sadd.s32 $0x1, s9;
	s8 =	sand.u32 $0x380, s8;
	s25 =	sadd.s32 $0x3, s9  }
0xc: {  	s11 =	smul.u32 $0x27400, s10;
	s14 =	sshrl.u32 s12, $0x3;
	s12 =	sshll.u32 s12, $0x7  }
0xd: {  	s10 =	sshll.u32 s10, $0xB;
	s26 =	sshrl.u32 s25, $0x3;
	s15 =	smul.u32 $0x27400, s14  }
0xe: {  	s12 =	sand.u32 $0x380, s12;
	s24 =	sshll.u32 s14, $0xB;
	s14 =	sshll.u32 s25, $0x7  }
0xf: {  	s17 =	smul.u32 $0x27400, s26;
	s11 =	sor.u32 s8, s11;
	s8 =	sor.u32 s8, s10  }
0x10: {  	s14 =	sand.u32 $0x380, s14;
	s11 =	sshrl.u32 s11, $0x3;
	s13 =	sor.u32 s12, s15  }
0x11: {  	s15 =	sadd.s32 $0x2, s9;
	s8 =	sshrl.u32 s8, $0x3;
	s12 =	sor.u32 s12, s24  }
0x12: {  	s9 =	sadd.s32 $0x4, s9;
	s11 =	sadd.s32 s6, s11;
	s16 =	sshrl.u32 s15, $0x3  }
0x13: {  	s20 =	sadd.s32 s0, s8;
	s10 =	sshll.u32 s15, $0x7;
	[dreg:$0x3] =	wrdreg s11  }
0x14: {  	s22 =	sadd.s32 s4, s8;
	s8 =	sadd.s32 s5, s8;
	[dreg:$0x5] =	wrdreg s20  }
0x15: {  	s12 =	sshrl.u32 s12, $0x3;
	s11 =	sshrl.u32 s13, $0x3;
	[dreg:$0x6] =	wrdreg s22  }
0x16: {  	s21 =	smul.u32 $0x27400, s16;
	[dreg:$0x7] =	wrdreg s8;
	s23 =	sand.u32 $0x380, s10  }
0x17: {  	s18 =	sadd.s32 s0, s12;
	s19 =	sadd.s32 s4, s12;
	s20 =	sor.u32 s14, s17  }
0x18: {  	s22 =	sshrl.u32 s9, $0x3;
	s9 =	sshll.u32 s9, $0x7;
	[dreg:$0x9] =	wrdreg s18  }
0x19: {  	s13 =	sshll.u32 s26, $0xB;
	s11 =	sadd.s32 s6, s11;
	[dreg:$0xa] =	wrdreg s19  }
0x1a: {  	s9 =	sand.u32 $0x380, s9;
	s17 =	sor.u32 s14, s13;
	s24 =	sshll.u32 s22, $0xB  }
0x1b: {  	[dreg:$0x4] =	wrdreg s11;
	s10 =	sor.u32 s23, s21;
	s21 =	sshll.u32 s16, $0xB  }
0x1c: {  	s16 =	smul.u32 $0x27400, s22;
	s25 =	sshrl.u32 s17, $0x3;
	s26 =	sor.u32 s9, s24  }
0x1d: {  	s24 =	sadd.s32 $0x63200, s3;
	s10 =	sshrl.u32 s10, $0x3;
	s8 =	sor.u32 s23, s21  }
0x1e: {  	s17 =	sadd.s32 s0, s25;
	s18 =	sadd.s32 s4, s25;
	s19 =	sadd.s32 s5, s25  }
0x1f: {  	s25 =	sadd.s32 $0x63000, s2;
	s2 =	simm.s32 $0x4E80;
	s10 =	sadd.s32 s6, s10  }
0x20: {  	s8 =	sshrl.u32 s8, $0x3;
	s16 =	sor.u32 s9, s16;
	[dreg:$0x8] =	wrdreg s10  }
0x21: {  	s10 =	sadd.s32 s5, s12;
	s12 =	sshrl.u32 s20, $0x3;
	s13 =	sadd.s32 s4, s8  }
0x22: {  	s14 =	sadd.s32 s5, s8;
	s23 =	sshrl.u32 s16, $0x3;
	s16 =	simm.s32 $0xEB80  }
0x23: {  	s11 =	sadd.s32 s6, s12;
	s12 =	sadd.s32 s0, s8;
	s15 =	sadd.s32 s6, s23  }
0x24: {  	s8 =	sshrl.u32 s26, $0x3;
	_ =	strace $0x80000047;
	s23 =	sadd.s32 $0x68200, s3  }
0x25: {  	s26 =	smax.u32 s7, $0x1;
	s3 =	simm.s32 $0x13A80;
	s6 =	simm.s32 $0x0  }
0x26: {  	v0 =	vimm.f32 $-1.000000000e+00;
	v1 =	vlaneseq.u32;
	s20 =	sadd.s32 s0, s8;
	s21 =	sadd.s32 s4, s8;
	s22 =	sadd.s32 s5, s8  }
0x27: {  	v2 =	vimm.s32 $0x0;
	v3 =	vor.u32 $0x4E00, v1;
	v4 =	vor.u32 $0x4E10, v1;
	s0 =	simm.s32 $0x1;
	s4 =	simm.s32 $0x13F80;
	s5 =	simm.s32 $0x2  }
.LBB2_1:
0x28: {  	[tilespmem:s30], [sflag:$0x3] =	stream.strided.gather [hbm4b:s23+s28], $0x4E80, s29, s28, $0x38;
	[tilespmem:$0x14E80] =	vst v63  }
0x29: {  	_ =	swait.ge [sflag:s31], $0x4E80  }
0x2a: {  	[sflag:s31] =	ssyncset.done $0x0  }
0x2b: {  	[sflag:s31] =	ssyncadd.s32 $0xFFFFB180  }
0x2c: {  	[tilespmem:s16], [sflag:$0x3] =	stream.strided.gather [hbm4b:s24+s28], $0x4E80, s29, s28, $0x38;
	[tilespmem:$0x14E80] =	vst v63  }
0x2d: {  	_ =	swait.ge [sflag:s31], $0x4E80  }
0x2e: {  	[sflag:s31] =	ssyncset.done $0x0  }
0x2f: {  	s7 =	simm.s32 $0x13A00;
	[sflag:s31] =	ssyncadd.s32 $0xFFFFB180  }
0x30: {  	[tilespmem:s7], [sflag:$0x3] =	stream.linear.gather [hbm4b:s25+s1], $0x50, $0x38;
	[tilespmem:$0x14E80] =	vst v63  }
0x31: {  	_ =	swait.ge [sflag:s31], $0x50  }
0x32: {  	[sflag:s31] =	ssyncset.done $0x0  }
0x33: {  	s8 =	rddreg [dreg:$0x3];
	[sflag:s31] =	ssyncadd.s32 $0xFFFFFFB0  }
0x34: {  	[tilespmem:s1], [sflag:$0x1] =	stream.strided.gather [hbm4b:s8+s28], $0x4E80, s29, s28, $0x38;
	[tilespmem:$0x14E80] =	vst v63  }
0x35: {  	_ =	swait.ge [sflag:s0], $0x4E80  }
0x36: {  	[sflag:s0] =	ssyncset.done $0x0  }
0x37: {  	s9 =	rddreg [dreg:$0x4];
	[sflag:s0] =	ssyncadd.s32 $0xFFFFB180  }
0x38: {  	[tilespmem:s2], [sflag:$0x1] =	stream.strided.gather [hbm4b:s9+s28], $0x4E80, s29, s28, $0x38;
	[tilespmem:$0x14E80] =	vst v63  }
0x39: {  	[tilespmem:$0x13A80] =	vst v0  }
0x3a: {  	[tilespmem:$0x13F80] =	vst v2  }
0x3b: {  	[tilespmem:$0x13A90] =	vst v0  }
0x3c: {  	[tilespmem:$0x13F90] =	vst v2  }
0x3d: {  	[tilespmem:$0x13AA0] =	vst v0  }
0x3e: {  	[tilespmem:$0x13FA0] =	vst v2  }
0x3f: {  	[tilespmem:$0x13AB0] =	vst v0  }
0x40: {  	[tilespmem:$0x13FB0] =	vst v2  }
0x41: {  	[tilespmem:$0x13AC0] =	vst v0  }
0x42: {  	[tilespmem:$0x13FC0] =	vst v2  }
0x43: {  	[tilespmem:$0x13AD0] =	vst v0  }
0x44: {  	[tilespmem:$0x13FD0] =	vst v2  }
0x45: {  	[tilespmem:$0x13AE0] =	vst v0  }
0x46: {  	[tilespmem:$0x13FE0] =	vst v2  }
0x47: {  	[tilespmem:$0x13AF0] =	vst v0  }
0x48: {  	[tilespmem:$0x13FF0] =	vst v2  }
0x49: {  	[tilespmem:$0x13B00] =	vst v0  }
0x4a: {  	[tilespmem:$0x14000] =	vst v2  }
0x4b: {  	[tilespmem:$0x13B10] =	vst v0  }
0x4c: {  	[tilespmem:$0x14010] =	vst v2  }
0x4d: {  	[tilespmem:$0x13B20] =	vst v0  }
0x4e: {  	[tilespmem:$0x14020] =	vst v2  }
0x4f: {  	[tilespmem:$0x13B30] =	vst v0  }
0x50: {  	[tilespmem:$0x14030] =	vst v2  }
0x51: {  	[tilespmem:$0x13B40] =	vst v0  }
0x52: {  	[tilespmem:$0x14040] =	vst v2  }
0x53: {  	[tilespmem:$0x13B50] =	vst v0  }
0x54: {  	[tilespmem:$0x14050] =	vst v2  }
0x55: {  	[tilespmem:$0x13B60] =	vst v0  }
0x56: {  	[tilespmem:$0x14060] =	vst v2  }
0x57: {  	[tilespmem:$0x13B70] =	vst v0  }
0x58: {  	v6 =	vimm.s32 $0x0;
	s7 =	simm.s32 $0x30;
	s8 =	simm.s32 $0x20;
	[tilespmem:$0x14070] =	vst v2;
	v5 =	vld [tilespmem:$0x13A00]  }
.LBB2_2:
0x59: {  	v7 =	vld [tilespmem:s8+$0xFFFFFFE0];
	_ =	sdelay $0x4  }
0x5a: {  	vm0 =	vgt.f32 v7, v5  }
0x5b: {  	v8 =	vsel vm0, $0x1, v2  }
0x5c: {  	(xrf0) =	vadd.scan.msk.s32 $0xffff, v8;
	_ =	sdelay $0x5  }
0x5d: {  	v8, _, _ =	vpop (xrf0)  }
0x5e: {  	v8 =	vadd.s32 v8, v6  }
0x5f: {  	v8 =	vadd.s32 $0xFFFFFFFF, v8  }
0x60: {  	vm1 =	vlt.s32 v8, $0x100  }
0x61: {  	vm1 =	vmand vm0, vm1;
	_ =	sdelay $0x4  }
0x62: {  	s9 =	sadd.s32 $0xFFFFFFD0, s7  }
0x63: {  	[tilespmem:v8+s3+$0x0] =	vst.idx.msk vm1, v7;
	v7 =	vor.u32 s9, v1  }
0x64: {  	[tilespmem:v8+s4+$0x0] =	vst.idx.msk vm1, v7  }
0x65: {  	v7 =	vld [tilespmem:s8+$0xFFFFFFF0];
	_ =	sdelay $0x4  }
0x66: {  	vm10 =	vgt.f32 v7, v5  }
0x67: {  	v8 =	vsel vm10, $0x1, v2  }
0x68: {  	(xrf0) =	vadd.scan.msk.s32 $0xffff, v8;
	_ =	sdelay $0x1  }
0x69: {  	v8 =	vmpcnt.ones.xlane vm0;
	_ =	sdelay $0x3  }
0x6a: {  	v6 =	vadd.s32 v6, v8;
	v8, _, _ =	vpop (xrf0)  }
0x6b: {  	v8 =	vadd.s32 v8, v6  }
0x6c: {  	v8 =	vadd.s32 $0xFFFFFFFF, v8  }
0x6d: {  	vm11 =	vlt.s32 v8, $0x100  }
0x6e: {  	vm0 =	vmand vm10, vm11;
	_ =	sdelay $0x4  }
0x6f: {  	s9 =	sadd.s32 $0xFFFFFFE0, s7  }
0x70: {  	[tilespmem:v8+s3+$0x0] =	vst.idx.msk vm0, v7;
	v7 =	vor.u32 s9, v1  }
0x71: {  	[tilespmem:v8+s4+$0x0] =	vst.idx.msk vm0, v7  }
0x72: {  	v7 =	vld [tilespmem:s8+$0x0];
	_ =	sdelay $0x4  }
0x73: {  	vm12 =	vgt.f32 v7, v5  }
0x74: {  	v8 =	vsel vm12, $0x1, v2  }
0x75: {  	(xrf0) =	vadd.scan.msk.s32 $0xffff, v8;
	_ =	sdelay $0x1  }
0x76: {  	v8 =	vmpcnt.ones.xlane vm10;
	_ =	sdelay $0x3  }
0x77: {  	v6 =	vadd.s32 v6, v8;
	v8, _, _ =	vpop (xrf0)  }
0x78: {  	v8 =	vadd.s32 v8, v6  }
0x79: {  	v8 =	vadd.s32 $0xFFFFFFFF, v8  }
0x7a: {  	vm13 =	vlt.s32 v8, $0x100  }
0x7b: {  	vm1 =	vmand vm12, vm13;
	_ =	sdelay $0x4  }
0x7c: {  	s9 =	sadd.s32 $0xFFFFFFF0, s7  }
0x7d: {  	[tilespmem:v8+s3+$0x0] =	vst.idx.msk vm1, v7;
	v7 =	vor.u32 s9, v1  }
0x7e: {  	[tilespmem:v8+s4+$0x0] =	vst.idx.msk vm1, v7  }
0x7f: {  	v7 =	vld [tilespmem:s8+$0x10];
	_ =	sdelay $0x4  }
0x80: {  	vm14 =	vgt.f32 v7, v5  }
0x81: {  	v8 =	vsel vm14, $0x1, v2  }
0x82: {  	(xrf0) =	vadd.scan.msk.s32 $0xffff, v8;
	_ =	sdelay $0x1  }
0x83: {  	v8 =	vmpcnt.ones.xlane vm12;
	_ =	sdelay $0x3  }
0x84: {  	v6 =	vadd.s32 v6, v8;
	v8, _, _ =	vpop (xrf0)  }
0x85: {  	v8 =	vadd.s32 v8, v6  }
0x86: {  	v8 =	vadd.s32 $0xFFFFFFFF, v8  }
0x87: {  	vm15 =	vlt.s32 v8, $0x100  }
0x88: {  	vm0 =	vmand vm14, vm15;
	_ =	sdelay $0x1  }
0x89: {  	p0 =	sne.s32 s7, $0x4DF0  }
.Ltmp0:
0x8a: {  	_ = 	snop;
	(pc) =	sbr.rel @p0 .LBB2_2-.Ltmp0, $4  }
0x8b: {  	_ = 	snop  }
0x8c: {  	v9 =	vmpcnt.ones.xlane vm14  }
0x8d: {  	[tilespmem:v8+s3+$0x0] =	vst.idx.msk vm0, v7;
	v7 =	vor.u32 s7, v1  }
0x8e: {  	s8 =	sadd.s32 $0x40, s8;
	v6 =	vadd.s32 v6, v9;
	s7 =	sadd.s32 $0x40, s7;
	[tilespmem:v8+s4+$0x0] =	vst.idx.msk vm0, v7  }
0x8f: {  	v7 =	vld [tilespmem:$0x4E00];
	_ =	sdelay $0x4  }
0x90: {  	vm0 =	vgt.f32 v7, v5  }
0x91: {  	v8 =	vsel vm0, $0x1, v2  }
0x92: {  	(xrf0) =	vadd.scan.msk.s32 $0xffff, v8;
	_ =	sdelay $0x5  }
0x93: {  	v6 =	vadd.s32 $0xFFFFFFFF, v6;
	v8, _, _ =	vpop (xrf0)  }
0x94: {  	v8 =	vadd.s32 v8, v6  }
0x95: {  	vm1 =	vlt.s32 v8, $0x100  }
0x96: {  	vm1 =	vmand vm0, vm1;
	_ =	sdelay $0x5  }
0x97: {  	[tilespmem:v8+s3+$0x0] =	vst.idx.msk vm1, v7  }
0x98: {  	[tilespmem:v8+s4+$0x0] =	vst.idx.msk vm1, v3  }
0x99: {  	v7 =	vld [tilespmem:$0x4E10];
	_ =	sdelay $0x4  }
0x9a: {  	vm14 =	vgt.f32 v7, v5  }
0x9b: {  	v5 =	vsel vm14, $0x1, v2  }
0x9c: {  	(xrf0) =	vadd.scan.msk.s32 $0xffff, v5;
	_ =	sdelay $0x3  }
0x9d: {  	v5 =	vmpcnt.ones.xlane vm0;
	_ =	sdelay $0x1  }
0x9e: {  	v5 =	vadd.s32 v5, v6;
	v8, _, _ =	vpop (xrf0)  }
0x9f: {  	v5 =	vadd.s32 v8, v5  }
0xa0: {  	vm15 =	vlt.s32 v5, $0x100  }
0xa1: {  	vm0 =	vmand vm14, vm15;
	_ =	sdelay $0x5  }
0xa2: {  	[tilespmem:v5+s3+$0x0] =	vst.idx.msk vm0, v7  }
0xa3: {  	s7 =	simm.s32 $0x0;
	[tilespmem:v5+s4+$0x0] =	vst.idx.msk vm0, v4  }
0xa4: {  	v5 =	vld [tilespmem:s7+$0x13F80];
	_ =	sdelay $0x7  }
0xa5: {  	v6 =	vld.idx.msk [tilespmem:v5+s30+$0x0], $0xffff;
	_ =	sdelay $0x3  }
0xa6: {  	s8 =	simm.s32 $0x10;
	s9 =	simm.s32 $0x80  }
.LBB2_4:
0xa7: {  	p0 =	sne.s32 s9, $0x3C0;
	v7 =	vld [tilespmem:s8+$0x13F80];
	[tilespmem:s7+$0x14480] =	vst v6  }
0xa8: {  	v6 =	vld.idx.msk [tilespmem:v5+s16+$0x0], $0xffff;
	_ =	sdelay $0x3  }
0xa9: {  	v5 =	vmov v7;
	_ =	sdelay $0x1  }
0xaa: {  	[tilespmem:s7+$0x14980] =	vst v6;
	s7 =	smov.u32 s8  }
0xab: {  	v6 =	vld.idx.msk [tilespmem:v7+s30+$0x0], $0xffff  }
.Ltmp1:
0xac: {  	(pc) =	sbr.rel @p0 .LBB2_4-.Ltmp1, $2  }
0xad: {  	_ =	sdelay $0x2  }
0xae: {  	s8 =	sshra.s32 s9, $0x2;
	s9 =	sadd.s32 $0x40, s9  }
0xaf: {  	_ =	sdelay $0x1  }
0xb0: {  	v7 =	vld [tilespmem:s8+$0x13F80]  }
0xb1: {  	[tilespmem:s7+$0x14480] =	vst v6  }
0xb2: {  	v5 =	vld.idx.msk [tilespmem:v5+s16+$0x0], $0xffff;
	_ =	sdelay $0x4  }
0xb3: {  	[tilespmem:s7+$0x14980] =	vst v5  }
0xb4: {  	v5 =	vld.idx.msk [tilespmem:v7+s30+$0x0], $0xffff;
	_ =	sdelay $0x4  }
0xb5: {  	[tilespmem:s8+$0x14480] =	vst v5  }
0xb6: {  	v5 =	vld.idx.msk [tilespmem:v7+s16+$0x0], $0xffff;
	_ =	sdelay $0x4  }
0xb7: {  	s9 =	rddreg [dreg:$0x5];
	[tilespmem:s8+$0x14980] =	vst v5  }
0xb8: {  	[hbm4b:s9+s28] =	stream.strided.scatter [tilespmem:s3], [sflag:$0x2], $0x100, s29, s28, $0x38;
	[tilespmem:$0x14E80] =	vst v63  }
0xb9: {  	s8 =	rddreg [dreg:$0x6];
	s9 =	simm.s32 $0x14480  }
0xba: {  	[hbm4b:s8+s28] =	stream.strided.scatter [tilespmem:s9], [sflag:$0x2], $0x100, s29, s28, $0x38;
	[tilespmem:$0x14E80] =	vst v63  }
0xbb: {  	s8 =	rddreg [dreg:$0x7];
	s9 =	simm.s32 $0x14980  }
0xbc: {  	[hbm4b:s8+s28] =	stream.strided.scatter [tilespmem:s9], [sflag:$0x2], $0x100, s29, s28, $0x38;
	[tilespmem:$0x14E80] =	vst v63  }
0xbd: {  	_ =	swait.ge [sflag:s0], $0x4E80  }
0xbe: {  	[sflag:s0] =	ssyncset.done $0x0  }
0xbf: {  	s9 =	rddreg [dreg:$0x8];
	[sflag:s0] =	ssyncadd.s32 $0xFFFFB180  }
0xc0: {  	[tilespmem:s1], [sflag:$0x1] =	stream.strided.gather [hbm4b:s9+s28], $0x4E80, s29, s28, $0x38;
	[tilespmem:$0x14E80] =	vst v63  }
0xc1: {  	v6 =	vimm.s32 $0x0;
	[tilespmem:$0x13B80] =	vst v0  }
0xc2: {  	[tilespmem:$0x14080] =	vst v6  }
0xc3: {  	[tilespmem:$0x13B90] =	vst v0  }
0xc4: {  	[tilespmem:$0x14090] =	vst v6  }
0xc5: {  	[tilespmem:$0x13BA0] =	vst v0  }
0xc6: {  	[tilespmem:$0x140A0] =	vst v6  }
0xc7: {  	[tilespmem:$0x13BB0] =	vst v0  }
0xc8: {  	[tilespmem:$0x140B0] =	vst v6  }
0xc9: {  	[tilespmem:$0x13BC0] =	vst v0  }
0xca: {  	[tilespmem:$0x140C0] =	vst v6  }
0xcb: {  	[tilespmem:$0x13BD0] =	vst v0  }
0xcc: {  	[tilespmem:$0x140D0] =	vst v6  }
0xcd: {  	[tilespmem:$0x13BE0] =	vst v0  }
0xce: {  	[tilespmem:$0x140E0] =	vst v6  }
0xcf: {  	[tilespmem:$0x13BF0] =	vst v0  }
0xd0: {  	[tilespmem:$0x140F0] =	vst v6  }
0xd1: {  	[tilespmem:$0x13C00] =	vst v0  }
0xd2: {  	[tilespmem:$0x14100] =	vst v6  }
0xd3: {  	[tilespmem:$0x13C10] =	vst v0  }
0xd4: {  	[tilespmem:$0x14110] =	vst v6  }
0xd5: {  	[tilespmem:$0x13C20] =	vst v0  }
0xd6: {  	[tilespmem:$0x14120] =	vst v6  }
0xd7: {  	[tilespmem:$0x13C30] =	vst v0  }
0xd8: {  	[tilespmem:$0x14130] =	vst v6  }
0xd9: {  	[tilespmem:$0x13C40] =	vst v0  }
0xda: {  	[tilespmem:$0x14140] =	vst v6  }
0xdb: {  	[tilespmem:$0x13C50] =	vst v0  }
0xdc: {  	[tilespmem:$0x14150] =	vst v6  }
0xdd: {  	[tilespmem:$0x13C60] =	vst v0  }
0xde: {  	[tilespmem:$0x14160] =	vst v6  }
0xdf: {  	[tilespmem:$0x13C70] =	vst v0  }
0xe0: {  	s7 =	simm.s32 $0x30;
	s8 =	simm.s32 $0x4EA0;
	[tilespmem:$0x14170] =	vst v6;
	v5 =	vld [tilespmem:$0x13A10]  }
.LBB2_6:
0xe1: {  	v7 =	vld [tilespmem:s8+$0xFFFFFFE0];
	_ =	sdelay $0x4  }
0xe2: {  	vm0 =	vgt.f32 v7, v5  }
0xe3: {  	v8 =	vsel vm0, $0x1, v2  }
0xe4: {  	(xrf0) =	vadd.scan.msk.s32 $0xffff, v8;
	_ =	sdelay $0x5  }
0xe5: {  	v8, _, _ =	vpop (xrf0)  }
0xe6: {  	v8 =	vadd.s32 v6, v8  }
0xe7: {  	v9 =	vadd.s32 $0xFFFFFFFF, v8  }
0xe8: {  	vm1 =	vlt.s32 v9, $0x100  }
0xe9: {  	vm1 =	vmand vm0, vm1  }
0xea: {  	v8 =	vadd.s32 $0xFF, v8;
	_ =	sdelay $0x3  }
0xeb: {  	s9 =	sadd.s32 $0xFFFFFFD0, s7  }
0xec: {  	[tilespmem:v8+s3+$0x0] =	vst.idx.msk vm1, v7;
	v7 =	vor.u32 s9, v1  }
0xed: {  	[tilespmem:v8+s4+$0x0] =	vst.idx.msk vm1, v7  }
0xee: {  	v7 =	vld [tilespmem:s8+$0xFFFFFFF0];
	_ =	sdelay $0x4  }
0xef: {  	vm10 =	vgt.f32 v7, v5  }
0xf0: {  	v8 =	vsel vm10, $0x1, v2  }
0xf1: {  	(xrf0) =	vadd.scan.msk.s32 $0xffff, v8;
	_ =	sdelay $0x1  }
0xf2: {  	v8 =	vmpcnt.ones.xlane vm0;
	_ =	sdelay $0x3  }
0xf3: {  	v6 =	vadd.s32 v6, v8;
	v8, _, _ =	vpop (xrf0)  }
0xf4: {  	v8 =	vadd.s32 v6, v8  }
0xf5: {  	v60 =	vadd.s32 $0xFFFFFFFF, v8  }
0xf6: {  	vm11 =	vlt.s32 v60, $0x100  }
0xf7: {  	vm0 =	vmand vm10, vm11  }
0xf8: {  	v8 =	vadd.s32 $0xFF, v8;
	_ =	sdelay $0x3  }
0xf9: {  	s9 =	sadd.s32 $0xFFFFFFE0, s7  }
0xfa: {  	[tilespmem:v8+s3+$0x0] =	vst.idx.msk vm0, v7;
	v7 =	vor.u32 s9, v1  }
0xfb: {  	[tilespmem:v8+s4+$0x0] =	vst.idx.msk vm0, v7  }
0xfc: {  	v7 =	vld [tilespmem:s8+$0x0];
	_ =	sdelay $0x4  }
0xfd: {  	vm12 =	vgt.f32 v7, v5  }
0xfe: {  	v8 =	vsel vm12, $0x1, v2  }
0xff: {  	(xrf0) =	vadd.scan.msk.s32 $0xffff, v8;
	_ =	sdelay $0x1  }
0x100: {  	v8 =	vmpcnt.ones.xlane vm10;
	_ =	sdelay $0x3  }
0x101: {  	v6 =	vadd.s32 v6, v8;
	v8, _, _ =	vpop (xrf0)  }
0x102: {  	v8 =	vadd.s32 v6, v8  }
0x103: {  	v61 =	vadd.s32 $0xFFFFFFFF, v8  }
0x104: {  	vm13 =	vlt.s32 v61, $0x100  }
0x105: {  	vm1 =	vmand vm12, vm13  }
0x106: {  	v8 =	vadd.s32 $0xFF, v8;
	_ =	sdelay $0x3  }
0x107: {  	s9 =	sadd.s32 $0xFFFFFFF0, s7  }
0x108: {  	[tilespmem:v8+s3+$0x0] =	vst.idx.msk vm1, v7;
	v7 =	vor.u32 s9, v1  }
0x109: {  	[tilespmem:v8+s4+$0x0] =	vst.idx.msk vm1, v7  }
0x10a: {  	v7 =	vld [tilespmem:s8+$0x10];
	_ =	sdelay $0x4  }
0x10b: {  	vm14 =	vgt.f32 v7, v5  }
0x10c: {  	v8 =	vsel vm14, $0x1, v2  }
0x10d: {  	(xrf0) =	vadd.scan.msk.s32 $0xffff, v8;
	_ =	sdelay $0x1  }
0x10e: {  	v8 =	vmpcnt.ones.xlane vm12;
	_ =	sdelay $0x3  }
0x10f: {  	v6 =	vadd.s32 v6, v8;
	v8, _, _ =	vpop (xrf0)  }
0x110: {  	v8 =	vadd.s32 v6, v8  }
0x111: {  	v62 =	vadd.s32 $0xFFFFFFFF, v8  }
0x112: {  	vm15 =	vlt.s32 v62, $0x100  }
0x113: {  	vm0 =	vmand vm14, vm15  }
0x114: {  	v8 =	vadd.s32 $0xFF, v8  }
0x115: {  	p0 =	sne.s32 s7, $0x4DF0  }
.Ltmp2:
0x116: {  	_ = 	snop;
	(pc) =	sbr.rel @p0 .LBB2_6-.Ltmp2, $4  }
0x117: {  	_ = 	snop  }
0x118: {  	v63 =	vmpcnt.ones.xlane vm14  }
0x119: {  	[tilespmem:v8+s3+$0x0] =	vst.idx.msk vm0, v7;
	v7 =	vor.u32 s7, v1  }
0x11a: {  	s8 =	sadd.s32 $0x40, s8;
	v6 =	vadd.s32 v6, v63;
	s7 =	sadd.s32 $0x40, s7;
	[tilespmem:v8+s4+$0x0] =	vst.idx.msk vm0, v7  }
0x11b: {  	v7 =	vld [tilespmem:$0x9C80];
	_ =	sdelay $0x4  }
0x11c: {  	vm0 =	vgt.f32 v7, v5  }
0x11d: {  	v8 =	vsel vm0, $0x1, v2  }
0x11e: {  	(xrf0) =	vadd.scan.msk.s32 $0xffff, v8;
	_ =	sdelay $0x5  }
0x11f: {  	v8, _, _ =	vpop (xrf0)  }
0x120: {  	v8 =	vadd.s32 v6, v8  }
0x121: {  	v9 =	vadd.s32 $0xFFFFFFFF, v8  }
0x122: {  	vm1 =	vlt.s32 v9, $0x100  }
0x123: {  	vm1 =	vmand vm0, vm1  }
0x124: {  	v8 =	vadd.s32 $0xFF, v8;
	_ =	sdelay $0x4  }
0x125: {  	[tilespmem:v8+s3+$0x0] =	vst.idx.msk vm1, v7  }
0x126: {  	[tilespmem:v8+s4+$0x0] =	vst.idx.msk vm1, v3  }
0x127: {  	v7 =	vld [tilespmem:$0x9C90];
	_ =	sdelay $0x4  }
0x128: {  	vm14 =	vgt.f32 v7, v5  }
0x129: {  	v5 =	vsel vm14, $0x1, v2  }
0x12a: {  	(xrf0) =	vadd.scan.msk.s32 $0xffff, v5;
	_ =	sdelay $0x3  }
0x12b: {  	v5 =	vmpcnt.ones.xlane vm0;
	_ =	sdelay $0x1  }
0x12c: {  	v5 =	vadd.s32 v6, v5;
	v6, _, _ =	vpop (xrf0)  }
0x12d: {  	v5 =	vadd.s32 v6, v5  }
0x12e: {  	v6 =	vadd.s32 $0xFFFFFFFF, v5  }
0x12f: {  	vm15 =	vlt.s32 v6, $0x100  }
0x130: {  	vm0 =	vmand vm14, vm15  }
0x131: {  	v5 =	vadd.s32 $0xFF, v5;
	_ =	sdelay $0x4  }
0x132: {  	[tilespmem:v5+s3+$0x0] =	vst.idx.msk vm0, v7  }
0x133: {  	s7 =	simm.s32 $0x0;
	[tilespmem:v5+s4+$0x0] =	vst.idx.msk vm0, v4  }
0x134: {  	v5 =	vld [tilespmem:s7+$0x14080];
	_ =	sdelay $0x7  }
0x135: {  	v6 =	vld.idx.msk [tilespmem:v5+s30+$0x0], $0xffff;
	_ =	sdelay $0x3  }
0x136: {  	s8 =	simm.s32 $0x10;
	s9 =	simm.s32 $0x80  }
.LBB2_8:
0x137: {  	p0 =	sne.s32 s9, $0x3C0;
	v7 =	vld [tilespmem:s8+$0x14080];
	[tilespmem:s7+$0x14580] =	vst v6  }
0x138: {  	v6 =	vld.idx.msk [tilespmem:v5+s16+$0x0], $0xffff;
	_ =	sdelay $0x3  }
0x139: {  	v5 =	vmov v7;
	_ =	sdelay $0x1  }
0x13a: {  	[tilespmem:s7+$0x14A80] =	vst v6;
	s7 =	smov.u32 s8  }
0x13b: {  	v6 =	vld.idx.msk [tilespmem:v7+s30+$0x0], $0xffff  }
.Ltmp3:
0x13c: {  	(pc) =	sbr.rel @p0 .LBB2_8-.Ltmp3, $2  }
0x13d: {  	_ =	sdelay $0x2  }
0x13e: {  	s8 =	sshra.s32 s9, $0x2;
	s9 =	sadd.s32 $0x40, s9  }
0x13f: {  	_ =	sdelay $0x1  }
0x140: {  	v7 =	vld [tilespmem:s8+$0x14080]  }
0x141: {  	[tilespmem:s7+$0x14580] =	vst v6  }
0x142: {  	v5 =	vld.idx.msk [tilespmem:v5+s16+$0x0], $0xffff;
	_ =	sdelay $0x4  }
0x143: {  	[tilespmem:s7+$0x14A80] =	vst v5  }
0x144: {  	v5 =	vld.idx.msk [tilespmem:v7+s30+$0x0], $0xffff;
	_ =	sdelay $0x4  }
0x145: {  	[tilespmem:s8+$0x14580] =	vst v5  }
0x146: {  	v5 =	vld.idx.msk [tilespmem:v7+s16+$0x0], $0xffff;
	_ =	sdelay $0x4  }
0x147: {  	s9 =	simm.s32 $0x13B80;
	[tilespmem:s8+$0x14A80] =	vst v5;
	s8 =	rddreg [dreg:$0x9]  }
0x148: {  	[hbm4b:s8+s28] =	stream.strided.scatter [tilespmem:s9], [sflag:$0x2], $0x100, s29, s28, $0x38;
	[tilespmem:$0x14E80] =	vst v63  }
0x149: {  	s8 =	rddreg [dreg:$0xa];
	s9 =	simm.s32 $0x14580  }
0x14a: {  	[hbm4b:s8+s28] =	stream.strided.scatter [tilespmem:s9], [sflag:$0x2], $0x100, s29, s28, $0x38;
	[tilespmem:$0x14E80] =	vst v63  }
0x14b: {  	s9 =	simm.s32 $0x14A80  }
0x14c: {  	[hbm4b:s10+s28] =	stream.strided.scatter [tilespmem:s9], [sflag:$0x2], $0x100, s29, s28, $0x38;
	[tilespmem:$0x14E80] =	vst v63  }
0x14d: {  	_ =	swait.ge [sflag:s0], $0x4E80  }
0x14e: {  	[sflag:s0] =	ssyncset.done $0x0  }
0x14f: {  	[sflag:s0] =	ssyncadd.s32 $0xFFFFB180  }
0x150: {  	[tilespmem:s2], [sflag:$0x1] =	stream.strided.gather [hbm4b:s11+s28], $0x4E80, s29, s28, $0x38;
	[tilespmem:$0x14E80] =	vst v63  }
0x151: {  	v6 =	vimm.s32 $0x0;
	[tilespmem:$0x13C80] =	vst v0  }
0x152: {  	[tilespmem:$0x14180] =	vst v6  }
0x153: {  	[tilespmem:$0x13C90] =	vst v0  }
0x154: {  	[tilespmem:$0x14190] =	vst v6  }
0x155: {  	[tilespmem:$0x13CA0] =	vst v0  }
0x156: {  	[tilespmem:$0x141A0] =	vst v6  }
0x157: {  	[tilespmem:$0x13CB0] =	vst v0  }
0x158: {  	[tilespmem:$0x141B0] =	vst v6  }
0x159: {  	[tilespmem:$0x13CC0] =	vst v0  }
0x15a: {  	[tilespmem:$0x141C0] =	vst v6  }
0x15b: {  	[tilespmem:$0x13CD0] =	vst v0  }
0x15c: {  	[tilespmem:$0x141D0] =	vst v6  }
0x15d: {  	[tilespmem:$0x13CE0] =	vst v0  }
0x15e: {  	[tilespmem:$0x141E0] =	vst v6  }
0x15f: {  	[tilespmem:$0x13CF0] =	vst v0  }
0x160: {  	[tilespmem:$0x141F0] =	vst v6  }
0x161: {  	[tilespmem:$0x13D00] =	vst v0  }
0x162: {  	[tilespmem:$0x14200] =	vst v6  }
0x163: {  	[tilespmem:$0x13D10] =	vst v0  }
0x164: {  	[tilespmem:$0x14210] =	vst v6  }
0x165: {  	[tilespmem:$0x13D20] =	vst v0  }
0x166: {  	[tilespmem:$0x14220] =	vst v6  }
0x167: {  	[tilespmem:$0x13D30] =	vst v0  }
0x168: {  	[tilespmem:$0x14230] =	vst v6  }
0x169: {  	[tilespmem:$0x13D40] =	vst v0  }
0x16a: {  	[tilespmem:$0x14240] =	vst v6  }
0x16b: {  	[tilespmem:$0x13D50] =	vst v0  }
0x16c: {  	[tilespmem:$0x14250] =	vst v6  }
0x16d: {  	[tilespmem:$0x13D60] =	vst v0  }
0x16e: {  	[tilespmem:$0x14260] =	vst v6  }
0x16f: {  	[tilespmem:$0x13D70] =	vst v0  }
0x170: {  	s7 =	simm.s32 $0x30;
	s8 =	simm.s32 $0x20;
	[tilespmem:$0x14270] =	vst v6;
	v5 =	vld [tilespmem:$0x13A20]  }
.LBB2_10:
0x171: {  	v7 =	vld [tilespmem:s8+$0xFFFFFFE0];
	_ =	sdelay $0x4  }
0x172: {  	vm0 =	vgt.f32 v7, v5  }
0x173: {  	v8 =	vsel vm0, $0x1, v2  }
0x174: {  	(xrf0) =	vadd.scan.msk.s32 $0xffff, v8;
	_ =	sdelay $0x5  }
0x175: {  	v8, _, _ =	vpop (xrf0)  }
0x176: {  	v8 =	vadd.s32 v6, v8  }
0x177: {  	v9 =	vadd.s32 $0xFFFFFFFF, v8  }
0x178: {  	vm1 =	vlt.s32 v9, $0x100  }
0x179: {  	vm1 =	vmand vm0, vm1  }
0x17a: {  	v8 =	vadd.s32 $0x1FF, v8;
	_ =	sdelay $0x3  }
0x17b: {  	s9 =	sadd.s32 $0xFFFFFFD0, s7  }
0x17c: {  	[tilespmem:v8+s3+$0x0] =	vst.idx.msk vm1, v7;
	v7 =	vor.u32 s9, v1  }
0x17d: {  	[tilespmem:v8+s4+$0x0] =	vst.idx.msk vm1, v7  }
0x17e: {  	v7 =	vld [tilespmem:s8+$0xFFFFFFF0];
	_ =	sdelay $0x4  }
0x17f: {  	vm10 =	vgt.f32 v7, v5  }
0x180: {  	v8 =	vsel vm10, $0x1, v2  }
0x181: {  	(xrf0) =	vadd.scan.msk.s32 $0xffff, v8;
	_ =	sdelay $0x1  }
0x182: {  	v8 =	vmpcnt.ones.xlane vm0;
	_ =	sdelay $0x3  }
0x183: {  	v6 =	vadd.s32 v6, v8;
	v8, _, _ =	vpop (xrf0)  }
0x184: {  	v8 =	vadd.s32 v6, v8  }
0x185: {  	v60 =	vadd.s32 $0xFFFFFFFF, v8  }
0x186: {  	vm11 =	vlt.s32 v60, $0x100  }
0x187: {  	vm0 =	vmand vm10, vm11  }
0x188: {  	v8 =	vadd.s32 $0x1FF, v8;
	_ =	sdelay $0x3  }
0x189: {  	s9 =	sadd.s32 $0xFFFFFFE0, s7  }
0x18a: {  	[tilespmem:v8+s3+$0x0] =	vst.idx.msk vm0, v7;
	v7 =	vor.u32 s9, v1  }
0x18b: {  	[tilespmem:v8+s4+$0x0] =	vst.idx.msk vm0, v7  }
0x18c: {  	v7 =	vld [tilespmem:s8+$0x0];
	_ =	sdelay $0x4  }
0x18d: {  	vm12 =	vgt.f32 v7, v5  }
0x18e: {  	v8 =	vsel vm12, $0x1, v2  }
0x18f: {  	(xrf0) =	vadd.scan.msk.s32 $0xffff, v8;
	_ =	sdelay $0x1  }
0x190: {  	v8 =	vmpcnt.ones.xlane vm10;
	_ =	sdelay $0x3  }
0x191: {  	v6 =	vadd.s32 v6, v8;
	v8, _, _ =	vpop (xrf0)  }
0x192: {  	v8 =	vadd.s32 v6, v8  }
0x193: {  	v61 =	vadd.s32 $0xFFFFFFFF, v8  }
0x194: {  	vm13 =	vlt.s32 v61, $0x100  }
0x195: {  	vm1 =	vmand vm12, vm13  }
0x196: {  	v8 =	vadd.s32 $0x1FF, v8;
	_ =	sdelay $0x3  }
0x197: {  	s9 =	sadd.s32 $0xFFFFFFF0, s7  }
0x198: {  	[tilespmem:v8+s3+$0x0] =	vst.idx.msk vm1, v7;
	v7 =	vor.u32 s9, v1  }
0x199: {  	[tilespmem:v8+s4+$0x0] =	vst.idx.msk vm1, v7  }
0x19a: {  	v7 =	vld [tilespmem:s8+$0x10];
	_ =	sdelay $0x4  }
0x19b: {  	vm14 =	vgt.f32 v7, v5  }
0x19c: {  	v8 =	vsel vm14, $0x1, v2  }
0x19d: {  	(xrf0) =	vadd.scan.msk.s32 $0xffff, v8;
	_ =	sdelay $0x1  }
0x19e: {  	v8 =	vmpcnt.ones.xlane vm12;
	_ =	sdelay $0x3  }
0x19f: {  	v6 =	vadd.s32 v6, v8;
	v8, _, _ =	vpop (xrf0)  }
0x1a0: {  	v8 =	vadd.s32 v6, v8  }
0x1a1: {  	v62 =	vadd.s32 $0xFFFFFFFF, v8  }
0x1a2: {  	vm15 =	vlt.s32 v62, $0x100  }
0x1a3: {  	vm0 =	vmand vm14, vm15  }
0x1a4: {  	v8 =	vadd.s32 $0x1FF, v8  }
0x1a5: {  	p0 =	sne.s32 s7, $0x4DF0  }
.Ltmp4:
0x1a6: {  	_ = 	snop;
	(pc) =	sbr.rel @p0 .LBB2_10-.Ltmp4, $4  }
0x1a7: {  	_ = 	snop  }
0x1a8: {  	v63 =	vmpcnt.ones.xlane vm14  }
0x1a9: {  	[tilespmem:v8+s3+$0x0] =	vst.idx.msk vm0, v7;
	v7 =	vor.u32 s7, v1  }
0x1aa: {  	s8 =	sadd.s32 $0x40, s8;
	v6 =	vadd.s32 v6, v63;
	s7 =	sadd.s32 $0x40, s7;
	[tilespmem:v8+s4+$0x0] =	vst.idx.msk vm0, v7  }
0x1ab: {  	v7 =	vld [tilespmem:$0x4E00];
	_ =	sdelay $0x4  }
0x1ac: {  	vm0 =	vgt.f32 v7, v5  }
0x1ad: {  	v8 =	vsel vm0, $0x1, v2  }
0x1ae: {  	(xrf0) =	vadd.scan.msk.s32 $0xffff, v8;
	_ =	sdelay $0x5  }
0x1af: {  	v8, _, _ =	vpop (xrf0)  }
0x1b0: {  	v8 =	vadd.s32 v6, v8  }
0x1b1: {  	v9 =	vadd.s32 $0xFFFFFFFF, v8  }
0x1b2: {  	vm1 =	vlt.s32 v9, $0x100  }
0x1b3: {  	vm1 =	vmand vm0, vm1  }
0x1b4: {  	v8 =	vadd.s32 $0x1FF, v8;
	_ =	sdelay $0x4  }
0x1b5: {  	[tilespmem:v8+s3+$0x0] =	vst.idx.msk vm1, v7  }
0x1b6: {  	[tilespmem:v8+s4+$0x0] =	vst.idx.msk vm1, v3  }
0x1b7: {  	v7 =	vld [tilespmem:$0x4E10];
	_ =	sdelay $0x4  }
0x1b8: {  	vm14 =	vgt.f32 v7, v5  }
0x1b9: {  	v5 =	vsel vm14, $0x1, v2  }
0x1ba: {  	(xrf0) =	vadd.scan.msk.s32 $0xffff, v5;
	_ =	sdelay $0x3  }
0x1bb: {  	v5 =	vmpcnt.ones.xlane vm0;
	_ =	sdelay $0x1  }
0x1bc: {  	v5 =	vadd.s32 v6, v5;
	v6, _, _ =	vpop (xrf0)  }
0x1bd: {  	v5 =	vadd.s32 v6, v5  }
0x1be: {  	v6 =	vadd.s32 $0xFFFFFFFF, v5  }
0x1bf: {  	vm15 =	vlt.s32 v6, $0x100  }
0x1c0: {  	vm0 =	vmand vm14, vm15  }
0x1c1: {  	v5 =	vadd.s32 $0x1FF, v5;
	_ =	sdelay $0x4  }
0x1c2: {  	[tilespmem:v5+s3+$0x0] =	vst.idx.msk vm0, v7  }
0x1c3: {  	s7 =	simm.s32 $0x0;
	[tilespmem:v5+s4+$0x0] =	vst.idx.msk vm0, v4  }
0x1c4: {  	v5 =	vld [tilespmem:s7+$0x14180];
	_ =	sdelay $0x7  }
0x1c5: {  	v6 =	vld.idx.msk [tilespmem:v5+s30+$0x0], $0xffff;
	_ =	sdelay $0x3  }
0x1c6: {  	s8 =	simm.s32 $0x10;
	s9 =	simm.s32 $0x80  }
.LBB2_12:
0x1c7: {  	p0 =	sne.s32 s9, $0x3C0;
	v7 =	vld [tilespmem:s8+$0x14180];
	[tilespmem:s7+$0x14680] =	vst v6  }
0x1c8: {  	v6 =	vld.idx.msk [tilespmem:v5+s16+$0x0], $0xffff;
	_ =	sdelay $0x3  }
0x1c9: {  	v5 =	vmov v7;
	_ =	sdelay $0x1  }
0x1ca: {  	[tilespmem:s7+$0x14B80] =	vst v6;
	s7 =	smov.u32 s8  }
0x1cb: {  	v6 =	vld.idx.msk [tilespmem:v7+s30+$0x0], $0xffff  }
.Ltmp5:
0x1cc: {  	(pc) =	sbr.rel @p0 .LBB2_12-.Ltmp5, $2  }
0x1cd: {  	_ =	sdelay $0x2  }
0x1ce: {  	s8 =	sshra.s32 s9, $0x2;
	s9 =	sadd.s32 $0x40, s9  }
0x1cf: {  	_ =	sdelay $0x1  }
0x1d0: {  	v7 =	vld [tilespmem:s8+$0x14180]  }
0x1d1: {  	[tilespmem:s7+$0x14680] =	vst v6  }
0x1d2: {  	v5 =	vld.idx.msk [tilespmem:v5+s16+$0x0], $0xffff;
	_ =	sdelay $0x4  }
0x1d3: {  	[tilespmem:s7+$0x14B80] =	vst v5  }
0x1d4: {  	v5 =	vld.idx.msk [tilespmem:v7+s30+$0x0], $0xffff;
	_ =	sdelay $0x4  }
0x1d5: {  	[tilespmem:s8+$0x14680] =	vst v5  }
0x1d6: {  	v5 =	vld.idx.msk [tilespmem:v7+s16+$0x0], $0xffff;
	_ =	sdelay $0x4  }
0x1d7: {  	s9 =	simm.s32 $0x13C80;
	[tilespmem:s8+$0x14B80] =	vst v5  }
0x1d8: {  	[hbm4b:s12+s28] =	stream.strided.scatter [tilespmem:s9], [sflag:$0x2], $0x100, s29, s28, $0x38;
	[tilespmem:$0x14E80] =	vst v63  }
0x1d9: {  	s8 =	simm.s32 $0x14680  }
0x1da: {  	[hbm4b:s13+s28] =	stream.strided.scatter [tilespmem:s8], [sflag:$0x2], $0x100, s29, s28, $0x38;
	[tilespmem:$0x14E80] =	vst v63  }
0x1db: {  	s9 =	simm.s32 $0x14B80  }
0x1dc: {  	[hbm4b:s14+s28] =	stream.strided.scatter [tilespmem:s9], [sflag:$0x2], $0x100, s29, s28, $0x38;
	[tilespmem:$0x14E80] =	vst v63  }
0x1dd: {  	_ =	swait.ge [sflag:s0], $0x4E80  }
0x1de: {  	[sflag:s0] =	ssyncset.done $0x0  }
0x1df: {  	[sflag:s0] =	ssyncadd.s32 $0xFFFFB180  }
0x1e0: {  	[tilespmem:s1], [sflag:$0x1] =	stream.strided.gather [hbm4b:s15+s28], $0x4E80, s29, s28, $0x38;
	[tilespmem:$0x14E80] =	vst v63  }
0x1e1: {  	v6 =	vimm.s32 $0x0;
	[tilespmem:$0x13D80] =	vst v0  }
0x1e2: {  	[tilespmem:$0x14280] =	vst v6  }
0x1e3: {  	[tilespmem:$0x13D90] =	vst v0  }
0x1e4: {  	[tilespmem:$0x14290] =	vst v6  }
0x1e5: {  	[tilespmem:$0x13DA0] =	vst v0  }
0x1e6: {  	[tilespmem:$0x142A0] =	vst v6  }
0x1e7: {  	[tilespmem:$0x13DB0] =	vst v0  }
0x1e8: {  	[tilespmem:$0x142B0] =	vst v6  }
0x1e9: {  	[tilespmem:$0x13DC0] =	vst v0  }
0x1ea: {  	[tilespmem:$0x142C0] =	vst v6  }
0x1eb: {  	[tilespmem:$0x13DD0] =	vst v0  }
0x1ec: {  	[tilespmem:$0x142D0] =	vst v6  }
0x1ed: {  	[tilespmem:$0x13DE0] =	vst v0  }
0x1ee: {  	[tilespmem:$0x142E0] =	vst v6  }
0x1ef: {  	[tilespmem:$0x13DF0] =	vst v0  }
0x1f0: {  	[tilespmem:$0x142F0] =	vst v6  }
0x1f1: {  	[tilespmem:$0x13E00] =	vst v0  }
0x1f2: {  	[tilespmem:$0x14300] =	vst v6  }
0x1f3: {  	[tilespmem:$0x13E10] =	vst v0  }
0x1f4: {  	[tilespmem:$0x14310] =	vst v6  }
0x1f5: {  	[tilespmem:$0x13E20] =	vst v0  }
0x1f6: {  	[tilespmem:$0x14320] =	vst v6  }
0x1f7: {  	[tilespmem:$0x13E30] =	vst v0  }
0x1f8: {  	[tilespmem:$0x14330] =	vst v6  }
0x1f9: {  	[tilespmem:$0x13E40] =	vst v0  }
0x1fa: {  	[tilespmem:$0x14340] =	vst v6  }
0x1fb: {  	[tilespmem:$0x13E50] =	vst v0  }
0x1fc: {  	[tilespmem:$0x14350] =	vst v6  }
0x1fd: {  	[tilespmem:$0x13E60] =	vst v0  }
0x1fe: {  	[tilespmem:$0x14360] =	vst v6  }
0x1ff: {  	[tilespmem:$0x13E70] =	vst v0  }
0x200: {  	s7 =	simm.s32 $0x30;
	s8 =	simm.s32 $0x4EA0;
	[tilespmem:$0x14370] =	vst v6;
	v5 =	vld [tilespmem:$0x13A30]  }
.LBB2_14:
0x201: {  	v7 =	vld [tilespmem:s8+$0xFFFFFFE0];
	_ =	sdelay $0x4  }
0x202: {  	vm0 =	vgt.f32 v7, v5  }
0x203: {  	v8 =	vsel vm0, $0x1, v2  }
0x204: {  	(xrf0) =	vadd.scan.msk.s32 $0xffff, v8;
	_ =	sdelay $0x5  }
0x205: {  	v8, _, _ =	vpop (xrf0)  }
0x206: {  	v8 =	vadd.s32 v6, v8  }
0x207: {  	v9 =	vadd.s32 $0xFFFFFFFF, v8  }
0x208: {  	vm1 =	vlt.s32 v9, $0x100  }
0x209: {  	vm1 =	vmand vm0, vm1  }
0x20a: {  	v8 =	vadd.s32 $0x2FF, v8;
	_ =	sdelay $0x3  }
0x20b: {  	s9 =	sadd.s32 $0xFFFFFFD0, s7  }
0x20c: {  	[tilespmem:v8+s3+$0x0] =	vst.idx.msk vm1, v7;
	v7 =	vor.u32 s9, v1  }
0x20d: {  	[tilespmem:v8+s4+$0x0] =	vst.idx.msk vm1, v7  }
0x20e: {  	v7 =	vld [tilespmem:s8+$0xFFFFFFF0];
	_ =	sdelay $0x4  }
0x20f: {  	vm10 =	vgt.f32 v7, v5  }
0x210: {  	v8 =	vsel vm10, $0x1, v2  }
0x211: {  	(xrf0) =	vadd.scan.msk.s32 $0xffff, v8;
	_ =	sdelay $0x1  }
0x212: {  	v8 =	vmpcnt.ones.xlane vm0;
	_ =	sdelay $0x3  }
0x213: {  	v6 =	vadd.s32 v6, v8;
	v8, _, _ =	vpop (xrf0)  }
0x214: {  	v8 =	vadd.s32 v6, v8  }
0x215: {  	v60 =	vadd.s32 $0xFFFFFFFF, v8  }
0x216: {  	vm11 =	vlt.s32 v60, $0x100  }
0x217: {  	vm0 =	vmand vm10, vm11  }
0x218: {  	v8 =	vadd.s32 $0x2FF, v8;
	_ =	sdelay $0x3  }
0x219: {  	s9 =	sadd.s32 $0xFFFFFFE0, s7  }
0x21a: {  	[tilespmem:v8+s3+$0x0] =	vst.idx.msk vm0, v7;
	v7 =	vor.u32 s9, v1  }
0x21b: {  	[tilespmem:v8+s4+$0x0] =	vst.idx.msk vm0, v7  }
0x21c: {  	v7 =	vld [tilespmem:s8+$0x0];
	_ =	sdelay $0x4  }
0x21d: {  	vm12 =	vgt.f32 v7, v5  }
0x21e: {  	v8 =	vsel vm12, $0x1, v2  }
0x21f: {  	(xrf0) =	vadd.scan.msk.s32 $0xffff, v8;
	_ =	sdelay $0x1  }
0x220: {  	v8 =	vmpcnt.ones.xlane vm10;
	_ =	sdelay $0x3  }
0x221: {  	v6 =	vadd.s32 v6, v8;
	v8, _, _ =	vpop (xrf0)  }
0x222: {  	v8 =	vadd.s32 v6, v8  }
0x223: {  	v61 =	vadd.s32 $0xFFFFFFFF, v8  }
0x224: {  	vm13 =	vlt.s32 v61, $0x100  }
0x225: {  	vm1 =	vmand vm12, vm13  }
0x226: {  	v8 =	vadd.s32 $0x2FF, v8;
	_ =	sdelay $0x3  }
0x227: {  	s9 =	sadd.s32 $0xFFFFFFF0, s7  }
0x228: {  	[tilespmem:v8+s3+$0x0] =	vst.idx.msk vm1, v7;
	v7 =	vor.u32 s9, v1  }
0x229: {  	[tilespmem:v8+s4+$0x0] =	vst.idx.msk vm1, v7  }
0x22a: {  	v7 =	vld [tilespmem:s8+$0x10];
	_ =	sdelay $0x4  }
0x22b: {  	vm14 =	vgt.f32 v7, v5  }
0x22c: {  	v8 =	vsel vm14, $0x1, v2  }
0x22d: {  	(xrf0) =	vadd.scan.msk.s32 $0xffff, v8;
	_ =	sdelay $0x1  }
0x22e: {  	v8 =	vmpcnt.ones.xlane vm12;
	_ =	sdelay $0x3  }
0x22f: {  	v6 =	vadd.s32 v6, v8;
	v8, _, _ =	vpop (xrf0)  }
0x230: {  	v8 =	vadd.s32 v6, v8  }
0x231: {  	v62 =	vadd.s32 $0xFFFFFFFF, v8  }
0x232: {  	vm15 =	vlt.s32 v62, $0x100  }
0x233: {  	vm0 =	vmand vm14, vm15  }
0x234: {  	v8 =	vadd.s32 $0x2FF, v8  }
0x235: {  	p0 =	sne.s32 s7, $0x4DF0  }
.Ltmp6:
0x236: {  	_ = 	snop;
	(pc) =	sbr.rel @p0 .LBB2_14-.Ltmp6, $4  }
0x237: {  	_ = 	snop  }
0x238: {  	v63 =	vmpcnt.ones.xlane vm14  }
0x239: {  	[tilespmem:v8+s3+$0x0] =	vst.idx.msk vm0, v7;
	v7 =	vor.u32 s7, v1  }
0x23a: {  	s8 =	sadd.s32 $0x40, s8;
	v6 =	vadd.s32 v6, v63;
	s7 =	sadd.s32 $0x40, s7;
	[tilespmem:v8+s4+$0x0] =	vst.idx.msk vm0, v7  }
0x23b: {  	v7 =	vld [tilespmem:$0x9C80];
	_ =	sdelay $0x4  }
0x23c: {  	vm0 =	vgt.f32 v7, v5  }
0x23d: {  	v8 =	vsel vm0, $0x1, v2  }
0x23e: {  	(xrf0) =	vadd.scan.msk.s32 $0xffff, v8;
	_ =	sdelay $0x5  }
0x23f: {  	v8, _, _ =	vpop (xrf0)  }
0x240: {  	v8 =	vadd.s32 v6, v8  }
0x241: {  	v9 =	vadd.s32 $0xFFFFFFFF, v8  }
0x242: {  	vm1 =	vlt.s32 v9, $0x100  }
0x243: {  	vm1 =	vmand vm0, vm1  }
0x244: {  	v8 =	vadd.s32 $0x2FF, v8;
	_ =	sdelay $0x4  }
0x245: {  	[tilespmem:v8+s3+$0x0] =	vst.idx.msk vm1, v7  }
0x246: {  	[tilespmem:v8+s4+$0x0] =	vst.idx.msk vm1, v3  }
0x247: {  	v7 =	vld [tilespmem:$0x9C90];
	_ =	sdelay $0x4  }
0x248: {  	vm14 =	vgt.f32 v7, v5  }
0x249: {  	v5 =	vsel vm14, $0x1, v2  }
0x24a: {  	(xrf0) =	vadd.scan.msk.s32 $0xffff, v5;
	_ =	sdelay $0x3  }
0x24b: {  	v5 =	vmpcnt.ones.xlane vm0;
	_ =	sdelay $0x1  }
0x24c: {  	v5 =	vadd.s32 v6, v5;
	v6, _, _ =	vpop (xrf0)  }
0x24d: {  	v5 =	vadd.s32 v6, v5  }
0x24e: {  	v6 =	vadd.s32 $0xFFFFFFFF, v5  }
0x24f: {  	vm15 =	vlt.s32 v6, $0x100  }
0x250: {  	vm0 =	vmand vm14, vm15  }
0x251: {  	v5 =	vadd.s32 $0x2FF, v5;
	_ =	sdelay $0x4  }
0x252: {  	[tilespmem:v5+s3+$0x0] =	vst.idx.msk vm0, v7  }
0x253: {  	s7 =	simm.s32 $0x0;
	[tilespmem:v5+s4+$0x0] =	vst.idx.msk vm0, v4  }
0x254: {  	v5 =	vld [tilespmem:s7+$0x14280];
	_ =	sdelay $0x7  }
0x255: {  	v6 =	vld.idx.msk [tilespmem:v5+s30+$0x0], $0xffff;
	_ =	sdelay $0x3  }
0x256: {  	s8 =	simm.s32 $0x10;
	s9 =	simm.s32 $0x80  }
.LBB2_16:
0x257: {  	p0 =	sne.s32 s9, $0x3C0;
	v7 =	vld [tilespmem:s8+$0x14280];
	[tilespmem:s7+$0x14780] =	vst v6  }
0x258: {  	v6 =	vld.idx.msk [tilespmem:v5+s16+$0x0], $0xffff;
	_ =	sdelay $0x3  }
0x259: {  	v5 =	vmov v7;
	_ =	sdelay $0x1  }
0x25a: {  	[tilespmem:s7+$0x14C80] =	vst v6;
	s7 =	smov.u32 s8  }
0x25b: {  	v6 =	vld.idx.msk [tilespmem:v7+s30+$0x0], $0xffff  }
.Ltmp7:
0x25c: {  	(pc) =	sbr.rel @p0 .LBB2_16-.Ltmp7, $2  }
0x25d: {  	_ =	sdelay $0x2  }
0x25e: {  	s8 =	sshra.s32 s9, $0x2;
	s9 =	sadd.s32 $0x40, s9  }
0x25f: {  	_ =	sdelay $0x1  }
0x260: {  	v7 =	vld [tilespmem:s8+$0x14280]  }
0x261: {  	[tilespmem:s7+$0x14780] =	vst v6  }
0x262: {  	v5 =	vld.idx.msk [tilespmem:v5+s16+$0x0], $0xffff;
	_ =	sdelay $0x4  }
0x263: {  	[tilespmem:s7+$0x14C80] =	vst v5  }
0x264: {  	v5 =	vld.idx.msk [tilespmem:v7+s30+$0x0], $0xffff;
	_ =	sdelay $0x4  }
0x265: {  	[tilespmem:s8+$0x14780] =	vst v5  }
0x266: {  	v5 =	vld.idx.msk [tilespmem:v7+s16+$0x0], $0xffff;
	_ =	sdelay $0x4  }
0x267: {  	s9 =	simm.s32 $0x13D80;
	[tilespmem:s8+$0x14C80] =	vst v5  }
0x268: {  	[hbm4b:s17+s28] =	stream.strided.scatter [tilespmem:s9], [sflag:$0x2], $0x100, s29, s28, $0x38;
	[tilespmem:$0x14E80] =	vst v63  }
0x269: {  	s8 =	simm.s32 $0x14780  }
0x26a: {  	[hbm4b:s18+s28] =	stream.strided.scatter [tilespmem:s8], [sflag:$0x2], $0x100, s29, s28, $0x38;
	[tilespmem:$0x14E80] =	vst v63  }
0x26b: {  	s9 =	simm.s32 $0x14C80  }
0x26c: {  	[hbm4b:s19+s28] =	stream.strided.scatter [tilespmem:s9], [sflag:$0x2], $0x100, s29, s28, $0x38;
	[tilespmem:$0x14E80] =	vst v63  }
0x26d: {  	_ =	swait.ge [sflag:s0], $0x4E80  }
0x26e: {  	[sflag:s0] =	ssyncset.done $0x0  }
0x26f: {  	[sflag:s0] =	ssyncadd.s32 $0xFFFFB180  }
0x270: {  	v6 =	vimm.s32 $0x0;
	[tilespmem:$0x13E80] =	vst v0  }
0x271: {  	[tilespmem:$0x14380] =	vst v6  }
0x272: {  	[tilespmem:$0x13E90] =	vst v0  }
0x273: {  	[tilespmem:$0x14390] =	vst v6  }
0x274: {  	[tilespmem:$0x13EA0] =	vst v0  }
0x275: {  	[tilespmem:$0x143A0] =	vst v6  }
0x276: {  	[tilespmem:$0x13EB0] =	vst v0  }
0x277: {  	[tilespmem:$0x143B0] =	vst v6  }
0x278: {  	[tilespmem:$0x13EC0] =	vst v0  }
0x279: {  	[tilespmem:$0x143C0] =	vst v6  }
0x27a: {  	[tilespmem:$0x13ED0] =	vst v0  }
0x27b: {  	[tilespmem:$0x143D0] =	vst v6  }
0x27c: {  	[tilespmem:$0x13EE0] =	vst v0  }
0x27d: {  	[tilespmem:$0x143E0] =	vst v6  }
0x27e: {  	[tilespmem:$0x13EF0] =	vst v0  }
0x27f: {  	[tilespmem:$0x143F0] =	vst v6  }
0x280: {  	[tilespmem:$0x13F00] =	vst v0  }
0x281: {  	[tilespmem:$0x14400] =	vst v6  }
0x282: {  	[tilespmem:$0x13F10] =	vst v0  }
0x283: {  	[tilespmem:$0x14410] =	vst v6  }
0x284: {  	[tilespmem:$0x13F20] =	vst v0  }
0x285: {  	[tilespmem:$0x14420] =	vst v6  }
0x286: {  	[tilespmem:$0x13F30] =	vst v0  }
0x287: {  	[tilespmem:$0x14430] =	vst v6  }
0x288: {  	[tilespmem:$0x13F40] =	vst v0  }
0x289: {  	[tilespmem:$0x14440] =	vst v6  }
0x28a: {  	[tilespmem:$0x13F50] =	vst v0  }
0x28b: {  	[tilespmem:$0x14450] =	vst v6  }
0x28c: {  	[tilespmem:$0x13F60] =	vst v0  }
0x28d: {  	[tilespmem:$0x14460] =	vst v6  }
0x28e: {  	[tilespmem:$0x13F70] =	vst v0  }
0x28f: {  	s7 =	simm.s32 $0x30;
	s8 =	simm.s32 $0x20;
	[tilespmem:$0x14470] =	vst v6;
	v5 =	vld [tilespmem:$0x13A40]  }
.LBB2_18:
0x290: {  	v7 =	vld [tilespmem:s8+$0xFFFFFFE0];
	_ =	sdelay $0x4  }
0x291: {  	vm0 =	vgt.f32 v7, v5  }
0x292: {  	v8 =	vsel vm0, $0x1, v2  }
0x293: {  	(xrf0) =	vadd.scan.msk.s32 $0xffff, v8;
	_ =	sdelay $0x5  }
0x294: {  	v8, _, _ =	vpop (xrf0)  }
0x295: {  	v8 =	vadd.s32 v6, v8  }
0x296: {  	v9 =	vadd.s32 $0xFFFFFFFF, v8  }
0x297: {  	vm1 =	vlt.s32 v9, $0x100  }
0x298: {  	vm1 =	vmand vm0, vm1  }
0x299: {  	v8 =	vadd.s32 $0x3FF, v8;
	_ =	sdelay $0x3  }
0x29a: {  	s9 =	sadd.s32 $0xFFFFFFD0, s7  }
0x29b: {  	[tilespmem:v8+s3+$0x0] =	vst.idx.msk vm1, v7;
	v7 =	vor.u32 s9, v1  }
0x29c: {  	[tilespmem:v8+s4+$0x0] =	vst.idx.msk vm1, v7  }
0x29d: {  	v7 =	vld [tilespmem:s8+$0xFFFFFFF0];
	_ =	sdelay $0x4  }
0x29e: {  	vm10 =	vgt.f32 v7, v5  }
0x29f: {  	v8 =	vsel vm10, $0x1, v2  }
0x2a0: {  	(xrf0) =	vadd.scan.msk.s32 $0xffff, v8;
	_ =	sdelay $0x1  }
0x2a1: {  	v8 =	vmpcnt.ones.xlane vm0;
	_ =	sdelay $0x3  }
0x2a2: {  	v6 =	vadd.s32 v6, v8;
	v8, _, _ =	vpop (xrf0)  }
0x2a3: {  	v8 =	vadd.s32 v6, v8  }
0x2a4: {  	v60 =	vadd.s32 $0xFFFFFFFF, v8  }
0x2a5: {  	vm11 =	vlt.s32 v60, $0x100  }
0x2a6: {  	vm0 =	vmand vm10, vm11  }
0x2a7: {  	v8 =	vadd.s32 $0x3FF, v8;
	_ =	sdelay $0x3  }
0x2a8: {  	s9 =	sadd.s32 $0xFFFFFFE0, s7  }
0x2a9: {  	[tilespmem:v8+s3+$0x0] =	vst.idx.msk vm0, v7;
	v7 =	vor.u32 s9, v1  }
0x2aa: {  	[tilespmem:v8+s4+$0x0] =	vst.idx.msk vm0, v7  }
0x2ab: {  	v7 =	vld [tilespmem:s8+$0x0];
	_ =	sdelay $0x4  }
0x2ac: {  	vm12 =	vgt.f32 v7, v5  }
0x2ad: {  	v8 =	vsel vm12, $0x1, v2  }
0x2ae: {  	(xrf0) =	vadd.scan.msk.s32 $0xffff, v8;
	_ =	sdelay $0x1  }
0x2af: {  	v8 =	vmpcnt.ones.xlane vm10;
	_ =	sdelay $0x3  }
0x2b0: {  	v6 =	vadd.s32 v6, v8;
	v8, _, _ =	vpop (xrf0)  }
0x2b1: {  	v8 =	vadd.s32 v6, v8  }
0x2b2: {  	v61 =	vadd.s32 $0xFFFFFFFF, v8  }
0x2b3: {  	vm13 =	vlt.s32 v61, $0x100  }
0x2b4: {  	vm1 =	vmand vm12, vm13  }
0x2b5: {  	v8 =	vadd.s32 $0x3FF, v8;
	_ =	sdelay $0x3  }
0x2b6: {  	s9 =	sadd.s32 $0xFFFFFFF0, s7  }
0x2b7: {  	[tilespmem:v8+s3+$0x0] =	vst.idx.msk vm1, v7;
	v7 =	vor.u32 s9, v1  }
0x2b8: {  	[tilespmem:v8+s4+$0x0] =	vst.idx.msk vm1, v7  }
0x2b9: {  	v7 =	vld [tilespmem:s8+$0x10];
	_ =	sdelay $0x4  }
0x2ba: {  	vm14 =	vgt.f32 v7, v5  }
0x2bb: {  	v8 =	vsel vm14, $0x1, v2  }
0x2bc: {  	(xrf0) =	vadd.scan.msk.s32 $0xffff, v8;
	_ =	sdelay $0x1  }
0x2bd: {  	v8 =	vmpcnt.ones.xlane vm12;
	_ =	sdelay $0x3  }
0x2be: {  	v6 =	vadd.s32 v6, v8;
	v8, _, _ =	vpop (xrf0)  }
0x2bf: {  	v8 =	vadd.s32 v6, v8  }
0x2c0: {  	v62 =	vadd.s32 $0xFFFFFFFF, v8  }
0x2c1: {  	vm15 =	vlt.s32 v62, $0x100  }
0x2c2: {  	vm0 =	vmand vm14, vm15  }
0x2c3: {  	v8 =	vadd.s32 $0x3FF, v8  }
0x2c4: {  	p0 =	sne.s32 s7, $0x4DF0  }
.Ltmp8:
0x2c5: {  	_ = 	snop;
	(pc) =	sbr.rel @p0 .LBB2_18-.Ltmp8, $4  }
0x2c6: {  	_ = 	snop  }
0x2c7: {  	v63 =	vmpcnt.ones.xlane vm14  }
0x2c8: {  	[tilespmem:v8+s3+$0x0] =	vst.idx.msk vm0, v7;
	v7 =	vor.u32 s7, v1  }
0x2c9: {  	s8 =	sadd.s32 $0x40, s8;
	v6 =	vadd.s32 v6, v63;
	s7 =	sadd.s32 $0x40, s7;
	[tilespmem:v8+s4+$0x0] =	vst.idx.msk vm0, v7  }
0x2ca: {  	v7 =	vld [tilespmem:$0x4E00];
	_ =	sdelay $0x4  }
0x2cb: {  	vm0 =	vgt.f32 v7, v5  }
0x2cc: {  	v8 =	vsel vm0, $0x1, v2  }
0x2cd: {  	(xrf0) =	vadd.scan.msk.s32 $0xffff, v8;
	_ =	sdelay $0x5  }
0x2ce: {  	v8, _, _ =	vpop (xrf0)  }
0x2cf: {  	v8 =	vadd.s32 v6, v8  }
0x2d0: {  	v9 =	vadd.s32 $0xFFFFFFFF, v8  }
0x2d1: {  	vm1 =	vlt.s32 v9, $0x100  }
0x2d2: {  	vm1 =	vmand vm0, vm1  }
0x2d3: {  	v8 =	vadd.s32 $0x3FF, v8;
	_ =	sdelay $0x4  }
0x2d4: {  	[tilespmem:v8+s3+$0x0] =	vst.idx.msk vm1, v7  }
0x2d5: {  	[tilespmem:v8+s4+$0x0] =	vst.idx.msk vm1, v3  }
0x2d6: {  	v7 =	vld [tilespmem:$0x4E10];
	_ =	sdelay $0x4  }
0x2d7: {  	vm14 =	vgt.f32 v7, v5  }
0x2d8: {  	v5 =	vsel vm14, $0x1, v2  }
0x2d9: {  	(xrf0) =	vadd.scan.msk.s32 $0xffff, v5;
	_ =	sdelay $0x3  }
0x2da: {  	v5 =	vmpcnt.ones.xlane vm0;
	_ =	sdelay $0x1  }
0x2db: {  	v5 =	vadd.s32 v6, v5;
	v6, _, _ =	vpop (xrf0)  }
0x2dc: {  	v5 =	vadd.s32 v6, v5  }
0x2dd: {  	v6 =	vadd.s32 $0xFFFFFFFF, v5  }
0x2de: {  	vm15 =	vlt.s32 v6, $0x100  }
0x2df: {  	vm0 =	vmand vm14, vm15  }
0x2e0: {  	v5 =	vadd.s32 $0x3FF, v5;
	_ =	sdelay $0x4  }
0x2e1: {  	[tilespmem:v5+s3+$0x0] =	vst.idx.msk vm0, v7  }
0x2e2: {  	s7 =	simm.s32 $0x0;
	[tilespmem:v5+s4+$0x0] =	vst.idx.msk vm0, v4  }
0x2e3: {  	v5 =	vld [tilespmem:s7+$0x14380];
	_ =	sdelay $0x7  }
0x2e4: {  	v6 =	vld.idx.msk [tilespmem:v5+s30+$0x0], $0xffff;
	_ =	sdelay $0x3  }
0x2e5: {  	s8 =	simm.s32 $0x10;
	s9 =	simm.s32 $0x80  }
.LBB2_20:
0x2e6: {  	p0 =	sne.s32 s9, $0x3C0;
	v7 =	vld [tilespmem:s8+$0x14380];
	[tilespmem:s7+$0x14880] =	vst v6  }
0x2e7: {  	v6 =	vld.idx.msk [tilespmem:v5+s16+$0x0], $0xffff;
	_ =	sdelay $0x3  }
0x2e8: {  	v5 =	vmov v7;
	_ =	sdelay $0x1  }
0x2e9: {  	[tilespmem:s7+$0x14D80] =	vst v6;
	s7 =	smov.u32 s8  }
0x2ea: {  	v6 =	vld.idx.msk [tilespmem:v7+s30+$0x0], $0xffff  }
.Ltmp9:
0x2eb: {  	(pc) =	sbr.rel @p0 .LBB2_20-.Ltmp9, $2  }
0x2ec: {  	_ =	sdelay $0x2  }
0x2ed: {  	s8 =	sshra.s32 s9, $0x2;
	s9 =	sadd.s32 $0x40, s9  }
0x2ee: {  	_ =	sdelay $0x1  }
0x2ef: {  	v7 =	vld [tilespmem:s8+$0x14380]  }
0x2f0: {  	[tilespmem:s7+$0x14880] =	vst v6  }
0x2f1: {  	v5 =	vld.idx.msk [tilespmem:v5+s16+$0x0], $0xffff;
	_ =	sdelay $0x4  }
0x2f2: {  	[tilespmem:s7+$0x14D80] =	vst v5  }
0x2f3: {  	v5 =	vld.idx.msk [tilespmem:v7+s30+$0x0], $0xffff;
	_ =	sdelay $0x4  }
0x2f4: {  	[tilespmem:s8+$0x14880] =	vst v5  }
0x2f5: {  	v5 =	vld.idx.msk [tilespmem:v7+s16+$0x0], $0xffff;
	_ =	sdelay $0x4  }
0x2f6: {  	s9 =	simm.s32 $0x13E80;
	[tilespmem:s8+$0x14D80] =	vst v5  }
0x2f7: {  	[hbm4b:s20+s28] =	stream.strided.scatter [tilespmem:s9], [sflag:$0x2], $0x100, s29, s28, $0x38;
	[tilespmem:$0x14E80] =	vst v63  }
0x2f8: {  	s8 =	simm.s32 $0x14880  }
0x2f9: {  	[hbm4b:s21+s28] =	stream.strided.scatter [tilespmem:s8], [sflag:$0x2], $0x100, s29, s28, $0x38;
	[tilespmem:$0x14E80] =	vst v63  }
0x2fa: {  	s9 =	simm.s32 $0x14D80  }
0x2fb: {  	[hbm4b:s22+s28] =	stream.strided.scatter [tilespmem:s9], [sflag:$0x2], $0x100, s29, s28, $0x38;
	[tilespmem:$0x14E80] =	vst v63  }
0x2fc: {  	_ =	swait.ge [sflag:s5], $0x100  }
0x2fd: {  	[sflag:s5] =	ssyncset.done $0x0  }
0x2fe: {  	[sflag:s5] =	ssyncadd.s32 $0xFFFFFF00  }
0x2ff: {  	_ =	swait.ge [sflag:s5], $0x100  }
0x300: {  	[sflag:s5] =	ssyncset.done $0x0  }
0x301: {  	[sflag:s5] =	ssyncadd.s32 $0xFFFFFF00  }
0x302: {  	_ =	swait.ge [sflag:s5], $0x100  }
0x303: {  	[sflag:s5] =	ssyncset.done $0x0  }
0x304: {  	[sflag:s5] =	ssyncadd.s32 $0xFFFFFF00  }
0x305: {  	_ =	swait.ge [sflag:s5], $0x100  }
0x306: {  	[sflag:s5] =	ssyncset.done $0x0  }
0x307: {  	[sflag:s5] =	ssyncadd.s32 $0xFFFFFF00  }
0x308: {  	_ =	swait.ge [sflag:s5], $0x100  }
0x309: {  	[sflag:s5] =	ssyncset.done $0x0  }
0x30a: {  	[sflag:s5] =	ssyncadd.s32 $0xFFFFFF00  }
0x30b: {  	_ =	swait.ge [sflag:s5], $0x100  }
0x30c: {  	[sflag:s5] =	ssyncset.done $0x0  }
0x30d: {  	[sflag:s5] =	ssyncadd.s32 $0xFFFFFF00  }
0x30e: {  	_ =	swait.ge [sflag:s5], $0x100  }
0x30f: {  	[sflag:s5] =	ssyncset.done $0x0  }
0x310: {  	[sflag:s5] =	ssyncadd.s32 $0xFFFFFF00  }
0x311: {  	_ =	swait.ge [sflag:s5], $0x100  }
0x312: {  	[sflag:s5] =	ssyncset.done $0x0  }
0x313: {  	[sflag:s5] =	ssyncadd.s32 $0xFFFFFF00  }
0x314: {  	_ =	swait.ge [sflag:s5], $0x100  }
0x315: {  	[sflag:s5] =	ssyncset.done $0x0  }
0x316: {  	[sflag:s5] =	ssyncadd.s32 $0xFFFFFF00  }
0x317: {  	_ =	swait.ge [sflag:s5], $0x100  }
0x318: {  	[sflag:s5] =	ssyncset.done $0x0  }
0x319: {  	[sflag:s5] =	ssyncadd.s32 $0xFFFFFF00  }
0x31a: {  	_ =	swait.ge [sflag:s5], $0x100  }
0x31b: {  	[sflag:s5] =	ssyncset.done $0x0  }
0x31c: {  	[sflag:s5] =	ssyncadd.s32 $0xFFFFFF00  }
0x31d: {  	_ =	swait.ge [sflag:s5], $0x100  }
0x31e: {  	[sflag:s5] =	ssyncset.done $0x0  }
0x31f: {  	[sflag:s5] =	ssyncadd.s32 $0xFFFFFF00  }
0x320: {  	_ =	swait.ge [sflag:s5], $0x100  }
0x321: {  	[sflag:s5] =	ssyncset.done $0x0  }
0x322: {  	s6 =	sadd.s32 $0x1, s6;
	[sflag:s5] =	ssyncadd.s32 $0xFFFFFF00  }
0x323: {  	p0 =	sne.s32 s6, s26;
	_ =	swait.ge [sflag:s5], $0x100  }
.Ltmp10:
0x324: {  	[sflag:s5] =	ssyncset.done $0x0;
	(pc) =	sbr.rel @p0 .LBB2_1-.Ltmp10, $4  }
0x325: {  	[sflag:s5] =	ssyncadd.s32 $0xFFFFFF00  }
0x326: {  	_ =	swait.ge [sflag:s5], $0x100  }
0x327: {  	[sflag:s5] =	ssyncset.done $0x0  }
0x328: {  	[sflag:s5] =	ssyncadd.s32 $0xFFFFFF00  }
0x329: {  	_ =	sfence.sel $0x180000  }
0x32a: {  	[bflag:$0x0] =	sbarrier.arrive $0xFFFF  }
0x32b: {  	_ =	strace $0x90000047  }
0x32c: {  	s0 =	stileid.u32;
	[bflag:$0x2] =	sbarrier.arrive $0xFFFF  }
0x32d: {  	p0 =	sne.s32 s0, $0x0;
	s0 =	rddreg [dreg:$0x2]  }
0x32e: {  	s0 =	sadd.s32 @!p0 $0x100000, s0  }
0x32f: {  	[sflag:s0] =	ssyncadd.tile.s32 @!p0 $0x1;
	_ =	shalt  }
.Lfunc_end2:
_tile_overlayer_lowered:
.L_overlay_start_2:
0x330: {  	(tag) =	ssettag $0x2  }
0x331: {  	s0 =	rddreg [dreg:$0x0];
	s2 =	stileid.u32  }
0x332: {  	s1 =	rddreg [dreg:$0x1];
	p0 =	sne.s32 s2, $0x0  }
0x333: {  	s3 =	rddreg [dreg:$0x2];
	[bflag:$0x3] =	sbarrier.arrive $0xFFFF;
	s2 =	simm.s32 @!p0 $0x1C03  }
0x334: {  	[timem:s3], [sflag:s2] =	dma.local @!p0 [hbm:s0], s1  }
0x335: {  	s0 =	simm.s32 @!p0 $0x3  }
0x336: {  	_ =	swait.ge @!p0 [sflag:s0], s1  }
0x337: {  	s1 =	ssub.s32 @!p0 $0x0, s1;
	[sflag:s0] =	ssyncset.done @!p0 $0x0  }
0x338: {  	[sflag:s0] =	ssyncadd.s32 @!p0 s1  }
0x339: {  	[bflag:$0x3] =	sbarrier.arrive $0xFFFF  }
0x33a: {  	_ =	shalt  }

</sc_bundles>
